<compile_context>
chip_gen: v7x
topology: tpu7x:2x2x1
jax: 0.10.2.dev20260603
libtpu: 0.0.44.dev20260713+nightly
codegen_flags: <defaults>
</compile_context>

<pallas_src>
import functools

import jax
import jax.numpy as jnp
from jax import lax
from jax.experimental import pallas as pl
from jax.experimental.pallas import tpu as pltpu
from jax.experimental.pallas import tpu_sc as plsc

N = 100000
D = 16
Q = 64
K = 16
NC = 2
NS = 16
NW = NC * NS
RPW = 3136
GROUPS = RPW // 16
BIG = 3e29

_mesh = plsc.VectorSubcoreMesh(core_axis_name="c", subcore_axis_name="s")


def _merge_topk(cand_d, cand_i, best_d, best_i):
    cd, ci = plsc.sort_key_val(cand_d, cand_i, descending=True)
    take = cd < best_d
    nd = jnp.where(take, cd, best_d)
    ni = jnp.where(take, ci, best_i)
    return plsc.sort_key_val(nd, ni)


NR = N // NW
CHUNK = NR * D


@functools.partial(
    pl.kernel,
    mesh=_mesh,
    out_type=(
        jax.ShapeDtypeStruct((NW * Q * K,), jnp.float32),
        jax.ShapeDtypeStruct((NW * Q * K,), jnp.int32),
    ),
    scratch_types=[
        pltpu.VMEM((RPW * D,), jnp.float32),
        pltpu.VMEM((RPW * D,), jnp.float32),
        pltpu.VMEM((Q * D,), jnp.float32),
        pltpu.VMEM((Q * K,), jnp.float32),
        pltpu.VMEM((Q * K,), jnp.int32),
    ],
    compiler_params=pltpu.CompilerParams(needs_layout_passes=False),
)
def _phase_a(emb_hbm, sub_hbm, bestd_hbm, besti_hbm, raw_v, et_v, sub_v, bd_v, bi_v):
    wid = lax.axis_index("s") * NC + lax.axis_index("c")
    base_row = wid * NR
    pltpu.sync_copy(emb_hbm.at[pl.ds(wid * CHUNK, CHUNK)], raw_v.at[pl.ds(0, CHUNK)])
    pltpu.sync_copy(sub_hbm, sub_v)

    inf16 = jnp.full((16,), BIG, jnp.float32)
    zero16 = jnp.zeros((16,), jnp.int32)
    for i in range(CHUNK, RPW * D, 16):
        raw_v[pl.ds(i, 16)] = inf16

    lane = lax.iota(jnp.int32, 16)
    lane16 = lane * D

    def transpose_g(g, _):
        gbase = g * 256
        rows = jnp.full((16,), gbase, jnp.int32) + lane16
        for f in range(D):
            vec = plsc.load_gather(raw_v, [rows + f])
            et_v[pl.ds(gbase + f * 16, 16)] = vec
        return 0

    lax.fori_loop(0, GROUPS, transpose_g, 0)

    def _dist(gbase, svv):
        p = [None, None]
        for f in range(D):
            t = et_v[pl.ds(gbase + f * 16, 16)] - svv[f]
            sq = t * t
            c = f % 2
            p[c] = sq if p[c] is None else p[c] + sq
        return p[0] + p[1]

    def per_query(j, _):
        qrow = sub_v[pl.ds(j * D, D)]
        svv = [jnp.full((16,), qrow[f], jnp.float32) for f in range(D)]

        def per_pair(gp, carry):
            thr, bd, bi = carry
            gbase = gp * 512
            d1 = _dist(gbase, svv)
            d2 = _dist(gbase + 256, svv)
            n1 = plsc.all_reduce_population_count(d1 < thr)
            n2 = plsc.all_reduce_population_count(d2 < thr)

            def ins1():
                i1 = jnp.full((16,), base_row + gp * 32, jnp.int32) + lane
                sd, si = _merge_topk(d1, i1, bd, bi)
                nthr = jnp.minimum(thr, jnp.full((16,), sd[K - 1], jnp.float32))
                return (nthr, sd, si)

            thr1, bd1, bi1 = lax.cond(n1[0] > 0, ins1, lambda: carry)

            def ins2():
                i2 = jnp.full((16,), base_row + gp * 32 + 16, jnp.int32) + lane
                sd, si = _merge_topk(d2, i2, bd1, bi1)
                nthr = jnp.minimum(thr1, jnp.full((16,), sd[K - 1], jnp.float32))
                return (nthr, sd, si)

            return lax.cond(n2[0] > 0, ins2, lambda: (thr1, bd1, bi1))

        thr, bd, bi = lax.fori_loop(
            0, GROUPS // 2, per_pair, (inf16, inf16, zero16))
        bd_v[pl.ds(j * K, K)] = bd
        bi_v[pl.ds(j * K, K)] = bi
        return 0

    lax.fori_loop(0, Q, per_query, 0)

    pltpu.sync_copy(bd_v, bestd_hbm.at[pl.ds(wid * Q * K, Q * K)])
    pltpu.sync_copy(bi_v, besti_hbm.at[pl.ds(wid * Q * K, Q * K)])


@functools.partial(
    pl.kernel,
    mesh=_mesh,
    out_type=jax.ShapeDtypeStruct((Q, K, D), jnp.float32),
    scratch_types=[
        pltpu.VMEM((NW * K,), jnp.float32),
        pltpu.VMEM((NW * K,), jnp.int32),
        pltpu.VMEM((K,), jnp.int32),
        pltpu.VMEM((K, 128), jnp.float32),
        pltpu.VMEM((K, D), jnp.float32),
        pltpu.SemaphoreType.DMA,
    ],
    compiler_params=pltpu.CompilerParams(needs_layout_passes=False),
)
def _phase_b(bestd_hbm, besti_hbm, emb8_hbm, out_hbm,
             cd_v, ci_v, idx_v, sup_v, rows_v, sem):
    wid = lax.axis_index("s") * NC + lax.axis_index("c")
    for qi in range(Q // NW):
        q = wid * (Q // NW) + qi
        copies = []
        for w in range(NW):
            src = w * Q * K + q * K
            copies.append(pltpu.async_copy(
                bestd_hbm.at[pl.ds(src, K)], cd_v.at[pl.ds(w * K, K)], sem))
            copies.append(pltpu.async_copy(
                besti_hbm.at[pl.ds(src, K)], ci_v.at[pl.ds(w * K, K)], sem))
        for c in copies:
            c.wait()

        def merge_g(g, carry):
            bd16, bi16 = carry
            sd, si = _merge_topk(cd_v[pl.ds(g * K, K)], ci_v[pl.ds(g * K, K)],
                                 bd16, bi16)
            return (sd, si)

        bd16 = jnp.full((16,), BIG, jnp.float32)
        bi16 = jnp.zeros((16,), jnp.int32)
        bd16, bi16 = lax.fori_loop(0, NW, merge_g, (bd16, bi16))
        idx_v[...] = lax.shift_right_logical(bi16, 3)
        pltpu.async_copy(emb8_hbm.at[idx_v], sup_v, sem).wait()
        sub_off = lax.mul(lax.rem(bi16, 8), D)
        for i in range(K):
            rows_v[i, :] = sup_v[i, pl.ds(sub_off[i], D)]
        pltpu.sync_copy(rows_v, out_hbm.at[q])


def kernel(embeddings, subset, k):
    emb_flat = embeddings.reshape(N * D)
    sub_flat = subset.reshape(Q * D)
    emb8 = embeddings.reshape(N // 8, 8 * D)
    bestd, besti = _phase_a(emb_flat, sub_flat)
    return _phase_b(bestd, besti, emb8)

# --- scband reference (transcript-rebuilt; emitter-appended) ---
"""Pipeline reference for scband-deep-feature-knn-20710332301670 (READ-ONLY COPY).

The authoritative reference and input builder live on the scoring server;
editing this copy changes nothing except your own understanding.
"""

import jax, jax.numpy as jnp
import numpy as np


def setup_inputs(seed: int = 0) -> dict:
    key = jax.random.key(seed)
    k1, k2 = jax.random.split(key)
    embeddings = jax.random.normal(k1, (100000, 16), dtype=jnp.float32)
    subset = jax.random.normal(k2, (64, 16), dtype=jnp.float32)
    return {"embeddings": embeddings, "subset": subset, "k": 16}


def reference(embeddings, subset, k):
    # permute_for_gather + flatten_for_gather: move axis 0 (items) to last -> [d, N]
    embeddings_flat = jnp.transpose(embeddings)            # [d, N]
    embeddings_flat = embeddings_flat[:, :, None]          # [d, N, 1]
    subset_flat = jnp.transpose(subset)                    # [d, Q]
    subset_flat = subset_flat[:, None, :]                  # [d, 1, Q]
    # squared euclidean distance, summed over feature axis 0 -> [N, Q]
    distances = jnp.sum((embeddings_flat - subset_flat) ** 2.0, axis=0)
    # torch.topk(largest=False, sorted=True, dim=0): smallest-k along N per query
    # -> values/indices [k, Q]; values/indices [Q, k] after transpose of -distances
    k_static = subset.shape[1]
    neg_vals, indices = jax.lax.top_k(jnp.transpose(-distances), k_static)  # [Q, k]
    matches = embeddings[indices]                          # [Q, k, d]
    matches = matches + (jnp.asarray(k, matches.dtype) - k_static) * jnp.zeros((), matches.dtype)
    return matches

if __name__ == "__main__":
    import jax
    _d = setup_inputs()
    print(jax.jit(kernel)(*tuple(_d.values())))

</pallas_src>

<mosaic_0001>
#map = affine_map<(d0, d1) -> (0)>
module attributes {stable_mosaic.version = 14 : i64} {
  func.func @_phase_a(%arg0: i32, %arg1: i32, %arg2: memref<1600000xf32, #tpu.memory_space<hbm>>, %arg3: memref<1024xf32, #tpu.memory_space<hbm>>, %arg4: memref<32768xf32, #tpu.memory_space<hbm>>, %arg5: memref<32768xi32, #tpu.memory_space<hbm>>, %arg6: memref<50176xf32, #tpu.memory_space<vmem>>, %arg7: memref<50176xf32, #tpu.memory_space<vmem>>, %arg8: memref<1024xf32, #tpu.memory_space<vmem>>, %arg9: memref<1024xf32, #tpu.memory_space<vmem>>, %arg10: memref<1024xi32, #tpu.memory_space<vmem>>) attributes {dimension_semantics = [#tpu.dimension_semantics<core_parallel>, #tpu.dimension_semantics<subcore_parallel>], iteration_bounds = array<i64: 2, 16>, scalar_prefetch = 0 : i64, scratch_operands = 5 : i64, tpu.core_type = #tpu.core_type<sc_vector_subcore>, window_params = [{transform_indices = #map}, {transform_indices = #map}, {transform_indices = #map}, {transform_indices = #map}]} {
    %mul3A = arith.constant 2 : i32
    %mul3A_0 = arith.muli %arg1, %mul3A : i32
    %add3A = arith.addi %mul3A_0, %arg0 : i32
    %mul3A_1 = arith.constant 3125 : i32
    %mul3A_2 = arith.muli %add3A, %mul3A_1 : i32
    %mul3A_3 = arith.constant 50000 : i32
    %mul3A_4 = arith.muli %add3A, %mul3A_3 : i32
    "tpu.region"() ({
      %run_scoped3A = tpu.sem_alloc : memref<!tpu.dma_semaphore, #tpu.memory_space<semaphore_mem>>
      %dma_start3A = arith.constant 0 : i32
      %dma_start3A_53 = tpu.memref_slice %arg6[%dma_start3A] : memref<50176xf32, #tpu.memory_space<vmem>> -> memref<50000xf32, #tpu.memory_space<vmem>>
      %dma_start3A_54 = tpu.memref_slice %arg2[%mul3A_4] : memref<1600000xf32, #tpu.memory_space<hbm>> -> memref<50000xf32, #tpu.memory_space<hbm>>
      %dma_start3A_55 = arith.constant 0 : i32
      %dma_start3A_56 = tpu.memref_slice %arg6[%dma_start3A_55] : memref<50176xf32, #tpu.memory_space<vmem>> -> memref<50000xf32, #tpu.memory_space<vmem>>
      %dma_start3A_57 = tpu.memref_slice %arg2[%mul3A_4] : memref<1600000xf32, #tpu.memory_space<hbm>> -> memref<50000xf32, #tpu.memory_space<hbm>>
      tpu.enqueue_dma source(%dma_start3A_57 : memref<50000xf32, #tpu.memory_space<hbm>>) target(%dma_start3A_56 : memref<50000xf32, #tpu.memory_space<vmem>>) target_semaphore(%run_scoped3A : memref<!tpu.dma_semaphore, #tpu.memory_space<semaphore_mem>>)
      %dma_wait3A = arith.constant 0 : i32
      %dma_wait3A_58 = tpu.memref_slice %arg6[%dma_wait3A] : memref<50176xf32, #tpu.memory_space<vmem>> -> memref<50000xf32, #tpu.memory_space<vmem>>
      %dma_wait3A_59 = tpu.memref_slice %arg2[%mul3A_4] : memref<1600000xf32, #tpu.memory_space<hbm>> -> memref<50000xf32, #tpu.memory_space<hbm>>
      %dma_wait3A_60 = arith.constant 0 : i32
      %dma_wait3A_61 = tpu.memref_slice %arg6[%dma_wait3A_60] : memref<50176xf32, #tpu.memory_space<vmem>> -> memref<50000xf32, #tpu.memory_space<vmem>>
      %dma_wait3A_62 = tpu.memref_slice %arg2[%mul3A_4] : memref<1600000xf32, #tpu.memory_space<hbm>> -> memref<50000xf32, #tpu.memory_space<hbm>>
      tpu.wait_dma2 semaphore(%run_scoped3A : memref<!tpu.dma_semaphore, #tpu.memory_space<semaphore_mem>>) src(%dma_wait3A_62 : memref<50000xf32, #tpu.memory_space<hbm>>) dst(%dma_wait3A_61 : memref<50000xf32, #tpu.memory_space<vmem>>)
      tpu.yield
    }) : () -> ()
    "tpu.region"() ({
      %run_scoped3A = tpu.sem_alloc : memref<!tpu.dma_semaphore, #tpu.memory_space<semaphore_mem>>
      tpu.enqueue_dma source(%arg3 : memref<1024xf32, #tpu.memory_space<hbm>>) target(%arg8 : memref<1024xf32, #tpu.memory_space<vmem>>) target_semaphore(%run_scoped3A : memref<!tpu.dma_semaphore, #tpu.memory_space<semaphore_mem>>)
      tpu.wait_dma2 semaphore(%run_scoped3A : memref<!tpu.dma_semaphore, #tpu.memory_space<semaphore_mem>>) src(%arg3 : memref<1024xf32, #tpu.memory_space<hbm>>) dst(%arg8 : memref<1024xf32, #tpu.memory_space<vmem>>)
      tpu.yield
    }) : () -> ()
    %broadcast_in_dim3A = arith.constant 3.000000e+29 : f32
    %broadcast_in_dim3A_5 = vector.broadcast %broadcast_in_dim3A : f32 to vector<16xf32>
    %broadcast_in_dim3A_6 = arith.constant 0 : i32
    %broadcast_in_dim3A_7 = vector.broadcast %broadcast_in_dim3A_6 : i32 to vector<16xi32>
    %swap3A = arith.constant 50000 : index
    %swap3A_8 = tpu.vector_load %arg6[%swap3A] {strides = array<i32>} : memref<50176xf32, #tpu.memory_space<vmem>>, vector<16xf32>,
    tpu.vector_store %arg6[%swap3A], %broadcast_in_dim3A_5 {strides = array<i32>} : memref<50176xf32, #tpu.memory_space<vmem>>, vector<16xf32>,
    %swap3A_9 = arith.constant 50016 : index
    %swap3A_10 = tpu.vector_load %arg6[%swap3A_9] {strides = array<i32>} : memref<50176xf32, #tpu.memory_space<vmem>>, vector<16xf32>,
    tpu.vector_store %arg6[%swap3A_9], %broadcast_in_dim3A_5 {strides = array<i32>} : memref<50176xf32, #tpu.memory_space<vmem>>, vector<16xf32>,
    %swap3A_11 = arith.constant 50032 : index
    %swap3A_12 = tpu.vector_load %arg6[%swap3A_11] {strides = array<i32>} : memref<50176xf32, #tpu.memory_space<vmem>>, vector<16xf32>,
    tpu.vector_store %arg6[%swap3A_11], %broadcast_in_dim3A_5 {strides = array<i32>} : memref<50176xf32, #tpu.memory_space<vmem>>, vector<16xf32>,
    %swap3A_13 = arith.constant 50048 : index
    %swap3A_14 = tpu.vector_load %arg6[%swap3A_13] {strides = array<i32>} : memref<50176xf32, #tpu.memory_space<vmem>>, vector<16xf32>,
    tpu.vector_store %arg6[%swap3A_13], %broadcast_in_dim3A_5 {strides = array<i32>} : memref<50176xf32, #tpu.memory_space<vmem>>, vector<16xf32>,
    %swap3A_15 = arith.constant 50064 : index
    %swap3A_16 = tpu.vector_load %arg6[%swap3A_15] {strides = array<i32>} : memref<50176xf32, #tpu.memory_space<vmem>>, vector<16xf32>,
    tpu.vector_store %arg6[%swap3A_15], %broadcast_in_dim3A_5 {strides = array<i32>} : memref<50176xf32, #tpu.memory_space<vmem>>, vector<16xf32>,
    %swap3A_17 = arith.constant 50080 : index
    %swap3A_18 = tpu.vector_load %arg6[%swap3A_17] {strides = array<i32>} : memref<50176xf32, #tpu.memory_space<vmem>>, vector<16xf32>,
    tpu.vector_store %arg6[%swap3A_17], %broadcast_in_dim3A_5 {strides = array<i32>} : memref<50176xf32, #tpu.memory_space<vmem>>, vector<16xf32>,
    %swap3A_19 = arith.constant 50096 : index
    %swap3A_20 = tpu.vector_load %arg6[%swap3A_19] {strides = array<i32>} : memref<50176xf32, #tpu.memory_space<vmem>>, vector<16xf32>,
    tpu.vector_store %arg6[%swap3A_19], %broadcast_in_dim3A_5 {strides = array<i32>} : memref<50176xf32, #tpu.memory_space<vmem>>, vector<16xf32>,
    %swap3A_21 = arith.constant 50112 : index
    %swap3A_22 = tpu.vector_load %arg6[%swap3A_21] {strides = array<i32>} : memref<50176xf32, #tpu.memory_space<vmem>>, vector<16xf32>,
    tpu.vector_store %arg6[%swap3A_21], %broadcast_in_dim3A_5 {strides = array<i32>} : memref<50176xf32, #tpu.memory_space<vmem>>, vector<16xf32>,
    %swap3A_23 = arith.constant 50128 : index
    %swap3A_24 = tpu.vector_load %arg6[%swap3A_23] {strides = array<i32>} : memref<50176xf32, #tpu.memory_space<vmem>>, vector<16xf32>,
    tpu.vector_store %arg6[%swap3A_23], %broadcast_in_dim3A_5 {strides = array<i32>} : memref<50176xf32, #tpu.memory_space<vmem>>, vector<16xf32>,
    %swap3A_25 = arith.constant 50144 : index
    %swap3A_26 = tpu.vector_load %arg6[%swap3A_25] {strides = array<i32>} : memref<50176xf32, #tpu.memory_space<vmem>>, vector<16xf32>,
    tpu.vector_store %arg6[%swap3A_25], %broadcast_in_dim3A_5 {strides = array<i32>} : memref<50176xf32, #tpu.memory_space<vmem>>, vector<16xf32>,
    %swap3A_27 = arith.constant 50160 : index
    %swap3A_28 = tpu.vector_load %arg6[%swap3A_27] {strides = array<i32>} : memref<50176xf32, #tpu.memory_space<vmem>>, vector<16xf32>,
    tpu.vector_store %arg6[%swap3A_27], %broadcast_in_dim3A_5 {strides = array<i32>} : memref<50176xf32, #tpu.memory_space<vmem>>, vector<16xf32>,
    %iota3A = tpu.iota {dimensions = array<i32: 0>} : vector<16xi32>
    %mul3A_29 = arith.constant 16 : i32
    %mul3A_30 = vector.broadcast %mul3A_29 : i32 to vector<16xi32>
    %mul3A_31 = arith.muli %iota3A, %mul3A_30 : vector<16xi32>
    %scan3A = arith.constant 0 : i32
    %scan3A_32 = arith.constant 0 : i32
    %scan3A_33 = arith.constant 196 : i32
    %scan3A_34 = arith.addi %scan3A_32, %scan3A_33 : i32
    %scan3A_35 = arith.constant 1 : i32
    %scan3A_36 = scf.for %scan3A_53 = %scan3A_32 to %scan3A_34 step %scan3A_35 iter_args(%scan3A_54 = %scan3A) -> (i32)  : i32 {
      %mul3A_55 = arith.constant 256 : i32
      %mul3A_56 = arith.muli %scan3A_53, %mul3A_55 : i32
      %broadcast_in_dim3A_57 = vector.broadcast %mul3A_56 : i32 to vector<16xi32>
      %add3A_58 = arith.addi %broadcast_in_dim3A_57, %mul3A_31 : vector<16xi32>
      %add3A_59 = arith.constant 0 : i32
      %add3A_60 = vector.broadcast %add3A_59 : i32 to vector<16xi32>
      %add3A_61 = arith.addi %add3A_58, %add3A_60 : vector<16xi32>
      %gather3A = tpu.vector_load_idx %arg6[%add3A_61] : memref<50176xf32, #tpu.memory_space<vmem>>[vector<16xi32>], vector<16xf32>,
      %add3A_62 = arith.constant 0 : i32
      %add3A_63 = arith.addi %mul3A_56, %add3A_62 : i32
      %swap3A_64 = arith.index_cast %add3A_63 : i32 to index
      %swap3A_65 = tpu.vector_load %arg7[%swap3A_64] {strides = array<i32>} : memref<50176xf32, #tpu.memory_space<vmem>>, vector<16xf32>,
      tpu.vector_store %arg7[%swap3A_64], %gather3A {strides = array<i32>} : memref<50176xf32, #tpu.memory_space<vmem>>, vector<16xf32>,
      %add3A_66 = arith.constant 1 : i32
      %add3A_67 = vector.broadcast %add3A_66 : i32 to vector<16xi32>
      %add3A_68 = arith.addi %add3A_58, %add3A_67 : vector<16xi32>
      %gather3A_69 = tpu.vector_load_idx %arg6[%add3A_68] : memref<50176xf32, #tpu.memory_space<vmem>>[vector<16xi32>], vector<16xf32>,
      %add3A_70 = arith.constant 16 : i32
      %add3A_71 = arith.addi %mul3A_56, %add3A_70 : i32
      %swap3A_72 = arith.index_cast %add3A_71 : i32 to index
      %swap3A_73 = tpu.vector_load %arg7[%swap3A_72] {strides = array<i32>} : memref<50176xf32, #tpu.memory_space<vmem>>, vector<16xf32>,
      tpu.vector_store %arg7[%swap3A_72], %gather3A_69 {strides = array<i32>} : memref<50176xf32, #tpu.memory_space<vmem>>, vector<16xf32>,
      %add3A_74 = arith.constant 2 : i32
      %add3A_75 = vector.broadcast %add3A_74 : i32 to vector<16xi32>
      %add3A_76 = arith.addi %add3A_58, %add3A_75 : vector<16xi32>
      %gather3A_77 = tpu.vector_load_idx %arg6[%add3A_76] : memref<50176xf32, #tpu.memory_space<vmem>>[vector<16xi32>], vector<16xf32>,
      %add3A_78 = arith.constant 32 : i32
      %add3A_79 = arith.addi %mul3A_56, %add3A_78 : i32
      %swap3A_80 = arith.index_cast %add3A_79 : i32 to index
      %swap3A_81 = tpu.vector_load %arg7[%swap3A_80] {strides = array<i32>} : memref<50176xf32, #tpu.memory_space<vmem>>, vector<16xf32>,
      tpu.vector_store %arg7[%swap3A_80], %gather3A_77 {strides = array<i32>} : memref<50176xf32, #tpu.memory_space<vmem>>, vector<16xf32>,
      %add3A_82 = arith.constant 3 : i32
      %add3A_83 = vector.broadcast %add3A_82 : i32 to vector<16xi32>
      %add3A_84 = arith.addi %add3A_58, %add3A_83 : vector<16xi32>
      %gather3A_85 = tpu.vector_load_idx %arg6[%add3A_84] : memref<50176xf32, #tpu.memory_space<vmem>>[vector<16xi32>], vector<16xf32>,
      %add3A_86 = arith.constant 48 : i32
      %add3A_87 = arith.addi %mul3A_56, %add3A_86 : i32
      %swap3A_88 = arith.index_cast %add3A_87 : i32 to index
      %swap3A_89 = tpu.vector_load %arg7[%swap3A_88] {strides = array<i32>} : memref<50176xf32, #tpu.memory_space<vmem>>, vector<16xf32>,
      tpu.vector_store %arg7[%swap3A_88], %gather3A_85 {strides = array<i32>} : memref<50176xf32, #tpu.memory_space<vmem>>, vector<16xf32>,
      %add3A_90 = arith.constant 4 : i32
      %add3A_91 = vector.broadcast %add3A_90 : i32 to vector<16xi32>
      %add3A_92 = arith.addi %add3A_58, %add3A_91 : vector<16xi32>
      %gather3A_93 = tpu.vector_load_idx %arg6[%add3A_92] : memref<50176xf32, #tpu.memory_space<vmem>>[vector<16xi32>], vector<16xf32>,
      %add3A_94 = arith.constant 64 : i32
      %add3A_95 = arith.addi %mul3A_56, %add3A_94 : i32
      %swap3A_96 = arith.index_cast %add3A_95 : i32 to index
      %swap3A_97 = tpu.vector_load %arg7[%swap3A_96] {strides = array<i32>} : memref<50176xf32, #tpu.memory_space<vmem>>, vector<16xf32>,
      tpu.vector_store %arg7[%swap3A_96], %gather3A_93 {strides = array<i32>} : memref<50176xf32, #tpu.memory_space<vmem>>, vector<16xf32>,
      %add3A_98 = arith.constant 5 : i32
      %add3A_99 = vector.broadcast %add3A_98 : i32 to vector<16xi32>
      %add3A_100 = arith.addi %add3A_58, %add3A_99 : vector<16xi32>
      %gather3A_101 = tpu.vector_load_idx %arg6[%add3A_100] : memref<50176xf32, #tpu.memory_space<vmem>>[vector<16xi32>], vector<16xf32>,
      %add3A_102 = arith.constant 80 : i32
      %add3A_103 = arith.addi %mul3A_56, %add3A_102 : i32
      %swap3A_104 = arith.index_cast %add3A_103 : i32 to index
      %swap3A_105 = tpu.vector_load %arg7[%swap3A_104] {strides = array<i32>} : memref<50176xf32, #tpu.memory_space<vmem>>, vector<16xf32>,
      tpu.vector_store %arg7[%swap3A_104], %gather3A_101 {strides = array<i32>} : memref<50176xf32, #tpu.memory_space<vmem>>, vector<16xf32>,
      %add3A_106 = arith.constant 6 : i32
      %add3A_107 = vector.broadcast %add3A_106 : i32 to vector<16xi32>
      %add3A_108 = arith.addi %add3A_58, %add3A_107 : vector<16xi32>
      %gather3A_109 = tpu.vector_load_idx %arg6[%add3A_108] : memref<50176xf32, #tpu.memory_space<vmem>>[vector<16xi32>], vector<16xf32>,
      %add3A_110 = arith.constant 96 : i32
      %add3A_111 = arith.addi %mul3A_56, %add3A_110 : i32
      %swap3A_112 = arith.index_cast %add3A_111 : i32 to index
      %swap3A_113 = tpu.vector_load %arg7[%swap3A_112] {strides = array<i32>} : memref<50176xf32, #tpu.memory_space<vmem>>, vector<16xf32>,
      tpu.vector_store %arg7[%swap3A_112], %gather3A_109 {strides = array<i32>} : memref<50176xf32, #tpu.memory_space<vmem>>, vector<16xf32>,
      %add3A_114 = arith.constant 7 : i32
      %add3A_115 = vector.broadcast %add3A_114 : i32 to vector<16xi32>
      %add3A_116 = arith.addi %add3A_58, %add3A_115 : vector<16xi32>
      %gather3A_117 = tpu.vector_load_idx %arg6[%add3A_116] : memref<50176xf32, #tpu.memory_space<vmem>>[vector<16xi32>], vector<16xf32>,
      %add3A_118 = arith.constant 112 : i32
      %add3A_119 = arith.addi %mul3A_56, %add3A_118 : i32
      %swap3A_120 = arith.index_cast %add3A_119 : i32 to index
      %swap3A_121 = tpu.vector_load %arg7[%swap3A_120] {strides = array<i32>} : memref<50176xf32, #tpu.memory_space<vmem>>, vector<16xf32>,
      tpu.vector_store %arg7[%swap3A_120], %gather3A_117 {strides = array<i32>} : memref<50176xf32, #tpu.memory_space<vmem>>, vector<16xf32>,
      %add3A_122 = arith.constant 8 : i32
      %add3A_123 = vector.broadcast %add3A_122 : i32 to vector<16xi32>
      %add3A_124 = arith.addi %add3A_58, %add3A_123 : vector<16xi32>
      %gather3A_125 = tpu.vector_load_idx %arg6[%add3A_124] : memref<50176xf32, #tpu.memory_space<vmem>>[vector<16xi32>], vector<16xf32>,
      %add3A_126 = arith.constant 128 : i32
      %add3A_127 = arith.addi %mul3A_56, %add3A_126 : i32
      %swap3A_128 = arith.index_cast %add3A_127 : i32 to index
      %swap3A_129 = tpu.vector_load %arg7[%swap3A_128] {strides = array<i32>} : memref<50176xf32, #tpu.memory_space<vmem>>, vector<16xf32>,
      tpu.vector_store %arg7[%swap3A_128], %gather3A_125 {strides = array<i32>} : memref<50176xf32, #tpu.memory_space<vmem>>, vector<16xf32>,
      %add3A_130 = arith.constant 9 : i32
      %add3A_131 = vector.broadcast %add3A_130 : i32 to vector<16xi32>
      %add3A_132 = arith.addi %add3A_58, %add3A_131 : vector<16xi32>
      %gather3A_133 = tpu.vector_load_idx %arg6[%add3A_132] : memref<50176xf32, #tpu.memory_space<vmem>>[vector<16xi32>], vector<16xf32>,
      %add3A_134 = arith.constant 144 : i32
      %add3A_135 = arith.addi %mul3A_56, %add3A_134 : i32
      %swap3A_136 = arith.index_cast %add3A_135 : i32 to index
      %swap3A_137 = tpu.vector_load %arg7[%swap3A_136] {strides = array<i32>} : memref<50176xf32, #tpu.memory_space<vmem>>, vector<16xf32>,
      tpu.vector_store %arg7[%swap3A_136], %gather3A_133 {strides = array<i32>} : memref<50176xf32, #tpu.memory_space<vmem>>, vector<16xf32>,
      %add3A_138 = arith.constant 10 : i32
      %add3A_139 = vector.broadcast %add3A_138 : i32 to vector<16xi32>
      %add3A_140 = arith.addi %add3A_58, %add3A_139 : vector<16xi32>
      %gather3A_141 = tpu.vector_load_idx %arg6[%add3A_140] : memref<50176xf32, #tpu.memory_space<vmem>>[vector<16xi32>], vector<16xf32>,
      %add3A_142 = arith.constant 160 : i32
      %add3A_143 = arith.addi %mul3A_56, %add3A_142 : i32
      %swap3A_144 = arith.index_cast %add3A_143 : i32 to index
      %swap3A_145 = tpu.vector_load %arg7[%swap3A_144] {strides = array<i32>} : memref<50176xf32, #tpu.memory_space<vmem>>, vector<16xf32>,
      tpu.vector_store %arg7[%swap3A_144], %gather3A_141 {strides = array<i32>} : memref<50176xf32, #tpu.memory_space<vmem>>, vector<16xf32>,
      %add3A_146 = arith.constant 11 : i32
      %add3A_147 = vector.broadcast %add3A_146 : i32 to vector<16xi32>
      %add3A_148 = arith.addi %add3A_58, %add3A_147 : vector<16xi32>
      %gather3A_149 = tpu.vector_load_idx %arg6[%add3A_148] : memref<50176xf32, #tpu.memory_space<vmem>>[vector<16xi32>], vector<16xf32>,
      %add3A_150 = arith.constant 176 : i32
      %add3A_151 = arith.addi %mul3A_56, %add3A_150 : i32
      %swap3A_152 = arith.index_cast %add3A_151 : i32 to index
      %swap3A_153 = tpu.vector_load %arg7[%swap3A_152] {strides = array<i32>} : memref<50176xf32, #tpu.memory_space<vmem>>, vector<16xf32>,
      tpu.vector_store %arg7[%swap3A_152], %gather3A_149 {strides = array<i32>} : memref<50176xf32, #tpu.memory_space<vmem>>, vector<16xf32>,
      %add3A_154 = arith.constant 12 : i32
      %add3A_155 = vector.broadcast %add3A_154 : i32 to vector<16xi32>
      %add3A_156 = arith.addi %add3A_58, %add3A_155 : vector<16xi32>
      %gather3A_157 = tpu.vector_load_idx %arg6[%add3A_156] : memref<50176xf32, #tpu.memory_space<vmem>>[vector<16xi32>], vector<16xf32>,
      %add3A_158 = arith.constant 192 : i32
      %add3A_159 = arith.addi %mul3A_56, %add3A_158 : i32
      %swap3A_160 = arith.index_cast %add3A_159 : i32 to index
      %swap3A_161 = tpu.vector_load %arg7[%swap3A_160] {strides = array<i32>} : memref<50176xf32, #tpu.memory_space<vmem>>, vector<16xf32>,
      tpu.vector_store %arg7[%swap3A_160], %gather3A_157 {strides = array<i32>} : memref<50176xf32, #tpu.memory_space<vmem>>, vector<16xf32>,
      %add3A_162 = arith.constant 13 : i32
      %add3A_163 = vector.broadcast %add3A_162 : i32 to vector<16xi32>
      %add3A_164 = arith.addi %add3A_58, %add3A_163 : vector<16xi32>
      %gather3A_165 = tpu.vector_load_idx %arg6[%add3A_164] : memref<50176xf32, #tpu.memory_space<vmem>>[vector<16xi32>], vector<16xf32>,
      %add3A_166 = arith.constant 208 : i32
      %add3A_167 = arith.addi %mul3A_56, %add3A_166 : i32
      %swap3A_168 = arith.index_cast %add3A_167 : i32 to index
      %swap3A_169 = tpu.vector_load %arg7[%swap3A_168] {strides = array<i32>} : memref<50176xf32, #tpu.memory_space<vmem>>, vector<16xf32>,
      tpu.vector_store %arg7[%swap3A_168], %gather3A_165 {strides = array<i32>} : memref<50176xf32, #tpu.memory_space<vmem>>, vector<16xf32>,
      %add3A_170 = arith.constant 14 : i32
      %add3A_171 = vector.broadcast %add3A_170 : i32 to vector<16xi32>
      %add3A_172 = arith.addi %add3A_58, %add3A_171 : vector<16xi32>
      %gather3A_173 = tpu.vector_load_idx %arg6[%add3A_172] : memref<50176xf32, #tpu.memory_space<vmem>>[vector<16xi32>], vector<16xf32>,
      %add3A_174 = arith.constant 224 : i32
      %add3A_175 = arith.addi %mul3A_56, %add3A_174 : i32
      %swap3A_176 = arith.index_cast %add3A_175 : i32 to index
      %swap3A_177 = tpu.vector_load %arg7[%swap3A_176] {strides = array<i32>} : memref<50176xf32, #tpu.memory_space<vmem>>, vector<16xf32>,
      tpu.vector_store %arg7[%swap3A_176], %gather3A_173 {strides = array<i32>} : memref<50176xf32, #tpu.memory_space<vmem>>, vector<16xf32>,
      %add3A_178 = arith.constant 15 : i32
      %add3A_179 = vector.broadcast %add3A_178 : i32 to vector<16xi32>
      %add3A_180 = arith.addi %add3A_58, %add3A_179 : vector<16xi32>
      %gather3A_181 = tpu.vector_load_idx %arg6[%add3A_180] : memref<50176xf32, #tpu.memory_space<vmem>>[vector<16xi32>], vector<16xf32>,
      %add3A_182 = arith.constant 240 : i32
      %add3A_183 = arith.addi %mul3A_56, %add3A_182 : i32
      %swap3A_184 = arith.index_cast %add3A_183 : i32 to index
      %swap3A_185 = tpu.vector_load %arg7[%swap3A_184] {strides = array<i32>} : memref<50176xf32, #tpu.memory_space<vmem>>, vector<16xf32>,
      tpu.vector_store %arg7[%swap3A_184], %gather3A_181 {strides = array<i32>} : memref<50176xf32, #tpu.memory_space<vmem>>, vector<16xf32>,
      %scan3A_186 = arith.constant 0 : i32
      scf.yield %scan3A_186 : i32
    }
    %scan3A_37 = arith.constant 196 : i32
    %scan3A_38 = arith.constant 0 : i32
    %scan3A_39 = arith.constant 0 : i32
    %scan3A_40 = arith.constant 64 : i32
    %scan3A_41 = arith.addi %scan3A_39, %scan3A_40 : i32
    %scan3A_42 = arith.constant 1 : i32
    %scan3A_43 = scf.for %scan3A_53 = %scan3A_39 to %scan3A_41 step %scan3A_42 iter_args(%scan3A_54 = %scan3A_38) -> (i32)  : i32 {
      %mul3A_55 = arith.constant 16 : i32
      %mul3A_56 = arith.muli %scan3A_53, %mul3A_55 : i32
      %get3A = arith.index_cast %mul3A_56 : i32 to index
      %get3A_57 = tpu.vector_load %arg8[%get3A] {strides = array<i32>} : memref<1024xf32, #tpu.memory_space<vmem>>, vector<16xf32>,
      %slice3A = vector.extract_strided_slice %get3A_57 {offsets = [0], sizes = [1], strides = [1]} : vector<16xf32> to vector<1xf32>
      %squeeze3A = vector.extract %slice3A[0] : f32 from vector<1xf32>
      %broadcast_in_dim3A_58 = vector.broadcast %squeeze3A : f32 to vector<16xf32>
      %slice3A_59 = vector.extract_strided_slice %get3A_57 {offsets = [1], sizes = [1], strides = [1]} : vector<16xf32> to vector<1xf32>
      %squeeze3A_60 = vector.extract %slice3A_59[0] : f32 from vector<1xf32>
      %broadcast_in_dim3A_61 = vector.broadcast %squeeze3A_60 : f32 to vector<16xf32>
      %slice3A_62 = vector.extract_strided_slice %get3A_57 {offsets = [2], sizes = [1], strides = [1]} : vector<16xf32> to vector<1xf32>
      %squeeze3A_63 = vector.extract %slice3A_62[0] : f32 from vector<1xf32>
      %broadcast_in_dim3A_64 = vector.broadcast %squeeze3A_63 : f32 to vector<16xf32>
      %slice3A_65 = vector.extract_strided_slice %get3A_57 {offsets = [3], sizes = [1], strides = [1]} : vector<16xf32> to vector<1xf32>
      %squeeze3A_66 = vector.extract %slice3A_65[0] : f32 from vector<1xf32>
      %broadcast_in_dim3A_67 = vector.broadcast %squeeze3A_66 : f32 to vector<16xf32>
      %slice3A_68 = vector.extract_strided_slice %get3A_57 {offsets = [4], sizes = [1], strides = [1]} : vector<16xf32> to vector<1xf32>
      %squeeze3A_69 = vector.extract %slice3A_68[0] : f32 from vector<1xf32>
      %broadcast_in_dim3A_70 = vector.broadcast %squeeze3A_69 : f32 to vector<16xf32>
      %slice3A_71 = vector.extract_strided_slice %get3A_57 {offsets = [5], sizes = [1], strides = [1]} : vector<16xf32> to vector<1xf32>
      %squeeze3A_72 = vector.extract %slice3A_71[0] : f32 from vector<1xf32>
      %broadcast_in_dim3A_73 = vector.broadcast %squeeze3A_72 : f32 to vector<16xf32>
      %slice3A_74 = vector.extract_strided_slice %get3A_57 {offsets = [6], sizes = [1], strides = [1]} : vector<16xf32> to vector<1xf32>
      %squeeze3A_75 = vector.extract %slice3A_74[0] : f32 from vector<1xf32>
      %broadcast_in_dim3A_76 = vector.broadcast %squeeze3A_75 : f32 to vector<16xf32>
      %slice3A_77 = vector.extract_strided_slice %get3A_57 {offsets = [7], sizes = [1], strides = [1]} : vector<16xf32> to vector<1xf32>
      %squeeze3A_78 = vector.extract %slice3A_77[0] : f32 from vector<1xf32>
      %broadcast_in_dim3A_79 = vector.broadcast %squeeze3A_78 : f32 to vector<16xf32>
      %slice3A_80 = vector.extract_strided_slice %get3A_57 {offsets = [8], sizes = [1], strides = [1]} : vector<16xf32> to vector<1xf32>
      %squeeze3A_81 = vector.extract %slice3A_80[0] : f32 from vector<1xf32>
      %broadcast_in_dim3A_82 = vector.broadcast %squeeze3A_81 : f32 to vector<16xf32>
      %slice3A_83 = vector.extract_strided_slice %get3A_57 {offsets = [9], sizes = [1], strides = [1]} : vector<16xf32> to vector<1xf32>
      %squeeze3A_84 = vector.extract %slice3A_83[0] : f32 from vector<1xf32>
      %broadcast_in_dim3A_85 = vector.broadcast %squeeze3A_84 : f32 to vector<16xf32>
      %slice3A_86 = vector.extract_strided_slice %get3A_57 {offsets = [10], sizes = [1], strides = [1]} : vector<16xf32> to vector<1xf32>
      %squeeze3A_87 = vector.extract %slice3A_86[0] : f32 from vector<1xf32>
      %broadcast_in_dim3A_88 = vector.broadcast %squeeze3A_87 : f32 to vector<16xf32>
      %slice3A_89 = vector.extract_strided_slice %get3A_57 {offsets = [11], sizes = [1], strides = [1]} : vector<16xf32> to vector<1xf32>
      %squeeze3A_90 = vector.extract %slice3A_89[0] : f32 from vector<1xf32>
      %broadcast_in_dim3A_91 = vector.broadcast %squeeze3A_90 : f32 to vector<16xf32>
      %slice3A_92 = vector.extract_strided_slice %get3A_57 {offsets = [12], sizes = [1], strides = [1]} : vector<16xf32> to vector<1xf32>
      %squeeze3A_93 = vector.extract %slice3A_92[0] : f32 from vector<1xf32>
      %broadcast_in_dim3A_94 = vector.broadcast %squeeze3A_93 : f32 to vector<16xf32>
      %slice3A_95 = vector.extract_strided_slice %get3A_57 {offsets = [13], sizes = [1], strides = [1]} : vector<16xf32> to vector<1xf32>
      %squeeze3A_96 = vector.extract %slice3A_95[0] : f32 from vector<1xf32>
      %broadcast_in_dim3A_97 = vector.broadcast %squeeze3A_96 : f32 to vector<16xf32>
      %slice3A_98 = vector.extract_strided_slice %get3A_57 {offsets = [14], sizes = [1], strides = [1]} : vector<16xf32> to vector<1xf32>
      %squeeze3A_99 = vector.extract %slice3A_98[0] : f32 from vector<1xf32>
      %broadcast_in_dim3A_100 = vector.broadcast %squeeze3A_99 : f32 to vector<16xf32>
      %slice3A_101 = vector.extract_strided_slice %get3A_57 {offsets = [15], sizes = [1], strides = [1]} : vector<16xf32> to vector<1xf32>
      %squeeze3A_102 = vector.extract %slice3A_101[0] : f32 from vector<1xf32>
      %broadcast_in_dim3A_103 = vector.broadcast %squeeze3A_102 : f32 to vector<16xf32>
      %scan3A_104 = arith.constant 0 : i32
      %scan3A_105 = arith.constant 98 : i32
      %scan3A_106 = arith.addi %scan3A_104, %scan3A_105 : i32
      %scan3A_107 = arith.constant 1 : i32
      %scan3A_108:3 = scf.for %scan3A_119 = %scan3A_104 to %scan3A_106 step %scan3A_107 iter_args(%scan3A_120 = %broadcast_in_dim3A_5, %scan3A_121 = %broadcast_in_dim3A_5, %scan3A_122 = %broadcast_in_dim3A_7) -> (vector<16xf32>, vector<16xf32>, vector<16xi32>)  : i32 {
        %mul3A_123 = arith.constant 512 : i32
        %mul3A_124 = arith.muli %scan3A_119, %mul3A_123 : i32
        %add3A_125 = arith.constant 0 : i32
        %add3A_126 = arith.addi %mul3A_124, %add3A_125 : i32
        %get3A_127 = arith.index_cast %add3A_126 : i32 to index
        %get3A_128 = tpu.vector_load %arg7[%get3A_127] {strides = array<i32>} : memref<50176xf32, #tpu.memory_space<vmem>>, vector<16xf32>,
        %sub3A = arith.subf %get3A_128, %broadcast_in_dim3A_58 : vector<16xf32>
        %mul3A_129 = arith.mulf %sub3A, %sub3A : vector<16xf32>
        %add3A_130 = arith.constant 16 : i32
        %add3A_131 = arith.addi %mul3A_124, %add3A_130 : i32
        %get3A_132 = arith.index_cast %add3A_131 : i32 to index
        %get3A_133 = tpu.vector_load %arg7[%get3A_132] {strides = array<i32>} : memref<50176xf32, #tpu.memory_space<vmem>>, vector<16xf32>,
        %sub3A_134 = arith.subf %get3A_133, %broadcast_in_dim3A_61 : vector<16xf32>
        %mul3A_135 = arith.mulf %sub3A_134, %sub3A_134 : vector<16xf32>
        %add3A_136 = arith.constant 32 : i32
        %add3A_137 = arith.addi %mul3A_124, %add3A_136 : i32
        %get3A_138 = arith.index_cast %add3A_137 : i32 to index
        %get3A_139 = tpu.vector_load %arg7[%get3A_138] {strides = array<i32>} : memref<50176xf32, #tpu.memory_space<vmem>>, vector<16xf32>,
        %sub3A_140 = arith.subf %get3A_139, %broadcast_in_dim3A_64 : vector<16xf32>
        %mul3A_141 = arith.mulf %sub3A_140, %sub3A_140 : vector<16xf32>
        %add3A_142 = arith.addf %mul3A_129, %mul3A_141 : vector<16xf32>
        %add3A_143 = arith.constant 48 : i32
        %add3A_144 = arith.addi %mul3A_124, %add3A_143 : i32
        %get3A_145 = arith.index_cast %add3A_144 : i32 to index
        %get3A_146 = tpu.vector_load %arg7[%get3A_145] {strides = array<i32>} : memref<50176xf32, #tpu.memory_space<vmem>>, vector<16xf32>,
        %sub3A_147 = arith.subf %get3A_146, %broadcast_in_dim3A_67 : vector<16xf32>
        %mul3A_148 = arith.mulf %sub3A_147, %sub3A_147 : vector<16xf32>
        %add3A_149 = arith.addf %mul3A_135, %mul3A_148 : vector<16xf32>
        %add3A_150 = arith.constant 64 : i32
        %add3A_151 = arith.addi %mul3A_124, %add3A_150 : i32
        %get3A_152 = arith.index_cast %add3A_151 : i32 to index
        %get3A_153 = tpu.vector_load %arg7[%get3A_152] {strides = array<i32>} : memref<50176xf32, #tpu.memory_space<vmem>>, vector<16xf32>,
        %sub3A_154 = arith.subf %get3A_153, %broadcast_in_dim3A_70 : vector<16xf32>
        %mul3A_155 = arith.mulf %sub3A_154, %sub3A_154 : vector<16xf32>
        %add3A_156 = arith.addf %add3A_142, %mul3A_155 : vector<16xf32>
        %add3A_157 = arith.constant 80 : i32
        %add3A_158 = arith.addi %mul3A_124, %add3A_157 : i32
        %get3A_159 = arith.index_cast %add3A_158 : i32 to index
        %get3A_160 = tpu.vector_load %arg7[%get3A_159] {strides = array<i32>} : memref<50176xf32, #tpu.memory_space<vmem>>, vector<16xf32>,
        %sub3A_161 = arith.subf %get3A_160, %broadcast_in_dim3A_73 : vector<16xf32>
        %mul3A_162 = arith.mulf %sub3A_161, %sub3A_161 : vector<16xf32>
        %add3A_163 = arith.addf %add3A_149, %mul3A_162 : vector<16xf32>
        %add3A_164 = arith.constant 96 : i32
        %add3A_165 = arith.addi %mul3A_124, %add3A_164 : i32
        %get3A_166 = arith.index_cast %add3A_165 : i32 to index
        %get3A_167 = tpu.vector_load %arg7[%get3A_166] {strides = array<i32>} : memref<50176xf32, #tpu.memory_space<vmem>>, vector<16xf32>,
        %sub3A_168 = arith.subf %get3A_167, %broadcast_in_dim3A_76 : vector<16xf32>
        %mul3A_169 = arith.mulf %sub3A_168, %sub3A_168 : vector<16xf32>
        %add3A_170 = arith.addf %add3A_156, %mul3A_169 : vector<16xf32>
        %add3A_171 = arith.constant 112 : i32
        %add3A_172 = arith.addi %mul3A_124, %add3A_171 : i32
        %get3A_173 = arith.index_cast %add3A_172 : i32 to index
        %get3A_174 = tpu.vector_load %arg7[%get3A_173] {strides = array<i32>} : memref<50176xf32, #tpu.memory_space<vmem>>, vector<16xf32>,
        %sub3A_175 = arith.subf %get3A_174, %broadcast_in_dim3A_79 : vector<16xf32>
        %mul3A_176 = arith.mulf %sub3A_175, %sub3A_175 : vector<16xf32>
        %add3A_177 = arith.addf %add3A_163, %mul3A_176 : vector<16xf32>
        %add3A_178 = arith.constant 128 : i32
        %add3A_179 = arith.addi %mul3A_124, %add3A_178 : i32
        %get3A_180 = arith.index_cast %add3A_179 : i32 to index
        %get3A_181 = tpu.vector_load %arg7[%get3A_180] {strides = array<i32>} : memref<50176xf32, #tpu.memory_space<vmem>>, vector<16xf32>,
        %sub3A_182 = arith.subf %get3A_181, %broadcast_in_dim3A_82 : vector<16xf32>
        %mul3A_183 = arith.mulf %sub3A_182, %sub3A_182 : vector<16xf32>
        %add3A_184 = arith.addf %add3A_170, %mul3A_183 : vector<16xf32>
        %add3A_185 = arith.constant 144 : i32
        %add3A_186 = arith.addi %mul3A_124, %add3A_185 : i32
        %get3A_187 = arith.index_cast %add3A_186 : i32 to index
        %get3A_188 = tpu.vector_load %arg7[%get3A_187] {strides = array<i32>} : memref<50176xf32, #tpu.memory_space<vmem>>, vector<16xf32>,
        %sub3A_189 = arith.subf %get3A_188, %broadcast_in_dim3A_85 : vector<16xf32>
        %mul3A_190 = arith.mulf %sub3A_189, %sub3A_189 : vector<16xf32>
        %add3A_191 = arith.addf %add3A_177, %mul3A_190 : vector<16xf32>
        %add3A_192 = arith.constant 160 : i32
        %add3A_193 = arith.addi %mul3A_124, %add3A_192 : i32
        %get3A_194 = arith.index_cast %add3A_193 : i32 to index
        %get3A_195 = tpu.vector_load %arg7[%get3A_194] {strides = array<i32>} : memref<50176xf32, #tpu.memory_space<vmem>>, vector<16xf32>,
        %sub3A_196 = arith.subf %get3A_195, %broadcast_in_dim3A_88 : vector<16xf32>
        %mul3A_197 = arith.mulf %sub3A_196, %sub3A_196 : vector<16xf32>
        %add3A_198 = arith.addf %add3A_184, %mul3A_197 : vector<16xf32>
        %add3A_199 = arith.constant 176 : i32
        %add3A_200 = arith.addi %mul3A_124, %add3A_199 : i32
        %get3A_201 = arith.index_cast %add3A_200 : i32 to index
        %get3A_202 = tpu.vector_load %arg7[%get3A_201] {strides = array<i32>} : memref<50176xf32, #tpu.memory_space<vmem>>, vector<16xf32>,
        %sub3A_203 = arith.subf %get3A_202, %broadcast_in_dim3A_91 : vector<16xf32>
        %mul3A_204 = arith.mulf %sub3A_203, %sub3A_203 : vector<16xf32>
        %add3A_205 = arith.addf %add3A_191, %mul3A_204 : vector<16xf32>
        %add3A_206 = arith.constant 192 : i32
        %add3A_207 = arith.addi %mul3A_124, %add3A_206 : i32
        %get3A_208 = arith.index_cast %add3A_207 : i32 to index
        %get3A_209 = tpu.vector_load %arg7[%get3A_208] {strides = array<i32>} : memref<50176xf32, #tpu.memory_space<vmem>>, vector<16xf32>,
        %sub3A_210 = arith.subf %get3A_209, %broadcast_in_dim3A_94 : vector<16xf32>
        %mul3A_211 = arith.mulf %sub3A_210, %sub3A_210 : vector<16xf32>
        %add3A_212 = arith.addf %add3A_198, %mul3A_211 : vector<16xf32>
        %add3A_213 = arith.constant 208 : i32
        %add3A_214 = arith.addi %mul3A_124, %add3A_213 : i32
        %get3A_215 = arith.index_cast %add3A_214 : i32 to index
        %get3A_216 = tpu.vector_load %arg7[%get3A_215] {strides = array<i32>} : memref<50176xf32, #tpu.memory_space<vmem>>, vector<16xf32>,
        %sub3A_217 = arith.subf %get3A_216, %broadcast_in_dim3A_97 : vector<16xf32>
        %mul3A_218 = arith.mulf %sub3A_217, %sub3A_217 : vector<16xf32>
        %add3A_219 = arith.addf %add3A_205, %mul3A_218 : vector<16xf32>
        %add3A_220 = arith.constant 224 : i32
        %add3A_221 = arith.addi %mul3A_124, %add3A_220 : i32
        %get3A_222 = arith.index_cast %add3A_221 : i32 to index
        %get3A_223 = tpu.vector_load %arg7[%get3A_222] {strides = array<i32>} : memref<50176xf32, #tpu.memory_space<vmem>>, vector<16xf32>,
        %sub3A_224 = arith.subf %get3A_223, %broadcast_in_dim3A_100 : vector<16xf32>
        %mul3A_225 = arith.mulf %sub3A_224, %sub3A_224 : vector<16xf32>
        %add3A_226 = arith.addf %add3A_212, %mul3A_225 : vector<16xf32>
        %add3A_227 = arith.constant 240 : i32
        %add3A_228 = arith.addi %mul3A_124, %add3A_227 : i32
        %get3A_229 = arith.index_cast %add3A_228 : i32 to index
        %get3A_230 = tpu.vector_load %arg7[%get3A_229] {strides = array<i32>} : memref<50176xf32, #tpu.memory_space<vmem>>, vector<16xf32>,
        %sub3A_231 = arith.subf %get3A_230, %broadcast_in_dim3A_103 : vector<16xf32>
        %mul3A_232 = arith.mulf %sub3A_231, %sub3A_231 : vector<16xf32>
        %add3A_233 = arith.addf %add3A_219, %mul3A_232 : vector<16xf32>
        %add3A_234 = arith.addf %add3A_226, %add3A_233 : vector<16xf32>
        %add3A_235 = arith.constant 256 : i32
        %add3A_236 = arith.addi %mul3A_124, %add3A_235 : i32
        %add3A_237 = arith.constant 0 : i32
        %add3A_238 = arith.addi %add3A_236, %add3A_237 : i32
        %get3A_239 = arith.index_cast %add3A_238 : i32 to index
        %get3A_240 = tpu.vector_load %arg7[%get3A_239] {strides = array<i32>} : memref<50176xf32, #tpu.memory_space<vmem>>, vector<16xf32>,
        %sub3A_241 = arith.subf %get3A_240, %broadcast_in_dim3A_58 : vector<16xf32>
        %mul3A_242 = arith.mulf %sub3A_241, %sub3A_241 : vector<16xf32>
        %add3A_243 = arith.constant 16 : i32
        %add3A_244 = arith.addi %add3A_236, %add3A_243 : i32
        %get3A_245 = arith.index_cast %add3A_244 : i32 to index
        %get3A_246 = tpu.vector_load %arg7[%get3A_245] {strides = array<i32>} : memref<50176xf32, #tpu.memory_space<vmem>>, vector<16xf32>,
        %sub3A_247 = arith.subf %get3A_246, %broadcast_in_dim3A_61 : vector<16xf32>
        %mul3A_248 = arith.mulf %sub3A_247, %sub3A_247 : vector<16xf32>
        %add3A_249 = arith.constant 32 : i32
        %add3A_250 = arith.addi %add3A_236, %add3A_249 : i32
        %get3A_251 = arith.index_cast %add3A_250 : i32 to index
        %get3A_252 = tpu.vector_load %arg7[%get3A_251] {strides = array<i32>} : memref<50176xf32, #tpu.memory_space<vmem>>, vector<16xf32>,
        %sub3A_253 = arith.subf %get3A_252, %broadcast_in_dim3A_64 : vector<16xf32>
        %mul3A_254 = arith.mulf %sub3A_253, %sub3A_253 : vector<16xf32>
        %add3A_255 = arith.addf %mul3A_242, %mul3A_254 : vector<16xf32>
        %add3A_256 = arith.constant 48 : i32
        %add3A_257 = arith.addi %add3A_236, %add3A_256 : i32
        %get3A_258 = arith.index_cast %add3A_257 : i32 to index
        %get3A_259 = tpu.vector_load %arg7[%get3A_258] {strides = array<i32>} : memref<50176xf32, #tpu.memory_space<vmem>>, vector<16xf32>,
        %sub3A_260 = arith.subf %get3A_259, %broadcast_in_dim3A_67 : vector<16xf32>
        %mul3A_261 = arith.mulf %sub3A_260, %sub3A_260 : vector<16xf32>
        %add3A_262 = arith.addf %mul3A_248, %mul3A_261 : vector<16xf32>
        %add3A_263 = arith.constant 64 : i32
        %add3A_264 = arith.addi %add3A_236, %add3A_263 : i32
        %get3A_265 = arith.index_cast %add3A_264 : i32 to index
        %get3A_266 = tpu.vector_load %arg7[%get3A_265] {strides = array<i32>} : memref<50176xf32, #tpu.memory_space<vmem>>, vector<16xf32>,
        %sub3A_267 = arith.subf %get3A_266, %broadcast_in_dim3A_70 : vector<16xf32>
        %mul3A_268 = arith.mulf %sub3A_267, %sub3A_267 : vector<16xf32>
        %add3A_269 = arith.addf %add3A_255, %mul3A_268 : vector<16xf32>
        %add3A_270 = arith.constant 80 : i32
        %add3A_271 = arith.addi %add3A_236, %add3A_270 : i32
        %get3A_272 = arith.index_cast %add3A_271 : i32 to index
        %get3A_273 = tpu.vector_load %arg7[%get3A_272] {strides = array<i32>} : memref<50176xf32, #tpu.memory_space<vmem>>, vector<16xf32>,
        %sub3A_274 = arith.subf %get3A_273, %broadcast_in_dim3A_73 : vector<16xf32>
        %mul3A_275 = arith.mulf %sub3A_274, %sub3A_274 : vector<16xf32>
        %add3A_276 = arith.addf %add3A_262, %mul3A_275 : vector<16xf32>
        %add3A_277 = arith.constant 96 : i32
        %add3A_278 = arith.addi %add3A_236, %add3A_277 : i32
        %get3A_279 = arith.index_cast %add3A_278 : i32 to index
        %get3A_280 = tpu.vector_load %arg7[%get3A_279] {strides = array<i32>} : memref<50176xf32, #tpu.memory_space<vmem>>, vector<16xf32>,
        %sub3A_281 = arith.subf %get3A_280, %broadcast_in_dim3A_76 : vector<16xf32>
        %mul3A_282 = arith.mulf %sub3A_281, %sub3A_281 : vector<16xf32>
        %add3A_283 = arith.addf %add3A_269, %mul3A_282 : vector<16xf32>
        %add3A_284 = arith.constant 112 : i32
        %add3A_285 = arith.addi %add3A_236, %add3A_284 : i32
        %get3A_286 = arith.index_cast %add3A_285 : i32 to index
        %get3A_287 = tpu.vector_load %arg7[%get3A_286] {strides = array<i32>} : memref<50176xf32, #tpu.memory_space<vmem>>, vector<16xf32>,
        %sub3A_288 = arith.subf %get3A_287, %broadcast_in_dim3A_79 : vector<16xf32>
        %mul3A_289 = arith.mulf %sub3A_288, %sub3A_288 : vector<16xf32>
        %add3A_290 = arith.addf %add3A_276, %mul3A_289 : vector<16xf32>
        %add3A_291 = arith.constant 128 : i32
        %add3A_292 = arith.addi %add3A_236, %add3A_291 : i32
        %get3A_293 = arith.index_cast %add3A_292 : i32 to index
        %get3A_294 = tpu.vector_load %arg7[%get3A_293] {strides = array<i32>} : memref<50176xf32, #tpu.memory_space<vmem>>, vector<16xf32>,
        %sub3A_295 = arith.subf %get3A_294, %broadcast_in_dim3A_82 : vector<16xf32>
        %mul3A_296 = arith.mulf %sub3A_295, %sub3A_295 : vector<16xf32>
        %add3A_297 = arith.addf %add3A_283, %mul3A_296 : vector<16xf32>
        %add3A_298 = arith.constant 144 : i32
        %add3A_299 = arith.addi %add3A_236, %add3A_298 : i32
        %get3A_300 = arith.index_cast %add3A_299 : i32 to index
        %get3A_301 = tpu.vector_load %arg7[%get3A_300] {strides = array<i32>} : memref<50176xf32, #tpu.memory_space<vmem>>, vector<16xf32>,
        %sub3A_302 = arith.subf %get3A_301, %broadcast_in_dim3A_85 : vector<16xf32>
        %mul3A_303 = arith.mulf %sub3A_302, %sub3A_302 : vector<16xf32>
        %add3A_304 = arith.addf %add3A_290, %mul3A_303 : vector<16xf32>
        %add3A_305 = arith.constant 160 : i32
        %add3A_306 = arith.addi %add3A_236, %add3A_305 : i32
        %get3A_307 = arith.index_cast %add3A_306 : i32 to index
        %get3A_308 = tpu.vector_load %arg7[%get3A_307] {strides = array<i32>} : memref<50176xf32, #tpu.memory_space<vmem>>, vector<16xf32>,
        %sub3A_309 = arith.subf %get3A_308, %broadcast_in_dim3A_88 : vector<16xf32>
        %mul3A_310 = arith.mulf %sub3A_309, %sub3A_309 : vector<16xf32>
        %add3A_311 = arith.addf %add3A_297, %mul3A_310 : vector<16xf32>
        %add3A_312 = arith.constant 176 : i32
        %add3A_313 = arith.addi %add3A_236, %add3A_312 : i32
        %get3A_314 = arith.index_cast %add3A_313 : i32 to index
        %get3A_315 = tpu.vector_load %arg7[%get3A_314] {strides = array<i32>} : memref<50176xf32, #tpu.memory_space<vmem>>, vector<16xf32>,
        %sub3A_316 = arith.subf %get3A_315, %broadcast_in_dim3A_91 : vector<16xf32>
        %mul3A_317 = arith.mulf %sub3A_316, %sub3A_316 : vector<16xf32>
        %add3A_318 = arith.addf %add3A_304, %mul3A_317 : vector<16xf32>
        %add3A_319 = arith.constant 192 : i32
        %add3A_320 = arith.addi %add3A_236, %add3A_319 : i32
        %get3A_321 = arith.index_cast %add3A_320 : i32 to index
        %get3A_322 = tpu.vector_load %arg7[%get3A_321] {strides = array<i32>} : memref<50176xf32, #tpu.memory_space<vmem>>, vector<16xf32>,
        %sub3A_323 = arith.subf %get3A_322, %broadcast_in_dim3A_94 : vector<16xf32>
        %mul3A_324 = arith.mulf %sub3A_323, %sub3A_323 : vector<16xf32>
        %add3A_325 = arith.addf %add3A_311, %mul3A_324 : vector<16xf32>
        %add3A_326 = arith.constant 208 : i32
        %add3A_327 = arith.addi %add3A_236, %add3A_326 : i32
        %get3A_328 = arith.index_cast %add3A_327 : i32 to index
        %get3A_329 = tpu.vector_load %arg7[%get3A_328] {strides = array<i32>} : memref<50176xf32, #tpu.memory_space<vmem>>, vector<16xf32>,
        %sub3A_330 = arith.subf %get3A_329, %broadcast_in_dim3A_97 : vector<16xf32>
        %mul3A_331 = arith.mulf %sub3A_330, %sub3A_330 : vector<16xf32>
        %add3A_332 = arith.addf %add3A_318, %mul3A_331 : vector<16xf32>
        %add3A_333 = arith.constant 224 : i32
        %add3A_334 = arith.addi %add3A_236, %add3A_333 : i32
        %get3A_335 = arith.index_cast %add3A_334 : i32 to index
        %get3A_336 = tpu.vector_load %arg7[%get3A_335] {strides = array<i32>} : memref<50176xf32, #tpu.memory_space<vmem>>, vector<16xf32>,
        %sub3A_337 = arith.subf %get3A_336, %broadcast_in_dim3A_100 : vector<16xf32>
        %mul3A_338 = arith.mulf %sub3A_337, %sub3A_337 : vector<16xf32>
        %add3A_339 = arith.addf %add3A_325, %mul3A_338 : vector<16xf32>
        %add3A_340 = arith.constant 240 : i32
        %add3A_341 = arith.addi %add3A_236, %add3A_340 : i32
        %get3A_342 = arith.index_cast %add3A_341 : i32 to index
        %get3A_343 = tpu.vector_load %arg7[%get3A_342] {strides = array<i32>} : memref<50176xf32, #tpu.memory_space<vmem>>, vector<16xf32>,
        %sub3A_344 = arith.subf %get3A_343, %broadcast_in_dim3A_103 : vector<16xf32>
        %mul3A_345 = arith.mulf %sub3A_344, %sub3A_344 : vector<16xf32>
        %add3A_346 = arith.addf %add3A_332, %mul3A_345 : vector<16xf32>
        %add3A_347 = arith.addf %add3A_339, %add3A_346 : vector<16xf32>
        %lt3A = arith.cmpf olt, %add3A_234, %scan3A_120 : vector<16xf32>
        %all_reduce_population_count3A = tpu.all_reduce %lt3A {dim = 0 : i64, kind = #tpu.reduction_kind<sum>} : vector<16xi1> -> vector<16xi32>
        %lt3A_348 = arith.cmpf olt, %add3A_347, %scan3A_120 : vector<16xf32>
        %all_reduce_population_count3A_349 = tpu.all_reduce %lt3A_348 {dim = 0 : i64, kind = #tpu.reduction_kind<sum>} : vector<16xi1> -> vector<16xi32>
        %slice3A_350 = vector.extract_strided_slice %all_reduce_population_count3A {offsets = [0], sizes = [1], strides = [1]} : vector<16xi32> to vector<1xi32>
        %squeeze3A_351 = vector.extract %slice3A_350[0] : i32 from vector<1xi32>
        %gt3A = arith.constant 0 : i32
        %gt3A_352 = arith.cmpi sgt, %squeeze3A_351, %gt3A : i32
        %convert_element_type3A = arith.extui %gt3A_352 : i1 to i32
        %cond3A = arith.constant 0 : i32
        %cond3A_353 = arith.cmpi ne, %convert_element_type3A, %cond3A : i32
        %cond3A_354:3 = scf.if %cond3A_353 -> (vector<16xf32>, vector<16xf32>, vector<16xi32>) {
          %mul3A_363 = arith.constant 32 : i32
          %mul3A_364 = arith.muli %scan3A_119, %mul3A_363 : i32
          %add3A_365 = arith.addi %mul3A_2, %mul3A_364 : i32
          %broadcast_in_dim3A_366 = vector.broadcast %add3A_365 : i32 to vector<16xi32>
          %add3A_367 = arith.addi %broadcast_in_dim3A_366, %iota3A : vector<16xi32>
          %masked_sort3A = arith.constant dense<true> : vector<16xi1>
          %masked_sort3A_368, %masked_sort3A_369, %masked_sort3A_370 = tpu.sort %add3A_234, %add3A_367 masked %masked_sort3A {descending = true} : (vector<16xf32>, vector<16xi32>, vector<16xi1>) -> (vector<16xi1>, vector<16xf32>, vector<16xi32>)
          %lt3A_371 = arith.cmpf olt, %masked_sort3A_369, %scan3A_121 : vector<16xf32>
          %select_n3A = arith.select %lt3A_371, %masked_sort3A_369, %scan3A_121 : vector<16xi1>, vector<16xf32>
          %select_n3A_372 = arith.select %lt3A_371, %masked_sort3A_370, %scan3A_122 : vector<16xi1>, vector<16xi32>
          %masked_sort3A_373 = arith.constant dense<true> : vector<16xi1>
          %masked_sort3A_374, %masked_sort3A_375, %masked_sort3A_376 = tpu.sort %select_n3A, %select_n3A_372 masked %masked_sort3A_373 : (vector<16xf32>, vector<16xi32>, vector<16xi1>) -> (vector<16xi1>, vector<16xf32>, vector<16xi32>)
          %slice3A_377 = vector.extract_strided_slice %masked_sort3A_375 {offsets = [15], sizes = [1], strides = [1]} : vector<16xf32> to vector<1xf32>
          %squeeze3A_378 = vector.extract %slice3A_377[0] : f32 from vector<1xf32>
          %broadcast_in_dim3A_379 = vector.broadcast %squeeze3A_378 : f32 to vector<16xf32>
          %min3A = arith.minimumf %scan3A_120, %broadcast_in_dim3A_379 : vector<16xf32>
          scf.yield %min3A, %masked_sort3A_375, %masked_sort3A_376 : vector<16xf32>, vector<16xf32>, vector<16xi32>
        } else {
          scf.yield %scan3A_120, %scan3A_121, %scan3A_122 : vector<16xf32>, vector<16xf32>, vector<16xi32>
        }
        %slice3A_355 = vector.extract_strided_slice %all_reduce_population_count3A_349 {offsets = [0], sizes = [1], strides = [1]} : vector<16xi32> to vector<1xi32>
        %squeeze3A_356 = vector.extract %slice3A_355[0] : i32 from vector<1xi32>
        %gt3A_357 = arith.constant 0 : i32
        %gt3A_358 = arith.cmpi sgt, %squeeze3A_356, %gt3A_357 : i32
        %convert_element_type3A_359 = arith.extui %gt3A_358 : i1 to i32
        %cond3A_360 = arith.constant 0 : i32
        %cond3A_361 = arith.cmpi ne, %convert_element_type3A_359, %cond3A_360 : i32
        %cond3A_362:3 = scf.if %cond3A_361 -> (vector<16xf32>, vector<16xf32>, vector<16xi32>) {
          %mul3A_363 = arith.constant 32 : i32
          %mul3A_364 = arith.muli %scan3A_119, %mul3A_363 : i32
          %add3A_365 = arith.addi %mul3A_2, %mul3A_364 : i32
          %add3A_366 = arith.constant 16 : i32
          %add3A_367 = arith.addi %add3A_365, %add3A_366 : i32
          %broadcast_in_dim3A_368 = vector.broadcast %add3A_367 : i32 to vector<16xi32>
          %add3A_369 = arith.addi %broadcast_in_dim3A_368, %iota3A : vector<16xi32>
          %masked_sort3A = arith.constant dense<true> : vector<16xi1>
          %masked_sort3A_370, %masked_sort3A_371, %masked_sort3A_372 = tpu.sort %add3A_347, %add3A_369 masked %masked_sort3A {descending = true} : (vector<16xf32>, vector<16xi32>, vector<16xi1>) -> (vector<16xi1>, vector<16xf32>, vector<16xi32>)
          %lt3A_373 = arith.cmpf olt, %masked_sort3A_371, %cond3A_354#1 : vector<16xf32>
          %select_n3A = arith.select %lt3A_373, %masked_sort3A_371, %cond3A_354#1 : vector<16xi1>, vector<16xf32>
          %select_n3A_374 = arith.select %lt3A_373, %masked_sort3A_372, %cond3A_354#2 : vector<16xi1>, vector<16xi32>
          %masked_sort3A_375 = arith.constant dense<true> : vector<16xi1>
          %masked_sort3A_376, %masked_sort3A_377, %masked_sort3A_378 = tpu.sort %select_n3A, %select_n3A_374 masked %masked_sort3A_375 : (vector<16xf32>, vector<16xi32>, vector<16xi1>) -> (vector<16xi1>, vector<16xf32>, vector<16xi32>)
          %slice3A_379 = vector.extract_strided_slice %masked_sort3A_377 {offsets = [15], sizes = [1], strides = [1]} : vector<16xf32> to vector<1xf32>
          %squeeze3A_380 = vector.extract %slice3A_379[0] : f32 from vector<1xf32>
          %broadcast_in_dim3A_381 = vector.broadcast %squeeze3A_380 : f32 to vector<16xf32>
          %min3A = arith.minimumf %cond3A_354#0, %broadcast_in_dim3A_381 : vector<16xf32>
          scf.yield %min3A, %masked_sort3A_377, %masked_sort3A_378 : vector<16xf32>, vector<16xf32>, vector<16xi32>
        } else {
          scf.yield %cond3A_354#0, %cond3A_354#1, %cond3A_354#2 : vector<16xf32>, vector<16xf32>, vector<16xi32>
        }
        scf.yield %cond3A_362#0, %cond3A_362#1, %cond3A_362#2 : vector<16xf32>, vector<16xf32>, vector<16xi32>
      }
      %scan3A_109 = arith.constant 98 : i32
      %mul3A_110 = arith.constant 16 : i32
      %mul3A_111 = arith.muli %scan3A_53, %mul3A_110 : i32
      %swap3A_112 = arith.index_cast %mul3A_111 : i32 to index
      %swap3A_113 = tpu.vector_load %arg9[%swap3A_112] {strides = array<i32>} : memref<1024xf32, #tpu.memory_space<vmem>>, vector<16xf32>,
      tpu.vector_store %arg9[%swap3A_112], %scan3A_108#1 {strides = array<i32>} : memref<1024xf32, #tpu.memory_space<vmem>>, vector<16xf32>,
      %mul3A_114 = arith.constant 16 : i32
      %mul3A_115 = arith.muli %scan3A_53, %mul3A_114 : i32
      %swap3A_116 = arith.index_cast %mul3A_115 : i32 to index
      %swap3A_117 = tpu.vector_load %arg10[%swap3A_116] {strides = array<i32>} : memref<1024xi32, #tpu.memory_space<vmem>>, vector<16xi32>,
      tpu.vector_store %arg10[%swap3A_116], %scan3A_108#2 {strides = array<i32>} : memref<1024xi32, #tpu.memory_space<vmem>>, vector<16xi32>,
      %scan3A_118 = arith.constant 0 : i32
      scf.yield %scan3A_118 : i32
    }
    %scan3A_44 = arith.constant 64 : i32
    %mul3A_45 = arith.constant 64 : i32
    %mul3A_46 = arith.muli %add3A, %mul3A_45 : i32
    %mul3A_47 = arith.constant 16 : i32
    %mul3A_48 = arith.muli %mul3A_46, %mul3A_47 : i32
    "tpu.region"() ({
      %run_scoped3A = tpu.sem_alloc : memref<!tpu.dma_semaphore, #tpu.memory_space<semaphore_mem>>
      %dma_start3A = tpu.memref_slice %arg4[%mul3A_48] : memref<32768xf32, #tpu.memory_space<hbm>> -> memref<1024xf32, #tpu.memory_space<hbm>>
      %dma_start3A_53 = tpu.memref_slice %arg4[%mul3A_48] : memref<32768xf32, #tpu.memory_space<hbm>> -> memref<1024xf32, #tpu.memory_space<hbm>>
      tpu.enqueue_dma source(%arg9 : memref<1024xf32, #tpu.memory_space<vmem>>) target(%dma_start3A_53 : memref<1024xf32, #tpu.memory_space<hbm>>) target_semaphore(%run_scoped3A : memref<!tpu.dma_semaphore, #tpu.memory_space<semaphore_mem>>)
      %dma_wait3A = tpu.memref_slice %arg4[%mul3A_48] : memref<32768xf32, #tpu.memory_space<hbm>> -> memref<1024xf32, #tpu.memory_space<hbm>>
      %dma_wait3A_54 = tpu.memref_slice %arg4[%mul3A_48] : memref<32768xf32, #tpu.memory_space<hbm>> -> memref<1024xf32, #tpu.memory_space<hbm>>
      tpu.wait_dma2 semaphore(%run_scoped3A : memref<!tpu.dma_semaphore, #tpu.memory_space<semaphore_mem>>) src(%arg9 : memref<1024xf32, #tpu.memory_space<vmem>>) dst(%dma_wait3A_54 : memref<1024xf32, #tpu.memory_space<hbm>>)
      tpu.yield
    }) : () -> ()
    %mul3A_49 = arith.constant 64 : i32
    %mul3A_50 = arith.muli %add3A, %mul3A_49 : i32
    %mul3A_51 = arith.constant 16 : i32
    %mul3A_52 = arith.muli %mul3A_50, %mul3A_51 : i32
    "tpu.region"() ({
      %run_scoped3A = tpu.sem_alloc : memref<!tpu.dma_semaphore, #tpu.memory_space<semaphore_mem>>
      %dma_start3A = tpu.memref_slice %arg5[%mul3A_52] : memref<32768xi32, #tpu.memory_space<hbm>> -> memref<1024xi32, #tpu.memory_space<hbm>>
      %dma_start3A_53 = tpu.memref_slice %arg5[%mul3A_52] : memref<32768xi32, #tpu.memory_space<hbm>> -> memref<1024xi32, #tpu.memory_space<hbm>>
      tpu.enqueue_dma source(%arg10 : memref<1024xi32, #tpu.memory_space<vmem>>) target(%dma_start3A_53 : memref<1024xi32, #tpu.memory_space<hbm>>) target_semaphore(%run_scoped3A : memref<!tpu.dma_semaphore, #tpu.memory_space<semaphore_mem>>)
      %dma_wait3A = tpu.memref_slice %arg5[%mul3A_52] : memref<32768xi32, #tpu.memory_space<hbm>> -> memref<1024xi32, #tpu.memory_space<hbm>>
      %dma_wait3A_54 = tpu.memref_slice %arg5[%mul3A_52] : memref<32768xi32, #tpu.memory_space<hbm>> -> memref<1024xi32, #tpu.memory_space<hbm>>
      tpu.wait_dma2 semaphore(%run_scoped3A : memref<!tpu.dma_semaphore, #tpu.memory_space<semaphore_mem>>) src(%arg10 : memref<1024xi32, #tpu.memory_space<vmem>>) dst(%dma_wait3A_54 : memref<1024xi32, #tpu.memory_space<hbm>>)
      tpu.yield
    }) : () -> ()
    return
  }
}

#map = affine_map<(d0, d1) -> (0)>
#map1 = affine_map<(d0, d1) -> (0, 0)>
#map2 = affine_map<(d0, d1) -> (0, 0, 0)>
module attributes {stable_mosaic.version = 14 : i64} {
  func.func @_phase_b(%arg0: i32, %arg1: i32, %arg2: memref<32768xf32, #tpu.memory_space<hbm>>, %arg3: memref<32768xi32, #tpu.memory_space<hbm>>, %arg4: memref<12500x128xf32, #tpu.memory_space<hbm>>, %arg5: memref<64x16x16xf32, #tpu.memory_space<hbm>>, %arg6: memref<512xf32, #tpu.memory_space<vmem>>, %arg7: memref<512xi32, #tpu.memory_space<vmem>>, %arg8: memref<16xi32, #tpu.memory_space<vmem>>, %arg9: memref<16x128xf32, #tpu.memory_space<vmem>>, %arg10: memref<16x16xf32, #tpu.memory_space<vmem>>, %arg11: memref<!tpu.dma_semaphore, #tpu.memory_space<semaphore_mem>>) attributes {dimension_semantics = [#tpu.dimension_semantics<core_parallel>, #tpu.dimension_semantics<subcore_parallel>], iteration_bounds = array<i64: 2, 16>, scalar_prefetch = 0 : i64, scratch_operands = 6 : i64, tpu.core_type = #tpu.core_type<sc_vector_subcore>, window_params = [{transform_indices = #map}, {transform_indices = #map}, {transform_indices = #map1}, {transform_indices = #map2}]} {
    %mul3A = arith.constant 2 : i32
    %mul3A_0 = arith.muli %arg1, %mul3A : i32
    %add3A = arith.addi %mul3A_0, %arg0 : i32
    %mul3A_1 = arith.constant 2 : i32
    %mul3A_2 = arith.muli %add3A, %mul3A_1 : i32
    %add3A_3 = arith.constant 0 : i32
    %add3A_4 = arith.addi %mul3A_2, %add3A_3 : i32
    %mul3A_5 = arith.constant 16 : i32
    %mul3A_6 = arith.muli %add3A_4, %mul3A_5 : i32
    %add3A_7 = arith.constant 0 : i32
    %add3A_8 = arith.addi %add3A_7, %mul3A_6 : i32
    %dma_start3A = arith.constant 0 : i32
    %dma_start3A_9 = tpu.memref_slice %arg6[%dma_start3A] : memref<512xf32, #tpu.memory_space<vmem>> -> memref<16xf32, #tpu.memory_space<vmem>>
    %dma_start3A_10 = tpu.memref_slice %arg2[%add3A_8] : memref<32768xf32, #tpu.memory_space<hbm>> -> memref<16xf32, #tpu.memory_space<hbm>>
    %dma_start3A_11 = arith.constant 0 : i32
    %dma_start3A_12 = tpu.memref_slice %arg6[%dma_start3A_11] : memref<512xf32, #tpu.memory_space<vmem>> -> memref<16xf32, #tpu.memory_space<vmem>>
    %dma_start3A_13 = tpu.memref_slice %arg2[%add3A_8] : memref<32768xf32, #tpu.memory_space<hbm>> -> memref<16xf32, #tpu.memory_space<hbm>>
    tpu.enqueue_dma source(%dma_start3A_13 : memref<16xf32, #tpu.memory_space<hbm>>) target(%dma_start3A_12 : memref<16xf32, #tpu.memory_space<vmem>>) target_semaphore(%arg11 : memref<!tpu.dma_semaphore, #tpu.memory_space<semaphore_mem>>)
    %dma_start3A_14 = arith.constant 0 : i32
    %dma_start3A_15 = tpu.memref_slice %arg7[%dma_start3A_14] : memref<512xi32, #tpu.memory_space<vmem>> -> memref<16xi32, #tpu.memory_space<vmem>>
    %dma_start3A_16 = tpu.memref_slice %arg3[%add3A_8] : memref<32768xi32, #tpu.memory_space<hbm>> -> memref<16xi32, #tpu.memory_space<hbm>>
    %dma_start3A_17 = arith.constant 0 : i32
    %dma_start3A_18 = tpu.memref_slice %arg7[%dma_start3A_17] : memref<512xi32, #tpu.memory_space<vmem>> -> memref<16xi32, #tpu.memory_space<vmem>>
    %dma_start3A_19 = tpu.memref_slice %arg3[%add3A_8] : memref<32768xi32, #tpu.memory_space<hbm>> -> memref<16xi32, #tpu.memory_space<hbm>>
    tpu.enqueue_dma source(%dma_start3A_19 : memref<16xi32, #tpu.memory_space<hbm>>) target(%dma_start3A_18 : memref<16xi32, #tpu.memory_space<vmem>>) target_semaphore(%arg11 : memref<!tpu.dma_semaphore, #tpu.memory_space<semaphore_mem>>)
    %mul3A_20 = arith.constant 16 : i32
    %mul3A_21 = arith.muli %add3A_4, %mul3A_20 : i32
    %add3A_22 = arith.constant 1024 : i32
    %add3A_23 = arith.addi %add3A_22, %mul3A_21 : i32
    %dma_start3A_24 = arith.constant 16 : i32
    %dma_start3A_25 = tpu.memref_slice %arg6[%dma_start3A_24] : memref<512xf32, #tpu.memory_space<vmem>> -> memref<16xf32, #tpu.memory_space<vmem>>
    %dma_start3A_26 = tpu.memref_slice %arg2[%add3A_23] : memref<32768xf32, #tpu.memory_space<hbm>> -> memref<16xf32, #tpu.memory_space<hbm>>
    %dma_start3A_27 = arith.constant 16 : i32
    %dma_start3A_28 = tpu.memref_slice %arg6[%dma_start3A_27] : memref<512xf32, #tpu.memory_space<vmem>> -> memref<16xf32, #tpu.memory_space<vmem>>
    %dma_start3A_29 = tpu.memref_slice %arg2[%add3A_23] : memref<32768xf32, #tpu.memory_space<hbm>> -> memref<16xf32, #tpu.memory_space<hbm>>
    tpu.enqueue_dma source(%dma_start3A_29 : memref<16xf32, #tpu.memory_space<hbm>>) target(%dma_start3A_28 : memref<16xf32, #tpu.memory_space<vmem>>) target_semaphore(%arg11 : memref<!tpu.dma_semaphore, #tpu.memory_space<semaphore_mem>>)
    %dma_start3A_30 = arith.constant 16 : i32
    %dma_start3A_31 = tpu.memref_slice %arg7[%dma_start3A_30] : memref<512xi32, #tpu.memory_space<vmem>> -> memref<16xi32, #tpu.memory_space<vmem>>
    %dma_start3A_32 = tpu.memref_slice %arg3[%add3A_23] : memref<32768xi32, #tpu.memory_space<hbm>> -> memref<16xi32, #tpu.memory_space<hbm>>
    %dma_start3A_33 = arith.constant 16 : i32
    %dma_start3A_34 = tpu.memref_slice %arg7[%dma_start3A_33] : memref<512xi32, #tpu.memory_space<vmem>> -> memref<16xi32, #tpu.memory_space<vmem>>
    %dma_start3A_35 = tpu.memref_slice %arg3[%add3A_23] : memref<32768xi32, #tpu.memory_space<hbm>> -> memref<16xi32, #tpu.memory_space<hbm>>
    tpu.enqueue_dma source(%dma_start3A_35 : memref<16xi32, #tpu.memory_space<hbm>>) target(%dma_start3A_34 : memref<16xi32, #tpu.memory_space<vmem>>) target_semaphore(%arg11 : memref<!tpu.dma_semaphore, #tpu.memory_space<semaphore_mem>>)
    %mul3A_36 = arith.constant 16 : i32
    %mul3A_37 = arith.muli %add3A_4, %mul3A_36 : i32
    %add3A_38 = arith.constant 2048 : i32
    %add3A_39 = arith.addi %add3A_38, %mul3A_37 : i32
    %dma_start3A_40 = arith.constant 32 : i32
    %dma_start3A_41 = tpu.memref_slice %arg6[%dma_start3A_40] : memref<512xf32, #tpu.memory_space<vmem>> -> memref<16xf32, #tpu.memory_space<vmem>>
    %dma_start3A_42 = tpu.memref_slice %arg2[%add3A_39] : memref<32768xf32, #tpu.memory_space<hbm>> -> memref<16xf32, #tpu.memory_space<hbm>>
    %dma_start3A_43 = arith.constant 32 : i32
    %dma_start3A_44 = tpu.memref_slice %arg6[%dma_start3A_43] : memref<512xf32, #tpu.memory_space<vmem>> -> memref<16xf32, #tpu.memory_space<vmem>>
    %dma_start3A_45 = tpu.memref_slice %arg2[%add3A_39] : memref<32768xf32, #tpu.memory_space<hbm>> -> memref<16xf32, #tpu.memory_space<hbm>>
    tpu.enqueue_dma source(%dma_start3A_45 : memref<16xf32, #tpu.memory_space<hbm>>) target(%dma_start3A_44 : memref<16xf32, #tpu.memory_space<vmem>>) target_semaphore(%arg11 : memref<!tpu.dma_semaphore, #tpu.memory_space<semaphore_mem>>)
    %dma_start3A_46 = arith.constant 32 : i32
    %dma_start3A_47 = tpu.memref_slice %arg7[%dma_start3A_46] : memref<512xi32, #tpu.memory_space<vmem>> -> memref<16xi32, #tpu.memory_space<vmem>>
    %dma_start3A_48 = tpu.memref_slice %arg3[%add3A_39] : memref<32768xi32, #tpu.memory_space<hbm>> -> memref<16xi32, #tpu.memory_space<hbm>>
    %dma_start3A_49 = arith.constant 32 : i32
    %dma_start3A_50 = tpu.memref_slice %arg7[%dma_start3A_49] : memref<512xi32, #tpu.memory_space<vmem>> -> memref<16xi32, #tpu.memory_space<vmem>>
    %dma_start3A_51 = tpu.memref_slice %arg3[%add3A_39] : memref<32768xi32, #tpu.memory_space<hbm>> -> memref<16xi32, #tpu.memory_space<hbm>>
    tpu.enqueue_dma source(%dma_start3A_51 : memref<16xi32, #tpu.memory_space<hbm>>) target(%dma_start3A_50 : memref<16xi32, #tpu.memory_space<vmem>>) target_semaphore(%arg11 : memref<!tpu.dma_semaphore, #tpu.memory_space<semaphore_mem>>)
    %mul3A_52 = arith.constant 16 : i32
    %mul3A_53 = arith.muli %add3A_4, %mul3A_52 : i32
    %add3A_54 = arith.constant 3072 : i32
    %add3A_55 = arith.addi %add3A_54, %mul3A_53 : i32
    %dma_start3A_56 = arith.constant 48 : i32
    %dma_start3A_57 = tpu.memref_slice %arg6[%dma_start3A_56] : memref<512xf32, #tpu.memory_space<vmem>> -> memref<16xf32, #tpu.memory_space<vmem>>
    %dma_start3A_58 = tpu.memref_slice %arg2[%add3A_55] : memref<32768xf32, #tpu.memory_space<hbm>> -> memref<16xf32, #tpu.memory_space<hbm>>
    %dma_start3A_59 = arith.constant 48 : i32
    %dma_start3A_60 = tpu.memref_slice %arg6[%dma_start3A_59] : memref<512xf32, #tpu.memory_space<vmem>> -> memref<16xf32, #tpu.memory_space<vmem>>
    %dma_start3A_61 = tpu.memref_slice %arg2[%add3A_55] : memref<32768xf32, #tpu.memory_space<hbm>> -> memref<16xf32, #tpu.memory_space<hbm>>
    tpu.enqueue_dma source(%dma_start3A_61 : memref<16xf32, #tpu.memory_space<hbm>>) target(%dma_start3A_60 : memref<16xf32, #tpu.memory_space<vmem>>) target_semaphore(%arg11 : memref<!tpu.dma_semaphore, #tpu.memory_space<semaphore_mem>>)
    %dma_start3A_62 = arith.constant 48 : i32
    %dma_start3A_63 = tpu.memref_slice %arg7[%dma_start3A_62] : memref<512xi32, #tpu.memory_space<vmem>> -> memref<16xi32, #tpu.memory_space<vmem>>
    %dma_start3A_64 = tpu.memref_slice %arg3[%add3A_55] : memref<32768xi32, #tpu.memory_space<hbm>> -> memref<16xi32, #tpu.memory_space<hbm>>
    %dma_start3A_65 = arith.constant 48 : i32
    %dma_start3A_66 = tpu.memref_slice %arg7[%dma_start3A_65] : memref<512xi32, #tpu.memory_space<vmem>> -> memref<16xi32, #tpu.memory_space<vmem>>
    %dma_start3A_67 = tpu.memref_slice %arg3[%add3A_55] : memref<32768xi32, #tpu.memory_space<hbm>> -> memref<16xi32, #tpu.memory_space<hbm>>
    tpu.enqueue_dma source(%dma_start3A_67 : memref<16xi32, #tpu.memory_space<hbm>>) target(%dma_start3A_66 : memref<16xi32, #tpu.memory_space<vmem>>) target_semaphore(%arg11 : memref<!tpu.dma_semaphore, #tpu.memory_space<semaphore_mem>>)
    %mul3A_68 = arith.constant 16 : i32
    %mul3A_69 = arith.muli %add3A_4, %mul3A_68 : i32
    %add3A_70 = arith.constant 4096 : i32
    %add3A_71 = arith.addi %add3A_70, %mul3A_69 : i32
    %dma_start3A_72 = arith.constant 64 : i32
    %dma_start3A_73 = tpu.memref_slice %arg6[%dma_start3A_72] : memref<512xf32, #tpu.memory_space<vmem>> -> memref<16xf32, #tpu.memory_space<vmem>>
    %dma_start3A_74 = tpu.memref_slice %arg2[%add3A_71] : memref<32768xf32, #tpu.memory_space<hbm>> -> memref<16xf32, #tpu.memory_space<hbm>>
    %dma_start3A_75 = arith.constant 64 : i32
    %dma_start3A_76 = tpu.memref_slice %arg6[%dma_start3A_75] : memref<512xf32, #tpu.memory_space<vmem>> -> memref<16xf32, #tpu.memory_space<vmem>>
    %dma_start3A_77 = tpu.memref_slice %arg2[%add3A_71] : memref<32768xf32, #tpu.memory_space<hbm>> -> memref<16xf32, #tpu.memory_space<hbm>>
    tpu.enqueue_dma source(%dma_start3A_77 : memref<16xf32, #tpu.memory_space<hbm>>) target(%dma_start3A_76 : memref<16xf32, #tpu.memory_space<vmem>>) target_semaphore(%arg11 : memref<!tpu.dma_semaphore, #tpu.memory_space<semaphore_mem>>)
    %dma_start3A_78 = arith.constant 64 : i32
    %dma_start3A_79 = tpu.memref_slice %arg7[%dma_start3A_78] : memref<512xi32, #tpu.memory_space<vmem>> -> memref<16xi32, #tpu.memory_space<vmem>>
    %dma_start3A_80 = tpu.memref_slice %arg3[%add3A_71] : memref<32768xi32, #tpu.memory_space<hbm>> -> memref<16xi32, #tpu.memory_space<hbm>>
    %dma_start3A_81 = arith.constant 64 : i32
    %dma_start3A_82 = tpu.memref_slice %arg7[%dma_start3A_81] : memref<512xi32, #tpu.memory_space<vmem>> -> memref<16xi32, #tpu.memory_space<vmem>>
    %dma_start3A_83 = tpu.memref_slice %arg3[%add3A_71] : memref<32768xi32, #tpu.memory_space<hbm>> -> memref<16xi32, #tpu.memory_space<hbm>>
    tpu.enqueue_dma source(%dma_start3A_83 : memref<16xi32, #tpu.memory_space<hbm>>) target(%dma_start3A_82 : memref<16xi32, #tpu.memory_space<vmem>>) target_semaphore(%arg11 : memref<!tpu.dma_semaphore, #tpu.memory_space<semaphore_mem>>)
    %mul3A_84 = arith.constant 16 : i32
    %mul3A_85 = arith.muli %add3A_4, %mul3A_84 : i32
    %add3A_86 = arith.constant 5120 : i32
    %add3A_87 = arith.addi %add3A_86, %mul3A_85 : i32
    %dma_start3A_88 = arith.constant 80 : i32
    %dma_start3A_89 = tpu.memref_slice %arg6[%dma_start3A_88] : memref<512xf32, #tpu.memory_space<vmem>> -> memref<16xf32, #tpu.memory_space<vmem>>
    %dma_start3A_90 = tpu.memref_slice %arg2[%add3A_87] : memref<32768xf32, #tpu.memory_space<hbm>> -> memref<16xf32, #tpu.memory_space<hbm>>
    %dma_start3A_91 = arith.constant 80 : i32
    %dma_start3A_92 = tpu.memref_slice %arg6[%dma_start3A_91] : memref<512xf32, #tpu.memory_space<vmem>> -> memref<16xf32, #tpu.memory_space<vmem>>
    %dma_start3A_93 = tpu.memref_slice %arg2[%add3A_87] : memref<32768xf32, #tpu.memory_space<hbm>> -> memref<16xf32, #tpu.memory_space<hbm>>
    tpu.enqueue_dma source(%dma_start3A_93 : memref<16xf32, #tpu.memory_space<hbm>>) target(%dma_start3A_92 : memref<16xf32, #tpu.memory_space<vmem>>) target_semaphore(%arg11 : memref<!tpu.dma_semaphore, #tpu.memory_space<semaphore_mem>>)
    %dma_start3A_94 = arith.constant 80 : i32
    %dma_start3A_95 = tpu.memref_slice %arg7[%dma_start3A_94] : memref<512xi32, #tpu.memory_space<vmem>> -> memref<16xi32, #tpu.memory_space<vmem>>
    %dma_start3A_96 = tpu.memref_slice %arg3[%add3A_87] : memref<32768xi32, #tpu.memory_space<hbm>> -> memref<16xi32, #tpu.memory_space<hbm>>
    %dma_start3A_97 = arith.constant 80 : i32
    %dma_start3A_98 = tpu.memref_slice %arg7[%dma_start3A_97] : memref<512xi32, #tpu.memory_space<vmem>> -> memref<16xi32, #tpu.memory_space<vmem>>
    %dma_start3A_99 = tpu.memref_slice %arg3[%add3A_87] : memref<32768xi32, #tpu.memory_space<hbm>> -> memref<16xi32, #tpu.memory_space<hbm>>
    tpu.enqueue_dma source(%dma_start3A_99 : memref<16xi32, #tpu.memory_space<hbm>>) target(%dma_start3A_98 : memref<16xi32, #tpu.memory_space<vmem>>) target_semaphore(%arg11 : memref<!tpu.dma_semaphore, #tpu.memory_space<semaphore_mem>>)
    %mul3A_100 = arith.constant 16 : i32
    %mul3A_101 = arith.muli %add3A_4, %mul3A_100 : i32
    %add3A_102 = arith.constant 6144 : i32
    %add3A_103 = arith.addi %add3A_102, %mul3A_101 : i32
    %dma_start3A_104 = arith.constant 96 : i32
    %dma_start3A_105 = tpu.memref_slice %arg6[%dma_start3A_104] : memref<512xf32, #tpu.memory_space<vmem>> -> memref<16xf32, #tpu.memory_space<vmem>>
    %dma_start3A_106 = tpu.memref_slice %arg2[%add3A_103] : memref<32768xf32, #tpu.memory_space<hbm>> -> memref<16xf32, #tpu.memory_space<hbm>>
    %dma_start3A_107 = arith.constant 96 : i32
    %dma_start3A_108 = tpu.memref_slice %arg6[%dma_start3A_107] : memref<512xf32, #tpu.memory_space<vmem>> -> memref<16xf32, #tpu.memory_space<vmem>>
    %dma_start3A_109 = tpu.memref_slice %arg2[%add3A_103] : memref<32768xf32, #tpu.memory_space<hbm>> -> memref<16xf32, #tpu.memory_space<hbm>>
    tpu.enqueue_dma source(%dma_start3A_109 : memref<16xf32, #tpu.memory_space<hbm>>) target(%dma_start3A_108 : memref<16xf32, #tpu.memory_space<vmem>>) target_semaphore(%arg11 : memref<!tpu.dma_semaphore, #tpu.memory_space<semaphore_mem>>)
    %dma_start3A_110 = arith.constant 96 : i32
    %dma_start3A_111 = tpu.memref_slice %arg7[%dma_start3A_110] : memref<512xi32, #tpu.memory_space<vmem>> -> memref<16xi32, #tpu.memory_space<vmem>>
    %dma_start3A_112 = tpu.memref_slice %arg3[%add3A_103] : memref<32768xi32, #tpu.memory_space<hbm>> -> memref<16xi32, #tpu.memory_space<hbm>>
    %dma_start3A_113 = arith.constant 96 : i32
    %dma_start3A_114 = tpu.memref_slice %arg7[%dma_start3A_113] : memref<512xi32, #tpu.memory_space<vmem>> -> memref<16xi32, #tpu.memory_space<vmem>>
    %dma_start3A_115 = tpu.memref_slice %arg3[%add3A_103] : memref<32768xi32, #tpu.memory_space<hbm>> -> memref<16xi32, #tpu.memory_space<hbm>>
    tpu.enqueue_dma source(%dma_start3A_115 : memref<16xi32, #tpu.memory_space<hbm>>) target(%dma_start3A_114 : memref<16xi32, #tpu.memory_space<vmem>>) target_semaphore(%arg11 : memref<!tpu.dma_semaphore, #tpu.memory_space<semaphore_mem>>)
    %mul3A_116 = arith.constant 16 : i32
    %mul3A_117 = arith.muli %add3A_4, %mul3A_116 : i32
    %add3A_118 = arith.constant 7168 : i32
    %add3A_119 = arith.addi %add3A_118, %mul3A_117 : i32
    %dma_start3A_120 = arith.constant 112 : i32
    %dma_start3A_121 = tpu.memref_slice %arg6[%dma_start3A_120] : memref<512xf32, #tpu.memory_space<vmem>> -> memref<16xf32, #tpu.memory_space<vmem>>
    %dma_start3A_122 = tpu.memref_slice %arg2[%add3A_119] : memref<32768xf32, #tpu.memory_space<hbm>> -> memref<16xf32, #tpu.memory_space<hbm>>
    %dma_start3A_123 = arith.constant 112 : i32
    %dma_start3A_124 = tpu.memref_slice %arg6[%dma_start3A_123] : memref<512xf32, #tpu.memory_space<vmem>> -> memref<16xf32, #tpu.memory_space<vmem>>
    %dma_start3A_125 = tpu.memref_slice %arg2[%add3A_119] : memref<32768xf32, #tpu.memory_space<hbm>> -> memref<16xf32, #tpu.memory_space<hbm>>
    tpu.enqueue_dma source(%dma_start3A_125 : memref<16xf32, #tpu.memory_space<hbm>>) target(%dma_start3A_124 : memref<16xf32, #tpu.memory_space<vmem>>) target_semaphore(%arg11 : memref<!tpu.dma_semaphore, #tpu.memory_space<semaphore_mem>>)
    %dma_start3A_126 = arith.constant 112 : i32
    %dma_start3A_127 = tpu.memref_slice %arg7[%dma_start3A_126] : memref<512xi32, #tpu.memory_space<vmem>> -> memref<16xi32, #tpu.memory_space<vmem>>
    %dma_start3A_128 = tpu.memref_slice %arg3[%add3A_119] : memref<32768xi32, #tpu.memory_space<hbm>> -> memref<16xi32, #tpu.memory_space<hbm>>
    %dma_start3A_129 = arith.constant 112 : i32
    %dma_start3A_130 = tpu.memref_slice %arg7[%dma_start3A_129] : memref<512xi32, #tpu.memory_space<vmem>> -> memref<16xi32, #tpu.memory_space<vmem>>
    %dma_start3A_131 = tpu.memref_slice %arg3[%add3A_119] : memref<32768xi32, #tpu.memory_space<hbm>> -> memref<16xi32, #tpu.memory_space<hbm>>
    tpu.enqueue_dma source(%dma_start3A_131 : memref<16xi32, #tpu.memory_space<hbm>>) target(%dma_start3A_130 : memref<16xi32, #tpu.memory_space<vmem>>) target_semaphore(%arg11 : memref<!tpu.dma_semaphore, #tpu.memory_space<semaphore_mem>>)
    %mul3A_132 = arith.constant 16 : i32
    %mul3A_133 = arith.muli %add3A_4, %mul3A_132 : i32
    %add3A_134 = arith.constant 8192 : i32
    %add3A_135 = arith.addi %add3A_134, %mul3A_133 : i32
    %dma_start3A_136 = arith.constant 128 : i32
    %dma_start3A_137 = tpu.memref_slice %arg6[%dma_start3A_136] : memref<512xf32, #tpu.memory_space<vmem>> -> memref<16xf32, #tpu.memory_space<vmem>>
    %dma_start3A_138 = tpu.memref_slice %arg2[%add3A_135] : memref<32768xf32, #tpu.memory_space<hbm>> -> memref<16xf32, #tpu.memory_space<hbm>>
    %dma_start3A_139 = arith.constant 128 : i32
    %dma_start3A_140 = tpu.memref_slice %arg6[%dma_start3A_139] : memref<512xf32, #tpu.memory_space<vmem>> -> memref<16xf32, #tpu.memory_space<vmem>>
    %dma_start3A_141 = tpu.memref_slice %arg2[%add3A_135] : memref<32768xf32, #tpu.memory_space<hbm>> -> memref<16xf32, #tpu.memory_space<hbm>>
    tpu.enqueue_dma source(%dma_start3A_141 : memref<16xf32, #tpu.memory_space<hbm>>) target(%dma_start3A_140 : memref<16xf32, #tpu.memory_space<vmem>>) target_semaphore(%arg11 : memref<!tpu.dma_semaphore, #tpu.memory_space<semaphore_mem>>)
    %dma_start3A_142 = arith.constant 128 : i32
    %dma_start3A_143 = tpu.memref_slice %arg7[%dma_start3A_142] : memref<512xi32, #tpu.memory_space<vmem>> -> memref<16xi32, #tpu.memory_space<vmem>>
    %dma_start3A_144 = tpu.memref_slice %arg3[%add3A_135] : memref<32768xi32, #tpu.memory_space<hbm>> -> memref<16xi32, #tpu.memory_space<hbm>>
    %dma_start3A_145 = arith.constant 128 : i32
    %dma_start3A_146 = tpu.memref_slice %arg7[%dma_start3A_145] : memref<512xi32, #tpu.memory_space<vmem>> -> memref<16xi32, #tpu.memory_space<vmem>>
    %dma_start3A_147 = tpu.memref_slice %arg3[%add3A_135] : memref<32768xi32, #tpu.memory_space<hbm>> -> memref<16xi32, #tpu.memory_space<hbm>>
    tpu.enqueue_dma source(%dma_start3A_147 : memref<16xi32, #tpu.memory_space<hbm>>) target(%dma_start3A_146 : memref<16xi32, #tpu.memory_space<vmem>>) target_semaphore(%arg11 : memref<!tpu.dma_semaphore, #tpu.memory_space<semaphore_mem>>)
    %mul3A_148 = arith.constant 16 : i32
    %mul3A_149 = arith.muli %add3A_4, %mul3A_148 : i32
    %add3A_150 = arith.constant 9216 : i32
    %add3A_151 = arith.addi %add3A_150, %mul3A_149 : i32
    %dma_start3A_152 = arith.constant 144 : i32
    %dma_start3A_153 = tpu.memref_slice %arg6[%dma_start3A_152] : memref<512xf32, #tpu.memory_space<vmem>> -> memref<16xf32, #tpu.memory_space<vmem>>
    %dma_start3A_154 = tpu.memref_slice %arg2[%add3A_151] : memref<32768xf32, #tpu.memory_space<hbm>> -> memref<16xf32, #tpu.memory_space<hbm>>
    %dma_start3A_155 = arith.constant 144 : i32
    %dma_start3A_156 = tpu.memref_slice %arg6[%dma_start3A_155] : memref<512xf32, #tpu.memory_space<vmem>> -> memref<16xf32, #tpu.memory_space<vmem>>
    %dma_start3A_157 = tpu.memref_slice %arg2[%add3A_151] : memref<32768xf32, #tpu.memory_space<hbm>> -> memref<16xf32, #tpu.memory_space<hbm>>
    tpu.enqueue_dma source(%dma_start3A_157 : memref<16xf32, #tpu.memory_space<hbm>>) target(%dma_start3A_156 : memref<16xf32, #tpu.memory_space<vmem>>) target_semaphore(%arg11 : memref<!tpu.dma_semaphore, #tpu.memory_space<semaphore_mem>>)
    %dma_start3A_158 = arith.constant 144 : i32
    %dma_start3A_159 = tpu.memref_slice %arg7[%dma_start3A_158] : memref<512xi32, #tpu.memory_space<vmem>> -> memref<16xi32, #tpu.memory_space<vmem>>
    %dma_start3A_160 = tpu.memref_slice %arg3[%add3A_151] : memref<32768xi32, #tpu.memory_space<hbm>> -> memref<16xi32, #tpu.memory_space<hbm>>
    %dma_start3A_161 = arith.constant 144 : i32
    %dma_start3A_162 = tpu.memref_slice %arg7[%dma_start3A_161] : memref<512xi32, #tpu.memory_space<vmem>> -> memref<16xi32, #tpu.memory_space<vmem>>
    %dma_start3A_163 = tpu.memref_slice %arg3[%add3A_151] : memref<32768xi32, #tpu.memory_space<hbm>> -> memref<16xi32, #tpu.memory_space<hbm>>
    tpu.enqueue_dma source(%dma_start3A_163 : memref<16xi32, #tpu.memory_space<hbm>>) target(%dma_start3A_162 : memref<16xi32, #tpu.memory_space<vmem>>) target_semaphore(%arg11 : memref<!tpu.dma_semaphore, #tpu.memory_space<semaphore_mem>>)
    %mul3A_164 = arith.constant 16 : i32
    %mul3A_165 = arith.muli %add3A_4, %mul3A_164 : i32
    %add3A_166 = arith.constant 10240 : i32
    %add3A_167 = arith.addi %add3A_166, %mul3A_165 : i32
    %dma_start3A_168 = arith.constant 160 : i32
    %dma_start3A_169 = tpu.memref_slice %arg6[%dma_start3A_168] : memref<512xf32, #tpu.memory_space<vmem>> -> memref<16xf32, #tpu.memory_space<vmem>>
    %dma_start3A_170 = tpu.memref_slice %arg2[%add3A_167] : memref<32768xf32, #tpu.memory_space<hbm>> -> memref<16xf32, #tpu.memory_space<hbm>>
    %dma_start3A_171 = arith.constant 160 : i32
    %dma_start3A_172 = tpu.memref_slice %arg6[%dma_start3A_171] : memref<512xf32, #tpu.memory_space<vmem>> -> memref<16xf32, #tpu.memory_space<vmem>>
    %dma_start3A_173 = tpu.memref_slice %arg2[%add3A_167] : memref<32768xf32, #tpu.memory_space<hbm>> -> memref<16xf32, #tpu.memory_space<hbm>>
    tpu.enqueue_dma source(%dma_start3A_173 : memref<16xf32, #tpu.memory_space<hbm>>) target(%dma_start3A_172 : memref<16xf32, #tpu.memory_space<vmem>>) target_semaphore(%arg11 : memref<!tpu.dma_semaphore, #tpu.memory_space<semaphore_mem>>)
    %dma_start3A_174 = arith.constant 160 : i32
    %dma_start3A_175 = tpu.memref_slice %arg7[%dma_start3A_174] : memref<512xi32, #tpu.memory_space<vmem>> -> memref<16xi32, #tpu.memory_space<vmem>>
    %dma_start3A_176 = tpu.memref_slice %arg3[%add3A_167] : memref<32768xi32, #tpu.memory_space<hbm>> -> memref<16xi32, #tpu.memory_space<hbm>>
    %dma_start3A_177 = arith.constant 160 : i32
    %dma_start3A_178 = tpu.memref_slice %arg7[%dma_start3A_177] : memref<512xi32, #tpu.memory_space<vmem>> -> memref<16xi32, #tpu.memory_space<vmem>>
    %dma_start3A_179 = tpu.memref_slice %arg3[%add3A_167] : memref<32768xi32, #tpu.memory_space<hbm>> -> memref<16xi32, #tpu.memory_space<hbm>>
    tpu.enqueue_dma source(%dma_start3A_179 : memref<16xi32, #tpu.memory_space<hbm>>) target(%dma_start3A_178 : memref<16xi32, #tpu.memory_space<vmem>>) target_semaphore(%arg11 : memref<!tpu.dma_semaphore, #tpu.memory_space<semaphore_mem>>)
    %mul3A_180 = arith.constant 16 : i32
    %mul3A_181 = arith.muli %add3A_4, %mul3A_180 : i32
    %add3A_182 = arith.constant 11264 : i32
    %add3A_183 = arith.addi %add3A_182, %mul3A_181 : i32
    %dma_start3A_184 = arith.constant 176 : i32
    %dma_start3A_185 = tpu.memref_slice %arg6[%dma_start3A_184] : memref<512xf32, #tpu.memory_space<vmem>> -> memref<16xf32, #tpu.memory_space<vmem>>
    %dma_start3A_186 = tpu.memref_slice %arg2[%add3A_183] : memref<32768xf32, #tpu.memory_space<hbm>> -> memref<16xf32, #tpu.memory_space<hbm>>
    %dma_start3A_187 = arith.constant 176 : i32
    %dma_start3A_188 = tpu.memref_slice %arg6[%dma_start3A_187] : memref<512xf32, #tpu.memory_space<vmem>> -> memref<16xf32, #tpu.memory_space<vmem>>
    %dma_start3A_189 = tpu.memref_slice %arg2[%add3A_183] : memref<32768xf32, #tpu.memory_space<hbm>> -> memref<16xf32, #tpu.memory_space<hbm>>
    tpu.enqueue_dma source(%dma_start3A_189 : memref<16xf32, #tpu.memory_space<hbm>>) target(%dma_start3A_188 : memref<16xf32, #tpu.memory_space<vmem>>) target_semaphore(%arg11 : memref<!tpu.dma_semaphore, #tpu.memory_space<semaphore_mem>>)
    %dma_start3A_190 = arith.constant 176 : i32
    %dma_start3A_191 = tpu.memref_slice %arg7[%dma_start3A_190] : memref<512xi32, #tpu.memory_space<vmem>> -> memref<16xi32, #tpu.memory_space<vmem>>
    %dma_start3A_192 = tpu.memref_slice %arg3[%add3A_183] : memref<32768xi32, #tpu.memory_space<hbm>> -> memref<16xi32, #tpu.memory_space<hbm>>
    %dma_start3A_193 = arith.constant 176 : i32
    %dma_start3A_194 = tpu.memref_slice %arg7[%dma_start3A_193] : memref<512xi32, #tpu.memory_space<vmem>> -> memref<16xi32, #tpu.memory_space<vmem>>
    %dma_start3A_195 = tpu.memref_slice %arg3[%add3A_183] : memref<32768xi32, #tpu.memory_space<hbm>> -> memref<16xi32, #tpu.memory_space<hbm>>
    tpu.enqueue_dma source(%dma_start3A_195 : memref<16xi32, #tpu.memory_space<hbm>>) target(%dma_start3A_194 : memref<16xi32, #tpu.memory_space<vmem>>) target_semaphore(%arg11 : memref<!tpu.dma_semaphore, #tpu.memory_space<semaphore_mem>>)
    %mul3A_196 = arith.constant 16 : i32
    %mul3A_197 = arith.muli %add3A_4, %mul3A_196 : i32
    %add3A_198 = arith.constant 12288 : i32
    %add3A_199 = arith.addi %add3A_198, %mul3A_197 : i32
    %dma_start3A_200 = arith.constant 192 : i32
    %dma_start3A_201 = tpu.memref_slice %arg6[%dma_start3A_200] : memref<512xf32, #tpu.memory_space<vmem>> -> memref<16xf32, #tpu.memory_space<vmem>>
    %dma_start3A_202 = tpu.memref_slice %arg2[%add3A_199] : memref<32768xf32, #tpu.memory_space<hbm>> -> memref<16xf32, #tpu.memory_space<hbm>>
    %dma_start3A_203 = arith.constant 192 : i32
    %dma_start3A_204 = tpu.memref_slice %arg6[%dma_start3A_203] : memref<512xf32, #tpu.memory_space<vmem>> -> memref<16xf32, #tpu.memory_space<vmem>>
    %dma_start3A_205 = tpu.memref_slice %arg2[%add3A_199] : memref<32768xf32, #tpu.memory_space<hbm>> -> memref<16xf32, #tpu.memory_space<hbm>>
    tpu.enqueue_dma source(%dma_start3A_205 : memref<16xf32, #tpu.memory_space<hbm>>) target(%dma_start3A_204 : memref<16xf32, #tpu.memory_space<vmem>>) target_semaphore(%arg11 : memref<!tpu.dma_semaphore, #tpu.memory_space<semaphore_mem>>)
    %dma_start3A_206 = arith.constant 192 : i32
    %dma_start3A_207 = tpu.memref_slice %arg7[%dma_start3A_206] : memref<512xi32, #tpu.memory_space<vmem>> -> memref<16xi32, #tpu.memory_space<vmem>>
    %dma_start3A_208 = tpu.memref_slice %arg3[%add3A_199] : memref<32768xi32, #tpu.memory_space<hbm>> -> memref<16xi32, #tpu.memory_space<hbm>>
    %dma_start3A_209 = arith.constant 192 : i32
    %dma_start3A_210 = tpu.memref_slice %arg7[%dma_start3A_209] : memref<512xi32, #tpu.memory_space<vmem>> -> memref<16xi32, #tpu.memory_space<vmem>>
    %dma_start3A_211 = tpu.memref_slice %arg3[%add3A_199] : memref<32768xi32, #tpu.memory_space<hbm>> -> memref<16xi32, #tpu.memory_space<hbm>>
    tpu.enqueue_dma source(%dma_start3A_211 : memref<16xi32, #tpu.memory_space<hbm>>) target(%dma_start3A_210 : memref<16xi32, #tpu.memory_space<vmem>>) target_semaphore(%arg11 : memref<!tpu.dma_semaphore, #tpu.memory_space<semaphore_mem>>)
    %mul3A_212 = arith.constant 16 : i32
    %mul3A_213 = arith.muli %add3A_4, %mul3A_212 : i32
    %add3A_214 = arith.constant 13312 : i32
    %add3A_215 = arith.addi %add3A_214, %mul3A_213 : i32
    %dma_start3A_216 = arith.constant 208 : i32
    %dma_start3A_217 = tpu.memref_slice %arg6[%dma_start3A_216] : memref<512xf32, #tpu.memory_space<vmem>> -> memref<16xf32, #tpu.memory_space<vmem>>
    %dma_start3A_218 = tpu.memref_slice %arg2[%add3A_215] : memref<32768xf32, #tpu.memory_space<hbm>> -> memref<16xf32, #tpu.memory_space<hbm>>
    %dma_start3A_219 = arith.constant 208 : i32
    %dma_start3A_220 = tpu.memref_slice %arg6[%dma_start3A_219] : memref<512xf32, #tpu.memory_space<vmem>> -> memref<16xf32, #tpu.memory_space<vmem>>
    %dma_start3A_221 = tpu.memref_slice %arg2[%add3A_215] : memref<32768xf32, #tpu.memory_space<hbm>> -> memref<16xf32, #tpu.memory_space<hbm>>
    tpu.enqueue_dma source(%dma_start3A_221 : memref<16xf32, #tpu.memory_space<hbm>>) target(%dma_start3A_220 : memref<16xf32, #tpu.memory_space<vmem>>) target_semaphore(%arg11 : memref<!tpu.dma_semaphore, #tpu.memory_space<semaphore_mem>>)
    %dma_start3A_222 = arith.constant 208 : i32
    %dma_start3A_223 = tpu.memref_slice %arg7[%dma_start3A_222] : memref<512xi32, #tpu.memory_space<vmem>> -> memref<16xi32, #tpu.memory_space<vmem>>
    %dma_start3A_224 = tpu.memref_slice %arg3[%add3A_215] : memref<32768xi32, #tpu.memory_space<hbm>> -> memref<16xi32, #tpu.memory_space<hbm>>
    %dma_start3A_225 = arith.constant 208 : i32
    %dma_start3A_226 = tpu.memref_slice %arg7[%dma_start3A_225] : memref<512xi32, #tpu.memory_space<vmem>> -> memref<16xi32, #tpu.memory_space<vmem>>
    %dma_start3A_227 = tpu.memref_slice %arg3[%add3A_215] : memref<32768xi32, #tpu.memory_space<hbm>> -> memref<16xi32, #tpu.memory_space<hbm>>
    tpu.enqueue_dma source(%dma_start3A_227 : memref<16xi32, #tpu.memory_space<hbm>>) target(%dma_start3A_226 : memref<16xi32, #tpu.memory_space<vmem>>) target_semaphore(%arg11 : memref<!tpu.dma_semaphore, #tpu.memory_space<semaphore_mem>>)
    %mul3A_228 = arith.constant 16 : i32
    %mul3A_229 = arith.muli %add3A_4, %mul3A_228 : i32
    %add3A_230 = arith.constant 14336 : i32
    %add3A_231 = arith.addi %add3A_230, %mul3A_229 : i32
    %dma_start3A_232 = arith.constant 224 : i32
    %dma_start3A_233 = tpu.memref_slice %arg6[%dma_start3A_232] : memref<512xf32, #tpu.memory_space<vmem>> -> memref<16xf32, #tpu.memory_space<vmem>>
    %dma_start3A_234 = tpu.memref_slice %arg2[%add3A_231] : memref<32768xf32, #tpu.memory_space<hbm>> -> memref<16xf32, #tpu.memory_space<hbm>>
    %dma_start3A_235 = arith.constant 224 : i32
    %dma_start3A_236 = tpu.memref_slice %arg6[%dma_start3A_235] : memref<512xf32, #tpu.memory_space<vmem>> -> memref<16xf32, #tpu.memory_space<vmem>>
    %dma_start3A_237 = tpu.memref_slice %arg2[%add3A_231] : memref<32768xf32, #tpu.memory_space<hbm>> -> memref<16xf32, #tpu.memory_space<hbm>>
    tpu.enqueue_dma source(%dma_start3A_237 : memref<16xf32, #tpu.memory_space<hbm>>) target(%dma_start3A_236 : memref<16xf32, #tpu.memory_space<vmem>>) target_semaphore(%arg11 : memref<!tpu.dma_semaphore, #tpu.memory_space<semaphore_mem>>)
    %dma_start3A_238 = arith.constant 224 : i32
    %dma_start3A_239 = tpu.memref_slice %arg7[%dma_start3A_238] : memref<512xi32, #tpu.memory_space<vmem>> -> memref<16xi32, #tpu.memory_space<vmem>>
    %dma_start3A_240 = tpu.memref_slice %arg3[%add3A_231] : memref<32768xi32, #tpu.memory_space<hbm>> -> memref<16xi32, #tpu.memory_space<hbm>>
    %dma_start3A_241 = arith.constant 224 : i32
    %dma_start3A_242 = tpu.memref_slice %arg7[%dma_start3A_241] : memref<512xi32, #tpu.memory_space<vmem>> -> memref<16xi32, #tpu.memory_space<vmem>>
    %dma_start3A_243 = tpu.memref_slice %arg3[%add3A_231] : memref<32768xi32, #tpu.memory_space<hbm>> -> memref<16xi32, #tpu.memory_space<hbm>>
    tpu.enqueue_dma source(%dma_start3A_243 : memref<16xi32, #tpu.memory_space<hbm>>) target(%dma_start3A_242 : memref<16xi32, #tpu.memory_space<vmem>>) target_semaphore(%arg11 : memref<!tpu.dma_semaphore, #tpu.memory_space<semaphore_mem>>)
    %mul3A_244 = arith.constant 16 : i32
    %mul3A_245 = arith.muli %add3A_4, %mul3A_244 : i32
    %add3A_246 = arith.constant 15360 : i32
    %add3A_247 = arith.addi %add3A_246, %mul3A_245 : i32
    %dma_start3A_248 = arith.constant 240 : i32
    %dma_start3A_249 = tpu.memref_slice %arg6[%dma_start3A_248] : memref<512xf32, #tpu.memory_space<vmem>> -> memref<16xf32, #tpu.memory_space<vmem>>
    %dma_start3A_250 = tpu.memref_slice %arg2[%add3A_247] : memref<32768xf32, #tpu.memory_space<hbm>> -> memref<16xf32, #tpu.memory_space<hbm>>
    %dma_start3A_251 = arith.constant 240 : i32
    %dma_start3A_252 = tpu.memref_slice %arg6[%dma_start3A_251] : memref<512xf32, #tpu.memory_space<vmem>> -> memref<16xf32, #tpu.memory_space<vmem>>
    %dma_start3A_253 = tpu.memref_slice %arg2[%add3A_247] : memref<32768xf32, #tpu.memory_space<hbm>> -> memref<16xf32, #tpu.memory_space<hbm>>
    tpu.enqueue_dma source(%dma_start3A_253 : memref<16xf32, #tpu.memory_space<hbm>>) target(%dma_start3A_252 : memref<16xf32, #tpu.memory_space<vmem>>) target_semaphore(%arg11 : memref<!tpu.dma_semaphore, #tpu.memory_space<semaphore_mem>>)
    %dma_start3A_254 = arith.constant 240 : i32
    %dma_start3A_255 = tpu.memref_slice %arg7[%dma_start3A_254] : memref<512xi32, #tpu.memory_space<vmem>> -> memref<16xi32, #tpu.memory_space<vmem>>
    %dma_start3A_256 = tpu.memref_slice %arg3[%add3A_247] : memref<32768xi32, #tpu.memory_space<hbm>> -> memref<16xi32, #tpu.memory_space<hbm>>
    %dma_start3A_257 = arith.constant 240 : i32
    %dma_start3A_258 = tpu.memref_slice %arg7[%dma_start3A_257] : memref<512xi32, #tpu.memory_space<vmem>> -> memref<16xi32, #tpu.memory_space<vmem>>
    %dma_start3A_259 = tpu.memref_slice %arg3[%add3A_247] : memref<32768xi32, #tpu.memory_space<hbm>> -> memref<16xi32, #tpu.memory_space<hbm>>
    tpu.enqueue_dma source(%dma_start3A_259 : memref<16xi32, #tpu.memory_space<hbm>>) target(%dma_start3A_258 : memref<16xi32, #tpu.memory_space<vmem>>) target_semaphore(%arg11 : memref<!tpu.dma_semaphore, #tpu.memory_space<semaphore_mem>>)
    %mul3A_260 = arith.constant 16 : i32
    %mul3A_261 = arith.muli %add3A_4, %mul3A_260 : i32
    %add3A_262 = arith.constant 16384 : i32
    %add3A_263 = arith.addi %add3A_262, %mul3A_261 : i32
    %dma_start3A_264 = arith.constant 256 : i32
    %dma_start3A_265 = tpu.memref_slice %arg6[%dma_start3A_264] : memref<512xf32, #tpu.memory_space<vmem>> -> memref<16xf32, #tpu.memory_space<vmem>>
    %dma_start3A_266 = tpu.memref_slice %arg2[%add3A_263] : memref<32768xf32, #tpu.memory_space<hbm>> -> memref<16xf32, #tpu.memory_space<hbm>>
    %dma_start3A_267 = arith.constant 256 : i32
    %dma_start3A_268 = tpu.memref_slice %arg6[%dma_start3A_267] : memref<512xf32, #tpu.memory_space<vmem>> -> memref<16xf32, #tpu.memory_space<vmem>>
    %dma_start3A_269 = tpu.memref_slice %arg2[%add3A_263] : memref<32768xf32, #tpu.memory_space<hbm>> -> memref<16xf32, #tpu.memory_space<hbm>>
    tpu.enqueue_dma source(%dma_start3A_269 : memref<16xf32, #tpu.memory_space<hbm>>) target(%dma_start3A_268 : memref<16xf32, #tpu.memory_space<vmem>>) target_semaphore(%arg11 : memref<!tpu.dma_semaphore, #tpu.memory_space<semaphore_mem>>)
    %dma_start3A_270 = arith.constant 256 : i32
    %dma_start3A_271 = tpu.memref_slice %arg7[%dma_start3A_270] : memref<512xi32, #tpu.memory_space<vmem>> -> memref<16xi32, #tpu.memory_space<vmem>>
    %dma_start3A_272 = tpu.memref_slice %arg3[%add3A_263] : memref<32768xi32, #tpu.memory_space<hbm>> -> memref<16xi32, #tpu.memory_space<hbm>>
    %dma_start3A_273 = arith.constant 256 : i32
    %dma_start3A_274 = tpu.memref_slice %arg7[%dma_start3A_273] : memref<512xi32, #tpu.memory_space<vmem>> -> memref<16xi32, #tpu.memory_space<vmem>>
    %dma_start3A_275 = tpu.memref_slice %arg3[%add3A_263] : memref<32768xi32, #tpu.memory_space<hbm>> -> memref<16xi32, #tpu.memory_space<hbm>>
    tpu.enqueue_dma source(%dma_start3A_275 : memref<16xi32, #tpu.memory_space<hbm>>) target(%dma_start3A_274 : memref<16xi32, #tpu.memory_space<vmem>>) target_semaphore(%arg11 : memref<!tpu.dma_semaphore, #tpu.memory_space<semaphore_mem>>)
    %mul3A_276 = arith.constant 16 : i32
    %mul3A_277 = arith.muli %add3A_4, %mul3A_276 : i32
    %add3A_278 = arith.constant 17408 : i32
    %add3A_279 = arith.addi %add3A_278, %mul3A_277 : i32
    %dma_start3A_280 = arith.constant 272 : i32
    %dma_start3A_281 = tpu.memref_slice %arg6[%dma_start3A_280] : memref<512xf32, #tpu.memory_space<vmem>> -> memref<16xf32, #tpu.memory_space<vmem>>
    %dma_start3A_282 = tpu.memref_slice %arg2[%add3A_279] : memref<32768xf32, #tpu.memory_space<hbm>> -> memref<16xf32, #tpu.memory_space<hbm>>
    %dma_start3A_283 = arith.constant 272 : i32
    %dma_start3A_284 = tpu.memref_slice %arg6[%dma_start3A_283] : memref<512xf32, #tpu.memory_space<vmem>> -> memref<16xf32, #tpu.memory_space<vmem>>
    %dma_start3A_285 = tpu.memref_slice %arg2[%add3A_279] : memref<32768xf32, #tpu.memory_space<hbm>> -> memref<16xf32, #tpu.memory_space<hbm>>
    tpu.enqueue_dma source(%dma_start3A_285 : memref<16xf32, #tpu.memory_space<hbm>>) target(%dma_start3A_284 : memref<16xf32, #tpu.memory_space<vmem>>) target_semaphore(%arg11 : memref<!tpu.dma_semaphore, #tpu.memory_space<semaphore_mem>>)
    %dma_start3A_286 = arith.constant 272 : i32
    %dma_start3A_287 = tpu.memref_slice %arg7[%dma_start3A_286] : memref<512xi32, #tpu.memory_space<vmem>> -> memref<16xi32, #tpu.memory_space<vmem>>
    %dma_start3A_288 = tpu.memref_slice %arg3[%add3A_279] : memref<32768xi32, #tpu.memory_space<hbm>> -> memref<16xi32, #tpu.memory_space<hbm>>
    %dma_start3A_289 = arith.constant 272 : i32
    %dma_start3A_290 = tpu.memref_slice %arg7[%dma_start3A_289] : memref<512xi32, #tpu.memory_space<vmem>> -> memref<16xi32, #tpu.memory_space<vmem>>
    %dma_start3A_291 = tpu.memref_slice %arg3[%add3A_279] : memref<32768xi32, #tpu.memory_space<hbm>> -> memref<16xi32, #tpu.memory_space<hbm>>
    tpu.enqueue_dma source(%dma_start3A_291 : memref<16xi32, #tpu.memory_space<hbm>>) target(%dma_start3A_290 : memref<16xi32, #tpu.memory_space<vmem>>) target_semaphore(%arg11 : memref<!tpu.dma_semaphore, #tpu.memory_space<semaphore_mem>>)
    %mul3A_292 = arith.constant 16 : i32
    %mul3A_293 = arith.muli %add3A_4, %mul3A_292 : i32
    %add3A_294 = arith.constant 18432 : i32
    %add3A_295 = arith.addi %add3A_294, %mul3A_293 : i32
    %dma_start3A_296 = arith.constant 288 : i32
    %dma_start3A_297 = tpu.memref_slice %arg6[%dma_start3A_296] : memref<512xf32, #tpu.memory_space<vmem>> -> memref<16xf32, #tpu.memory_space<vmem>>
    %dma_start3A_298 = tpu.memref_slice %arg2[%add3A_295] : memref<32768xf32, #tpu.memory_space<hbm>> -> memref<16xf32, #tpu.memory_space<hbm>>
    %dma_start3A_299 = arith.constant 288 : i32
    %dma_start3A_300 = tpu.memref_slice %arg6[%dma_start3A_299] : memref<512xf32, #tpu.memory_space<vmem>> -> memref<16xf32, #tpu.memory_space<vmem>>
    %dma_start3A_301 = tpu.memref_slice %arg2[%add3A_295] : memref<32768xf32, #tpu.memory_space<hbm>> -> memref<16xf32, #tpu.memory_space<hbm>>
    tpu.enqueue_dma source(%dma_start3A_301 : memref<16xf32, #tpu.memory_space<hbm>>) target(%dma_start3A_300 : memref<16xf32, #tpu.memory_space<vmem>>) target_semaphore(%arg11 : memref<!tpu.dma_semaphore, #tpu.memory_space<semaphore_mem>>)
    %dma_start3A_302 = arith.constant 288 : i32
    %dma_start3A_303 = tpu.memref_slice %arg7[%dma_start3A_302] : memref<512xi32, #tpu.memory_space<vmem>> -> memref<16xi32, #tpu.memory_space<vmem>>
    %dma_start3A_304 = tpu.memref_slice %arg3[%add3A_295] : memref<32768xi32, #tpu.memory_space<hbm>> -> memref<16xi32, #tpu.memory_space<hbm>>
    %dma_start3A_305 = arith.constant 288 : i32
    %dma_start3A_306 = tpu.memref_slice %arg7[%dma_start3A_305] : memref<512xi32, #tpu.memory_space<vmem>> -> memref<16xi32, #tpu.memory_space<vmem>>
    %dma_start3A_307 = tpu.memref_slice %arg3[%add3A_295] : memref<32768xi32, #tpu.memory_space<hbm>> -> memref<16xi32, #tpu.memory_space<hbm>>
    tpu.enqueue_dma source(%dma_start3A_307 : memref<16xi32, #tpu.memory_space<hbm>>) target(%dma_start3A_306 : memref<16xi32, #tpu.memory_space<vmem>>) target_semaphore(%arg11 : memref<!tpu.dma_semaphore, #tpu.memory_space<semaphore_mem>>)
    %mul3A_308 = arith.constant 16 : i32
    %mul3A_309 = arith.muli %add3A_4, %mul3A_308 : i32
    %add3A_310 = arith.constant 19456 : i32
    %add3A_311 = arith.addi %add3A_310, %mul3A_309 : i32
    %dma_start3A_312 = arith.constant 304 : i32
    %dma_start3A_313 = tpu.memref_slice %arg6[%dma_start3A_312] : memref<512xf32, #tpu.memory_space<vmem>> -> memref<16xf32, #tpu.memory_space<vmem>>
    %dma_start3A_314 = tpu.memref_slice %arg2[%add3A_311] : memref<32768xf32, #tpu.memory_space<hbm>> -> memref<16xf32, #tpu.memory_space<hbm>>
    %dma_start3A_315 = arith.constant 304 : i32
    %dma_start3A_316 = tpu.memref_slice %arg6[%dma_start3A_315] : memref<512xf32, #tpu.memory_space<vmem>> -> memref<16xf32, #tpu.memory_space<vmem>>
    %dma_start3A_317 = tpu.memref_slice %arg2[%add3A_311] : memref<32768xf32, #tpu.memory_space<hbm>> -> memref<16xf32, #tpu.memory_space<hbm>>
    tpu.enqueue_dma source(%dma_start3A_317 : memref<16xf32, #tpu.memory_space<hbm>>) target(%dma_start3A_316 : memref<16xf32, #tpu.memory_space<vmem>>) target_semaphore(%arg11 : memref<!tpu.dma_semaphore, #tpu.memory_space<semaphore_mem>>)
    %dma_start3A_318 = arith.constant 304 : i32
    %dma_start3A_319 = tpu.memref_slice %arg7[%dma_start3A_318] : memref<512xi32, #tpu.memory_space<vmem>> -> memref<16xi32, #tpu.memory_space<vmem>>
    %dma_start3A_320 = tpu.memref_slice %arg3[%add3A_311] : memref<32768xi32, #tpu.memory_space<hbm>> -> memref<16xi32, #tpu.memory_space<hbm>>
    %dma_start3A_321 = arith.constant 304 : i32
    %dma_start3A_322 = tpu.memref_slice %arg7[%dma_start3A_321] : memref<512xi32, #tpu.memory_space<vmem>> -> memref<16xi32, #tpu.memory_space<vmem>>
    %dma_start3A_323 = tpu.memref_slice %arg3[%add3A_311] : memref<32768xi32, #tpu.memory_space<hbm>> -> memref<16xi32, #tpu.memory_space<hbm>>
    tpu.enqueue_dma source(%dma_start3A_323 : memref<16xi32, #tpu.memory_space<hbm>>) target(%dma_start3A_322 : memref<16xi32, #tpu.memory_space<vmem>>) target_semaphore(%arg11 : memref<!tpu.dma_semaphore, #tpu.memory_space<semaphore_mem>>)
    %mul3A_324 = arith.constant 16 : i32
    %mul3A_325 = arith.muli %add3A_4, %mul3A_324 : i32
    %add3A_326 = arith.constant 20480 : i32
    %add3A_327 = arith.addi %add3A_326, %mul3A_325 : i32
    %dma_start3A_328 = arith.constant 320 : i32
    %dma_start3A_329 = tpu.memref_slice %arg6[%dma_start3A_328] : memref<512xf32, #tpu.memory_space<vmem>> -> memref<16xf32, #tpu.memory_space<vmem>>
    %dma_start3A_330 = tpu.memref_slice %arg2[%add3A_327] : memref<32768xf32, #tpu.memory_space<hbm>> -> memref<16xf32, #tpu.memory_space<hbm>>
    %dma_start3A_331 = arith.constant 320 : i32
    %dma_start3A_332 = tpu.memref_slice %arg6[%dma_start3A_331] : memref<512xf32, #tpu.memory_space<vmem>> -> memref<16xf32, #tpu.memory_space<vmem>>
    %dma_start3A_333 = tpu.memref_slice %arg2[%add3A_327] : memref<32768xf32, #tpu.memory_space<hbm>> -> memref<16xf32, #tpu.memory_space<hbm>>
    tpu.enqueue_dma source(%dma_start3A_333 : memref<16xf32, #tpu.memory_space<hbm>>) target(%dma_start3A_332 : memref<16xf32, #tpu.memory_space<vmem>>) target_semaphore(%arg11 : memref<!tpu.dma_semaphore, #tpu.memory_space<semaphore_mem>>)
    %dma_start3A_334 = arith.constant 320 : i32
    %dma_start3A_335 = tpu.memref_slice %arg7[%dma_start3A_334] : memref<512xi32, #tpu.memory_space<vmem>> -> memref<16xi32, #tpu.memory_space<vmem>>
    %dma_start3A_336 = tpu.memref_slice %arg3[%add3A_327] : memref<32768xi32, #tpu.memory_space<hbm>> -> memref<16xi32, #tpu.memory_space<hbm>>
    %dma_start3A_337 = arith.constant 320 : i32
    %dma_start3A_338 = tpu.memref_slice %arg7[%dma_start3A_337] : memref<512xi32, #tpu.memory_space<vmem>> -> memref<16xi32, #tpu.memory_space<vmem>>
    %dma_start3A_339 = tpu.memref_slice %arg3[%add3A_327] : memref<32768xi32, #tpu.memory_space<hbm>> -> memref<16xi32, #tpu.memory_space<hbm>>
    tpu.enqueue_dma source(%dma_start3A_339 : memref<16xi32, #tpu.memory_space<hbm>>) target(%dma_start3A_338 : memref<16xi32, #tpu.memory_space<vmem>>) target_semaphore(%arg11 : memref<!tpu.dma_semaphore, #tpu.memory_space<semaphore_mem>>)
    %mul3A_340 = arith.constant 16 : i32
    %mul3A_341 = arith.muli %add3A_4, %mul3A_340 : i32
    %add3A_342 = arith.constant 21504 : i32
    %add3A_343 = arith.addi %add3A_342, %mul3A_341 : i32
    %dma_start3A_344 = arith.constant 336 : i32
    %dma_start3A_345 = tpu.memref_slice %arg6[%dma_start3A_344] : memref<512xf32, #tpu.memory_space<vmem>> -> memref<16xf32, #tpu.memory_space<vmem>>
    %dma_start3A_346 = tpu.memref_slice %arg2[%add3A_343] : memref<32768xf32, #tpu.memory_space<hbm>> -> memref<16xf32, #tpu.memory_space<hbm>>
    %dma_start3A_347 = arith.constant 336 : i32
    %dma_start3A_348 = tpu.memref_slice %arg6[%dma_start3A_347] : memref<512xf32, #tpu.memory_space<vmem>> -> memref<16xf32, #tpu.memory_space<vmem>>
    %dma_start3A_349 = tpu.memref_slice %arg2[%add3A_343] : memref<32768xf32, #tpu.memory_space<hbm>> -> memref<16xf32, #tpu.memory_space<hbm>>
    tpu.enqueue_dma source(%dma_start3A_349 : memref<16xf32, #tpu.memory_space<hbm>>) target(%dma_start3A_348 : memref<16xf32, #tpu.memory_space<vmem>>) target_semaphore(%arg11 : memref<!tpu.dma_semaphore, #tpu.memory_space<semaphore_mem>>)
    %dma_start3A_350 = arith.constant 336 : i32
    %dma_start3A_351 = tpu.memref_slice %arg7[%dma_start3A_350] : memref<512xi32, #tpu.memory_space<vmem>> -> memref<16xi32, #tpu.memory_space<vmem>>
    %dma_start3A_352 = tpu.memref_slice %arg3[%add3A_343] : memref<32768xi32, #tpu.memory_space<hbm>> -> memref<16xi32, #tpu.memory_space<hbm>>
    %dma_start3A_353 = arith.constant 336 : i32
    %dma_start3A_354 = tpu.memref_slice %arg7[%dma_start3A_353] : memref<512xi32, #tpu.memory_space<vmem>> -> memref<16xi32, #tpu.memory_space<vmem>>
    %dma_start3A_355 = tpu.memref_slice %arg3[%add3A_343] : memref<32768xi32, #tpu.memory_space<hbm>> -> memref<16xi32, #tpu.memory_space<hbm>>
    tpu.enqueue_dma source(%dma_start3A_355 : memref<16xi32, #tpu.memory_space<hbm>>) target(%dma_start3A_354 : memref<16xi32, #tpu.memory_space<vmem>>) target_semaphore(%arg11 : memref<!tpu.dma_semaphore, #tpu.memory_space<semaphore_mem>>)
    %mul3A_356 = arith.constant 16 : i32
    %mul3A_357 = arith.muli %add3A_4, %mul3A_356 : i32
    %add3A_358 = arith.constant 22528 : i32
    %add3A_359 = arith.addi %add3A_358, %mul3A_357 : i32
    %dma_start3A_360 = arith.constant 352 : i32
    %dma_start3A_361 = tpu.memref_slice %arg6[%dma_start3A_360] : memref<512xf32, #tpu.memory_space<vmem>> -> memref<16xf32, #tpu.memory_space<vmem>>
    %dma_start3A_362 = tpu.memref_slice %arg2[%add3A_359] : memref<32768xf32, #tpu.memory_space<hbm>> -> memref<16xf32, #tpu.memory_space<hbm>>
    %dma_start3A_363 = arith.constant 352 : i32
    %dma_start3A_364 = tpu.memref_slice %arg6[%dma_start3A_363] : memref<512xf32, #tpu.memory_space<vmem>> -> memref<16xf32, #tpu.memory_space<vmem>>
    %dma_start3A_365 = tpu.memref_slice %arg2[%add3A_359] : memref<32768xf32, #tpu.memory_space<hbm>> -> memref<16xf32, #tpu.memory_space<hbm>>
    tpu.enqueue_dma source(%dma_start3A_365 : memref<16xf32, #tpu.memory_space<hbm>>) target(%dma_start3A_364 : memref<16xf32, #tpu.memory_space<vmem>>) target_semaphore(%arg11 : memref<!tpu.dma_semaphore, #tpu.memory_space<semaphore_mem>>)
    %dma_start3A_366 = arith.constant 352 : i32
    %dma_start3A_367 = tpu.memref_slice %arg7[%dma_start3A_366] : memref<512xi32, #tpu.memory_space<vmem>> -> memref<16xi32, #tpu.memory_space<vmem>>
    %dma_start3A_368 = tpu.memref_slice %arg3[%add3A_359] : memref<32768xi32, #tpu.memory_space<hbm>> -> memref<16xi32, #tpu.memory_space<hbm>>
    %dma_start3A_369 = arith.constant 352 : i32
    %dma_start3A_370 = tpu.memref_slice %arg7[%dma_start3A_369] : memref<512xi32, #tpu.memory_space<vmem>> -> memref<16xi32, #tpu.memory_space<vmem>>
    %dma_start3A_371 = tpu.memref_slice %arg3[%add3A_359] : memref<32768xi32, #tpu.memory_space<hbm>> -> memref<16xi32, #tpu.memory_space<hbm>>
    tpu.enqueue_dma source(%dma_start3A_371 : memref<16xi32, #tpu.memory_space<hbm>>) target(%dma_start3A_370 : memref<16xi32, #tpu.memory_space<vmem>>) target_semaphore(%arg11 : memref<!tpu.dma_semaphore, #tpu.memory_space<semaphore_mem>>)
    %mul3A_372 = arith.constant 16 : i32
    %mul3A_373 = arith.muli %add3A_4, %mul3A_372 : i32
    %add3A_374 = arith.constant 23552 : i32
    %add3A_375 = arith.addi %add3A_374, %mul3A_373 : i32
    %dma_start3A_376 = arith.constant 368 : i32
    %dma_start3A_377 = tpu.memref_slice %arg6[%dma_start3A_376] : memref<512xf32, #tpu.memory_space<vmem>> -> memref<16xf32, #tpu.memory_space<vmem>>
    %dma_start3A_378 = tpu.memref_slice %arg2[%add3A_375] : memref<32768xf32, #tpu.memory_space<hbm>> -> memref<16xf32, #tpu.memory_space<hbm>>
    %dma_start3A_379 = arith.constant 368 : i32
    %dma_start3A_380 = tpu.memref_slice %arg6[%dma_start3A_379] : memref<512xf32, #tpu.memory_space<vmem>> -> memref<16xf32, #tpu.memory_space<vmem>>
    %dma_start3A_381 = tpu.memref_slice %arg2[%add3A_375] : memref<32768xf32, #tpu.memory_space<hbm>> -> memref<16xf32, #tpu.memory_space<hbm>>
    tpu.enqueue_dma source(%dma_start3A_381 : memref<16xf32, #tpu.memory_space<hbm>>) target(%dma_start3A_380 : memref<16xf32, #tpu.memory_space<vmem>>) target_semaphore(%arg11 : memref<!tpu.dma_semaphore, #tpu.memory_space<semaphore_mem>>)
    %dma_start3A_382 = arith.constant 368 : i32
    %dma_start3A_383 = tpu.memref_slice %arg7[%dma_start3A_382] : memref<512xi32, #tpu.memory_space<vmem>> -> memref<16xi32, #tpu.memory_space<vmem>>
    %dma_start3A_384 = tpu.memref_slice %arg3[%add3A_375] : memref<32768xi32, #tpu.memory_space<hbm>> -> memref<16xi32, #tpu.memory_space<hbm>>
    %dma_start3A_385 = arith.constant 368 : i32
    %dma_start3A_386 = tpu.memref_slice %arg7[%dma_start3A_385] : memref<512xi32, #tpu.memory_space<vmem>> -> memref<16xi32, #tpu.memory_space<vmem>>
    %dma_start3A_387 = tpu.memref_slice %arg3[%add3A_375] : memref<32768xi32, #tpu.memory_space<hbm>> -> memref<16xi32, #tpu.memory_space<hbm>>
    tpu.enqueue_dma source(%dma_start3A_387 : memref<16xi32, #tpu.memory_space<hbm>>) target(%dma_start3A_386 : memref<16xi32, #tpu.memory_space<vmem>>) target_semaphore(%arg11 : memref<!tpu.dma_semaphore, #tpu.memory_space<semaphore_mem>>)
    %mul3A_388 = arith.constant 16 : i32
    %mul3A_389 = arith.muli %add3A_4, %mul3A_388 : i32
    %add3A_390 = arith.constant 24576 : i32
    %add3A_391 = arith.addi %add3A_390, %mul3A_389 : i32
    %dma_start3A_392 = arith.constant 384 : i32
    %dma_start3A_393 = tpu.memref_slice %arg6[%dma_start3A_392] : memref<512xf32, #tpu.memory_space<vmem>> -> memref<16xf32, #tpu.memory_space<vmem>>
    %dma_start3A_394 = tpu.memref_slice %arg2[%add3A_391] : memref<32768xf32, #tpu.memory_space<hbm>> -> memref<16xf32, #tpu.memory_space<hbm>>
    %dma_start3A_395 = arith.constant 384 : i32
    %dma_start3A_396 = tpu.memref_slice %arg6[%dma_start3A_395] : memref<512xf32, #tpu.memory_space<vmem>> -> memref<16xf32, #tpu.memory_space<vmem>>
    %dma_start3A_397 = tpu.memref_slice %arg2[%add3A_391] : memref<32768xf32, #tpu.memory_space<hbm>> -> memref<16xf32, #tpu.memory_space<hbm>>
    tpu.enqueue_dma source(%dma_start3A_397 : memref<16xf32, #tpu.memory_space<hbm>>) target(%dma_start3A_396 : memref<16xf32, #tpu.memory_space<vmem>>) target_semaphore(%arg11 : memref<!tpu.dma_semaphore, #tpu.memory_space<semaphore_mem>>)
    %dma_start3A_398 = arith.constant 384 : i32
    %dma_start3A_399 = tpu.memref_slice %arg7[%dma_start3A_398] : memref<512xi32, #tpu.memory_space<vmem>> -> memref<16xi32, #tpu.memory_space<vmem>>
    %dma_start3A_400 = tpu.memref_slice %arg3[%add3A_391] : memref<32768xi32, #tpu.memory_space<hbm>> -> memref<16xi32, #tpu.memory_space<hbm>>
    %dma_start3A_401 = arith.constant 384 : i32
    %dma_start3A_402 = tpu.memref_slice %arg7[%dma_start3A_401] : memref<512xi32, #tpu.memory_space<vmem>> -> memref<16xi32, #tpu.memory_space<vmem>>
    %dma_start3A_403 = tpu.memref_slice %arg3[%add3A_391] : memref<32768xi32, #tpu.memory_space<hbm>> -> memref<16xi32, #tpu.memory_space<hbm>>
    tpu.enqueue_dma source(%dma_start3A_403 : memref<16xi32, #tpu.memory_space<hbm>>) target(%dma_start3A_402 : memref<16xi32, #tpu.memory_space<vmem>>) target_semaphore(%arg11 : memref<!tpu.dma_semaphore, #tpu.memory_space<semaphore_mem>>)
    %mul3A_404 = arith.constant 16 : i32
    %mul3A_405 = arith.muli %add3A_4, %mul3A_404 : i32
    %add3A_406 = arith.constant 25600 : i32
    %add3A_407 = arith.addi %add3A_406, %mul3A_405 : i32
    %dma_start3A_408 = arith.constant 400 : i32
    %dma_start3A_409 = tpu.memref_slice %arg6[%dma_start3A_408] : memref<512xf32, #tpu.memory_space<vmem>> -> memref<16xf32, #tpu.memory_space<vmem>>
    %dma_start3A_410 = tpu.memref_slice %arg2[%add3A_407] : memref<32768xf32, #tpu.memory_space<hbm>> -> memref<16xf32, #tpu.memory_space<hbm>>
    %dma_start3A_411 = arith.constant 400 : i32
    %dma_start3A_412 = tpu.memref_slice %arg6[%dma_start3A_411] : memref<512xf32, #tpu.memory_space<vmem>> -> memref<16xf32, #tpu.memory_space<vmem>>
    %dma_start3A_413 = tpu.memref_slice %arg2[%add3A_407] : memref<32768xf32, #tpu.memory_space<hbm>> -> memref<16xf32, #tpu.memory_space<hbm>>
    tpu.enqueue_dma source(%dma_start3A_413 : memref<16xf32, #tpu.memory_space<hbm>>) target(%dma_start3A_412 : memref<16xf32, #tpu.memory_space<vmem>>) target_semaphore(%arg11 : memref<!tpu.dma_semaphore, #tpu.memory_space<semaphore_mem>>)
    %dma_start3A_414 = arith.constant 400 : i32
    %dma_start3A_415 = tpu.memref_slice %arg7[%dma_start3A_414] : memref<512xi32, #tpu.memory_space<vmem>> -> memref<16xi32, #tpu.memory_space<vmem>>
    %dma_start3A_416 = tpu.memref_slice %arg3[%add3A_407] : memref<32768xi32, #tpu.memory_space<hbm>> -> memref<16xi32, #tpu.memory_space<hbm>>
    %dma_start3A_417 = arith.constant 400 : i32
    %dma_start3A_418 = tpu.memref_slice %arg7[%dma_start3A_417] : memref<512xi32, #tpu.memory_space<vmem>> -> memref<16xi32, #tpu.memory_space<vmem>>
    %dma_start3A_419 = tpu.memref_slice %arg3[%add3A_407] : memref<32768xi32, #tpu.memory_space<hbm>> -> memref<16xi32, #tpu.memory_space<hbm>>
    tpu.enqueue_dma source(%dma_start3A_419 : memref<16xi32, #tpu.memory_space<hbm>>) target(%dma_start3A_418 : memref<16xi32, #tpu.memory_space<vmem>>) target_semaphore(%arg11 : memref<!tpu.dma_semaphore, #tpu.memory_space<semaphore_mem>>)
    %mul3A_420 = arith.constant 16 : i32
    %mul3A_421 = arith.muli %add3A_4, %mul3A_420 : i32
    %add3A_422 = arith.constant 26624 : i32
    %add3A_423 = arith.addi %add3A_422, %mul3A_421 : i32
    %dma_start3A_424 = arith.constant 416 : i32
    %dma_start3A_425 = tpu.memref_slice %arg6[%dma_start3A_424] : memref<512xf32, #tpu.memory_space<vmem>> -> memref<16xf32, #tpu.memory_space<vmem>>
    %dma_start3A_426 = tpu.memref_slice %arg2[%add3A_423] : memref<32768xf32, #tpu.memory_space<hbm>> -> memref<16xf32, #tpu.memory_space<hbm>>
    %dma_start3A_427 = arith.constant 416 : i32
    %dma_start3A_428 = tpu.memref_slice %arg6[%dma_start3A_427] : memref<512xf32, #tpu.memory_space<vmem>> -> memref<16xf32, #tpu.memory_space<vmem>>
    %dma_start3A_429 = tpu.memref_slice %arg2[%add3A_423] : memref<32768xf32, #tpu.memory_space<hbm>> -> memref<16xf32, #tpu.memory_space<hbm>>
    tpu.enqueue_dma source(%dma_start3A_429 : memref<16xf32, #tpu.memory_space<hbm>>) target(%dma_start3A_428 : memref<16xf32, #tpu.memory_space<vmem>>) target_semaphore(%arg11 : memref<!tpu.dma_semaphore, #tpu.memory_space<semaphore_mem>>)
    %dma_start3A_430 = arith.constant 416 : i32
    %dma_start3A_431 = tpu.memref_slice %arg7[%dma_start3A_430] : memref<512xi32, #tpu.memory_space<vmem>> -> memref<16xi32, #tpu.memory_space<vmem>>
    %dma_start3A_432 = tpu.memref_slice %arg3[%add3A_423] : memref<32768xi32, #tpu.memory_space<hbm>> -> memref<16xi32, #tpu.memory_space<hbm>>
    %dma_start3A_433 = arith.constant 416 : i32
    %dma_start3A_434 = tpu.memref_slice %arg7[%dma_start3A_433] : memref<512xi32, #tpu.memory_space<vmem>> -> memref<16xi32, #tpu.memory_space<vmem>>
    %dma_start3A_435 = tpu.memref_slice %arg3[%add3A_423] : memref<32768xi32, #tpu.memory_space<hbm>> -> memref<16xi32, #tpu.memory_space<hbm>>
    tpu.enqueue_dma source(%dma_start3A_435 : memref<16xi32, #tpu.memory_space<hbm>>) target(%dma_start3A_434 : memref<16xi32, #tpu.memory_space<vmem>>) target_semaphore(%arg11 : memref<!tpu.dma_semaphore, #tpu.memory_space<semaphore_mem>>)
    %mul3A_436 = arith.constant 16 : i32
    %mul3A_437 = arith.muli %add3A_4, %mul3A_436 : i32
    %add3A_438 = arith.constant 27648 : i32
    %add3A_439 = arith.addi %add3A_438, %mul3A_437 : i32
    %dma_start3A_440 = arith.constant 432 : i32
    %dma_start3A_441 = tpu.memref_slice %arg6[%dma_start3A_440] : memref<512xf32, #tpu.memory_space<vmem>> -> memref<16xf32, #tpu.memory_space<vmem>>
    %dma_start3A_442 = tpu.memref_slice %arg2[%add3A_439] : memref<32768xf32, #tpu.memory_space<hbm>> -> memref<16xf32, #tpu.memory_space<hbm>>
    %dma_start3A_443 = arith.constant 432 : i32
    %dma_start3A_444 = tpu.memref_slice %arg6[%dma_start3A_443] : memref<512xf32, #tpu.memory_space<vmem>> -> memref<16xf32, #tpu.memory_space<vmem>>
    %dma_start3A_445 = tpu.memref_slice %arg2[%add3A_439] : memref<32768xf32, #tpu.memory_space<hbm>> -> memref<16xf32, #tpu.memory_space<hbm>>
    tpu.enqueue_dma source(%dma_start3A_445 : memref<16xf32, #tpu.memory_space<hbm>>) target(%dma_start3A_444 : memref<16xf32, #tpu.memory_space<vmem>>) target_semaphore(%arg11 : memref<!tpu.dma_semaphore, #tpu.memory_space<semaphore_mem>>)
    %dma_start3A_446 = arith.constant 432 : i32
    %dma_start3A_447 = tpu.memref_slice %arg7[%dma_start3A_446] : memref<512xi32, #tpu.memory_space<vmem>> -> memref<16xi32, #tpu.memory_space<vmem>>
    %dma_start3A_448 = tpu.memref_slice %arg3[%add3A_439] : memref<32768xi32, #tpu.memory_space<hbm>> -> memref<16xi32, #tpu.memory_space<hbm>>
    %dma_start3A_449 = arith.constant 432 : i32
    %dma_start3A_450 = tpu.memref_slice %arg7[%dma_start3A_449] : memref<512xi32, #tpu.memory_space<vmem>> -> memref<16xi32, #tpu.memory_space<vmem>>
    %dma_start3A_451 = tpu.memref_slice %arg3[%add3A_439] : memref<32768xi32, #tpu.memory_space<hbm>> -> memref<16xi32, #tpu.memory_space<hbm>>
    tpu.enqueue_dma source(%dma_start3A_451 : memref<16xi32, #tpu.memory_space<hbm>>) target(%dma_start3A_450 : memref<16xi32, #tpu.memory_space<vmem>>) target_semaphore(%arg11 : memref<!tpu.dma_semaphore, #tpu.memory_space<semaphore_mem>>)
    %mul3A_452 = arith.constant 16 : i32
    %mul3A_453 = arith.muli %add3A_4, %mul3A_452 : i32
    %add3A_454 = arith.constant 28672 : i32
    %add3A_455 = arith.addi %add3A_454, %mul3A_453 : i32
    %dma_start3A_456 = arith.constant 448 : i32
    %dma_start3A_457 = tpu.memref_slice %arg6[%dma_start3A_456] : memref<512xf32, #tpu.memory_space<vmem>> -> memref<16xf32, #tpu.memory_space<vmem>>
    %dma_start3A_458 = tpu.memref_slice %arg2[%add3A_455] : memref<32768xf32, #tpu.memory_space<hbm>> -> memref<16xf32, #tpu.memory_space<hbm>>
    %dma_start3A_459 = arith.constant 448 : i32
    %dma_start3A_460 = tpu.memref_slice %arg6[%dma_start3A_459] : memref<512xf32, #tpu.memory_space<vmem>> -> memref<16xf32, #tpu.memory_space<vmem>>
    %dma_start3A_461 = tpu.memref_slice %arg2[%add3A_455] : memref<32768xf32, #tpu.memory_space<hbm>> -> memref<16xf32, #tpu.memory_space<hbm>>
    tpu.enqueue_dma source(%dma_start3A_461 : memref<16xf32, #tpu.memory_space<hbm>>) target(%dma_start3A_460 : memref<16xf32, #tpu.memory_space<vmem>>) target_semaphore(%arg11 : memref<!tpu.dma_semaphore, #tpu.memory_space<semaphore_mem>>)
    %dma_start3A_462 = arith.constant 448 : i32
    %dma_start3A_463 = tpu.memref_slice %arg7[%dma_start3A_462] : memref<512xi32, #tpu.memory_space<vmem>> -> memref<16xi32, #tpu.memory_space<vmem>>
    %dma_start3A_464 = tpu.memref_slice %arg3[%add3A_455] : memref<32768xi32, #tpu.memory_space<hbm>> -> memref<16xi32, #tpu.memory_space<hbm>>
    %dma_start3A_465 = arith.constant 448 : i32
    %dma_start3A_466 = tpu.memref_slice %arg7[%dma_start3A_465] : memref<512xi32, #tpu.memory_space<vmem>> -> memref<16xi32, #tpu.memory_space<vmem>>
    %dma_start3A_467 = tpu.memref_slice %arg3[%add3A_455] : memref<32768xi32, #tpu.memory_space<hbm>> -> memref<16xi32, #tpu.memory_space<hbm>>
    tpu.enqueue_dma source(%dma_start3A_467 : memref<16xi32, #tpu.memory_space<hbm>>) target(%dma_start3A_466 : memref<16xi32, #tpu.memory_space<vmem>>) target_semaphore(%arg11 : memref<!tpu.dma_semaphore, #tpu.memory_space<semaphore_mem>>)
    %mul3A_468 = arith.constant 16 : i32
    %mul3A_469 = arith.muli %add3A_4, %mul3A_468 : i32
    %add3A_470 = arith.constant 29696 : i32
    %add3A_471 = arith.addi %add3A_470, %mul3A_469 : i32
    %dma_start3A_472 = arith.constant 464 : i32
    %dma_start3A_473 = tpu.memref_slice %arg6[%dma_start3A_472] : memref<512xf32, #tpu.memory_space<vmem>> -> memref<16xf32, #tpu.memory_space<vmem>>
    %dma_start3A_474 = tpu.memref_slice %arg2[%add3A_471] : memref<32768xf32, #tpu.memory_space<hbm>> -> memref<16xf32, #tpu.memory_space<hbm>>
    %dma_start3A_475 = arith.constant 464 : i32
    %dma_start3A_476 = tpu.memref_slice %arg6[%dma_start3A_475] : memref<512xf32, #tpu.memory_space<vmem>> -> memref<16xf32, #tpu.memory_space<vmem>>
    %dma_start3A_477 = tpu.memref_slice %arg2[%add3A_471] : memref<32768xf32, #tpu.memory_space<hbm>> -> memref<16xf32, #tpu.memory_space<hbm>>
    tpu.enqueue_dma source(%dma_start3A_477 : memref<16xf32, #tpu.memory_space<hbm>>) target(%dma_start3A_476 : memref<16xf32, #tpu.memory_space<vmem>>) target_semaphore(%arg11 : memref<!tpu.dma_semaphore, #tpu.memory_space<semaphore_mem>>)
    %dma_start3A_478 = arith.constant 464 : i32
    %dma_start3A_479 = tpu.memref_slice %arg7[%dma_start3A_478] : memref<512xi32, #tpu.memory_space<vmem>> -> memref<16xi32, #tpu.memory_space<vmem>>
    %dma_start3A_480 = tpu.memref_slice %arg3[%add3A_471] : memref<32768xi32, #tpu.memory_space<hbm>> -> memref<16xi32, #tpu.memory_space<hbm>>
    %dma_start3A_481 = arith.constant 464 : i32
    %dma_start3A_482 = tpu.memref_slice %arg7[%dma_start3A_481] : memref<512xi32, #tpu.memory_space<vmem>> -> memref<16xi32, #tpu.memory_space<vmem>>
    %dma_start3A_483 = tpu.memref_slice %arg3[%add3A_471] : memref<32768xi32, #tpu.memory_space<hbm>> -> memref<16xi32, #tpu.memory_space<hbm>>
    tpu.enqueue_dma source(%dma_start3A_483 : memref<16xi32, #tpu.memory_space<hbm>>) target(%dma_start3A_482 : memref<16xi32, #tpu.memory_space<vmem>>) target_semaphore(%arg11 : memref<!tpu.dma_semaphore, #tpu.memory_space<semaphore_mem>>)
    %mul3A_484 = arith.constant 16 : i32
    %mul3A_485 = arith.muli %add3A_4, %mul3A_484 : i32
    %add3A_486 = arith.constant 30720 : i32
    %add3A_487 = arith.addi %add3A_486, %mul3A_485 : i32
    %dma_start3A_488 = arith.constant 480 : i32
    %dma_start3A_489 = tpu.memref_slice %arg6[%dma_start3A_488] : memref<512xf32, #tpu.memory_space<vmem>> -> memref<16xf32, #tpu.memory_space<vmem>>
    %dma_start3A_490 = tpu.memref_slice %arg2[%add3A_487] : memref<32768xf32, #tpu.memory_space<hbm>> -> memref<16xf32, #tpu.memory_space<hbm>>
    %dma_start3A_491 = arith.constant 480 : i32
    %dma_start3A_492 = tpu.memref_slice %arg6[%dma_start3A_491] : memref<512xf32, #tpu.memory_space<vmem>> -> memref<16xf32, #tpu.memory_space<vmem>>
    %dma_start3A_493 = tpu.memref_slice %arg2[%add3A_487] : memref<32768xf32, #tpu.memory_space<hbm>> -> memref<16xf32, #tpu.memory_space<hbm>>
    tpu.enqueue_dma source(%dma_start3A_493 : memref<16xf32, #tpu.memory_space<hbm>>) target(%dma_start3A_492 : memref<16xf32, #tpu.memory_space<vmem>>) target_semaphore(%arg11 : memref<!tpu.dma_semaphore, #tpu.memory_space<semaphore_mem>>)
    %dma_start3A_494 = arith.constant 480 : i32
    %dma_start3A_495 = tpu.memref_slice %arg7[%dma_start3A_494] : memref<512xi32, #tpu.memory_space<vmem>> -> memref<16xi32, #tpu.memory_space<vmem>>
    %dma_start3A_496 = tpu.memref_slice %arg3[%add3A_487] : memref<32768xi32, #tpu.memory_space<hbm>> -> memref<16xi32, #tpu.memory_space<hbm>>
    %dma_start3A_497 = arith.constant 480 : i32
    %dma_start3A_498 = tpu.memref_slice %arg7[%dma_start3A_497] : memref<512xi32, #tpu.memory_space<vmem>> -> memref<16xi32, #tpu.memory_space<vmem>>
    %dma_start3A_499 = tpu.memref_slice %arg3[%add3A_487] : memref<32768xi32, #tpu.memory_space<hbm>> -> memref<16xi32, #tpu.memory_space<hbm>>
    tpu.enqueue_dma source(%dma_start3A_499 : memref<16xi32, #tpu.memory_space<hbm>>) target(%dma_start3A_498 : memref<16xi32, #tpu.memory_space<vmem>>) target_semaphore(%arg11 : memref<!tpu.dma_semaphore, #tpu.memory_space<semaphore_mem>>)
    %mul3A_500 = arith.constant 16 : i32
    %mul3A_501 = arith.muli %add3A_4, %mul3A_500 : i32
    %add3A_502 = arith.constant 31744 : i32
    %add3A_503 = arith.addi %add3A_502, %mul3A_501 : i32
    %dma_start3A_504 = arith.constant 496 : i32
    %dma_start3A_505 = tpu.memref_slice %arg6[%dma_start3A_504] : memref<512xf32, #tpu.memory_space<vmem>> -> memref<16xf32, #tpu.memory_space<vmem>>
    %dma_start3A_506 = tpu.memref_slice %arg2[%add3A_503] : memref<32768xf32, #tpu.memory_space<hbm>> -> memref<16xf32, #tpu.memory_space<hbm>>
    %dma_start3A_507 = arith.constant 496 : i32
    %dma_start3A_508 = tpu.memref_slice %arg6[%dma_start3A_507] : memref<512xf32, #tpu.memory_space<vmem>> -> memref<16xf32, #tpu.memory_space<vmem>>
    %dma_start3A_509 = tpu.memref_slice %arg2[%add3A_503] : memref<32768xf32, #tpu.memory_space<hbm>> -> memref<16xf32, #tpu.memory_space<hbm>>
    tpu.enqueue_dma source(%dma_start3A_509 : memref<16xf32, #tpu.memory_space<hbm>>) target(%dma_start3A_508 : memref<16xf32, #tpu.memory_space<vmem>>) target_semaphore(%arg11 : memref<!tpu.dma_semaphore, #tpu.memory_space<semaphore_mem>>)
    %dma_start3A_510 = arith.constant 496 : i32
    %dma_start3A_511 = tpu.memref_slice %arg7[%dma_start3A_510] : memref<512xi32, #tpu.memory_space<vmem>> -> memref<16xi32, #tpu.memory_space<vmem>>
    %dma_start3A_512 = tpu.memref_slice %arg3[%add3A_503] : memref<32768xi32, #tpu.memory_space<hbm>> -> memref<16xi32, #tpu.memory_space<hbm>>
    %dma_start3A_513 = arith.constant 496 : i32
    %dma_start3A_514 = tpu.memref_slice %arg7[%dma_start3A_513] : memref<512xi32, #tpu.memory_space<vmem>> -> memref<16xi32, #tpu.memory_space<vmem>>
    %dma_start3A_515 = tpu.memref_slice %arg3[%add3A_503] : memref<32768xi32, #tpu.memory_space<hbm>> -> memref<16xi32, #tpu.memory_space<hbm>>
    tpu.enqueue_dma source(%dma_start3A_515 : memref<16xi32, #tpu.memory_space<hbm>>) target(%dma_start3A_514 : memref<16xi32, #tpu.memory_space<vmem>>) target_semaphore(%arg11 : memref<!tpu.dma_semaphore, #tpu.memory_space<semaphore_mem>>)
    %dma_wait3A = arith.constant 0 : i32
    %dma_wait3A_516 = tpu.memref_slice %arg6[%dma_wait3A] : memref<512xf32, #tpu.memory_space<vmem>> -> memref<16xf32, #tpu.memory_space<vmem>>
    %dma_wait3A_517 = tpu.memref_slice %arg2[%add3A_8] : memref<32768xf32, #tpu.memory_space<hbm>> -> memref<16xf32, #tpu.memory_space<hbm>>
    %dma_wait3A_518 = arith.constant 0 : i32
    %dma_wait3A_519 = tpu.memref_slice %arg6[%dma_wait3A_518] : memref<512xf32, #tpu.memory_space<vmem>> -> memref<16xf32, #tpu.memory_space<vmem>>
    %dma_wait3A_520 = tpu.memref_slice %arg2[%add3A_8] : memref<32768xf32, #tpu.memory_space<hbm>> -> memref<16xf32, #tpu.memory_space<hbm>>
    tpu.wait_dma2 semaphore(%arg11 : memref<!tpu.dma_semaphore, #tpu.memory_space<semaphore_mem>>) src(%dma_wait3A_520 : memref<16xf32, #tpu.memory_space<hbm>>) dst(%dma_wait3A_519 : memref<16xf32, #tpu.memory_space<vmem>>)
    %dma_wait3A_521 = arith.constant 0 : i32
    %dma_wait3A_522 = tpu.memref_slice %arg7[%dma_wait3A_521] : memref<512xi32, #tpu.memory_space<vmem>> -> memref<16xi32, #tpu.memory_space<vmem>>
    %dma_wait3A_523 = tpu.memref_slice %arg3[%add3A_8] : memref<32768xi32, #tpu.memory_space<hbm>> -> memref<16xi32, #tpu.memory_space<hbm>>
    %dma_wait3A_524 = arith.constant 0 : i32
    %dma_wait3A_525 = tpu.memref_slice %arg7[%dma_wait3A_524] : memref<512xi32, #tpu.memory_space<vmem>> -> memref<16xi32, #tpu.memory_space<vmem>>
    %dma_wait3A_526 = tpu.memref_slice %arg3[%add3A_8] : memref<32768xi32, #tpu.memory_space<hbm>> -> memref<16xi32, #tpu.memory_space<hbm>>
    tpu.wait_dma2 semaphore(%arg11 : memref<!tpu.dma_semaphore, #tpu.memory_space<semaphore_mem>>) src(%dma_wait3A_526 : memref<16xi32, #tpu.memory_space<hbm>>) dst(%dma_wait3A_525 : memref<16xi32, #tpu.memory_space<vmem>>)
    %dma_wait3A_527 = arith.constant 16 : i32
    %dma_wait3A_528 = tpu.memref_slice %arg6[%dma_wait3A_527] : memref<512xf32, #tpu.memory_space<vmem>> -> memref<16xf32, #tpu.memory_space<vmem>>
    %dma_wait3A_529 = tpu.memref_slice %arg2[%add3A_23] : memref<32768xf32, #tpu.memory_space<hbm>> -> memref<16xf32, #tpu.memory_space<hbm>>
    %dma_wait3A_530 = arith.constant 16 : i32
    %dma_wait3A_531 = tpu.memref_slice %arg6[%dma_wait3A_530] : memref<512xf32, #tpu.memory_space<vmem>> -> memref<16xf32, #tpu.memory_space<vmem>>
    %dma_wait3A_532 = tpu.memref_slice %arg2[%add3A_23] : memref<32768xf32, #tpu.memory_space<hbm>> -> memref<16xf32, #tpu.memory_space<hbm>>
    tpu.wait_dma2 semaphore(%arg11 : memref<!tpu.dma_semaphore, #tpu.memory_space<semaphore_mem>>) src(%dma_wait3A_532 : memref<16xf32, #tpu.memory_space<hbm>>) dst(%dma_wait3A_531 : memref<16xf32, #tpu.memory_space<vmem>>)
    %dma_wait3A_533 = arith.constant 16 : i32
    %dma_wait3A_534 = tpu.memref_slice %arg7[%dma_wait3A_533] : memref<512xi32, #tpu.memory_space<vmem>> -> memref<16xi32, #tpu.memory_space<vmem>>
    %dma_wait3A_535 = tpu.memref_slice %arg3[%add3A_23] : memref<32768xi32, #tpu.memory_space<hbm>> -> memref<16xi32, #tpu.memory_space<hbm>>
    %dma_wait3A_536 = arith.constant 16 : i32
    %dma_wait3A_537 = tpu.memref_slice %arg7[%dma_wait3A_536] : memref<512xi32, #tpu.memory_space<vmem>> -> memref<16xi32, #tpu.memory_space<vmem>>
    %dma_wait3A_538 = tpu.memref_slice %arg3[%add3A_23] : memref<32768xi32, #tpu.memory_space<hbm>> -> memref<16xi32, #tpu.memory_space<hbm>>
    tpu.wait_dma2 semaphore(%arg11 : memref<!tpu.dma_semaphore, #tpu.memory_space<semaphore_mem>>) src(%dma_wait3A_538 : memref<16xi32, #tpu.memory_space<hbm>>) dst(%dma_wait3A_537 : memref<16xi32, #tpu.memory_space<vmem>>)
    %dma_wait3A_539 = arith.constant 32 : i32
    %dma_wait3A_540 = tpu.memref_slice %arg6[%dma_wait3A_539] : memref<512xf32, #tpu.memory_space<vmem>> -> memref<16xf32, #tpu.memory_space<vmem>>
    %dma_wait3A_541 = tpu.memref_slice %arg2[%add3A_39] : memref<32768xf32, #tpu.memory_space<hbm>> -> memref<16xf32, #tpu.memory_space<hbm>>
    %dma_wait3A_542 = arith.constant 32 : i32
    %dma_wait3A_543 = tpu.memref_slice %arg6[%dma_wait3A_542] : memref<512xf32, #tpu.memory_space<vmem>> -> memref<16xf32, #tpu.memory_space<vmem>>
    %dma_wait3A_544 = tpu.memref_slice %arg2[%add3A_39] : memref<32768xf32, #tpu.memory_space<hbm>> -> memref<16xf32, #tpu.memory_space<hbm>>
    tpu.wait_dma2 semaphore(%arg11 : memref<!tpu.dma_semaphore, #tpu.memory_space<semaphore_mem>>) src(%dma_wait3A_544 : memref<16xf32, #tpu.memory_space<hbm>>) dst(%dma_wait3A_543 : memref<16xf32, #tpu.memory_space<vmem>>)
    %dma_wait3A_545 = arith.constant 32 : i32
    %dma_wait3A_546 = tpu.memref_slice %arg7[%dma_wait3A_545] : memref<512xi32, #tpu.memory_space<vmem>> -> memref<16xi32, #tpu.memory_space<vmem>>
    %dma_wait3A_547 = tpu.memref_slice %arg3[%add3A_39] : memref<32768xi32, #tpu.memory_space<hbm>> -> memref<16xi32, #tpu.memory_space<hbm>>
    %dma_wait3A_548 = arith.constant 32 : i32
    %dma_wait3A_549 = tpu.memref_slice %arg7[%dma_wait3A_548] : memref<512xi32, #tpu.memory_space<vmem>> -> memref<16xi32, #tpu.memory_space<vmem>>
    %dma_wait3A_550 = tpu.memref_slice %arg3[%add3A_39] : memref<32768xi32, #tpu.memory_space<hbm>> -> memref<16xi32, #tpu.memory_space<hbm>>
    tpu.wait_dma2 semaphore(%arg11 : memref<!tpu.dma_semaphore, #tpu.memory_space<semaphore_mem>>) src(%dma_wait3A_550 : memref<16xi32, #tpu.memory_space<hbm>>) dst(%dma_wait3A_549 : memref<16xi32, #tpu.memory_space<vmem>>)
    %dma_wait3A_551 = arith.constant 48 : i32
    %dma_wait3A_552 = tpu.memref_slice %arg6[%dma_wait3A_551] : memref<512xf32, #tpu.memory_space<vmem>> -> memref<16xf32, #tpu.memory_space<vmem>>
    %dma_wait3A_553 = tpu.memref_slice %arg2[%add3A_55] : memref<32768xf32, #tpu.memory_space<hbm>> -> memref<16xf32, #tpu.memory_space<hbm>>
    %dma_wait3A_554 = arith.constant 48 : i32
    %dma_wait3A_555 = tpu.memref_slice %arg6[%dma_wait3A_554] : memref<512xf32, #tpu.memory_space<vmem>> -> memref<16xf32, #tpu.memory_space<vmem>>
    %dma_wait3A_556 = tpu.memref_slice %arg2[%add3A_55] : memref<32768xf32, #tpu.memory_space<hbm>> -> memref<16xf32, #tpu.memory_space<hbm>>
    tpu.wait_dma2 semaphore(%arg11 : memref<!tpu.dma_semaphore, #tpu.memory_space<semaphore_mem>>) src(%dma_wait3A_556 : memref<16xf32, #tpu.memory_space<hbm>>) dst(%dma_wait3A_555 : memref<16xf32, #tpu.memory_space<vmem>>)
    %dma_wait3A_557 = arith.constant 48 : i32
    %dma_wait3A_558 = tpu.memref_slice %arg7[%dma_wait3A_557] : memref<512xi32, #tpu.memory_space<vmem>> -> memref<16xi32, #tpu.memory_space<vmem>>
    %dma_wait3A_559 = tpu.memref_slice %arg3[%add3A_55] : memref<32768xi32, #tpu.memory_space<hbm>> -> memref<16xi32, #tpu.memory_space<hbm>>
    %dma_wait3A_560 = arith.constant 48 : i32
    %dma_wait3A_561 = tpu.memref_slice %arg7[%dma_wait3A_560] : memref<512xi32, #tpu.memory_space<vmem>> -> memref<16xi32, #tpu.memory_space<vmem>>
    %dma_wait3A_562 = tpu.memref_slice %arg3[%add3A_55] : memref<32768xi32, #tpu.memory_space<hbm>> -> memref<16xi32, #tpu.memory_space<hbm>>
    tpu.wait_dma2 semaphore(%arg11 : memref<!tpu.dma_semaphore, #tpu.memory_space<semaphore_mem>>) src(%dma_wait3A_562 : memref<16xi32, #tpu.memory_space<hbm>>) dst(%dma_wait3A_561 : memref<16xi32, #tpu.memory_space<vmem>>)
    %dma_wait3A_563 = arith.constant 64 : i32
    %dma_wait3A_564 = tpu.memref_slice %arg6[%dma_wait3A_563] : memref<512xf32, #tpu.memory_space<vmem>> -> memref<16xf32, #tpu.memory_space<vmem>>
    %dma_wait3A_565 = tpu.memref_slice %arg2[%add3A_71] : memref<32768xf32, #tpu.memory_space<hbm>> -> memref<16xf32, #tpu.memory_space<hbm>>
    %dma_wait3A_566 = arith.constant 64 : i32
    %dma_wait3A_567 = tpu.memref_slice %arg6[%dma_wait3A_566] : memref<512xf32, #tpu.memory_space<vmem>> -> memref<16xf32, #tpu.memory_space<vmem>>
    %dma_wait3A_568 = tpu.memref_slice %arg2[%add3A_71] : memref<32768xf32, #tpu.memory_space<hbm>> -> memref<16xf32, #tpu.memory_space<hbm>>
    tpu.wait_dma2 semaphore(%arg11 : memref<!tpu.dma_semaphore, #tpu.memory_space<semaphore_mem>>) src(%dma_wait3A_568 : memref<16xf32, #tpu.memory_space<hbm>>) dst(%dma_wait3A_567 : memref<16xf32, #tpu.memory_space<vmem>>)
    %dma_wait3A_569 = arith.constant 64 : i32
    %dma_wait3A_570 = tpu.memref_slice %arg7[%dma_wait3A_569] : memref<512xi32, #tpu.memory_space<vmem>> -> memref<16xi32, #tpu.memory_space<vmem>>
    %dma_wait3A_571 = tpu.memref_slice %arg3[%add3A_71] : memref<32768xi32, #tpu.memory_space<hbm>> -> memref<16xi32, #tpu.memory_space<hbm>>
    %dma_wait3A_572 = arith.constant 64 : i32
    %dma_wait3A_573 = tpu.memref_slice %arg7[%dma_wait3A_572] : memref<512xi32, #tpu.memory_space<vmem>> -> memref<16xi32, #tpu.memory_space<vmem>>
    %dma_wait3A_574 = tpu.memref_slice %arg3[%add3A_71] : memref<32768xi32, #tpu.memory_space<hbm>> -> memref<16xi32, #tpu.memory_space<hbm>>
    tpu.wait_dma2 semaphore(%arg11 : memref<!tpu.dma_semaphore, #tpu.memory_space<semaphore_mem>>) src(%dma_wait3A_574 : memref<16xi32, #tpu.memory_space<hbm>>) dst(%dma_wait3A_573 : memref<16xi32, #tpu.memory_space<vmem>>)
    %dma_wait3A_575 = arith.constant 80 : i32
    %dma_wait3A_576 = tpu.memref_slice %arg6[%dma_wait3A_575] : memref<512xf32, #tpu.memory_space<vmem>> -> memref<16xf32, #tpu.memory_space<vmem>>
    %dma_wait3A_577 = tpu.memref_slice %arg2[%add3A_87] : memref<32768xf32, #tpu.memory_space<hbm>> -> memref<16xf32, #tpu.memory_space<hbm>>
    %dma_wait3A_578 = arith.constant 80 : i32
    %dma_wait3A_579 = tpu.memref_slice %arg6[%dma_wait3A_578] : memref<512xf32, #tpu.memory_space<vmem>> -> memref<16xf32, #tpu.memory_space<vmem>>
    %dma_wait3A_580 = tpu.memref_slice %arg2[%add3A_87] : memref<32768xf32, #tpu.memory_space<hbm>> -> memref<16xf32, #tpu.memory_space<hbm>>
    tpu.wait_dma2 semaphore(%arg11 : memref<!tpu.dma_semaphore, #tpu.memory_space<semaphore_mem>>) src(%dma_wait3A_580 : memref<16xf32, #tpu.memory_space<hbm>>) dst(%dma_wait3A_579 : memref<16xf32, #tpu.memory_space<vmem>>)
    %dma_wait3A_581 = arith.constant 80 : i32
    %dma_wait3A_582 = tpu.memref_slice %arg7[%dma_wait3A_581] : memref<512xi32, #tpu.memory_space<vmem>> -> memref<16xi32, #tpu.memory_space<vmem>>
    %dma_wait3A_583 = tpu.memref_slice %arg3[%add3A_87] : memref<32768xi32, #tpu.memory_space<hbm>> -> memref<16xi32, #tpu.memory_space<hbm>>
    %dma_wait3A_584 = arith.constant 80 : i32
    %dma_wait3A_585 = tpu.memref_slice %arg7[%dma_wait3A_584] : memref<512xi32, #tpu.memory_space<vmem>> -> memref<16xi32, #tpu.memory_space<vmem>>
    %dma_wait3A_586 = tpu.memref_slice %arg3[%add3A_87] : memref<32768xi32, #tpu.memory_space<hbm>> -> memref<16xi32, #tpu.memory_space<hbm>>
    tpu.wait_dma2 semaphore(%arg11 : memref<!tpu.dma_semaphore, #tpu.memory_space<semaphore_mem>>) src(%dma_wait3A_586 : memref<16xi32, #tpu.memory_space<hbm>>) dst(%dma_wait3A_585 : memref<16xi32, #tpu.memory_space<vmem>>)
    %dma_wait3A_587 = arith.constant 96 : i32
    %dma_wait3A_588 = tpu.memref_slice %arg6[%dma_wait3A_587] : memref<512xf32, #tpu.memory_space<vmem>> -> memref<16xf32, #tpu.memory_space<vmem>>
    %dma_wait3A_589 = tpu.memref_slice %arg2[%add3A_103] : memref<32768xf32, #tpu.memory_space<hbm>> -> memref<16xf32, #tpu.memory_space<hbm>>
    %dma_wait3A_590 = arith.constant 96 : i32
    %dma_wait3A_591 = tpu.memref_slice %arg6[%dma_wait3A_590] : memref<512xf32, #tpu.memory_space<vmem>> -> memref<16xf32, #tpu.memory_space<vmem>>
    %dma_wait3A_592 = tpu.memref_slice %arg2[%add3A_103] : memref<32768xf32, #tpu.memory_space<hbm>> -> memref<16xf32, #tpu.memory_space<hbm>>
    tpu.wait_dma2 semaphore(%arg11 : memref<!tpu.dma_semaphore, #tpu.memory_space<semaphore_mem>>) src(%dma_wait3A_592 : memref<16xf32, #tpu.memory_space<hbm>>) dst(%dma_wait3A_591 : memref<16xf32, #tpu.memory_space<vmem>>)
    %dma_wait3A_593 = arith.constant 96 : i32
    %dma_wait3A_594 = tpu.memref_slice %arg7[%dma_wait3A_593] : memref<512xi32, #tpu.memory_space<vmem>> -> memref<16xi32, #tpu.memory_space<vmem>>
    %dma_wait3A_595 = tpu.memref_slice %arg3[%add3A_103] : memref<32768xi32, #tpu.memory_space<hbm>> -> memref<16xi32, #tpu.memory_space<hbm>>
    %dma_wait3A_596 = arith.constant 96 : i32
    %dma_wait3A_597 = tpu.memref_slice %arg7[%dma_wait3A_596] : memref<512xi32, #tpu.memory_space<vmem>> -> memref<16xi32, #tpu.memory_space<vmem>>
    %dma_wait3A_598 = tpu.memref_slice %arg3[%add3A_103] : memref<32768xi32, #tpu.memory_space<hbm>> -> memref<16xi32, #tpu.memory_space<hbm>>
    tpu.wait_dma2 semaphore(%arg11 : memref<!tpu.dma_semaphore, #tpu.memory_space<semaphore_mem>>) src(%dma_wait3A_598 : memref<16xi32, #tpu.memory_space<hbm>>) dst(%dma_wait3A_597 : memref<16xi32, #tpu.memory_space<vmem>>)
    %dma_wait3A_599 = arith.constant 112 : i32
    %dma_wait3A_600 = tpu.memref_slice %arg6[%dma_wait3A_599] : memref<512xf32, #tpu.memory_space<vmem>> -> memref<16xf32, #tpu.memory_space<vmem>>
    %dma_wait3A_601 = tpu.memref_slice %arg2[%add3A_119] : memref<32768xf32, #tpu.memory_space<hbm>> -> memref<16xf32, #tpu.memory_space<hbm>>
    %dma_wait3A_602 = arith.constant 112 : i32
    %dma_wait3A_603 = tpu.memref_slice %arg6[%dma_wait3A_602] : memref<512xf32, #tpu.memory_space<vmem>> -> memref<16xf32, #tpu.memory_space<vmem>>
    %dma_wait3A_604 = tpu.memref_slice %arg2[%add3A_119] : memref<32768xf32, #tpu.memory_space<hbm>> -> memref<16xf32, #tpu.memory_space<hbm>>
    tpu.wait_dma2 semaphore(%arg11 : memref<!tpu.dma_semaphore, #tpu.memory_space<semaphore_mem>>) src(%dma_wait3A_604 : memref<16xf32, #tpu.memory_space<hbm>>) dst(%dma_wait3A_603 : memref<16xf32, #tpu.memory_space<vmem>>)
    %dma_wait3A_605 = arith.constant 112 : i32
    %dma_wait3A_606 = tpu.memref_slice %arg7[%dma_wait3A_605] : memref<512xi32, #tpu.memory_space<vmem>> -> memref<16xi32, #tpu.memory_space<vmem>>
    %dma_wait3A_607 = tpu.memref_slice %arg3[%add3A_119] : memref<32768xi32, #tpu.memory_space<hbm>> -> memref<16xi32, #tpu.memory_space<hbm>>
    %dma_wait3A_608 = arith.constant 112 : i32
    %dma_wait3A_609 = tpu.memref_slice %arg7[%dma_wait3A_608] : memref<512xi32, #tpu.memory_space<vmem>> -> memref<16xi32, #tpu.memory_space<vmem>>
    %dma_wait3A_610 = tpu.memref_slice %arg3[%add3A_119] : memref<32768xi32, #tpu.memory_space<hbm>> -> memref<16xi32, #tpu.memory_space<hbm>>
    tpu.wait_dma2 semaphore(%arg11 : memref<!tpu.dma_semaphore, #tpu.memory_space<semaphore_mem>>) src(%dma_wait3A_610 : memref<16xi32, #tpu.memory_space<hbm>>) dst(%dma_wait3A_609 : memref<16xi32, #tpu.memory_space<vmem>>)
    %dma_wait3A_611 = arith.constant 128 : i32
    %dma_wait3A_612 = tpu.memref_slice %arg6[%dma_wait3A_611] : memref<512xf32, #tpu.memory_space<vmem>> -> memref<16xf32, #tpu.memory_space<vmem>>
    %dma_wait3A_613 = tpu.memref_slice %arg2[%add3A_135] : memref<32768xf32, #tpu.memory_space<hbm>> -> memref<16xf32, #tpu.memory_space<hbm>>
    %dma_wait3A_614 = arith.constant 128 : i32
    %dma_wait3A_615 = tpu.memref_slice %arg6[%dma_wait3A_614] : memref<512xf32, #tpu.memory_space<vmem>> -> memref<16xf32, #tpu.memory_space<vmem>>
    %dma_wait3A_616 = tpu.memref_slice %arg2[%add3A_135] : memref<32768xf32, #tpu.memory_space<hbm>> -> memref<16xf32, #tpu.memory_space<hbm>>
    tpu.wait_dma2 semaphore(%arg11 : memref<!tpu.dma_semaphore, #tpu.memory_space<semaphore_mem>>) src(%dma_wait3A_616 : memref<16xf32, #tpu.memory_space<hbm>>) dst(%dma_wait3A_615 : memref<16xf32, #tpu.memory_space<vmem>>)
    %dma_wait3A_617 = arith.constant 128 : i32
    %dma_wait3A_618 = tpu.memref_slice %arg7[%dma_wait3A_617] : memref<512xi32, #tpu.memory_space<vmem>> -> memref<16xi32, #tpu.memory_space<vmem>>
    %dma_wait3A_619 = tpu.memref_slice %arg3[%add3A_135] : memref<32768xi32, #tpu.memory_space<hbm>> -> memref<16xi32, #tpu.memory_space<hbm>>
    %dma_wait3A_620 = arith.constant 128 : i32
    %dma_wait3A_621 = tpu.memref_slice %arg7[%dma_wait3A_620] : memref<512xi32, #tpu.memory_space<vmem>> -> memref<16xi32, #tpu.memory_space<vmem>>
    %dma_wait3A_622 = tpu.memref_slice %arg3[%add3A_135] : memref<32768xi32, #tpu.memory_space<hbm>> -> memref<16xi32, #tpu.memory_space<hbm>>
    tpu.wait_dma2 semaphore(%arg11 : memref<!tpu.dma_semaphore, #tpu.memory_space<semaphore_mem>>) src(%dma_wait3A_622 : memref<16xi32, #tpu.memory_space<hbm>>) dst(%dma_wait3A_621 : memref<16xi32, #tpu.memory_space<vmem>>)
    %dma_wait3A_623 = arith.constant 144 : i32
    %dma_wait3A_624 = tpu.memref_slice %arg6[%dma_wait3A_623] : memref<512xf32, #tpu.memory_space<vmem>> -> memref<16xf32, #tpu.memory_space<vmem>>
    %dma_wait3A_625 = tpu.memref_slice %arg2[%add3A_151] : memref<32768xf32, #tpu.memory_space<hbm>> -> memref<16xf32, #tpu.memory_space<hbm>>
    %dma_wait3A_626 = arith.constant 144 : i32
    %dma_wait3A_627 = tpu.memref_slice %arg6[%dma_wait3A_626] : memref<512xf32, #tpu.memory_space<vmem>> -> memref<16xf32, #tpu.memory_space<vmem>>
    %dma_wait3A_628 = tpu.memref_slice %arg2[%add3A_151] : memref<32768xf32, #tpu.memory_space<hbm>> -> memref<16xf32, #tpu.memory_space<hbm>>
    tpu.wait_dma2 semaphore(%arg11 : memref<!tpu.dma_semaphore, #tpu.memory_space<semaphore_mem>>) src(%dma_wait3A_628 : memref<16xf32, #tpu.memory_space<hbm>>) dst(%dma_wait3A_627 : memref<16xf32, #tpu.memory_space<vmem>>)
    %dma_wait3A_629 = arith.constant 144 : i32
    %dma_wait3A_630 = tpu.memref_slice %arg7[%dma_wait3A_629] : memref<512xi32, #tpu.memory_space<vmem>> -> memref<16xi32, #tpu.memory_space<vmem>>
    %dma_wait3A_631 = tpu.memref_slice %arg3[%add3A_151] : memref<32768xi32, #tpu.memory_space<hbm>> -> memref<16xi32, #tpu.memory_space<hbm>>
    %dma_wait3A_632 = arith.constant 144 : i32
    %dma_wait3A_633 = tpu.memref_slice %arg7[%dma_wait3A_632] : memref<512xi32, #tpu.memory_space<vmem>> -> memref<16xi32, #tpu.memory_space<vmem>>
    %dma_wait3A_634 = tpu.memref_slice %arg3[%add3A_151] : memref<32768xi32, #tpu.memory_space<hbm>> -> memref<16xi32, #tpu.memory_space<hbm>>
    tpu.wait_dma2 semaphore(%arg11 : memref<!tpu.dma_semaphore, #tpu.memory_space<semaphore_mem>>) src(%dma_wait3A_634 : memref<16xi32, #tpu.memory_space<hbm>>) dst(%dma_wait3A_633 : memref<16xi32, #tpu.memory_space<vmem>>)
    %dma_wait3A_635 = arith.constant 160 : i32
    %dma_wait3A_636 = tpu.memref_slice %arg6[%dma_wait3A_635] : memref<512xf32, #tpu.memory_space<vmem>> -> memref<16xf32, #tpu.memory_space<vmem>>
    %dma_wait3A_637 = tpu.memref_slice %arg2[%add3A_167] : memref<32768xf32, #tpu.memory_space<hbm>> -> memref<16xf32, #tpu.memory_space<hbm>>
    %dma_wait3A_638 = arith.constant 160 : i32
    %dma_wait3A_639 = tpu.memref_slice %arg6[%dma_wait3A_638] : memref<512xf32, #tpu.memory_space<vmem>> -> memref<16xf32, #tpu.memory_space<vmem>>
    %dma_wait3A_640 = tpu.memref_slice %arg2[%add3A_167] : memref<32768xf32, #tpu.memory_space<hbm>> -> memref<16xf32, #tpu.memory_space<hbm>>
    tpu.wait_dma2 semaphore(%arg11 : memref<!tpu.dma_semaphore, #tpu.memory_space<semaphore_mem>>) src(%dma_wait3A_640 : memref<16xf32, #tpu.memory_space<hbm>>) dst(%dma_wait3A_639 : memref<16xf32, #tpu.memory_space<vmem>>)
    %dma_wait3A_641 = arith.constant 160 : i32
    %dma_wait3A_642 = tpu.memref_slice %arg7[%dma_wait3A_641] : memref<512xi32, #tpu.memory_space<vmem>> -> memref<16xi32, #tpu.memory_space<vmem>>
    %dma_wait3A_643 = tpu.memref_slice %arg3[%add3A_167] : memref<32768xi32, #tpu.memory_space<hbm>> -> memref<16xi32, #tpu.memory_space<hbm>>
    %dma_wait3A_644 = arith.constant 160 : i32
    %dma_wait3A_645 = tpu.memref_slice %arg7[%dma_wait3A_644] : memref<512xi32, #tpu.memory_space<vmem>> -> memref<16xi32, #tpu.memory_space<vmem>>
    %dma_wait3A_646 = tpu.memref_slice %arg3[%add3A_167] : memref<32768xi32, #tpu.memory_space<hbm>> -> memref<16xi32, #tpu.memory_space<hbm>>
    tpu.wait_dma2 semaphore(%arg11 : memref<!tpu.dma_semaphore, #tpu.memory_space<semaphore_mem>>) src(%dma_wait3A_646 : memref<16xi32, #tpu.memory_space<hbm>>) dst(%dma_wait3A_645 : memref<16xi32, #tpu.memory_space<vmem>>)
    %dma_wait3A_647 = arith.constant 176 : i32
    %dma_wait3A_648 = tpu.memref_slice %arg6[%dma_wait3A_647] : memref<512xf32, #tpu.memory_space<vmem>> -> memref<16xf32, #tpu.memory_space<vmem>>
    %dma_wait3A_649 = tpu.memref_slice %arg2[%add3A_183] : memref<32768xf32, #tpu.memory_space<hbm>> -> memref<16xf32, #tpu.memory_space<hbm>>
    %dma_wait3A_650 = arith.constant 176 : i32
    %dma_wait3A_651 = tpu.memref_slice %arg6[%dma_wait3A_650] : memref<512xf32, #tpu.memory_space<vmem>> -> memref<16xf32, #tpu.memory_space<vmem>>
    %dma_wait3A_652 = tpu.memref_slice %arg2[%add3A_183] : memref<32768xf32, #tpu.memory_space<hbm>> -> memref<16xf32, #tpu.memory_space<hbm>>
    tpu.wait_dma2 semaphore(%arg11 : memref<!tpu.dma_semaphore, #tpu.memory_space<semaphore_mem>>) src(%dma_wait3A_652 : memref<16xf32, #tpu.memory_space<hbm>>) dst(%dma_wait3A_651 : memref<16xf32, #tpu.memory_space<vmem>>)
    %dma_wait3A_653 = arith.constant 176 : i32
    %dma_wait3A_654 = tpu.memref_slice %arg7[%dma_wait3A_653] : memref<512xi32, #tpu.memory_space<vmem>> -> memref<16xi32, #tpu.memory_space<vmem>>
    %dma_wait3A_655 = tpu.memref_slice %arg3[%add3A_183] : memref<32768xi32, #tpu.memory_space<hbm>> -> memref<16xi32, #tpu.memory_space<hbm>>
    %dma_wait3A_656 = arith.constant 176 : i32
    %dma_wait3A_657 = tpu.memref_slice %arg7[%dma_wait3A_656] : memref<512xi32, #tpu.memory_space<vmem>> -> memref<16xi32, #tpu.memory_space<vmem>>
    %dma_wait3A_658 = tpu.memref_slice %arg3[%add3A_183] : memref<32768xi32, #tpu.memory_space<hbm>> -> memref<16xi32, #tpu.memory_space<hbm>>
    tpu.wait_dma2 semaphore(%arg11 : memref<!tpu.dma_semaphore, #tpu.memory_space<semaphore_mem>>) src(%dma_wait3A_658 : memref<16xi32, #tpu.memory_space<hbm>>) dst(%dma_wait3A_657 : memref<16xi32, #tpu.memory_space<vmem>>)
    %dma_wait3A_659 = arith.constant 192 : i32
    %dma_wait3A_660 = tpu.memref_slice %arg6[%dma_wait3A_659] : memref<512xf32, #tpu.memory_space<vmem>> -> memref<16xf32, #tpu.memory_space<vmem>>
    %dma_wait3A_661 = tpu.memref_slice %arg2[%add3A_199] : memref<32768xf32, #tpu.memory_space<hbm>> -> memref<16xf32, #tpu.memory_space<hbm>>
    %dma_wait3A_662 = arith.constant 192 : i32
    %dma_wait3A_663 = tpu.memref_slice %arg6[%dma_wait3A_662] : memref<512xf32, #tpu.memory_space<vmem>> -> memref<16xf32, #tpu.memory_space<vmem>>
    %dma_wait3A_664 = tpu.memref_slice %arg2[%add3A_199] : memref<32768xf32, #tpu.memory_space<hbm>> -> memref<16xf32, #tpu.memory_space<hbm>>
    tpu.wait_dma2 semaphore(%arg11 : memref<!tpu.dma_semaphore, #tpu.memory_space<semaphore_mem>>) src(%dma_wait3A_664 : memref<16xf32, #tpu.memory_space<hbm>>) dst(%dma_wait3A_663 : memref<16xf32, #tpu.memory_space<vmem>>)
    %dma_wait3A_665 = arith.constant 192 : i32
    %dma_wait3A_666 = tpu.memref_slice %arg7[%dma_wait3A_665] : memref<512xi32, #tpu.memory_space<vmem>> -> memref<16xi32, #tpu.memory_space<vmem>>
    %dma_wait3A_667 = tpu.memref_slice %arg3[%add3A_199] : memref<32768xi32, #tpu.memory_space<hbm>> -> memref<16xi32, #tpu.memory_space<hbm>>
    %dma_wait3A_668 = arith.constant 192 : i32
    %dma_wait3A_669 = tpu.memref_slice %arg7[%dma_wait3A_668] : memref<512xi32, #tpu.memory_space<vmem>> -> memref<16xi32, #tpu.memory_space<vmem>>
    %dma_wait3A_670 = tpu.memref_slice %arg3[%add3A_199] : memref<32768xi32, #tpu.memory_space<hbm>> -> memref<16xi32, #tpu.memory_space<hbm>>
    tpu.wait_dma2 semaphore(%arg11 : memref<!tpu.dma_semaphore, #tpu.memory_space<semaphore_mem>>) src(%dma_wait3A_670 : memref<16xi32, #tpu.memory_space<hbm>>) dst(%dma_wait3A_669 : memref<16xi32, #tpu.memory_space<vmem>>)
    %dma_wait3A_671 = arith.constant 208 : i32
    %dma_wait3A_672 = tpu.memref_slice %arg6[%dma_wait3A_671] : memref<512xf32, #tpu.memory_space<vmem>> -> memref<16xf32, #tpu.memory_space<vmem>>
    %dma_wait3A_673 = tpu.memref_slice %arg2[%add3A_215] : memref<32768xf32, #tpu.memory_space<hbm>> -> memref<16xf32, #tpu.memory_space<hbm>>
    %dma_wait3A_674 = arith.constant 208 : i32
    %dma_wait3A_675 = tpu.memref_slice %arg6[%dma_wait3A_674] : memref<512xf32, #tpu.memory_space<vmem>> -> memref<16xf32, #tpu.memory_space<vmem>>
    %dma_wait3A_676 = tpu.memref_slice %arg2[%add3A_215] : memref<32768xf32, #tpu.memory_space<hbm>> -> memref<16xf32, #tpu.memory_space<hbm>>
    tpu.wait_dma2 semaphore(%arg11 : memref<!tpu.dma_semaphore, #tpu.memory_space<semaphore_mem>>) src(%dma_wait3A_676 : memref<16xf32, #tpu.memory_space<hbm>>) dst(%dma_wait3A_675 : memref<16xf32, #tpu.memory_space<vmem>>)
    %dma_wait3A_677 = arith.constant 208 : i32
    %dma_wait3A_678 = tpu.memref_slice %arg7[%dma_wait3A_677] : memref<512xi32, #tpu.memory_space<vmem>> -> memref<16xi32, #tpu.memory_space<vmem>>
    %dma_wait3A_679 = tpu.memref_slice %arg3[%add3A_215] : memref<32768xi32, #tpu.memory_space<hbm>> -> memref<16xi32, #tpu.memory_space<hbm>>
    %dma_wait3A_680 = arith.constant 208 : i32
    %dma_wait3A_681 = tpu.memref_slice %arg7[%dma_wait3A_680] : memref<512xi32, #tpu.memory_space<vmem>> -> memref<16xi32, #tpu.memory_space<vmem>>
    %dma_wait3A_682 = tpu.memref_slice %arg3[%add3A_215] : memref<32768xi32, #tpu.memory_space<hbm>> -> memref<16xi32, #tpu.memory_space<hbm>>
    tpu.wait_dma2 semaphore(%arg11 : memref<!tpu.dma_semaphore, #tpu.memory_space<semaphore_mem>>) src(%dma_wait3A_682 : memref<16xi32, #tpu.memory_space<hbm>>) dst(%dma_wait3A_681 : memref<16xi32, #tpu.memory_space<vmem>>)
    %dma_wait3A_683 = arith.constant 224 : i32
    %dma_wait3A_684 = tpu.memref_slice %arg6[%dma_wait3A_683] : memref<512xf32, #tpu.memory_space<vmem>> -> memref<16xf32, #tpu.memory_space<vmem>>
    %dma_wait3A_685 = tpu.memref_slice %arg2[%add3A_231] : memref<32768xf32, #tpu.memory_space<hbm>> -> memref<16xf32, #tpu.memory_space<hbm>>
    %dma_wait3A_686 = arith.constant 224 : i32
    %dma_wait3A_687 = tpu.memref_slice %arg6[%dma_wait3A_686] : memref<512xf32, #tpu.memory_space<vmem>> -> memref<16xf32, #tpu.memory_space<vmem>>
    %dma_wait3A_688 = tpu.memref_slice %arg2[%add3A_231] : memref<32768xf32, #tpu.memory_space<hbm>> -> memref<16xf32, #tpu.memory_space<hbm>>
    tpu.wait_dma2 semaphore(%arg11 : memref<!tpu.dma_semaphore, #tpu.memory_space<semaphore_mem>>) src(%dma_wait3A_688 : memref<16xf32, #tpu.memory_space<hbm>>) dst(%dma_wait3A_687 : memref<16xf32, #tpu.memory_space<vmem>>)
    %dma_wait3A_689 = arith.constant 224 : i32
    %dma_wait3A_690 = tpu.memref_slice %arg7[%dma_wait3A_689] : memref<512xi32, #tpu.memory_space<vmem>> -> memref<16xi32, #tpu.memory_space<vmem>>
    %dma_wait3A_691 = tpu.memref_slice %arg3[%add3A_231] : memref<32768xi32, #tpu.memory_space<hbm>> -> memref<16xi32, #tpu.memory_space<hbm>>
    %dma_wait3A_692 = arith.constant 224 : i32
    %dma_wait3A_693 = tpu.memref_slice %arg7[%dma_wait3A_692] : memref<512xi32, #tpu.memory_space<vmem>> -> memref<16xi32, #tpu.memory_space<vmem>>
    %dma_wait3A_694 = tpu.memref_slice %arg3[%add3A_231] : memref<32768xi32, #tpu.memory_space<hbm>> -> memref<16xi32, #tpu.memory_space<hbm>>
    tpu.wait_dma2 semaphore(%arg11 : memref<!tpu.dma_semaphore, #tpu.memory_space<semaphore_mem>>) src(%dma_wait3A_694 : memref<16xi32, #tpu.memory_space<hbm>>) dst(%dma_wait3A_693 : memref<16xi32, #tpu.memory_space<vmem>>)
    %dma_wait3A_695 = arith.constant 240 : i32
    %dma_wait3A_696 = tpu.memref_slice %arg6[%dma_wait3A_695] : memref<512xf32, #tpu.memory_space<vmem>> -> memref<16xf32, #tpu.memory_space<vmem>>
    %dma_wait3A_697 = tpu.memref_slice %arg2[%add3A_247] : memref<32768xf32, #tpu.memory_space<hbm>> -> memref<16xf32, #tpu.memory_space<hbm>>
    %dma_wait3A_698 = arith.constant 240 : i32
    %dma_wait3A_699 = tpu.memref_slice %arg6[%dma_wait3A_698] : memref<512xf32, #tpu.memory_space<vmem>> -> memref<16xf32, #tpu.memory_space<vmem>>
    %dma_wait3A_700 = tpu.memref_slice %arg2[%add3A_247] : memref<32768xf32, #tpu.memory_space<hbm>> -> memref<16xf32, #tpu.memory_space<hbm>>
    tpu.wait_dma2 semaphore(%arg11 : memref<!tpu.dma_semaphore, #tpu.memory_space<semaphore_mem>>) src(%dma_wait3A_700 : memref<16xf32, #tpu.memory_space<hbm>>) dst(%dma_wait3A_699 : memref<16xf32, #tpu.memory_space<vmem>>)
    %dma_wait3A_701 = arith.constant 240 : i32
    %dma_wait3A_702 = tpu.memref_slice %arg7[%dma_wait3A_701] : memref<512xi32, #tpu.memory_space<vmem>> -> memref<16xi32, #tpu.memory_space<vmem>>
    %dma_wait3A_703 = tpu.memref_slice %arg3[%add3A_247] : memref<32768xi32, #tpu.memory_space<hbm>> -> memref<16xi32, #tpu.memory_space<hbm>>
    %dma_wait3A_704 = arith.constant 240 : i32
    %dma_wait3A_705 = tpu.memref_slice %arg7[%dma_wait3A_704] : memref<512xi32, #tpu.memory_space<vmem>> -> memref<16xi32, #tpu.memory_space<vmem>>
    %dma_wait3A_706 = tpu.memref_slice %arg3[%add3A_247] : memref<32768xi32, #tpu.memory_space<hbm>> -> memref<16xi32, #tpu.memory_space<hbm>>
    tpu.wait_dma2 semaphore(%arg11 : memref<!tpu.dma_semaphore, #tpu.memory_space<semaphore_mem>>) src(%dma_wait3A_706 : memref<16xi32, #tpu.memory_space<hbm>>) dst(%dma_wait3A_705 : memref<16xi32, #tpu.memory_space<vmem>>)
    %dma_wait3A_707 = arith.constant 256 : i32
    %dma_wait3A_708 = tpu.memref_slice %arg6[%dma_wait3A_707] : memref<512xf32, #tpu.memory_space<vmem>> -> memref<16xf32, #tpu.memory_space<vmem>>
    %dma_wait3A_709 = tpu.memref_slice %arg2[%add3A_263] : memref<32768xf32, #tpu.memory_space<hbm>> -> memref<16xf32, #tpu.memory_space<hbm>>
    %dma_wait3A_710 = arith.constant 256 : i32
    %dma_wait3A_711 = tpu.memref_slice %arg6[%dma_wait3A_710] : memref<512xf32, #tpu.memory_space<vmem>> -> memref<16xf32, #tpu.memory_space<vmem>>
    %dma_wait3A_712 = tpu.memref_slice %arg2[%add3A_263] : memref<32768xf32, #tpu.memory_space<hbm>> -> memref<16xf32, #tpu.memory_space<hbm>>
    tpu.wait_dma2 semaphore(%arg11 : memref<!tpu.dma_semaphore, #tpu.memory_space<semaphore_mem>>) src(%dma_wait3A_712 : memref<16xf32, #tpu.memory_space<hbm>>) dst(%dma_wait3A_711 : memref<16xf32, #tpu.memory_space<vmem>>)
    %dma_wait3A_713 = arith.constant 256 : i32
    %dma_wait3A_714 = tpu.memref_slice %arg7[%dma_wait3A_713] : memref<512xi32, #tpu.memory_space<vmem>> -> memref<16xi32, #tpu.memory_space<vmem>>
    %dma_wait3A_715 = tpu.memref_slice %arg3[%add3A_263] : memref<32768xi32, #tpu.memory_space<hbm>> -> memref<16xi32, #tpu.memory_space<hbm>>
    %dma_wait3A_716 = arith.constant 256 : i32
    %dma_wait3A_717 = tpu.memref_slice %arg7[%dma_wait3A_716] : memref<512xi32, #tpu.memory_space<vmem>> -> memref<16xi32, #tpu.memory_space<vmem>>
    %dma_wait3A_718 = tpu.memref_slice %arg3[%add3A_263] : memref<32768xi32, #tpu.memory_space<hbm>> -> memref<16xi32, #tpu.memory_space<hbm>>
    tpu.wait_dma2 semaphore(%arg11 : memref<!tpu.dma_semaphore, #tpu.memory_space<semaphore_mem>>) src(%dma_wait3A_718 : memref<16xi32, #tpu.memory_space<hbm>>) dst(%dma_wait3A_717 : memref<16xi32, #tpu.memory_space<vmem>>)
    %dma_wait3A_719 = arith.constant 272 : i32
    %dma_wait3A_720 = tpu.memref_slice %arg6[%dma_wait3A_719] : memref<512xf32, #tpu.memory_space<vmem>> -> memref<16xf32, #tpu.memory_space<vmem>>
    %dma_wait3A_721 = tpu.memref_slice %arg2[%add3A_279] : memref<32768xf32, #tpu.memory_space<hbm>> -> memref<16xf32, #tpu.memory_space<hbm>>
    %dma_wait3A_722 = arith.constant 272 : i32
    %dma_wait3A_723 = tpu.memref_slice %arg6[%dma_wait3A_722] : memref<512xf32, #tpu.memory_space<vmem>> -> memref<16xf32, #tpu.memory_space<vmem>>
    %dma_wait3A_724 = tpu.memref_slice %arg2[%add3A_279] : memref<32768xf32, #tpu.memory_space<hbm>> -> memref<16xf32, #tpu.memory_space<hbm>>
    tpu.wait_dma2 semaphore(%arg11 : memref<!tpu.dma_semaphore, #tpu.memory_space<semaphore_mem>>) src(%dma_wait3A_724 : memref<16xf32, #tpu.memory_space<hbm>>) dst(%dma_wait3A_723 : memref<16xf32, #tpu.memory_space<vmem>>)
    %dma_wait3A_725 = arith.constant 272 : i32
    %dma_wait3A_726 = tpu.memref_slice %arg7[%dma_wait3A_725] : memref<512xi32, #tpu.memory_space<vmem>> -> memref<16xi32, #tpu.memory_space<vmem>>
    %dma_wait3A_727 = tpu.memref_slice %arg3[%add3A_279] : memref<32768xi32, #tpu.memory_space<hbm>> -> memref<16xi32, #tpu.memory_space<hbm>>
    %dma_wait3A_728 = arith.constant 272 : i32
    %dma_wait3A_729 = tpu.memref_slice %arg7[%dma_wait3A_728] : memref<512xi32, #tpu.memory_space<vmem>> -> memref<16xi32, #tpu.memory_space<vmem>>
    %dma_wait3A_730 = tpu.memref_slice %arg3[%add3A_279] : memref<32768xi32, #tpu.memory_space<hbm>> -> memref<16xi32, #tpu.memory_space<hbm>>
    tpu.wait_dma2 semaphore(%arg11 : memref<!tpu.dma_semaphore, #tpu.memory_space<semaphore_mem>>) src(%dma_wait3A_730 : memref<16xi32, #tpu.memory_space<hbm>>) dst(%dma_wait3A_729 : memref<16xi32, #tpu.memory_space<vmem>>)
    %dma_wait3A_731 = arith.constant 288 : i32
    %dma_wait3A_732 = tpu.memref_slice %arg6[%dma_wait3A_731] : memref<512xf32, #tpu.memory_space<vmem>> -> memref<16xf32, #tpu.memory_space<vmem>>
    %dma_wait3A_733 = tpu.memref_slice %arg2[%add3A_295] : memref<32768xf32, #tpu.memory_space<hbm>> -> memref<16xf32, #tpu.memory_space<hbm>>
    %dma_wait3A_734 = arith.constant 288 : i32
    %dma_wait3A_735 = tpu.memref_slice %arg6[%dma_wait3A_734] : memref<512xf32, #tpu.memory_space<vmem>> -> memref<16xf32, #tpu.memory_space<vmem>>
    %dma_wait3A_736 = tpu.memref_slice %arg2[%add3A_295] : memref<32768xf32, #tpu.memory_space<hbm>> -> memref<16xf32, #tpu.memory_space<hbm>>
    tpu.wait_dma2 semaphore(%arg11 : memref<!tpu.dma_semaphore, #tpu.memory_space<semaphore_mem>>) src(%dma_wait3A_736 : memref<16xf32, #tpu.memory_space<hbm>>) dst(%dma_wait3A_735 : memref<16xf32, #tpu.memory_space<vmem>>)
    %dma_wait3A_737 = arith.constant 288 : i32
    %dma_wait3A_738 = tpu.memref_slice %arg7[%dma_wait3A_737] : memref<512xi32, #tpu.memory_space<vmem>> -> memref<16xi32, #tpu.memory_space<vmem>>
    %dma_wait3A_739 = tpu.memref_slice %arg3[%add3A_295] : memref<32768xi32, #tpu.memory_space<hbm>> -> memref<16xi32, #tpu.memory_space<hbm>>
    %dma_wait3A_740 = arith.constant 288 : i32
    %dma_wait3A_741 = tpu.memref_slice %arg7[%dma_wait3A_740] : memref<512xi32, #tpu.memory_space<vmem>> -> memref<16xi32, #tpu.memory_space<vmem>>
    %dma_wait3A_742 = tpu.memref_slice %arg3[%add3A_295] : memref<32768xi32, #tpu.memory_space<hbm>> -> memref<16xi32, #tpu.memory_space<hbm>>
    tpu.wait_dma2 semaphore(%arg11 : memref<!tpu.dma_semaphore, #tpu.memory_space<semaphore_mem>>) src(%dma_wait3A_742 : memref<16xi32, #tpu.memory_space<hbm>>) dst(%dma_wait3A_741 : memref<16xi32, #tpu.memory_space<vmem>>)
    %dma_wait3A_743 = arith.constant 304 : i32
    %dma_wait3A_744 = tpu.memref_slice %arg6[%dma_wait3A_743] : memref<512xf32, #tpu.memory_space<vmem>> -> memref<16xf32, #tpu.memory_space<vmem>>
    %dma_wait3A_745 = tpu.memref_slice %arg2[%add3A_311] : memref<32768xf32, #tpu.memory_space<hbm>> -> memref<16xf32, #tpu.memory_space<hbm>>
    %dma_wait3A_746 = arith.constant 304 : i32
    %dma_wait3A_747 = tpu.memref_slice %arg6[%dma_wait3A_746] : memref<512xf32, #tpu.memory_space<vmem>> -> memref<16xf32, #tpu.memory_space<vmem>>
    %dma_wait3A_748 = tpu.memref_slice %arg2[%add3A_311] : memref<32768xf32, #tpu.memory_space<hbm>> -> memref<16xf32, #tpu.memory_space<hbm>>
    tpu.wait_dma2 semaphore(%arg11 : memref<!tpu.dma_semaphore, #tpu.memory_space<semaphore_mem>>) src(%dma_wait3A_748 : memref<16xf32, #tpu.memory_space<hbm>>) dst(%dma_wait3A_747 : memref<16xf32, #tpu.memory_space<vmem>>)
    %dma_wait3A_749 = arith.constant 304 : i32
    %dma_wait3A_750 = tpu.memref_slice %arg7[%dma_wait3A_749] : memref<512xi32, #tpu.memory_space<vmem>> -> memref<16xi32, #tpu.memory_space<vmem>>
    %dma_wait3A_751 = tpu.memref_slice %arg3[%add3A_311] : memref<32768xi32, #tpu.memory_space<hbm>> -> memref<16xi32, #tpu.memory_space<hbm>>
    %dma_wait3A_752 = arith.constant 304 : i32
    %dma_wait3A_753 = tpu.memref_slice %arg7[%dma_wait3A_752] : memref<512xi32, #tpu.memory_space<vmem>> -> memref<16xi32, #tpu.memory_space<vmem>>
    %dma_wait3A_754 = tpu.memref_slice %arg3[%add3A_311] : memref<32768xi32, #tpu.memory_space<hbm>> -> memref<16xi32, #tpu.memory_space<hbm>>
    tpu.wait_dma2 semaphore(%arg11 : memref<!tpu.dma_semaphore, #tpu.memory_space<semaphore_mem>>) src(%dma_wait3A_754 : memref<16xi32, #tpu.memory_space<hbm>>) dst(%dma_wait3A_753 : memref<16xi32, #tpu.memory_space<vmem>>)
    %dma_wait3A_755 = arith.constant 320 : i32
    %dma_wait3A_756 = tpu.memref_slice %arg6[%dma_wait3A_755] : memref<512xf32, #tpu.memory_space<vmem>> -> memref<16xf32, #tpu.memory_space<vmem>>
    %dma_wait3A_757 = tpu.memref_slice %arg2[%add3A_327] : memref<32768xf32, #tpu.memory_space<hbm>> -> memref<16xf32, #tpu.memory_space<hbm>>
    %dma_wait3A_758 = arith.constant 320 : i32
    %dma_wait3A_759 = tpu.memref_slice %arg6[%dma_wait3A_758] : memref<512xf32, #tpu.memory_space<vmem>> -> memref<16xf32, #tpu.memory_space<vmem>>
    %dma_wait3A_760 = tpu.memref_slice %arg2[%add3A_327] : memref<32768xf32, #tpu.memory_space<hbm>> -> memref<16xf32, #tpu.memory_space<hbm>>
    tpu.wait_dma2 semaphore(%arg11 : memref<!tpu.dma_semaphore, #tpu.memory_space<semaphore_mem>>) src(%dma_wait3A_760 : memref<16xf32, #tpu.memory_space<hbm>>) dst(%dma_wait3A_759 : memref<16xf32, #tpu.memory_space<vmem>>)
    %dma_wait3A_761 = arith.constant 320 : i32
    %dma_wait3A_762 = tpu.memref_slice %arg7[%dma_wait3A_761] : memref<512xi32, #tpu.memory_space<vmem>> -> memref<16xi32, #tpu.memory_space<vmem>>
    %dma_wait3A_763 = tpu.memref_slice %arg3[%add3A_327] : memref<32768xi32, #tpu.memory_space<hbm>> -> memref<16xi32, #tpu.memory_space<hbm>>
    %dma_wait3A_764 = arith.constant 320 : i32
    %dma_wait3A_765 = tpu.memref_slice %arg7[%dma_wait3A_764] : memref<512xi32, #tpu.memory_space<vmem>> -> memref<16xi32, #tpu.memory_space<vmem>>
    %dma_wait3A_766 = tpu.memref_slice %arg3[%add3A_327] : memref<32768xi32, #tpu.memory_space<hbm>> -> memref<16xi32, #tpu.memory_space<hbm>>
    tpu.wait_dma2 semaphore(%arg11 : memref<!tpu.dma_semaphore, #tpu.memory_space<semaphore_mem>>) src(%dma_wait3A_766 : memref<16xi32, #tpu.memory_space<hbm>>) dst(%dma_wait3A_765 : memref<16xi32, #tpu.memory_space<vmem>>)
    %dma_wait3A_767 = arith.constant 336 : i32
    %dma_wait3A_768 = tpu.memref_slice %arg6[%dma_wait3A_767] : memref<512xf32, #tpu.memory_space<vmem>> -> memref<16xf32, #tpu.memory_space<vmem>>
    %dma_wait3A_769 = tpu.memref_slice %arg2[%add3A_343] : memref<32768xf32, #tpu.memory_space<hbm>> -> memref<16xf32, #tpu.memory_space<hbm>>
    %dma_wait3A_770 = arith.constant 336 : i32
    %dma_wait3A_771 = tpu.memref_slice %arg6[%dma_wait3A_770] : memref<512xf32, #tpu.memory_space<vmem>> -> memref<16xf32, #tpu.memory_space<vmem>>
    %dma_wait3A_772 = tpu.memref_slice %arg2[%add3A_343] : memref<32768xf32, #tpu.memory_space<hbm>> -> memref<16xf32, #tpu.memory_space<hbm>>
    tpu.wait_dma2 semaphore(%arg11 : memref<!tpu.dma_semaphore, #tpu.memory_space<semaphore_mem>>) src(%dma_wait3A_772 : memref<16xf32, #tpu.memory_space<hbm>>) dst(%dma_wait3A_771 : memref<16xf32, #tpu.memory_space<vmem>>)
    %dma_wait3A_773 = arith.constant 336 : i32
    %dma_wait3A_774 = tpu.memref_slice %arg7[%dma_wait3A_773] : memref<512xi32, #tpu.memory_space<vmem>> -> memref<16xi32, #tpu.memory_space<vmem>>
    %dma_wait3A_775 = tpu.memref_slice %arg3[%add3A_343] : memref<32768xi32, #tpu.memory_space<hbm>> -> memref<16xi32, #tpu.memory_space<hbm>>
    %dma_wait3A_776 = arith.constant 336 : i32
    %dma_wait3A_777 = tpu.memref_slice %arg7[%dma_wait3A_776] : memref<512xi32, #tpu.memory_space<vmem>> -> memref<16xi32, #tpu.memory_space<vmem>>
    %dma_wait3A_778 = tpu.memref_slice %arg3[%add3A_343] : memref<32768xi32, #tpu.memory_space<hbm>> -> memref<16xi32, #tpu.memory_space<hbm>>
    tpu.wait_dma2 semaphore(%arg11 : memref<!tpu.dma_semaphore, #tpu.memory_space<semaphore_mem>>) src(%dma_wait3A_778 : memref<16xi32, #tpu.memory_space<hbm>>) dst(%dma_wait3A_777 : memref<16xi32, #tpu.memory_space<vmem>>)
    %dma_wait3A_779 = arith.constant 352 : i32
    %dma_wait3A_780 = tpu.memref_slice %arg6[%dma_wait3A_779] : memref<512xf32, #tpu.memory_space<vmem>> -> memref<16xf32, #tpu.memory_space<vmem>>
    %dma_wait3A_781 = tpu.memref_slice %arg2[%add3A_359] : memref<32768xf32, #tpu.memory_space<hbm>> -> memref<16xf32, #tpu.memory_space<hbm>>
    %dma_wait3A_782 = arith.constant 352 : i32
    %dma_wait3A_783 = tpu.memref_slice %arg6[%dma_wait3A_782] : memref<512xf32, #tpu.memory_space<vmem>> -> memref<16xf32, #tpu.memory_space<vmem>>
    %dma_wait3A_784 = tpu.memref_slice %arg2[%add3A_359] : memref<32768xf32, #tpu.memory_space<hbm>> -> memref<16xf32, #tpu.memory_space<hbm>>
    tpu.wait_dma2 semaphore(%arg11 : memref<!tpu.dma_semaphore, #tpu.memory_space<semaphore_mem>>) src(%dma_wait3A_784 : memref<16xf32, #tpu.memory_space<hbm>>) dst(%dma_wait3A_783 : memref<16xf32, #tpu.memory_space<vmem>>)
    %dma_wait3A_785 = arith.constant 352 : i32
    %dma_wait3A_786 = tpu.memref_slice %arg7[%dma_wait3A_785] : memref<512xi32, #tpu.memory_space<vmem>> -> memref<16xi32, #tpu.memory_space<vmem>>
    %dma_wait3A_787 = tpu.memref_slice %arg3[%add3A_359] : memref<32768xi32, #tpu.memory_space<hbm>> -> memref<16xi32, #tpu.memory_space<hbm>>
    %dma_wait3A_788 = arith.constant 352 : i32
    %dma_wait3A_789 = tpu.memref_slice %arg7[%dma_wait3A_788] : memref<512xi32, #tpu.memory_space<vmem>> -> memref<16xi32, #tpu.memory_space<vmem>>
    %dma_wait3A_790 = tpu.memref_slice %arg3[%add3A_359] : memref<32768xi32, #tpu.memory_space<hbm>> -> memref<16xi32, #tpu.memory_space<hbm>>
    tpu.wait_dma2 semaphore(%arg11 : memref<!tpu.dma_semaphore, #tpu.memory_space<semaphore_mem>>) src(%dma_wait3A_790 : memref<16xi32, #tpu.memory_space<hbm>>) dst(%dma_wait3A_789 : memref<16xi32, #tpu.memory_space<vmem>>)
    %dma_wait3A_791 = arith.constant 368 : i32
    %dma_wait3A_792 = tpu.memref_slice %arg6[%dma_wait3A_791] : memref<512xf32, #tpu.memory_space<vmem>> -> memref<16xf32, #tpu.memory_space<vmem>>
    %dma_wait3A_793 = tpu.memref_slice %arg2[%add3A_375] : memref<32768xf32, #tpu.memory_space<hbm>> -> memref<16xf32, #tpu.memory_space<hbm>>
    %dma_wait3A_794 = arith.constant 368 : i32
    %dma_wait3A_795 = tpu.memref_slice %arg6[%dma_wait3A_794] : memref<512xf32, #tpu.memory_space<vmem>> -> memref<16xf32, #tpu.memory_space<vmem>>
    %dma_wait3A_796 = tpu.memref_slice %arg2[%add3A_375] : memref<32768xf32, #tpu.memory_space<hbm>> -> memref<16xf32, #tpu.memory_space<hbm>>
    tpu.wait_dma2 semaphore(%arg11 : memref<!tpu.dma_semaphore, #tpu.memory_space<semaphore_mem>>) src(%dma_wait3A_796 : memref<16xf32, #tpu.memory_space<hbm>>) dst(%dma_wait3A_795 : memref<16xf32, #tpu.memory_space<vmem>>)
    %dma_wait3A_797 = arith.constant 368 : i32
    %dma_wait3A_798 = tpu.memref_slice %arg7[%dma_wait3A_797] : memref<512xi32, #tpu.memory_space<vmem>> -> memref<16xi32, #tpu.memory_space<vmem>>
    %dma_wait3A_799 = tpu.memref_slice %arg3[%add3A_375] : memref<32768xi32, #tpu.memory_space<hbm>> -> memref<16xi32, #tpu.memory_space<hbm>>
    %dma_wait3A_800 = arith.constant 368 : i32
    %dma_wait3A_801 = tpu.memref_slice %arg7[%dma_wait3A_800] : memref<512xi32, #tpu.memory_space<vmem>> -> memref<16xi32, #tpu.memory_space<vmem>>
    %dma_wait3A_802 = tpu.memref_slice %arg3[%add3A_375] : memref<32768xi32, #tpu.memory_space<hbm>> -> memref<16xi32, #tpu.memory_space<hbm>>
    tpu.wait_dma2 semaphore(%arg11 : memref<!tpu.dma_semaphore, #tpu.memory_space<semaphore_mem>>) src(%dma_wait3A_802 : memref<16xi32, #tpu.memory_space<hbm>>) dst(%dma_wait3A_801 : memref<16xi32, #tpu.memory_space<vmem>>)
    %dma_wait3A_803 = arith.constant 384 : i32
    %dma_wait3A_804 = tpu.memref_slice %arg6[%dma_wait3A_803] : memref<512xf32, #tpu.memory_space<vmem>> -> memref<16xf32, #tpu.memory_space<vmem>>
    %dma_wait3A_805 = tpu.memref_slice %arg2[%add3A_391] : memref<32768xf32, #tpu.memory_space<hbm>> -> memref<16xf32, #tpu.memory_space<hbm>>
    %dma_wait3A_806 = arith.constant 384 : i32
    %dma_wait3A_807 = tpu.memref_slice %arg6[%dma_wait3A_806] : memref<512xf32, #tpu.memory_space<vmem>> -> memref<16xf32, #tpu.memory_space<vmem>>
    %dma_wait3A_808 = tpu.memref_slice %arg2[%add3A_391] : memref<32768xf32, #tpu.memory_space<hbm>> -> memref<16xf32, #tpu.memory_space<hbm>>
    tpu.wait_dma2 semaphore(%arg11 : memref<!tpu.dma_semaphore, #tpu.memory_space<semaphore_mem>>) src(%dma_wait3A_808 : memref<16xf32, #tpu.memory_space<hbm>>) dst(%dma_wait3A_807 : memref<16xf32, #tpu.memory_space<vmem>>)
    %dma_wait3A_809 = arith.constant 384 : i32
    %dma_wait3A_810 = tpu.memref_slice %arg7[%dma_wait3A_809] : memref<512xi32, #tpu.memory_space<vmem>> -> memref<16xi32, #tpu.memory_space<vmem>>
    %dma_wait3A_811 = tpu.memref_slice %arg3[%add3A_391] : memref<32768xi32, #tpu.memory_space<hbm>> -> memref<16xi32, #tpu.memory_space<hbm>>
    %dma_wait3A_812 = arith.constant 384 : i32
    %dma_wait3A_813 = tpu.memref_slice %arg7[%dma_wait3A_812] : memref<512xi32, #tpu.memory_space<vmem>> -> memref<16xi32, #tpu.memory_space<vmem>>
    %dma_wait3A_814 = tpu.memref_slice %arg3[%add3A_391] : memref<32768xi32, #tpu.memory_space<hbm>> -> memref<16xi32, #tpu.memory_space<hbm>>
    tpu.wait_dma2 semaphore(%arg11 : memref<!tpu.dma_semaphore, #tpu.memory_space<semaphore_mem>>) src(%dma_wait3A_814 : memref<16xi32, #tpu.memory_space<hbm>>) dst(%dma_wait3A_813 : memref<16xi32, #tpu.memory_space<vmem>>)
    %dma_wait3A_815 = arith.constant 400 : i32
    %dma_wait3A_816 = tpu.memref_slice %arg6[%dma_wait3A_815] : memref<512xf32, #tpu.memory_space<vmem>> -> memref<16xf32, #tpu.memory_space<vmem>>
    %dma_wait3A_817 = tpu.memref_slice %arg2[%add3A_407] : memref<32768xf32, #tpu.memory_space<hbm>> -> memref<16xf32, #tpu.memory_space<hbm>>
    %dma_wait3A_818 = arith.constant 400 : i32
    %dma_wait3A_819 = tpu.memref_slice %arg6[%dma_wait3A_818] : memref<512xf32, #tpu.memory_space<vmem>> -> memref<16xf32, #tpu.memory_space<vmem>>
    %dma_wait3A_820 = tpu.memref_slice %arg2[%add3A_407] : memref<32768xf32, #tpu.memory_space<hbm>> -> memref<16xf32, #tpu.memory_space<hbm>>
    tpu.wait_dma2 semaphore(%arg11 : memref<!tpu.dma_semaphore, #tpu.memory_space<semaphore_mem>>) src(%dma_wait3A_820 : memref<16xf32, #tpu.memory_space<hbm>>) dst(%dma_wait3A_819 : memref<16xf32, #tpu.memory_space<vmem>>)
    %dma_wait3A_821 = arith.constant 400 : i32
    %dma_wait3A_822 = tpu.memref_slice %arg7[%dma_wait3A_821] : memref<512xi32, #tpu.memory_space<vmem>> -> memref<16xi32, #tpu.memory_space<vmem>>
    %dma_wait3A_823 = tpu.memref_slice %arg3[%add3A_407] : memref<32768xi32, #tpu.memory_space<hbm>> -> memref<16xi32, #tpu.memory_space<hbm>>
    %dma_wait3A_824 = arith.constant 400 : i32
    %dma_wait3A_825 = tpu.memref_slice %arg7[%dma_wait3A_824] : memref<512xi32, #tpu.memory_space<vmem>> -> memref<16xi32, #tpu.memory_space<vmem>>
    %dma_wait3A_826 = tpu.memref_slice %arg3[%add3A_407] : memref<32768xi32, #tpu.memory_space<hbm>> -> memref<16xi32, #tpu.memory_space<hbm>>
    tpu.wait_dma2 semaphore(%arg11 : memref<!tpu.dma_semaphore, #tpu.memory_space<semaphore_mem>>) src(%dma_wait3A_826 : memref<16xi32, #tpu.memory_space<hbm>>) dst(%dma_wait3A_825 : memref<16xi32, #tpu.memory_space<vmem>>)
    %dma_wait3A_827 = arith.constant 416 : i32
    %dma_wait3A_828 = tpu.memref_slice %arg6[%dma_wait3A_827] : memref<512xf32, #tpu.memory_space<vmem>> -> memref<16xf32, #tpu.memory_space<vmem>>
    %dma_wait3A_829 = tpu.memref_slice %arg2[%add3A_423] : memref<32768xf32, #tpu.memory_space<hbm>> -> memref<16xf32, #tpu.memory_space<hbm>>
    %dma_wait3A_830 = arith.constant 416 : i32
    %dma_wait3A_831 = tpu.memref_slice %arg6[%dma_wait3A_830] : memref<512xf32, #tpu.memory_space<vmem>> -> memref<16xf32, #tpu.memory_space<vmem>>
    %dma_wait3A_832 = tpu.memref_slice %arg2[%add3A_423] : memref<32768xf32, #tpu.memory_space<hbm>> -> memref<16xf32, #tpu.memory_space<hbm>>
    tpu.wait_dma2 semaphore(%arg11 : memref<!tpu.dma_semaphore, #tpu.memory_space<semaphore_mem>>) src(%dma_wait3A_832 : memref<16xf32, #tpu.memory_space<hbm>>) dst(%dma_wait3A_831 : memref<16xf32, #tpu.memory_space<vmem>>)
    %dma_wait3A_833 = arith.constant 416 : i32
    %dma_wait3A_834 = tpu.memref_slice %arg7[%dma_wait3A_833] : memref<512xi32, #tpu.memory_space<vmem>> -> memref<16xi32, #tpu.memory_space<vmem>>
    %dma_wait3A_835 = tpu.memref_slice %arg3[%add3A_423] : memref<32768xi32, #tpu.memory_space<hbm>> -> memref<16xi32, #tpu.memory_space<hbm>>
    %dma_wait3A_836 = arith.constant 416 : i32
    %dma_wait3A_837 = tpu.memref_slice %arg7[%dma_wait3A_836] : memref<512xi32, #tpu.memory_space<vmem>> -> memref<16xi32, #tpu.memory_space<vmem>>
    %dma_wait3A_838 = tpu.memref_slice %arg3[%add3A_423] : memref<32768xi32, #tpu.memory_space<hbm>> -> memref<16xi32, #tpu.memory_space<hbm>>
    tpu.wait_dma2 semaphore(%arg11 : memref<!tpu.dma_semaphore, #tpu.memory_space<semaphore_mem>>) src(%dma_wait3A_838 : memref<16xi32, #tpu.memory_space<hbm>>) dst(%dma_wait3A_837 : memref<16xi32, #tpu.memory_space<vmem>>)
    %dma_wait3A_839 = arith.constant 432 : i32
    %dma_wait3A_840 = tpu.memref_slice %arg6[%dma_wait3A_839] : memref<512xf32, #tpu.memory_space<vmem>> -> memref<16xf32, #tpu.memory_space<vmem>>
    %dma_wait3A_841 = tpu.memref_slice %arg2[%add3A_439] : memref<32768xf32, #tpu.memory_space<hbm>> -> memref<16xf32, #tpu.memory_space<hbm>>
    %dma_wait3A_842 = arith.constant 432 : i32
    %dma_wait3A_843 = tpu.memref_slice %arg6[%dma_wait3A_842] : memref<512xf32, #tpu.memory_space<vmem>> -> memref<16xf32, #tpu.memory_space<vmem>>
    %dma_wait3A_844 = tpu.memref_slice %arg2[%add3A_439] : memref<32768xf32, #tpu.memory_space<hbm>> -> memref<16xf32, #tpu.memory_space<hbm>>
    tpu.wait_dma2 semaphore(%arg11 : memref<!tpu.dma_semaphore, #tpu.memory_space<semaphore_mem>>) src(%dma_wait3A_844 : memref<16xf32, #tpu.memory_space<hbm>>) dst(%dma_wait3A_843 : memref<16xf32, #tpu.memory_space<vmem>>)
    %dma_wait3A_845 = arith.constant 432 : i32
    %dma_wait3A_846 = tpu.memref_slice %arg7[%dma_wait3A_845] : memref<512xi32, #tpu.memory_space<vmem>> -> memref<16xi32, #tpu.memory_space<vmem>>
    %dma_wait3A_847 = tpu.memref_slice %arg3[%add3A_439] : memref<32768xi32, #tpu.memory_space<hbm>> -> memref<16xi32, #tpu.memory_space<hbm>>
    %dma_wait3A_848 = arith.constant 432 : i32
    %dma_wait3A_849 = tpu.memref_slice %arg7[%dma_wait3A_848] : memref<512xi32, #tpu.memory_space<vmem>> -> memref<16xi32, #tpu.memory_space<vmem>>
    %dma_wait3A_850 = tpu.memref_slice %arg3[%add3A_439] : memref<32768xi32, #tpu.memory_space<hbm>> -> memref<16xi32, #tpu.memory_space<hbm>>
    tpu.wait_dma2 semaphore(%arg11 : memref<!tpu.dma_semaphore, #tpu.memory_space<semaphore_mem>>) src(%dma_wait3A_850 : memref<16xi32, #tpu.memory_space<hbm>>) dst(%dma_wait3A_849 : memref<16xi32, #tpu.memory_space<vmem>>)
    %dma_wait3A_851 = arith.constant 448 : i32
    %dma_wait3A_852 = tpu.memref_slice %arg6[%dma_wait3A_851] : memref<512xf32, #tpu.memory_space<vmem>> -> memref<16xf32, #tpu.memory_space<vmem>>
    %dma_wait3A_853 = tpu.memref_slice %arg2[%add3A_455] : memref<32768xf32, #tpu.memory_space<hbm>> -> memref<16xf32, #tpu.memory_space<hbm>>
    %dma_wait3A_854 = arith.constant 448 : i32
    %dma_wait3A_855 = tpu.memref_slice %arg6[%dma_wait3A_854] : memref<512xf32, #tpu.memory_space<vmem>> -> memref<16xf32, #tpu.memory_space<vmem>>
    %dma_wait3A_856 = tpu.memref_slice %arg2[%add3A_455] : memref<32768xf32, #tpu.memory_space<hbm>> -> memref<16xf32, #tpu.memory_space<hbm>>
    tpu.wait_dma2 semaphore(%arg11 : memref<!tpu.dma_semaphore, #tpu.memory_space<semaphore_mem>>) src(%dma_wait3A_856 : memref<16xf32, #tpu.memory_space<hbm>>) dst(%dma_wait3A_855 : memref<16xf32, #tpu.memory_space<vmem>>)
    %dma_wait3A_857 = arith.constant 448 : i32
    %dma_wait3A_858 = tpu.memref_slice %arg7[%dma_wait3A_857] : memref<512xi32, #tpu.memory_space<vmem>> -> memref<16xi32, #tpu.memory_space<vmem>>
    %dma_wait3A_859 = tpu.memref_slice %arg3[%add3A_455] : memref<32768xi32, #tpu.memory_space<hbm>> -> memref<16xi32, #tpu.memory_space<hbm>>
    %dma_wait3A_860 = arith.constant 448 : i32
    %dma_wait3A_861 = tpu.memref_slice %arg7[%dma_wait3A_860] : memref<512xi32, #tpu.memory_space<vmem>> -> memref<16xi32, #tpu.memory_space<vmem>>
    %dma_wait3A_862 = tpu.memref_slice %arg3[%add3A_455] : memref<32768xi32, #tpu.memory_space<hbm>> -> memref<16xi32, #tpu.memory_space<hbm>>
    tpu.wait_dma2 semaphore(%arg11 : memref<!tpu.dma_semaphore, #tpu.memory_space<semaphore_mem>>) src(%dma_wait3A_862 : memref<16xi32, #tpu.memory_space<hbm>>) dst(%dma_wait3A_861 : memref<16xi32, #tpu.memory_space<vmem>>)
    %dma_wait3A_863 = arith.constant 464 : i32
    %dma_wait3A_864 = tpu.memref_slice %arg6[%dma_wait3A_863] : memref<512xf32, #tpu.memory_space<vmem>> -> memref<16xf32, #tpu.memory_space<vmem>>
    %dma_wait3A_865 = tpu.memref_slice %arg2[%add3A_471] : memref<32768xf32, #tpu.memory_space<hbm>> -> memref<16xf32, #tpu.memory_space<hbm>>
    %dma_wait3A_866 = arith.constant 464 : i32
    %dma_wait3A_867 = tpu.memref_slice %arg6[%dma_wait3A_866] : memref<512xf32, #tpu.memory_space<vmem>> -> memref<16xf32, #tpu.memory_space<vmem>>
    %dma_wait3A_868 = tpu.memref_slice %arg2[%add3A_471] : memref<32768xf32, #tpu.memory_space<hbm>> -> memref<16xf32, #tpu.memory_space<hbm>>
    tpu.wait_dma2 semaphore(%arg11 : memref<!tpu.dma_semaphore, #tpu.memory_space<semaphore_mem>>) src(%dma_wait3A_868 : memref<16xf32, #tpu.memory_space<hbm>>) dst(%dma_wait3A_867 : memref<16xf32, #tpu.memory_space<vmem>>)
    %dma_wait3A_869 = arith.constant 464 : i32
    %dma_wait3A_870 = tpu.memref_slice %arg7[%dma_wait3A_869] : memref<512xi32, #tpu.memory_space<vmem>> -> memref<16xi32, #tpu.memory_space<vmem>>
    %dma_wait3A_871 = tpu.memref_slice %arg3[%add3A_471] : memref<32768xi32, #tpu.memory_space<hbm>> -> memref<16xi32, #tpu.memory_space<hbm>>
    %dma_wait3A_872 = arith.constant 464 : i32
    %dma_wait3A_873 = tpu.memref_slice %arg7[%dma_wait3A_872] : memref<512xi32, #tpu.memory_space<vmem>> -> memref<16xi32, #tpu.memory_space<vmem>>
    %dma_wait3A_874 = tpu.memref_slice %arg3[%add3A_471] : memref<32768xi32, #tpu.memory_space<hbm>> -> memref<16xi32, #tpu.memory_space<hbm>>
    tpu.wait_dma2 semaphore(%arg11 : memref<!tpu.dma_semaphore, #tpu.memory_space<semaphore_mem>>) src(%dma_wait3A_874 : memref<16xi32, #tpu.memory_space<hbm>>) dst(%dma_wait3A_873 : memref<16xi32, #tpu.memory_space<vmem>>)
    %dma_wait3A_875 = arith.constant 480 : i32
    %dma_wait3A_876 = tpu.memref_slice %arg6[%dma_wait3A_875] : memref<512xf32, #tpu.memory_space<vmem>> -> memref<16xf32, #tpu.memory_space<vmem>>
    %dma_wait3A_877 = tpu.memref_slice %arg2[%add3A_487] : memref<32768xf32, #tpu.memory_space<hbm>> -> memref<16xf32, #tpu.memory_space<hbm>>
    %dma_wait3A_878 = arith.constant 480 : i32
    %dma_wait3A_879 = tpu.memref_slice %arg6[%dma_wait3A_878] : memref<512xf32, #tpu.memory_space<vmem>> -> memref<16xf32, #tpu.memory_space<vmem>>
    %dma_wait3A_880 = tpu.memref_slice %arg2[%add3A_487] : memref<32768xf32, #tpu.memory_space<hbm>> -> memref<16xf32, #tpu.memory_space<hbm>>
    tpu.wait_dma2 semaphore(%arg11 : memref<!tpu.dma_semaphore, #tpu.memory_space<semaphore_mem>>) src(%dma_wait3A_880 : memref<16xf32, #tpu.memory_space<hbm>>) dst(%dma_wait3A_879 : memref<16xf32, #tpu.memory_space<vmem>>)
    %dma_wait3A_881 = arith.constant 480 : i32
    %dma_wait3A_882 = tpu.memref_slice %arg7[%dma_wait3A_881] : memref<512xi32, #tpu.memory_space<vmem>> -> memref<16xi32, #tpu.memory_space<vmem>>
    %dma_wait3A_883 = tpu.memref_slice %arg3[%add3A_487] : memref<32768xi32, #tpu.memory_space<hbm>> -> memref<16xi32, #tpu.memory_space<hbm>>
    %dma_wait3A_884 = arith.constant 480 : i32
    %dma_wait3A_885 = tpu.memref_slice %arg7[%dma_wait3A_884] : memref<512xi32, #tpu.memory_space<vmem>> -> memref<16xi32, #tpu.memory_space<vmem>>
    %dma_wait3A_886 = tpu.memref_slice %arg3[%add3A_487] : memref<32768xi32, #tpu.memory_space<hbm>> -> memref<16xi32, #tpu.memory_space<hbm>>
    tpu.wait_dma2 semaphore(%arg11 : memref<!tpu.dma_semaphore, #tpu.memory_space<semaphore_mem>>) src(%dma_wait3A_886 : memref<16xi32, #tpu.memory_space<hbm>>) dst(%dma_wait3A_885 : memref<16xi32, #tpu.memory_space<vmem>>)
    %dma_wait3A_887 = arith.constant 496 : i32
    %dma_wait3A_888 = tpu.memref_slice %arg6[%dma_wait3A_887] : memref<512xf32, #tpu.memory_space<vmem>> -> memref<16xf32, #tpu.memory_space<vmem>>
    %dma_wait3A_889 = tpu.memref_slice %arg2[%add3A_503] : memref<32768xf32, #tpu.memory_space<hbm>> -> memref<16xf32, #tpu.memory_space<hbm>>
    %dma_wait3A_890 = arith.constant 496 : i32
    %dma_wait3A_891 = tpu.memref_slice %arg6[%dma_wait3A_890] : memref<512xf32, #tpu.memory_space<vmem>> -> memref<16xf32, #tpu.memory_space<vmem>>
    %dma_wait3A_892 = tpu.memref_slice %arg2[%add3A_503] : memref<32768xf32, #tpu.memory_space<hbm>> -> memref<16xf32, #tpu.memory_space<hbm>>
    tpu.wait_dma2 semaphore(%arg11 : memref<!tpu.dma_semaphore, #tpu.memory_space<semaphore_mem>>) src(%dma_wait3A_892 : memref<16xf32, #tpu.memory_space<hbm>>) dst(%dma_wait3A_891 : memref<16xf32, #tpu.memory_space<vmem>>)
    %dma_wait3A_893 = arith.constant 496 : i32
    %dma_wait3A_894 = tpu.memref_slice %arg7[%dma_wait3A_893] : memref<512xi32, #tpu.memory_space<vmem>> -> memref<16xi32, #tpu.memory_space<vmem>>
    %dma_wait3A_895 = tpu.memref_slice %arg3[%add3A_503] : memref<32768xi32, #tpu.memory_space<hbm>> -> memref<16xi32, #tpu.memory_space<hbm>>
    %dma_wait3A_896 = arith.constant 496 : i32
    %dma_wait3A_897 = tpu.memref_slice %arg7[%dma_wait3A_896] : memref<512xi32, #tpu.memory_space<vmem>> -> memref<16xi32, #tpu.memory_space<vmem>>
    %dma_wait3A_898 = tpu.memref_slice %arg3[%add3A_503] : memref<32768xi32, #tpu.memory_space<hbm>> -> memref<16xi32, #tpu.memory_space<hbm>>
    tpu.wait_dma2 semaphore(%arg11 : memref<!tpu.dma_semaphore, #tpu.memory_space<semaphore_mem>>) src(%dma_wait3A_898 : memref<16xi32, #tpu.memory_space<hbm>>) dst(%dma_wait3A_897 : memref<16xi32, #tpu.memory_space<vmem>>)
    %broadcast_in_dim3A = arith.constant 3.000000e+29 : f32
    %broadcast_in_dim3A_899 = vector.broadcast %broadcast_in_dim3A : f32 to vector<16xf32>
    %broadcast_in_dim3A_900 = arith.constant 0 : i32
    %broadcast_in_dim3A_901 = vector.broadcast %broadcast_in_dim3A_900 : i32 to vector<16xi32>
    %scan3A = arith.constant 0 : i32
    %scan3A_902 = arith.constant 32 : i32
    %scan3A_903 = arith.addi %scan3A, %scan3A_902 : i32
    %scan3A_904 = arith.constant 1 : i32
    %scan3A_905:2 = scf.for %scan3A_2165 = %scan3A to %scan3A_903 step %scan3A_904 iter_args(%scan3A_2166 = %broadcast_in_dim3A_899, %scan3A_2167 = %broadcast_in_dim3A_901) -> (vector<16xf32>, vector<16xi32>)  : i32 {
      %mul3A_2168 = arith.constant 16 : i32
      %mul3A_2169 = arith.muli %scan3A_2165, %mul3A_2168 : i32
      %get3A_2170 = arith.index_cast %mul3A_2169 : i32 to index
      %get3A_2171 = tpu.vector_load %arg6[%get3A_2170] {strides = array<i32>} : memref<512xf32, #tpu.memory_space<vmem>>, vector<16xf32>,
      %mul3A_2172 = arith.constant 16 : i32
      %mul3A_2173 = arith.muli %scan3A_2165, %mul3A_2172 : i32
      %get3A_2174 = arith.index_cast %mul3A_2173 : i32 to index
      %get3A_2175 = tpu.vector_load %arg7[%get3A_2174] {strides = array<i32>} : memref<512xi32, #tpu.memory_space<vmem>>, vector<16xi32>,
      %masked_sort3A = arith.constant dense<true> : vector<16xi1>
      %masked_sort3A_2176, %masked_sort3A_2177, %masked_sort3A_2178 = tpu.sort %get3A_2171, %get3A_2175 masked %masked_sort3A {descending = true} : (vector<16xf32>, vector<16xi32>, vector<16xi1>) -> (vector<16xi1>, vector<16xf32>, vector<16xi32>)
      %lt3A = arith.cmpf olt, %masked_sort3A_2177, %scan3A_2166 : vector<16xf32>
      %select_n3A = arith.select %lt3A, %masked_sort3A_2177, %scan3A_2166 : vector<16xi1>, vector<16xf32>
      %select_n3A_2179 = arith.select %lt3A, %masked_sort3A_2178, %scan3A_2167 : vector<16xi1>, vector<16xi32>
      %masked_sort3A_2180 = arith.constant dense<true> : vector<16xi1>
      %masked_sort3A_2181, %masked_sort3A_2182, %masked_sort3A_2183 = tpu.sort %select_n3A, %select_n3A_2179 masked %masked_sort3A_2180 : (vector<16xf32>, vector<16xi32>, vector<16xi1>) -> (vector<16xi1>, vector<16xf32>, vector<16xi32>)
      scf.yield %masked_sort3A_2182, %masked_sort3A_2183 : vector<16xf32>, vector<16xi32>
    }
    %scan3A_906 = arith.constant 32 : i32
    %shift_right_logical3A = arith.constant 3 : i32
    %shift_right_logical3A_907 = vector.broadcast %shift_right_logical3A : i32 to vector<16xi32>
    %shift_right_logical3A_908 = arith.shrui %scan3A_905#1, %shift_right_logical3A_907 : vector<16xi32>
    %swap3A = arith.constant 0 : index
    %swap3A_909 = tpu.vector_load %arg8[%swap3A] {strides = array<i32>} : memref<16xi32, #tpu.memory_space<vmem>>, vector<16xi32>,
    tpu.vector_store %arg8[%swap3A], %shift_right_logical3A_908 {strides = array<i32>} : memref<16xi32, #tpu.memory_space<vmem>>, vector<16xi32>,
    %dma_start3A_910 = arith.constant 0 : i32
    %dma_start3A_911 = arith.constant 0 : i32
    %dma_start3A_912 = tpu.memref_slice %arg4[%dma_start3A_910, %dma_start3A_911] : memref<12500x128xf32, #tpu.memory_space<hbm>> -> memref<12500x128xf32, #tpu.memory_space<hbm>>
    tpu.enqueue_indirect_dma source(%dma_start3A_912 : memref<12500x128xf32, #tpu.memory_space<hbm>>) target(%arg9 : memref<16x128xf32, #tpu.memory_space<vmem>>) offsets(%arg8 : memref<16xi32, #tpu.memory_space<vmem>>) semaphore(%arg11 : memref<!tpu.dma_semaphore, #tpu.memory_space<semaphore_mem>>)
    %dma_wait3A_913 = arith.constant 0 : i32
    %dma_wait3A_914 = arith.constant 0 : i32
    %dma_wait3A_915 = tpu.memref_slice %arg4[%dma_wait3A_913, %dma_wait3A_914] : memref<12500x128xf32, #tpu.memory_space<hbm>> -> memref<12500x128xf32, #tpu.memory_space<hbm>>
    tpu.wait_indirect_dma semaphore(%arg11 : memref<!tpu.dma_semaphore, #tpu.memory_space<semaphore_mem>>) src(%dma_wait3A_915 : memref<12500x128xf32, #tpu.memory_space<hbm>>) dst(%arg9 : memref<16x128xf32, #tpu.memory_space<vmem>>)
    %rem3A = arith.constant 8 : i32
    %rem3A_916 = vector.broadcast %rem3A : i32 to vector<16xi32>
    %rem3A_917 = arith.remsi %scan3A_905#1, %rem3A_916 : vector<16xi32>
    %mul3A_918 = arith.constant 16 : i32
    %mul3A_919 = vector.broadcast %mul3A_918 : i32 to vector<16xi32>
    %mul3A_920 = arith.muli %rem3A_917, %mul3A_919 : vector<16xi32>
    %slice3A = vector.extract_strided_slice %mul3A_920 {offsets = [0], sizes = [1], strides = [1]} : vector<16xi32> to vector<1xi32>
    %squeeze3A = vector.extract %slice3A[0] : i32 from vector<1xi32>
    %get3A = arith.constant 0 : i32
    %get3A_921 = arith.index_cast %get3A : i32 to index
    %get3A_922 = arith.index_cast %squeeze3A : i32 to index
    %get3A_923 = tpu.vector_load %arg9[%get3A_921, %get3A_922] {strides = array<i32>} : memref<16x128xf32, #tpu.memory_space<vmem>>, vector<16xf32>,
    %swap3A_924 = arith.constant 0 : i32
    %swap3A_925 = arith.index_cast %swap3A_924 : i32 to index
    %swap3A_926 = arith.constant 0 : index
    %swap3A_927 = tpu.vector_load %arg10[%swap3A_925, %swap3A_926] {strides = array<i32>} : memref<16x16xf32, #tpu.memory_space<vmem>>, vector<16xf32>,
    tpu.vector_store %arg10[%swap3A_925, %swap3A_926], %get3A_923 {strides = array<i32>} : memref<16x16xf32, #tpu.memory_space<vmem>>, vector<16xf32>,
    %slice3A_928 = vector.extract_strided_slice %mul3A_920 {offsets = [1], sizes = [1], strides = [1]} : vector<16xi32> to vector<1xi32>
    %squeeze3A_929 = vector.extract %slice3A_928[0] : i32 from vector<1xi32>
    %get3A_930 = arith.constant 1 : i32
    %get3A_931 = arith.index_cast %get3A_930 : i32 to index
    %get3A_932 = arith.index_cast %squeeze3A_929 : i32 to index
    %get3A_933 = tpu.vector_load %arg9[%get3A_931, %get3A_932] {strides = array<i32>} : memref<16x128xf32, #tpu.memory_space<vmem>>, vector<16xf32>,
    %swap3A_934 = arith.constant 1 : i32
    %swap3A_935 = arith.index_cast %swap3A_934 : i32 to index
    %swap3A_936 = arith.constant 0 : index
    %swap3A_937 = tpu.vector_load %arg10[%swap3A_935, %swap3A_936] {strides = array<i32>} : memref<16x16xf32, #tpu.memory_space<vmem>>, vector<16xf32>,
    tpu.vector_store %arg10[%swap3A_935, %swap3A_936], %get3A_933 {strides = array<i32>} : memref<16x16xf32, #tpu.memory_space<vmem>>, vector<16xf32>,
    %slice3A_938 = vector.extract_strided_slice %mul3A_920 {offsets = [2], sizes = [1], strides = [1]} : vector<16xi32> to vector<1xi32>
    %squeeze3A_939 = vector.extract %slice3A_938[0] : i32 from vector<1xi32>
    %get3A_940 = arith.constant 2 : i32
    %get3A_941 = arith.index_cast %get3A_940 : i32 to index
    %get3A_942 = arith.index_cast %squeeze3A_939 : i32 to index
    %get3A_943 = tpu.vector_load %arg9[%get3A_941, %get3A_942] {strides = array<i32>} : memref<16x128xf32, #tpu.memory_space<vmem>>, vector<16xf32>,
    %swap3A_944 = arith.constant 2 : i32
    %swap3A_945 = arith.index_cast %swap3A_944 : i32 to index
    %swap3A_946 = arith.constant 0 : index
    %swap3A_947 = tpu.vector_load %arg10[%swap3A_945, %swap3A_946] {strides = array<i32>} : memref<16x16xf32, #tpu.memory_space<vmem>>, vector<16xf32>,
    tpu.vector_store %arg10[%swap3A_945, %swap3A_946], %get3A_943 {strides = array<i32>} : memref<16x16xf32, #tpu.memory_space<vmem>>, vector<16xf32>,
    %slice3A_948 = vector.extract_strided_slice %mul3A_920 {offsets = [3], sizes = [1], strides = [1]} : vector<16xi32> to vector<1xi32>
    %squeeze3A_949 = vector.extract %slice3A_948[0] : i32 from vector<1xi32>
    %get3A_950 = arith.constant 3 : i32
    %get3A_951 = arith.index_cast %get3A_950 : i32 to index
    %get3A_952 = arith.index_cast %squeeze3A_949 : i32 to index
    %get3A_953 = tpu.vector_load %arg9[%get3A_951, %get3A_952] {strides = array<i32>} : memref<16x128xf32, #tpu.memory_space<vmem>>, vector<16xf32>,
    %swap3A_954 = arith.constant 3 : i32
    %swap3A_955 = arith.index_cast %swap3A_954 : i32 to index
    %swap3A_956 = arith.constant 0 : index
    %swap3A_957 = tpu.vector_load %arg10[%swap3A_955, %swap3A_956] {strides = array<i32>} : memref<16x16xf32, #tpu.memory_space<vmem>>, vector<16xf32>,
    tpu.vector_store %arg10[%swap3A_955, %swap3A_956], %get3A_953 {strides = array<i32>} : memref<16x16xf32, #tpu.memory_space<vmem>>, vector<16xf32>,
    %slice3A_958 = vector.extract_strided_slice %mul3A_920 {offsets = [4], sizes = [1], strides = [1]} : vector<16xi32> to vector<1xi32>
    %squeeze3A_959 = vector.extract %slice3A_958[0] : i32 from vector<1xi32>
    %get3A_960 = arith.constant 4 : i32
    %get3A_961 = arith.index_cast %get3A_960 : i32 to index
    %get3A_962 = arith.index_cast %squeeze3A_959 : i32 to index
    %get3A_963 = tpu.vector_load %arg9[%get3A_961, %get3A_962] {strides = array<i32>} : memref<16x128xf32, #tpu.memory_space<vmem>>, vector<16xf32>,
    %swap3A_964 = arith.constant 4 : i32
    %swap3A_965 = arith.index_cast %swap3A_964 : i32 to index
    %swap3A_966 = arith.constant 0 : index
    %swap3A_967 = tpu.vector_load %arg10[%swap3A_965, %swap3A_966] {strides = array<i32>} : memref<16x16xf32, #tpu.memory_space<vmem>>, vector<16xf32>,
    tpu.vector_store %arg10[%swap3A_965, %swap3A_966], %get3A_963 {strides = array<i32>} : memref<16x16xf32, #tpu.memory_space<vmem>>, vector<16xf32>,
    %slice3A_968 = vector.extract_strided_slice %mul3A_920 {offsets = [5], sizes = [1], strides = [1]} : vector<16xi32> to vector<1xi32>
    %squeeze3A_969 = vector.extract %slice3A_968[0] : i32 from vector<1xi32>
    %get3A_970 = arith.constant 5 : i32
    %get3A_971 = arith.index_cast %get3A_970 : i32 to index
    %get3A_972 = arith.index_cast %squeeze3A_969 : i32 to index
    %get3A_973 = tpu.vector_load %arg9[%get3A_971, %get3A_972] {strides = array<i32>} : memref<16x128xf32, #tpu.memory_space<vmem>>, vector<16xf32>,
    %swap3A_974 = arith.constant 5 : i32
    %swap3A_975 = arith.index_cast %swap3A_974 : i32 to index
    %swap3A_976 = arith.constant 0 : index
    %swap3A_977 = tpu.vector_load %arg10[%swap3A_975, %swap3A_976] {strides = array<i32>} : memref<16x16xf32, #tpu.memory_space<vmem>>, vector<16xf32>,
    tpu.vector_store %arg10[%swap3A_975, %swap3A_976], %get3A_973 {strides = array<i32>} : memref<16x16xf32, #tpu.memory_space<vmem>>, vector<16xf32>,
    %slice3A_978 = vector.extract_strided_slice %mul3A_920 {offsets = [6], sizes = [1], strides = [1]} : vector<16xi32> to vector<1xi32>
    %squeeze3A_979 = vector.extract %slice3A_978[0] : i32 from vector<1xi32>
    %get3A_980 = arith.constant 6 : i32
    %get3A_981 = arith.index_cast %get3A_980 : i32 to index
    %get3A_982 = arith.index_cast %squeeze3A_979 : i32 to index
    %get3A_983 = tpu.vector_load %arg9[%get3A_981, %get3A_982] {strides = array<i32>} : memref<16x128xf32, #tpu.memory_space<vmem>>, vector<16xf32>,
    %swap3A_984 = arith.constant 6 : i32
    %swap3A_985 = arith.index_cast %swap3A_984 : i32 to index
    %swap3A_986 = arith.constant 0 : index
    %swap3A_987 = tpu.vector_load %arg10[%swap3A_985, %swap3A_986] {strides = array<i32>} : memref<16x16xf32, #tpu.memory_space<vmem>>, vector<16xf32>,
    tpu.vector_store %arg10[%swap3A_985, %swap3A_986], %get3A_983 {strides = array<i32>} : memref<16x16xf32, #tpu.memory_space<vmem>>, vector<16xf32>,
    %slice3A_988 = vector.extract_strided_slice %mul3A_920 {offsets = [7], sizes = [1], strides = [1]} : vector<16xi32> to vector<1xi32>
    %squeeze3A_989 = vector.extract %slice3A_988[0] : i32 from vector<1xi32>
    %get3A_990 = arith.constant 7 : i32
    %get3A_991 = arith.index_cast %get3A_990 : i32 to index
    %get3A_992 = arith.index_cast %squeeze3A_989 : i32 to index
    %get3A_993 = tpu.vector_load %arg9[%get3A_991, %get3A_992] {strides = array<i32>} : memref<16x128xf32, #tpu.memory_space<vmem>>, vector<16xf32>,
    %swap3A_994 = arith.constant 7 : i32
    %swap3A_995 = arith.index_cast %swap3A_994 : i32 to index
    %swap3A_996 = arith.constant 0 : index
    %swap3A_997 = tpu.vector_load %arg10[%swap3A_995, %swap3A_996] {strides = array<i32>} : memref<16x16xf32, #tpu.memory_space<vmem>>, vector<16xf32>,
    tpu.vector_store %arg10[%swap3A_995, %swap3A_996], %get3A_993 {strides = array<i32>} : memref<16x16xf32, #tpu.memory_space<vmem>>, vector<16xf32>,
    %slice3A_998 = vector.extract_strided_slice %mul3A_920 {offsets = [8], sizes = [1], strides = [1]} : vector<16xi32> to vector<1xi32>
    %squeeze3A_999 = vector.extract %slice3A_998[0] : i32 from vector<1xi32>
    %get3A_1000 = arith.constant 8 : i32
    %get3A_1001 = arith.index_cast %get3A_1000 : i32 to index
    %get3A_1002 = arith.index_cast %squeeze3A_999 : i32 to index
    %get3A_1003 = tpu.vector_load %arg9[%get3A_1001, %get3A_1002] {strides = array<i32>} : memref<16x128xf32, #tpu.memory_space<vmem>>, vector<16xf32>,
    %swap3A_1004 = arith.constant 8 : i32
    %swap3A_1005 = arith.index_cast %swap3A_1004 : i32 to index
    %swap3A_1006 = arith.constant 0 : index
    %swap3A_1007 = tpu.vector_load %arg10[%swap3A_1005, %swap3A_1006] {strides = array<i32>} : memref<16x16xf32, #tpu.memory_space<vmem>>, vector<16xf32>,
    tpu.vector_store %arg10[%swap3A_1005, %swap3A_1006], %get3A_1003 {strides = array<i32>} : memref<16x16xf32, #tpu.memory_space<vmem>>, vector<16xf32>,
    %slice3A_1008 = vector.extract_strided_slice %mul3A_920 {offsets = [9], sizes = [1], strides = [1]} : vector<16xi32> to vector<1xi32>
    %squeeze3A_1009 = vector.extract %slice3A_1008[0] : i32 from vector<1xi32>
    %get3A_1010 = arith.constant 9 : i32
    %get3A_1011 = arith.index_cast %get3A_1010 : i32 to index
    %get3A_1012 = arith.index_cast %squeeze3A_1009 : i32 to index
    %get3A_1013 = tpu.vector_load %arg9[%get3A_1011, %get3A_1012] {strides = array<i32>} : memref<16x128xf32, #tpu.memory_space<vmem>>, vector<16xf32>,
    %swap3A_1014 = arith.constant 9 : i32
    %swap3A_1015 = arith.index_cast %swap3A_1014 : i32 to index
    %swap3A_1016 = arith.constant 0 : index
    %swap3A_1017 = tpu.vector_load %arg10[%swap3A_1015, %swap3A_1016] {strides = array<i32>} : memref<16x16xf32, #tpu.memory_space<vmem>>, vector<16xf32>,
    tpu.vector_store %arg10[%swap3A_1015, %swap3A_1016], %get3A_1013 {strides = array<i32>} : memref<16x16xf32, #tpu.memory_space<vmem>>, vector<16xf32>,
    %slice3A_1018 = vector.extract_strided_slice %mul3A_920 {offsets = [10], sizes = [1], strides = [1]} : vector<16xi32> to vector<1xi32>
    %squeeze3A_1019 = vector.extract %slice3A_1018[0] : i32 from vector<1xi32>
    %get3A_1020 = arith.constant 10 : i32
    %get3A_1021 = arith.index_cast %get3A_1020 : i32 to index
    %get3A_1022 = arith.index_cast %squeeze3A_1019 : i32 to index
    %get3A_1023 = tpu.vector_load %arg9[%get3A_1021, %get3A_1022] {strides = array<i32>} : memref<16x128xf32, #tpu.memory_space<vmem>>, vector<16xf32>,
    %swap3A_1024 = arith.constant 10 : i32
    %swap3A_1025 = arith.index_cast %swap3A_1024 : i32 to index
    %swap3A_1026 = arith.constant 0 : index
    %swap3A_1027 = tpu.vector_load %arg10[%swap3A_1025, %swap3A_1026] {strides = array<i32>} : memref<16x16xf32, #tpu.memory_space<vmem>>, vector<16xf32>,
    tpu.vector_store %arg10[%swap3A_1025, %swap3A_1026], %get3A_1023 {strides = array<i32>} : memref<16x16xf32, #tpu.memory_space<vmem>>, vector<16xf32>,
    %slice3A_1028 = vector.extract_strided_slice %mul3A_920 {offsets = [11], sizes = [1], strides = [1]} : vector<16xi32> to vector<1xi32>
    %squeeze3A_1029 = vector.extract %slice3A_1028[0] : i32 from vector<1xi32>
    %get3A_1030 = arith.constant 11 : i32
    %get3A_1031 = arith.index_cast %get3A_1030 : i32 to index
    %get3A_1032 = arith.index_cast %squeeze3A_1029 : i32 to index
    %get3A_1033 = tpu.vector_load %arg9[%get3A_1031, %get3A_1032] {strides = array<i32>} : memref<16x128xf32, #tpu.memory_space<vmem>>, vector<16xf32>,
    %swap3A_1034 = arith.constant 11 : i32
    %swap3A_1035 = arith.index_cast %swap3A_1034 : i32 to index
    %swap3A_1036 = arith.constant 0 : index
    %swap3A_1037 = tpu.vector_load %arg10[%swap3A_1035, %swap3A_1036] {strides = array<i32>} : memref<16x16xf32, #tpu.memory_space<vmem>>, vector<16xf32>,
    tpu.vector_store %arg10[%swap3A_1035, %swap3A_1036], %get3A_1033 {strides = array<i32>} : memref<16x16xf32, #tpu.memory_space<vmem>>, vector<16xf32>,
    %slice3A_1038 = vector.extract_strided_slice %mul3A_920 {offsets = [12], sizes = [1], strides = [1]} : vector<16xi32> to vector<1xi32>
    %squeeze3A_1039 = vector.extract %slice3A_1038[0] : i32 from vector<1xi32>
    %get3A_1040 = arith.constant 12 : i32
    %get3A_1041 = arith.index_cast %get3A_1040 : i32 to index
    %get3A_1042 = arith.index_cast %squeeze3A_1039 : i32 to index
    %get3A_1043 = tpu.vector_load %arg9[%get3A_1041, %get3A_1042] {strides = array<i32>} : memref<16x128xf32, #tpu.memory_space<vmem>>, vector<16xf32>,
    %swap3A_1044 = arith.constant 12 : i32
    %swap3A_1045 = arith.index_cast %swap3A_1044 : i32 to index
    %swap3A_1046 = arith.constant 0 : index
    %swap3A_1047 = tpu.vector_load %arg10[%swap3A_1045, %swap3A_1046] {strides = array<i32>} : memref<16x16xf32, #tpu.memory_space<vmem>>, vector<16xf32>,
    tpu.vector_store %arg10[%swap3A_1045, %swap3A_1046], %get3A_1043 {strides = array<i32>} : memref<16x16xf32, #tpu.memory_space<vmem>>, vector<16xf32>,
    %slice3A_1048 = vector.extract_strided_slice %mul3A_920 {offsets = [13], sizes = [1], strides = [1]} : vector<16xi32> to vector<1xi32>
    %squeeze3A_1049 = vector.extract %slice3A_1048[0] : i32 from vector<1xi32>
    %get3A_1050 = arith.constant 13 : i32
    %get3A_1051 = arith.index_cast %get3A_1050 : i32 to index
    %get3A_1052 = arith.index_cast %squeeze3A_1049 : i32 to index
    %get3A_1053 = tpu.vector_load %arg9[%get3A_1051, %get3A_1052] {strides = array<i32>} : memref<16x128xf32, #tpu.memory_space<vmem>>, vector<16xf32>,
    %swap3A_1054 = arith.constant 13 : i32
    %swap3A_1055 = arith.index_cast %swap3A_1054 : i32 to index
    %swap3A_1056 = arith.constant 0 : index
    %swap3A_1057 = tpu.vector_load %arg10[%swap3A_1055, %swap3A_1056] {strides = array<i32>} : memref<16x16xf32, #tpu.memory_space<vmem>>, vector<16xf32>,
    tpu.vector_store %arg10[%swap3A_1055, %swap3A_1056], %get3A_1053 {strides = array<i32>} : memref<16x16xf32, #tpu.memory_space<vmem>>, vector<16xf32>,
    %slice3A_1058 = vector.extract_strided_slice %mul3A_920 {offsets = [14], sizes = [1], strides = [1]} : vector<16xi32> to vector<1xi32>
    %squeeze3A_1059 = vector.extract %slice3A_1058[0] : i32 from vector<1xi32>
    %get3A_1060 = arith.constant 14 : i32
    %get3A_1061 = arith.index_cast %get3A_1060 : i32 to index
    %get3A_1062 = arith.index_cast %squeeze3A_1059 : i32 to index
    %get3A_1063 = tpu.vector_load %arg9[%get3A_1061, %get3A_1062] {strides = array<i32>} : memref<16x128xf32, #tpu.memory_space<vmem>>, vector<16xf32>,
    %swap3A_1064 = arith.constant 14 : i32
    %swap3A_1065 = arith.index_cast %swap3A_1064 : i32 to index
    %swap3A_1066 = arith.constant 0 : index
    %swap3A_1067 = tpu.vector_load %arg10[%swap3A_1065, %swap3A_1066] {strides = array<i32>} : memref<16x16xf32, #tpu.memory_space<vmem>>, vector<16xf32>,
    tpu.vector_store %arg10[%swap3A_1065, %swap3A_1066], %get3A_1063 {strides = array<i32>} : memref<16x16xf32, #tpu.memory_space<vmem>>, vector<16xf32>,
    %slice3A_1068 = vector.extract_strided_slice %mul3A_920 {offsets = [15], sizes = [1], strides = [1]} : vector<16xi32> to vector<1xi32>
    %squeeze3A_1069 = vector.extract %slice3A_1068[0] : i32 from vector<1xi32>
    %get3A_1070 = arith.constant 15 : i32
    %get3A_1071 = arith.index_cast %get3A_1070 : i32 to index
    %get3A_1072 = arith.index_cast %squeeze3A_1069 : i32 to index
    %get3A_1073 = tpu.vector_load %arg9[%get3A_1071, %get3A_1072] {strides = array<i32>} : memref<16x128xf32, #tpu.memory_space<vmem>>, vector<16xf32>,
    %swap3A_1074 = arith.constant 15 : i32
    %swap3A_1075 = arith.index_cast %swap3A_1074 : i32 to index
    %swap3A_1076 = arith.constant 0 : index
    %swap3A_1077 = tpu.vector_load %arg10[%swap3A_1075, %swap3A_1076] {strides = array<i32>} : memref<16x16xf32, #tpu.memory_space<vmem>>, vector<16xf32>,
    tpu.vector_store %arg10[%swap3A_1075, %swap3A_1076], %get3A_1073 {strides = array<i32>} : memref<16x16xf32, #tpu.memory_space<vmem>>, vector<16xf32>,
    "tpu.region"() ({
      %run_scoped3A = tpu.sem_alloc : memref<!tpu.dma_semaphore, #tpu.memory_space<semaphore_mem>>
      %dma_start3A_2165 = arith.constant 0 : i32
      %dma_start3A_2166 = arith.constant 0 : i32
      %dma_start3A_2167 = tpu.memref_slice %arg5[%add3A_4, %dma_start3A_2165, %dma_start3A_2166] : memref<64x16x16xf32, #tpu.memory_space<hbm>> -> memref<1x16x16xf32, #tpu.memory_space<hbm>>
      %dma_start3A_2168 = tpu.memref_squeeze %dma_start3A_2167 : memref<1x16x16xf32, #tpu.memory_space<hbm>> -> memref<16x16xf32, #tpu.memory_space<hbm>>
      %dma_start3A_2169 = arith.constant 0 : i32
      %dma_start3A_2170 = arith.constant 0 : i32
      %dma_start3A_2171 = tpu.memref_slice %arg5[%add3A_4, %dma_start3A_2169, %dma_start3A_2170] : memref<64x16x16xf32, #tpu.memory_space<hbm>> -> memref<1x16x16xf32, #tpu.memory_space<hbm>>
      %dma_start3A_2172 = tpu.memref_squeeze %dma_start3A_2171 : memref<1x16x16xf32, #tpu.memory_space<hbm>> -> memref<16x16xf32, #tpu.memory_space<hbm>>
      tpu.enqueue_dma source(%arg10 : memref<16x16xf32, #tpu.memory_space<vmem>>) target(%dma_start3A_2172 : memref<16x16xf32, #tpu.memory_space<hbm>>) target_semaphore(%run_scoped3A : memref<!tpu.dma_semaphore, #tpu.memory_space<semaphore_mem>>)
      %dma_wait3A_2173 = arith.constant 0 : i32
      %dma_wait3A_2174 = arith.constant 0 : i32
      %dma_wait3A_2175 = tpu.memref_slice %arg5[%add3A_4, %dma_wait3A_2173, %dma_wait3A_2174] : memref<64x16x16xf32, #tpu.memory_space<hbm>> -> memref<1x16x16xf32, #tpu.memory_space<hbm>>
      %dma_wait3A_2176 = tpu.memref_squeeze %dma_wait3A_2175 : memref<1x16x16xf32, #tpu.memory_space<hbm>> -> memref<16x16xf32, #tpu.memory_space<hbm>>
      %dma_wait3A_2177 = arith.constant 0 : i32
      %dma_wait3A_2178 = arith.constant 0 : i32
      %dma_wait3A_2179 = tpu.memref_slice %arg5[%add3A_4, %dma_wait3A_2177, %dma_wait3A_2178] : memref<64x16x16xf32, #tpu.memory_space<hbm>> -> memref<1x16x16xf32, #tpu.memory_space<hbm>>
      %dma_wait3A_2180 = tpu.memref_squeeze %dma_wait3A_2179 : memref<1x16x16xf32, #tpu.memory_space<hbm>> -> memref<16x16xf32, #tpu.memory_space<hbm>>
      tpu.wait_dma2 semaphore(%run_scoped3A : memref<!tpu.dma_semaphore, #tpu.memory_space<semaphore_mem>>) src(%arg10 : memref<16x16xf32, #tpu.memory_space<vmem>>) dst(%dma_wait3A_2180 : memref<16x16xf32, #tpu.memory_space<hbm>>)
      tpu.yield
    }) : () -> ()
    %mul3A_1078 = arith.constant 2 : i32
    %mul3A_1079 = arith.muli %add3A, %mul3A_1078 : i32
    %add3A_1080 = arith.constant 1 : i32
    %add3A_1081 = arith.addi %mul3A_1079, %add3A_1080 : i32
    %mul3A_1082 = arith.constant 16 : i32
    %mul3A_1083 = arith.muli %add3A_1081, %mul3A_1082 : i32
    %add3A_1084 = arith.constant 0 : i32
    %add3A_1085 = arith.addi %add3A_1084, %mul3A_1083 : i32
    %dma_start3A_1086 = arith.constant 0 : i32
    %dma_start3A_1087 = tpu.memref_slice %arg6[%dma_start3A_1086] : memref<512xf32, #tpu.memory_space<vmem>> -> memref<16xf32, #tpu.memory_space<vmem>>
    %dma_start3A_1088 = tpu.memref_slice %arg2[%add3A_1085] : memref<32768xf32, #tpu.memory_space<hbm>> -> memref<16xf32, #tpu.memory_space<hbm>>
    %dma_start3A_1089 = arith.constant 0 : i32
    %dma_start3A_1090 = tpu.memref_slice %arg6[%dma_start3A_1089] : memref<512xf32, #tpu.memory_space<vmem>> -> memref<16xf32, #tpu.memory_space<vmem>>
    %dma_start3A_1091 = tpu.memref_slice %arg2[%add3A_1085] : memref<32768xf32, #tpu.memory_space<hbm>> -> memref<16xf32, #tpu.memory_space<hbm>>
    tpu.enqueue_dma source(%dma_start3A_1091 : memref<16xf32, #tpu.memory_space<hbm>>) target(%dma_start3A_1090 : memref<16xf32, #tpu.memory_space<vmem>>) target_semaphore(%arg11 : memref<!tpu.dma_semaphore, #tpu.memory_space<semaphore_mem>>)
    %dma_start3A_1092 = arith.constant 0 : i32
    %dma_start3A_1093 = tpu.memref_slice %arg7[%dma_start3A_1092] : memref<512xi32, #tpu.memory_space<vmem>> -> memref<16xi32, #tpu.memory_space<vmem>>
    %dma_start3A_1094 = tpu.memref_slice %arg3[%add3A_1085] : memref<32768xi32, #tpu.memory_space<hbm>> -> memref<16xi32, #tpu.memory_space<hbm>>
    %dma_start3A_1095 = arith.constant 0 : i32
    %dma_start3A_1096 = tpu.memref_slice %arg7[%dma_start3A_1095] : memref<512xi32, #tpu.memory_space<vmem>> -> memref<16xi32, #tpu.memory_space<vmem>>
    %dma_start3A_1097 = tpu.memref_slice %arg3[%add3A_1085] : memref<32768xi32, #tpu.memory_space<hbm>> -> memref<16xi32, #tpu.memory_space<hbm>>
    tpu.enqueue_dma source(%dma_start3A_1097 : memref<16xi32, #tpu.memory_space<hbm>>) target(%dma_start3A_1096 : memref<16xi32, #tpu.memory_space<vmem>>) target_semaphore(%arg11 : memref<!tpu.dma_semaphore, #tpu.memory_space<semaphore_mem>>)
    %mul3A_1098 = arith.constant 16 : i32
    %mul3A_1099 = arith.muli %add3A_1081, %mul3A_1098 : i32
    %add3A_1100 = arith.constant 1024 : i32
    %add3A_1101 = arith.addi %add3A_1100, %mul3A_1099 : i32
    %dma_start3A_1102 = arith.constant 16 : i32
    %dma_start3A_1103 = tpu.memref_slice %arg6[%dma_start3A_1102] : memref<512xf32, #tpu.memory_space<vmem>> -> memref<16xf32, #tpu.memory_space<vmem>>
    %dma_start3A_1104 = tpu.memref_slice %arg2[%add3A_1101] : memref<32768xf32, #tpu.memory_space<hbm>> -> memref<16xf32, #tpu.memory_space<hbm>>
    %dma_start3A_1105 = arith.constant 16 : i32
    %dma_start3A_1106 = tpu.memref_slice %arg6[%dma_start3A_1105] : memref<512xf32, #tpu.memory_space<vmem>> -> memref<16xf32, #tpu.memory_space<vmem>>
    %dma_start3A_1107 = tpu.memref_slice %arg2[%add3A_1101] : memref<32768xf32, #tpu.memory_space<hbm>> -> memref<16xf32, #tpu.memory_space<hbm>>
    tpu.enqueue_dma source(%dma_start3A_1107 : memref<16xf32, #tpu.memory_space<hbm>>) target(%dma_start3A_1106 : memref<16xf32, #tpu.memory_space<vmem>>) target_semaphore(%arg11 : memref<!tpu.dma_semaphore, #tpu.memory_space<semaphore_mem>>)
    %dma_start3A_1108 = arith.constant 16 : i32
    %dma_start3A_1109 = tpu.memref_slice %arg7[%dma_start3A_1108] : memref<512xi32, #tpu.memory_space<vmem>> -> memref<16xi32, #tpu.memory_space<vmem>>
    %dma_start3A_1110 = tpu.memref_slice %arg3[%add3A_1101] : memref<32768xi32, #tpu.memory_space<hbm>> -> memref<16xi32, #tpu.memory_space<hbm>>
    %dma_start3A_1111 = arith.constant 16 : i32
    %dma_start3A_1112 = tpu.memref_slice %arg7[%dma_start3A_1111] : memref<512xi32, #tpu.memory_space<vmem>> -> memref<16xi32, #tpu.memory_space<vmem>>
    %dma_start3A_1113 = tpu.memref_slice %arg3[%add3A_1101] : memref<32768xi32, #tpu.memory_space<hbm>> -> memref<16xi32, #tpu.memory_space<hbm>>
    tpu.enqueue_dma source(%dma_start3A_1113 : memref<16xi32, #tpu.memory_space<hbm>>) target(%dma_start3A_1112 : memref<16xi32, #tpu.memory_space<vmem>>) target_semaphore(%arg11 : memref<!tpu.dma_semaphore, #tpu.memory_space<semaphore_mem>>)
    %mul3A_1114 = arith.constant 16 : i32
    %mul3A_1115 = arith.muli %add3A_1081, %mul3A_1114 : i32
    %add3A_1116 = arith.constant 2048 : i32
    %add3A_1117 = arith.addi %add3A_1116, %mul3A_1115 : i32
    %dma_start3A_1118 = arith.constant 32 : i32
    %dma_start3A_1119 = tpu.memref_slice %arg6[%dma_start3A_1118] : memref<512xf32, #tpu.memory_space<vmem>> -> memref<16xf32, #tpu.memory_space<vmem>>
    %dma_start3A_1120 = tpu.memref_slice %arg2[%add3A_1117] : memref<32768xf32, #tpu.memory_space<hbm>> -> memref<16xf32, #tpu.memory_space<hbm>>
    %dma_start3A_1121 = arith.constant 32 : i32
    %dma_start3A_1122 = tpu.memref_slice %arg6[%dma_start3A_1121] : memref<512xf32, #tpu.memory_space<vmem>> -> memref<16xf32, #tpu.memory_space<vmem>>
    %dma_start3A_1123 = tpu.memref_slice %arg2[%add3A_1117] : memref<32768xf32, #tpu.memory_space<hbm>> -> memref<16xf32, #tpu.memory_space<hbm>>
    tpu.enqueue_dma source(%dma_start3A_1123 : memref<16xf32, #tpu.memory_space<hbm>>) target(%dma_start3A_1122 : memref<16xf32, #tpu.memory_space<vmem>>) target_semaphore(%arg11 : memref<!tpu.dma_semaphore, #tpu.memory_space<semaphore_mem>>)
    %dma_start3A_1124 = arith.constant 32 : i32
    %dma_start3A_1125 = tpu.memref_slice %arg7[%dma_start3A_1124] : memref<512xi32, #tpu.memory_space<vmem>> -> memref<16xi32, #tpu.memory_space<vmem>>
    %dma_start3A_1126 = tpu.memref_slice %arg3[%add3A_1117] : memref<32768xi32, #tpu.memory_space<hbm>> -> memref<16xi32, #tpu.memory_space<hbm>>
    %dma_start3A_1127 = arith.constant 32 : i32
    %dma_start3A_1128 = tpu.memref_slice %arg7[%dma_start3A_1127] : memref<512xi32, #tpu.memory_space<vmem>> -> memref<16xi32, #tpu.memory_space<vmem>>
    %dma_start3A_1129 = tpu.memref_slice %arg3[%add3A_1117] : memref<32768xi32, #tpu.memory_space<hbm>> -> memref<16xi32, #tpu.memory_space<hbm>>
    tpu.enqueue_dma source(%dma_start3A_1129 : memref<16xi32, #tpu.memory_space<hbm>>) target(%dma_start3A_1128 : memref<16xi32, #tpu.memory_space<vmem>>) target_semaphore(%arg11 : memref<!tpu.dma_semaphore, #tpu.memory_space<semaphore_mem>>)
    %mul3A_1130 = arith.constant 16 : i32
    %mul3A_1131 = arith.muli %add3A_1081, %mul3A_1130 : i32
    %add3A_1132 = arith.constant 3072 : i32
    %add3A_1133 = arith.addi %add3A_1132, %mul3A_1131 : i32
    %dma_start3A_1134 = arith.constant 48 : i32
    %dma_start3A_1135 = tpu.memref_slice %arg6[%dma_start3A_1134] : memref<512xf32, #tpu.memory_space<vmem>> -> memref<16xf32, #tpu.memory_space<vmem>>
    %dma_start3A_1136 = tpu.memref_slice %arg2[%add3A_1133] : memref<32768xf32, #tpu.memory_space<hbm>> -> memref<16xf32, #tpu.memory_space<hbm>>
    %dma_start3A_1137 = arith.constant 48 : i32
    %dma_start3A_1138 = tpu.memref_slice %arg6[%dma_start3A_1137] : memref<512xf32, #tpu.memory_space<vmem>> -> memref<16xf32, #tpu.memory_space<vmem>>
    %dma_start3A_1139 = tpu.memref_slice %arg2[%add3A_1133] : memref<32768xf32, #tpu.memory_space<hbm>> -> memref<16xf32, #tpu.memory_space<hbm>>
    tpu.enqueue_dma source(%dma_start3A_1139 : memref<16xf32, #tpu.memory_space<hbm>>) target(%dma_start3A_1138 : memref<16xf32, #tpu.memory_space<vmem>>) target_semaphore(%arg11 : memref<!tpu.dma_semaphore, #tpu.memory_space<semaphore_mem>>)
    %dma_start3A_1140 = arith.constant 48 : i32
    %dma_start3A_1141 = tpu.memref_slice %arg7[%dma_start3A_1140] : memref<512xi32, #tpu.memory_space<vmem>> -> memref<16xi32, #tpu.memory_space<vmem>>
    %dma_start3A_1142 = tpu.memref_slice %arg3[%add3A_1133] : memref<32768xi32, #tpu.memory_space<hbm>> -> memref<16xi32, #tpu.memory_space<hbm>>
    %dma_start3A_1143 = arith.constant 48 : i32
    %dma_start3A_1144 = tpu.memref_slice %arg7[%dma_start3A_1143] : memref<512xi32, #tpu.memory_space<vmem>> -> memref<16xi32, #tpu.memory_space<vmem>>
    %dma_start3A_1145 = tpu.memref_slice %arg3[%add3A_1133] : memref<32768xi32, #tpu.memory_space<hbm>> -> memref<16xi32, #tpu.memory_space<hbm>>
    tpu.enqueue_dma source(%dma_start3A_1145 : memref<16xi32, #tpu.memory_space<hbm>>) target(%dma_start3A_1144 : memref<16xi32, #tpu.memory_space<vmem>>) target_semaphore(%arg11 : memref<!tpu.dma_semaphore, #tpu.memory_space<semaphore_mem>>)
    %mul3A_1146 = arith.constant 16 : i32
    %mul3A_1147 = arith.muli %add3A_1081, %mul3A_1146 : i32
    %add3A_1148 = arith.constant 4096 : i32
    %add3A_1149 = arith.addi %add3A_1148, %mul3A_1147 : i32
    %dma_start3A_1150 = arith.constant 64 : i32
    %dma_start3A_1151 = tpu.memref_slice %arg6[%dma_start3A_1150] : memref<512xf32, #tpu.memory_space<vmem>> -> memref<16xf32, #tpu.memory_space<vmem>>
    %dma_start3A_1152 = tpu.memref_slice %arg2[%add3A_1149] : memref<32768xf32, #tpu.memory_space<hbm>> -> memref<16xf32, #tpu.memory_space<hbm>>
    %dma_start3A_1153 = arith.constant 64 : i32
    %dma_start3A_1154 = tpu.memref_slice %arg6[%dma_start3A_1153] : memref<512xf32, #tpu.memory_space<vmem>> -> memref<16xf32, #tpu.memory_space<vmem>>
    %dma_start3A_1155 = tpu.memref_slice %arg2[%add3A_1149] : memref<32768xf32, #tpu.memory_space<hbm>> -> memref<16xf32, #tpu.memory_space<hbm>>
    tpu.enqueue_dma source(%dma_start3A_1155 : memref<16xf32, #tpu.memory_space<hbm>>) target(%dma_start3A_1154 : memref<16xf32, #tpu.memory_space<vmem>>) target_semaphore(%arg11 : memref<!tpu.dma_semaphore, #tpu.memory_space<semaphore_mem>>)
    %dma_start3A_1156 = arith.constant 64 : i32
    %dma_start3A_1157 = tpu.memref_slice %arg7[%dma_start3A_1156] : memref<512xi32, #tpu.memory_space<vmem>> -> memref<16xi32, #tpu.memory_space<vmem>>
    %dma_start3A_1158 = tpu.memref_slice %arg3[%add3A_1149] : memref<32768xi32, #tpu.memory_space<hbm>> -> memref<16xi32, #tpu.memory_space<hbm>>
    %dma_start3A_1159 = arith.constant 64 : i32
    %dma_start3A_1160 = tpu.memref_slice %arg7[%dma_start3A_1159] : memref<512xi32, #tpu.memory_space<vmem>> -> memref<16xi32, #tpu.memory_space<vmem>>
    %dma_start3A_1161 = tpu.memref_slice %arg3[%add3A_1149] : memref<32768xi32, #tpu.memory_space<hbm>> -> memref<16xi32, #tpu.memory_space<hbm>>
    tpu.enqueue_dma source(%dma_start3A_1161 : memref<16xi32, #tpu.memory_space<hbm>>) target(%dma_start3A_1160 : memref<16xi32, #tpu.memory_space<vmem>>) target_semaphore(%arg11 : memref<!tpu.dma_semaphore, #tpu.memory_space<semaphore_mem>>)
    %mul3A_1162 = arith.constant 16 : i32
    %mul3A_1163 = arith.muli %add3A_1081, %mul3A_1162 : i32
    %add3A_1164 = arith.constant 5120 : i32
    %add3A_1165 = arith.addi %add3A_1164, %mul3A_1163 : i32
    %dma_start3A_1166 = arith.constant 80 : i32
    %dma_start3A_1167 = tpu.memref_slice %arg6[%dma_start3A_1166] : memref<512xf32, #tpu.memory_space<vmem>> -> memref<16xf32, #tpu.memory_space<vmem>>
    %dma_start3A_1168 = tpu.memref_slice %arg2[%add3A_1165] : memref<32768xf32, #tpu.memory_space<hbm>> -> memref<16xf32, #tpu.memory_space<hbm>>
    %dma_start3A_1169 = arith.constant 80 : i32
    %dma_start3A_1170 = tpu.memref_slice %arg6[%dma_start3A_1169] : memref<512xf32, #tpu.memory_space<vmem>> -> memref<16xf32, #tpu.memory_space<vmem>>
    %dma_start3A_1171 = tpu.memref_slice %arg2[%add3A_1165] : memref<32768xf32, #tpu.memory_space<hbm>> -> memref<16xf32, #tpu.memory_space<hbm>>
    tpu.enqueue_dma source(%dma_start3A_1171 : memref<16xf32, #tpu.memory_space<hbm>>) target(%dma_start3A_1170 : memref<16xf32, #tpu.memory_space<vmem>>) target_semaphore(%arg11 : memref<!tpu.dma_semaphore, #tpu.memory_space<semaphore_mem>>)
    %dma_start3A_1172 = arith.constant 80 : i32
    %dma_start3A_1173 = tpu.memref_slice %arg7[%dma_start3A_1172] : memref<512xi32, #tpu.memory_space<vmem>> -> memref<16xi32, #tpu.memory_space<vmem>>
    %dma_start3A_1174 = tpu.memref_slice %arg3[%add3A_1165] : memref<32768xi32, #tpu.memory_space<hbm>> -> memref<16xi32, #tpu.memory_space<hbm>>
    %dma_start3A_1175 = arith.constant 80 : i32
    %dma_start3A_1176 = tpu.memref_slice %arg7[%dma_start3A_1175] : memref<512xi32, #tpu.memory_space<vmem>> -> memref<16xi32, #tpu.memory_space<vmem>>
    %dma_start3A_1177 = tpu.memref_slice %arg3[%add3A_1165] : memref<32768xi32, #tpu.memory_space<hbm>> -> memref<16xi32, #tpu.memory_space<hbm>>
    tpu.enqueue_dma source(%dma_start3A_1177 : memref<16xi32, #tpu.memory_space<hbm>>) target(%dma_start3A_1176 : memref<16xi32, #tpu.memory_space<vmem>>) target_semaphore(%arg11 : memref<!tpu.dma_semaphore, #tpu.memory_space<semaphore_mem>>)
    %mul3A_1178 = arith.constant 16 : i32
    %mul3A_1179 = arith.muli %add3A_1081, %mul3A_1178 : i32
    %add3A_1180 = arith.constant 6144 : i32
    %add3A_1181 = arith.addi %add3A_1180, %mul3A_1179 : i32
    %dma_start3A_1182 = arith.constant 96 : i32
    %dma_start3A_1183 = tpu.memref_slice %arg6[%dma_start3A_1182] : memref<512xf32, #tpu.memory_space<vmem>> -> memref<16xf32, #tpu.memory_space<vmem>>
    %dma_start3A_1184 = tpu.memref_slice %arg2[%add3A_1181] : memref<32768xf32, #tpu.memory_space<hbm>> -> memref<16xf32, #tpu.memory_space<hbm>>
    %dma_start3A_1185 = arith.constant 96 : i32
    %dma_start3A_1186 = tpu.memref_slice %arg6[%dma_start3A_1185] : memref<512xf32, #tpu.memory_space<vmem>> -> memref<16xf32, #tpu.memory_space<vmem>>
    %dma_start3A_1187 = tpu.memref_slice %arg2[%add3A_1181] : memref<32768xf32, #tpu.memory_space<hbm>> -> memref<16xf32, #tpu.memory_space<hbm>>
    tpu.enqueue_dma source(%dma_start3A_1187 : memref<16xf32, #tpu.memory_space<hbm>>) target(%dma_start3A_1186 : memref<16xf32, #tpu.memory_space<vmem>>) target_semaphore(%arg11 : memref<!tpu.dma_semaphore, #tpu.memory_space<semaphore_mem>>)
    %dma_start3A_1188 = arith.constant 96 : i32
    %dma_start3A_1189 = tpu.memref_slice %arg7[%dma_start3A_1188] : memref<512xi32, #tpu.memory_space<vmem>> -> memref<16xi32, #tpu.memory_space<vmem>>
    %dma_start3A_1190 = tpu.memref_slice %arg3[%add3A_1181] : memref<32768xi32, #tpu.memory_space<hbm>> -> memref<16xi32, #tpu.memory_space<hbm>>
    %dma_start3A_1191 = arith.constant 96 : i32
    %dma_start3A_1192 = tpu.memref_slice %arg7[%dma_start3A_1191] : memref<512xi32, #tpu.memory_space<vmem>> -> memref<16xi32, #tpu.memory_space<vmem>>
    %dma_start3A_1193 = tpu.memref_slice %arg3[%add3A_1181] : memref<32768xi32, #tpu.memory_space<hbm>> -> memref<16xi32, #tpu.memory_space<hbm>>
    tpu.enqueue_dma source(%dma_start3A_1193 : memref<16xi32, #tpu.memory_space<hbm>>) target(%dma_start3A_1192 : memref<16xi32, #tpu.memory_space<vmem>>) target_semaphore(%arg11 : memref<!tpu.dma_semaphore, #tpu.memory_space<semaphore_mem>>)
    %mul3A_1194 = arith.constant 16 : i32
    %mul3A_1195 = arith.muli %add3A_1081, %mul3A_1194 : i32
    %add3A_1196 = arith.constant 7168 : i32
    %add3A_1197 = arith.addi %add3A_1196, %mul3A_1195 : i32
    %dma_start3A_1198 = arith.constant 112 : i32
    %dma_start3A_1199 = tpu.memref_slice %arg6[%dma_start3A_1198] : memref<512xf32, #tpu.memory_space<vmem>> -> memref<16xf32, #tpu.memory_space<vmem>>
    %dma_start3A_1200 = tpu.memref_slice %arg2[%add3A_1197] : memref<32768xf32, #tpu.memory_space<hbm>> -> memref<16xf32, #tpu.memory_space<hbm>>
    %dma_start3A_1201 = arith.constant 112 : i32
    %dma_start3A_1202 = tpu.memref_slice %arg6[%dma_start3A_1201] : memref<512xf32, #tpu.memory_space<vmem>> -> memref<16xf32, #tpu.memory_space<vmem>>
    %dma_start3A_1203 = tpu.memref_slice %arg2[%add3A_1197] : memref<32768xf32, #tpu.memory_space<hbm>> -> memref<16xf32, #tpu.memory_space<hbm>>
    tpu.enqueue_dma source(%dma_start3A_1203 : memref<16xf32, #tpu.memory_space<hbm>>) target(%dma_start3A_1202 : memref<16xf32, #tpu.memory_space<vmem>>) target_semaphore(%arg11 : memref<!tpu.dma_semaphore, #tpu.memory_space<semaphore_mem>>)
    %dma_start3A_1204 = arith.constant 112 : i32
    %dma_start3A_1205 = tpu.memref_slice %arg7[%dma_start3A_1204] : memref<512xi32, #tpu.memory_space<vmem>> -> memref<16xi32, #tpu.memory_space<vmem>>
    %dma_start3A_1206 = tpu.memref_slice %arg3[%add3A_1197] : memref<32768xi32, #tpu.memory_space<hbm>> -> memref<16xi32, #tpu.memory_space<hbm>>
    %dma_start3A_1207 = arith.constant 112 : i32
    %dma_start3A_1208 = tpu.memref_slice %arg7[%dma_start3A_1207] : memref<512xi32, #tpu.memory_space<vmem>> -> memref<16xi32, #tpu.memory_space<vmem>>
    %dma_start3A_1209 = tpu.memref_slice %arg3[%add3A_1197] : memref<32768xi32, #tpu.memory_space<hbm>> -> memref<16xi32, #tpu.memory_space<hbm>>
    tpu.enqueue_dma source(%dma_start3A_1209 : memref<16xi32, #tpu.memory_space<hbm>>) target(%dma_start3A_1208 : memref<16xi32, #tpu.memory_space<vmem>>) target_semaphore(%arg11 : memref<!tpu.dma_semaphore, #tpu.memory_space<semaphore_mem>>)
    %mul3A_1210 = arith.constant 16 : i32
    %mul3A_1211 = arith.muli %add3A_1081, %mul3A_1210 : i32
    %add3A_1212 = arith.constant 8192 : i32
    %add3A_1213 = arith.addi %add3A_1212, %mul3A_1211 : i32
    %dma_start3A_1214 = arith.constant 128 : i32
    %dma_start3A_1215 = tpu.memref_slice %arg6[%dma_start3A_1214] : memref<512xf32, #tpu.memory_space<vmem>> -> memref<16xf32, #tpu.memory_space<vmem>>
    %dma_start3A_1216 = tpu.memref_slice %arg2[%add3A_1213] : memref<32768xf32, #tpu.memory_space<hbm>> -> memref<16xf32, #tpu.memory_space<hbm>>
    %dma_start3A_1217 = arith.constant 128 : i32
    %dma_start3A_1218 = tpu.memref_slice %arg6[%dma_start3A_1217] : memref<512xf32, #tpu.memory_space<vmem>> -> memref<16xf32, #tpu.memory_space<vmem>>
    %dma_start3A_1219 = tpu.memref_slice %arg2[%add3A_1213] : memref<32768xf32, #tpu.memory_space<hbm>> -> memref<16xf32, #tpu.memory_space<hbm>>
    tpu.enqueue_dma source(%dma_start3A_1219 : memref<16xf32, #tpu.memory_space<hbm>>) target(%dma_start3A_1218 : memref<16xf32, #tpu.memory_space<vmem>>) target_semaphore(%arg11 : memref<!tpu.dma_semaphore, #tpu.memory_space<semaphore_mem>>)
    %dma_start3A_1220 = arith.constant 128 : i32
    %dma_start3A_1221 = tpu.memref_slice %arg7[%dma_start3A_1220] : memref<512xi32, #tpu.memory_space<vmem>> -> memref<16xi32, #tpu.memory_space<vmem>>
    %dma_start3A_1222 = tpu.memref_slice %arg3[%add3A_1213] : memref<32768xi32, #tpu.memory_space<hbm>> -> memref<16xi32, #tpu.memory_space<hbm>>
    %dma_start3A_1223 = arith.constant 128 : i32
    %dma_start3A_1224 = tpu.memref_slice %arg7[%dma_start3A_1223] : memref<512xi32, #tpu.memory_space<vmem>> -> memref<16xi32, #tpu.memory_space<vmem>>
    %dma_start3A_1225 = tpu.memref_slice %arg3[%add3A_1213] : memref<32768xi32, #tpu.memory_space<hbm>> -> memref<16xi32, #tpu.memory_space<hbm>>
    tpu.enqueue_dma source(%dma_start3A_1225 : memref<16xi32, #tpu.memory_space<hbm>>) target(%dma_start3A_1224 : memref<16xi32, #tpu.memory_space<vmem>>) target_semaphore(%arg11 : memref<!tpu.dma_semaphore, #tpu.memory_space<semaphore_mem>>)
    %mul3A_1226 = arith.constant 16 : i32
    %mul3A_1227 = arith.muli %add3A_1081, %mul3A_1226 : i32
    %add3A_1228 = arith.constant 9216 : i32
    %add3A_1229 = arith.addi %add3A_1228, %mul3A_1227 : i32
    %dma_start3A_1230 = arith.constant 144 : i32
    %dma_start3A_1231 = tpu.memref_slice %arg6[%dma_start3A_1230] : memref<512xf32, #tpu.memory_space<vmem>> -> memref<16xf32, #tpu.memory_space<vmem>>
    %dma_start3A_1232 = tpu.memref_slice %arg2[%add3A_1229] : memref<32768xf32, #tpu.memory_space<hbm>> -> memref<16xf32, #tpu.memory_space<hbm>>
    %dma_start3A_1233 = arith.constant 144 : i32
    %dma_start3A_1234 = tpu.memref_slice %arg6[%dma_start3A_1233] : memref<512xf32, #tpu.memory_space<vmem>> -> memref<16xf32, #tpu.memory_space<vmem>>
    %dma_start3A_1235 = tpu.memref_slice %arg2[%add3A_1229] : memref<32768xf32, #tpu.memory_space<hbm>> -> memref<16xf32, #tpu.memory_space<hbm>>
    tpu.enqueue_dma source(%dma_start3A_1235 : memref<16xf32, #tpu.memory_space<hbm>>) target(%dma_start3A_1234 : memref<16xf32, #tpu.memory_space<vmem>>) target_semaphore(%arg11 : memref<!tpu.dma_semaphore, #tpu.memory_space<semaphore_mem>>)
    %dma_start3A_1236 = arith.constant 144 : i32
    %dma_start3A_1237 = tpu.memref_slice %arg7[%dma_start3A_1236] : memref<512xi32, #tpu.memory_space<vmem>> -> memref<16xi32, #tpu.memory_space<vmem>>
    %dma_start3A_1238 = tpu.memref_slice %arg3[%add3A_1229] : memref<32768xi32, #tpu.memory_space<hbm>> -> memref<16xi32, #tpu.memory_space<hbm>>
    %dma_start3A_1239 = arith.constant 144 : i32
    %dma_start3A_1240 = tpu.memref_slice %arg7[%dma_start3A_1239] : memref<512xi32, #tpu.memory_space<vmem>> -> memref<16xi32, #tpu.memory_space<vmem>>
    %dma_start3A_1241 = tpu.memref_slice %arg3[%add3A_1229] : memref<32768xi32, #tpu.memory_space<hbm>> -> memref<16xi32, #tpu.memory_space<hbm>>
    tpu.enqueue_dma source(%dma_start3A_1241 : memref<16xi32, #tpu.memory_space<hbm>>) target(%dma_start3A_1240 : memref<16xi32, #tpu.memory_space<vmem>>) target_semaphore(%arg11 : memref<!tpu.dma_semaphore, #tpu.memory_space<semaphore_mem>>)
    %mul3A_1242 = arith.constant 16 : i32
    %mul3A_1243 = arith.muli %add3A_1081, %mul3A_1242 : i32
    %add3A_1244 = arith.constant 10240 : i32
    %add3A_1245 = arith.addi %add3A_1244, %mul3A_1243 : i32
    %dma_start3A_1246 = arith.constant 160 : i32
    %dma_start3A_1247 = tpu.memref_slice %arg6[%dma_start3A_1246] : memref<512xf32, #tpu.memory_space<vmem>> -> memref<16xf32, #tpu.memory_space<vmem>>
    %dma_start3A_1248 = tpu.memref_slice %arg2[%add3A_1245] : memref<32768xf32, #tpu.memory_space<hbm>> -> memref<16xf32, #tpu.memory_space<hbm>>
    %dma_start3A_1249 = arith.constant 160 : i32
    %dma_start3A_1250 = tpu.memref_slice %arg6[%dma_start3A_1249] : memref<512xf32, #tpu.memory_space<vmem>> -> memref<16xf32, #tpu.memory_space<vmem>>
    %dma_start3A_1251 = tpu.memref_slice %arg2[%add3A_1245] : memref<32768xf32, #tpu.memory_space<hbm>> -> memref<16xf32, #tpu.memory_space<hbm>>
    tpu.enqueue_dma source(%dma_start3A_1251 : memref<16xf32, #tpu.memory_space<hbm>>) target(%dma_start3A_1250 : memref<16xf32, #tpu.memory_space<vmem>>) target_semaphore(%arg11 : memref<!tpu.dma_semaphore, #tpu.memory_space<semaphore_mem>>)
    %dma_start3A_1252 = arith.constant 160 : i32
    %dma_start3A_1253 = tpu.memref_slice %arg7[%dma_start3A_1252] : memref<512xi32, #tpu.memory_space<vmem>> -> memref<16xi32, #tpu.memory_space<vmem>>
    %dma_start3A_1254 = tpu.memref_slice %arg3[%add3A_1245] : memref<32768xi32, #tpu.memory_space<hbm>> -> memref<16xi32, #tpu.memory_space<hbm>>
    %dma_start3A_1255 = arith.constant 160 : i32
    %dma_start3A_1256 = tpu.memref_slice %arg7[%dma_start3A_1255] : memref<512xi32, #tpu.memory_space<vmem>> -> memref<16xi32, #tpu.memory_space<vmem>>
    %dma_start3A_1257 = tpu.memref_slice %arg3[%add3A_1245] : memref<32768xi32, #tpu.memory_space<hbm>> -> memref<16xi32, #tpu.memory_space<hbm>>
    tpu.enqueue_dma source(%dma_start3A_1257 : memref<16xi32, #tpu.memory_space<hbm>>) target(%dma_start3A_1256 : memref<16xi32, #tpu.memory_space<vmem>>) target_semaphore(%arg11 : memref<!tpu.dma_semaphore, #tpu.memory_space<semaphore_mem>>)
    %mul3A_1258 = arith.constant 16 : i32
    %mul3A_1259 = arith.muli %add3A_1081, %mul3A_1258 : i32
    %add3A_1260 = arith.constant 11264 : i32
    %add3A_1261 = arith.addi %add3A_1260, %mul3A_1259 : i32
    %dma_start3A_1262 = arith.constant 176 : i32
    %dma_start3A_1263 = tpu.memref_slice %arg6[%dma_start3A_1262] : memref<512xf32, #tpu.memory_space<vmem>> -> memref<16xf32, #tpu.memory_space<vmem>>
    %dma_start3A_1264 = tpu.memref_slice %arg2[%add3A_1261] : memref<32768xf32, #tpu.memory_space<hbm>> -> memref<16xf32, #tpu.memory_space<hbm>>
    %dma_start3A_1265 = arith.constant 176 : i32
    %dma_start3A_1266 = tpu.memref_slice %arg6[%dma_start3A_1265] : memref<512xf32, #tpu.memory_space<vmem>> -> memref<16xf32, #tpu.memory_space<vmem>>
    %dma_start3A_1267 = tpu.memref_slice %arg2[%add3A_1261] : memref<32768xf32, #tpu.memory_space<hbm>> -> memref<16xf32, #tpu.memory_space<hbm>>
    tpu.enqueue_dma source(%dma_start3A_1267 : memref<16xf32, #tpu.memory_space<hbm>>) target(%dma_start3A_1266 : memref<16xf32, #tpu.memory_space<vmem>>) target_semaphore(%arg11 : memref<!tpu.dma_semaphore, #tpu.memory_space<semaphore_mem>>)
    %dma_start3A_1268 = arith.constant 176 : i32
    %dma_start3A_1269 = tpu.memref_slice %arg7[%dma_start3A_1268] : memref<512xi32, #tpu.memory_space<vmem>> -> memref<16xi32, #tpu.memory_space<vmem>>
    %dma_start3A_1270 = tpu.memref_slice %arg3[%add3A_1261] : memref<32768xi32, #tpu.memory_space<hbm>> -> memref<16xi32, #tpu.memory_space<hbm>>
    %dma_start3A_1271 = arith.constant 176 : i32
    %dma_start3A_1272 = tpu.memref_slice %arg7[%dma_start3A_1271] : memref<512xi32, #tpu.memory_space<vmem>> -> memref<16xi32, #tpu.memory_space<vmem>>
    %dma_start3A_1273 = tpu.memref_slice %arg3[%add3A_1261] : memref<32768xi32, #tpu.memory_space<hbm>> -> memref<16xi32, #tpu.memory_space<hbm>>
    tpu.enqueue_dma source(%dma_start3A_1273 : memref<16xi32, #tpu.memory_space<hbm>>) target(%dma_start3A_1272 : memref<16xi32, #tpu.memory_space<vmem>>) target_semaphore(%arg11 : memref<!tpu.dma_semaphore, #tpu.memory_space<semaphore_mem>>)
    %mul3A_1274 = arith.constant 16 : i32
    %mul3A_1275 = arith.muli %add3A_1081, %mul3A_1274 : i32
    %add3A_1276 = arith.constant 12288 : i32
    %add3A_1277 = arith.addi %add3A_1276, %mul3A_1275 : i32
    %dma_start3A_1278 = arith.constant 192 : i32
    %dma_start3A_1279 = tpu.memref_slice %arg6[%dma_start3A_1278] : memref<512xf32, #tpu.memory_space<vmem>> -> memref<16xf32, #tpu.memory_space<vmem>>
    %dma_start3A_1280 = tpu.memref_slice %arg2[%add3A_1277] : memref<32768xf32, #tpu.memory_space<hbm>> -> memref<16xf32, #tpu.memory_space<hbm>>
    %dma_start3A_1281 = arith.constant 192 : i32
    %dma_start3A_1282 = tpu.memref_slice %arg6[%dma_start3A_1281] : memref<512xf32, #tpu.memory_space<vmem>> -> memref<16xf32, #tpu.memory_space<vmem>>
    %dma_start3A_1283 = tpu.memref_slice %arg2[%add3A_1277] : memref<32768xf32, #tpu.memory_space<hbm>> -> memref<16xf32, #tpu.memory_space<hbm>>
    tpu.enqueue_dma source(%dma_start3A_1283 : memref<16xf32, #tpu.memory_space<hbm>>) target(%dma_start3A_1282 : memref<16xf32, #tpu.memory_space<vmem>>) target_semaphore(%arg11 : memref<!tpu.dma_semaphore, #tpu.memory_space<semaphore_mem>>)
    %dma_start3A_1284 = arith.constant 192 : i32
    %dma_start3A_1285 = tpu.memref_slice %arg7[%dma_start3A_1284] : memref<512xi32, #tpu.memory_space<vmem>> -> memref<16xi32, #tpu.memory_space<vmem>>
    %dma_start3A_1286 = tpu.memref_slice %arg3[%add3A_1277] : memref<32768xi32, #tpu.memory_space<hbm>> -> memref<16xi32, #tpu.memory_space<hbm>>
    %dma_start3A_1287 = arith.constant 192 : i32
    %dma_start3A_1288 = tpu.memref_slice %arg7[%dma_start3A_1287] : memref<512xi32, #tpu.memory_space<vmem>> -> memref<16xi32, #tpu.memory_space<vmem>>
    %dma_start3A_1289 = tpu.memref_slice %arg3[%add3A_1277] : memref<32768xi32, #tpu.memory_space<hbm>> -> memref<16xi32, #tpu.memory_space<hbm>>
    tpu.enqueue_dma source(%dma_start3A_1289 : memref<16xi32, #tpu.memory_space<hbm>>) target(%dma_start3A_1288 : memref<16xi32, #tpu.memory_space<vmem>>) target_semaphore(%arg11 : memref<!tpu.dma_semaphore, #tpu.memory_space<semaphore_mem>>)
    %mul3A_1290 = arith.constant 16 : i32
    %mul3A_1291 = arith.muli %add3A_1081, %mul3A_1290 : i32
    %add3A_1292 = arith.constant 13312 : i32
    %add3A_1293 = arith.addi %add3A_1292, %mul3A_1291 : i32
    %dma_start3A_1294 = arith.constant 208 : i32
    %dma_start3A_1295 = tpu.memref_slice %arg6[%dma_start3A_1294] : memref<512xf32, #tpu.memory_space<vmem>> -> memref<16xf32, #tpu.memory_space<vmem>>
    %dma_start3A_1296 = tpu.memref_slice %arg2[%add3A_1293] : memref<32768xf32, #tpu.memory_space<hbm>> -> memref<16xf32, #tpu.memory_space<hbm>>
    %dma_start3A_1297 = arith.constant 208 : i32
    %dma_start3A_1298 = tpu.memref_slice %arg6[%dma_start3A_1297] : memref<512xf32, #tpu.memory_space<vmem>> -> memref<16xf32, #tpu.memory_space<vmem>>
    %dma_start3A_1299 = tpu.memref_slice %arg2[%add3A_1293] : memref<32768xf32, #tpu.memory_space<hbm>> -> memref<16xf32, #tpu.memory_space<hbm>>
    tpu.enqueue_dma source(%dma_start3A_1299 : memref<16xf32, #tpu.memory_space<hbm>>) target(%dma_start3A_1298 : memref<16xf32, #tpu.memory_space<vmem>>) target_semaphore(%arg11 : memref<!tpu.dma_semaphore, #tpu.memory_space<semaphore_mem>>)
    %dma_start3A_1300 = arith.constant 208 : i32
    %dma_start3A_1301 = tpu.memref_slice %arg7[%dma_start3A_1300] : memref<512xi32, #tpu.memory_space<vmem>> -> memref<16xi32, #tpu.memory_space<vmem>>
    %dma_start3A_1302 = tpu.memref_slice %arg3[%add3A_1293] : memref<32768xi32, #tpu.memory_space<hbm>> -> memref<16xi32, #tpu.memory_space<hbm>>
    %dma_start3A_1303 = arith.constant 208 : i32
    %dma_start3A_1304 = tpu.memref_slice %arg7[%dma_start3A_1303] : memref<512xi32, #tpu.memory_space<vmem>> -> memref<16xi32, #tpu.memory_space<vmem>>
    %dma_start3A_1305 = tpu.memref_slice %arg3[%add3A_1293] : memref<32768xi32, #tpu.memory_space<hbm>> -> memref<16xi32, #tpu.memory_space<hbm>>
    tpu.enqueue_dma source(%dma_start3A_1305 : memref<16xi32, #tpu.memory_space<hbm>>) target(%dma_start3A_1304 : memref<16xi32, #tpu.memory_space<vmem>>) target_semaphore(%arg11 : memref<!tpu.dma_semaphore, #tpu.memory_space<semaphore_mem>>)
    %mul3A_1306 = arith.constant 16 : i32
    %mul3A_1307 = arith.muli %add3A_1081, %mul3A_1306 : i32
    %add3A_1308 = arith.constant 14336 : i32
    %add3A_1309 = arith.addi %add3A_1308, %mul3A_1307 : i32
    %dma_start3A_1310 = arith.constant 224 : i32
    %dma_start3A_1311 = tpu.memref_slice %arg6[%dma_start3A_1310] : memref<512xf32, #tpu.memory_space<vmem>> -> memref<16xf32, #tpu.memory_space<vmem>>
    %dma_start3A_1312 = tpu.memref_slice %arg2[%add3A_1309] : memref<32768xf32, #tpu.memory_space<hbm>> -> memref<16xf32, #tpu.memory_space<hbm>>
    %dma_start3A_1313 = arith.constant 224 : i32
    %dma_start3A_1314 = tpu.memref_slice %arg6[%dma_start3A_1313] : memref<512xf32, #tpu.memory_space<vmem>> -> memref<16xf32, #tpu.memory_space<vmem>>
    %dma_start3A_1315 = tpu.memref_slice %arg2[%add3A_1309] : memref<32768xf32, #tpu.memory_space<hbm>> -> memref<16xf32, #tpu.memory_space<hbm>>
    tpu.enqueue_dma source(%dma_start3A_1315 : memref<16xf32, #tpu.memory_space<hbm>>) target(%dma_start3A_1314 : memref<16xf32, #tpu.memory_space<vmem>>) target_semaphore(%arg11 : memref<!tpu.dma_semaphore, #tpu.memory_space<semaphore_mem>>)
    %dma_start3A_1316 = arith.constant 224 : i32
    %dma_start3A_1317 = tpu.memref_slice %arg7[%dma_start3A_1316] : memref<512xi32, #tpu.memory_space<vmem>> -> memref<16xi32, #tpu.memory_space<vmem>>
    %dma_start3A_1318 = tpu.memref_slice %arg3[%add3A_1309] : memref<32768xi32, #tpu.memory_space<hbm>> -> memref<16xi32, #tpu.memory_space<hbm>>
    %dma_start3A_1319 = arith.constant 224 : i32
    %dma_start3A_1320 = tpu.memref_slice %arg7[%dma_start3A_1319] : memref<512xi32, #tpu.memory_space<vmem>> -> memref<16xi32, #tpu.memory_space<vmem>>
    %dma_start3A_1321 = tpu.memref_slice %arg3[%add3A_1309] : memref<32768xi32, #tpu.memory_space<hbm>> -> memref<16xi32, #tpu.memory_space<hbm>>
    tpu.enqueue_dma source(%dma_start3A_1321 : memref<16xi32, #tpu.memory_space<hbm>>) target(%dma_start3A_1320 : memref<16xi32, #tpu.memory_space<vmem>>) target_semaphore(%arg11 : memref<!tpu.dma_semaphore, #tpu.memory_space<semaphore_mem>>)
    %mul3A_1322 = arith.constant 16 : i32
    %mul3A_1323 = arith.muli %add3A_1081, %mul3A_1322 : i32
    %add3A_1324 = arith.constant 15360 : i32
    %add3A_1325 = arith.addi %add3A_1324, %mul3A_1323 : i32
    %dma_start3A_1326 = arith.constant 240 : i32
    %dma_start3A_1327 = tpu.memref_slice %arg6[%dma_start3A_1326] : memref<512xf32, #tpu.memory_space<vmem>> -> memref<16xf32, #tpu.memory_space<vmem>>
    %dma_start3A_1328 = tpu.memref_slice %arg2[%add3A_1325] : memref<32768xf32, #tpu.memory_space<hbm>> -> memref<16xf32, #tpu.memory_space<hbm>>
    %dma_start3A_1329 = arith.constant 240 : i32
    %dma_start3A_1330 = tpu.memref_slice %arg6[%dma_start3A_1329] : memref<512xf32, #tpu.memory_space<vmem>> -> memref<16xf32, #tpu.memory_space<vmem>>
    %dma_start3A_1331 = tpu.memref_slice %arg2[%add3A_1325] : memref<32768xf32, #tpu.memory_space<hbm>> -> memref<16xf32, #tpu.memory_space<hbm>>
    tpu.enqueue_dma source(%dma_start3A_1331 : memref<16xf32, #tpu.memory_space<hbm>>) target(%dma_start3A_1330 : memref<16xf32, #tpu.memory_space<vmem>>) target_semaphore(%arg11 : memref<!tpu.dma_semaphore, #tpu.memory_space<semaphore_mem>>)
    %dma_start3A_1332 = arith.constant 240 : i32
    %dma_start3A_1333 = tpu.memref_slice %arg7[%dma_start3A_1332] : memref<512xi32, #tpu.memory_space<vmem>> -> memref<16xi32, #tpu.memory_space<vmem>>
    %dma_start3A_1334 = tpu.memref_slice %arg3[%add3A_1325] : memref<32768xi32, #tpu.memory_space<hbm>> -> memref<16xi32, #tpu.memory_space<hbm>>
    %dma_start3A_1335 = arith.constant 240 : i32
    %dma_start3A_1336 = tpu.memref_slice %arg7[%dma_start3A_1335] : memref<512xi32, #tpu.memory_space<vmem>> -> memref<16xi32, #tpu.memory_space<vmem>>
    %dma_start3A_1337 = tpu.memref_slice %arg3[%add3A_1325] : memref<32768xi32, #tpu.memory_space<hbm>> -> memref<16xi32, #tpu.memory_space<hbm>>
    tpu.enqueue_dma source(%dma_start3A_1337 : memref<16xi32, #tpu.memory_space<hbm>>) target(%dma_start3A_1336 : memref<16xi32, #tpu.memory_space<vmem>>) target_semaphore(%arg11 : memref<!tpu.dma_semaphore, #tpu.memory_space<semaphore_mem>>)
    %mul3A_1338 = arith.constant 16 : i32
    %mul3A_1339 = arith.muli %add3A_1081, %mul3A_1338 : i32
    %add3A_1340 = arith.constant 16384 : i32
    %add3A_1341 = arith.addi %add3A_1340, %mul3A_1339 : i32
    %dma_start3A_1342 = arith.constant 256 : i32
    %dma_start3A_1343 = tpu.memref_slice %arg6[%dma_start3A_1342] : memref<512xf32, #tpu.memory_space<vmem>> -> memref<16xf32, #tpu.memory_space<vmem>>
    %dma_start3A_1344 = tpu.memref_slice %arg2[%add3A_1341] : memref<32768xf32, #tpu.memory_space<hbm>> -> memref<16xf32, #tpu.memory_space<hbm>>
    %dma_start3A_1345 = arith.constant 256 : i32
    %dma_start3A_1346 = tpu.memref_slice %arg6[%dma_start3A_1345] : memref<512xf32, #tpu.memory_space<vmem>> -> memref<16xf32, #tpu.memory_space<vmem>>
    %dma_start3A_1347 = tpu.memref_slice %arg2[%add3A_1341] : memref<32768xf32, #tpu.memory_space<hbm>> -> memref<16xf32, #tpu.memory_space<hbm>>
    tpu.enqueue_dma source(%dma_start3A_1347 : memref<16xf32, #tpu.memory_space<hbm>>) target(%dma_start3A_1346 : memref<16xf32, #tpu.memory_space<vmem>>) target_semaphore(%arg11 : memref<!tpu.dma_semaphore, #tpu.memory_space<semaphore_mem>>)
    %dma_start3A_1348 = arith.constant 256 : i32
    %dma_start3A_1349 = tpu.memref_slice %arg7[%dma_start3A_1348] : memref<512xi32, #tpu.memory_space<vmem>> -> memref<16xi32, #tpu.memory_space<vmem>>
    %dma_start3A_1350 = tpu.memref_slice %arg3[%add3A_1341] : memref<32768xi32, #tpu.memory_space<hbm>> -> memref<16xi32, #tpu.memory_space<hbm>>
    %dma_start3A_1351 = arith.constant 256 : i32
    %dma_start3A_1352 = tpu.memref_slice %arg7[%dma_start3A_1351] : memref<512xi32, #tpu.memory_space<vmem>> -> memref<16xi32, #tpu.memory_space<vmem>>
    %dma_start3A_1353 = tpu.memref_slice %arg3[%add3A_1341] : memref<32768xi32, #tpu.memory_space<hbm>> -> memref<16xi32, #tpu.memory_space<hbm>>
    tpu.enqueue_dma source(%dma_start3A_1353 : memref<16xi32, #tpu.memory_space<hbm>>) target(%dma_start3A_1352 : memref<16xi32, #tpu.memory_space<vmem>>) target_semaphore(%arg11 : memref<!tpu.dma_semaphore, #tpu.memory_space<semaphore_mem>>)
    %mul3A_1354 = arith.constant 16 : i32
    %mul3A_1355 = arith.muli %add3A_1081, %mul3A_1354 : i32
    %add3A_1356 = arith.constant 17408 : i32
    %add3A_1357 = arith.addi %add3A_1356, %mul3A_1355 : i32
    %dma_start3A_1358 = arith.constant 272 : i32
    %dma_start3A_1359 = tpu.memref_slice %arg6[%dma_start3A_1358] : memref<512xf32, #tpu.memory_space<vmem>> -> memref<16xf32, #tpu.memory_space<vmem>>
    %dma_start3A_1360 = tpu.memref_slice %arg2[%add3A_1357] : memref<32768xf32, #tpu.memory_space<hbm>> -> memref<16xf32, #tpu.memory_space<hbm>>
    %dma_start3A_1361 = arith.constant 272 : i32
    %dma_start3A_1362 = tpu.memref_slice %arg6[%dma_start3A_1361] : memref<512xf32, #tpu.memory_space<vmem>> -> memref<16xf32, #tpu.memory_space<vmem>>
    %dma_start3A_1363 = tpu.memref_slice %arg2[%add3A_1357] : memref<32768xf32, #tpu.memory_space<hbm>> -> memref<16xf32, #tpu.memory_space<hbm>>
    tpu.enqueue_dma source(%dma_start3A_1363 : memref<16xf32, #tpu.memory_space<hbm>>) target(%dma_start3A_1362 : memref<16xf32, #tpu.memory_space<vmem>>) target_semaphore(%arg11 : memref<!tpu.dma_semaphore, #tpu.memory_space<semaphore_mem>>)
    %dma_start3A_1364 = arith.constant 272 : i32
    %dma_start3A_1365 = tpu.memref_slice %arg7[%dma_start3A_1364] : memref<512xi32, #tpu.memory_space<vmem>> -> memref<16xi32, #tpu.memory_space<vmem>>
    %dma_start3A_1366 = tpu.memref_slice %arg3[%add3A_1357] : memref<32768xi32, #tpu.memory_space<hbm>> -> memref<16xi32, #tpu.memory_space<hbm>>
    %dma_start3A_1367 = arith.constant 272 : i32
    %dma_start3A_1368 = tpu.memref_slice %arg7[%dma_start3A_1367] : memref<512xi32, #tpu.memory_space<vmem>> -> memref<16xi32, #tpu.memory_space<vmem>>
    %dma_start3A_1369 = tpu.memref_slice %arg3[%add3A_1357] : memref<32768xi32, #tpu.memory_space<hbm>> -> memref<16xi32, #tpu.memory_space<hbm>>
    tpu.enqueue_dma source(%dma_start3A_1369 : memref<16xi32, #tpu.memory_space<hbm>>) target(%dma_start3A_1368 : memref<16xi32, #tpu.memory_space<vmem>>) target_semaphore(%arg11 : memref<!tpu.dma_semaphore, #tpu.memory_space<semaphore_mem>>)
    %mul3A_1370 = arith.constant 16 : i32
    %mul3A_1371 = arith.muli %add3A_1081, %mul3A_1370 : i32
    %add3A_1372 = arith.constant 18432 : i32
    %add3A_1373 = arith.addi %add3A_1372, %mul3A_1371 : i32
    %dma_start3A_1374 = arith.constant 288 : i32
    %dma_start3A_1375 = tpu.memref_slice %arg6[%dma_start3A_1374] : memref<512xf32, #tpu.memory_space<vmem>> -> memref<16xf32, #tpu.memory_space<vmem>>
    %dma_start3A_1376 = tpu.memref_slice %arg2[%add3A_1373] : memref<32768xf32, #tpu.memory_space<hbm>> -> memref<16xf32, #tpu.memory_space<hbm>>
    %dma_start3A_1377 = arith.constant 288 : i32
    %dma_start3A_1378 = tpu.memref_slice %arg6[%dma_start3A_1377] : memref<512xf32, #tpu.memory_space<vmem>> -> memref<16xf32, #tpu.memory_space<vmem>>
    %dma_start3A_1379 = tpu.memref_slice %arg2[%add3A_1373] : memref<32768xf32, #tpu.memory_space<hbm>> -> memref<16xf32, #tpu.memory_space<hbm>>
    tpu.enqueue_dma source(%dma_start3A_1379 : memref<16xf32, #tpu.memory_space<hbm>>) target(%dma_start3A_1378 : memref<16xf32, #tpu.memory_space<vmem>>) target_semaphore(%arg11 : memref<!tpu.dma_semaphore, #tpu.memory_space<semaphore_mem>>)
    %dma_start3A_1380 = arith.constant 288 : i32
    %dma_start3A_1381 = tpu.memref_slice %arg7[%dma_start3A_1380] : memref<512xi32, #tpu.memory_space<vmem>> -> memref<16xi32, #tpu.memory_space<vmem>>
    %dma_start3A_1382 = tpu.memref_slice %arg3[%add3A_1373] : memref<32768xi32, #tpu.memory_space<hbm>> -> memref<16xi32, #tpu.memory_space<hbm>>
    %dma_start3A_1383 = arith.constant 288 : i32
    %dma_start3A_1384 = tpu.memref_slice %arg7[%dma_start3A_1383] : memref<512xi32, #tpu.memory_space<vmem>> -> memref<16xi32, #tpu.memory_space<vmem>>
    %dma_start3A_1385 = tpu.memref_slice %arg3[%add3A_1373] : memref<32768xi32, #tpu.memory_space<hbm>> -> memref<16xi32, #tpu.memory_space<hbm>>
    tpu.enqueue_dma source(%dma_start3A_1385 : memref<16xi32, #tpu.memory_space<hbm>>) target(%dma_start3A_1384 : memref<16xi32, #tpu.memory_space<vmem>>) target_semaphore(%arg11 : memref<!tpu.dma_semaphore, #tpu.memory_space<semaphore_mem>>)
    %mul3A_1386 = arith.constant 16 : i32
    %mul3A_1387 = arith.muli %add3A_1081, %mul3A_1386 : i32
    %add3A_1388 = arith.constant 19456 : i32
    %add3A_1389 = arith.addi %add3A_1388, %mul3A_1387 : i32
    %dma_start3A_1390 = arith.constant 304 : i32
    %dma_start3A_1391 = tpu.memref_slice %arg6[%dma_start3A_1390] : memref<512xf32, #tpu.memory_space<vmem>> -> memref<16xf32, #tpu.memory_space<vmem>>
    %dma_start3A_1392 = tpu.memref_slice %arg2[%add3A_1389] : memref<32768xf32, #tpu.memory_space<hbm>> -> memref<16xf32, #tpu.memory_space<hbm>>
    %dma_start3A_1393 = arith.constant 304 : i32
    %dma_start3A_1394 = tpu.memref_slice %arg6[%dma_start3A_1393] : memref<512xf32, #tpu.memory_space<vmem>> -> memref<16xf32, #tpu.memory_space<vmem>>
    %dma_start3A_1395 = tpu.memref_slice %arg2[%add3A_1389] : memref<32768xf32, #tpu.memory_space<hbm>> -> memref<16xf32, #tpu.memory_space<hbm>>
    tpu.enqueue_dma source(%dma_start3A_1395 : memref<16xf32, #tpu.memory_space<hbm>>) target(%dma_start3A_1394 : memref<16xf32, #tpu.memory_space<vmem>>) target_semaphore(%arg11 : memref<!tpu.dma_semaphore, #tpu.memory_space<semaphore_mem>>)
    %dma_start3A_1396 = arith.constant 304 : i32
    %dma_start3A_1397 = tpu.memref_slice %arg7[%dma_start3A_1396] : memref<512xi32, #tpu.memory_space<vmem>> -> memref<16xi32, #tpu.memory_space<vmem>>
    %dma_start3A_1398 = tpu.memref_slice %arg3[%add3A_1389] : memref<32768xi32, #tpu.memory_space<hbm>> -> memref<16xi32, #tpu.memory_space<hbm>>
    %dma_start3A_1399 = arith.constant 304 : i32
    %dma_start3A_1400 = tpu.memref_slice %arg7[%dma_start3A_1399] : memref<512xi32, #tpu.memory_space<vmem>> -> memref<16xi32, #tpu.memory_space<vmem>>
    %dma_start3A_1401 = tpu.memref_slice %arg3[%add3A_1389] : memref<32768xi32, #tpu.memory_space<hbm>> -> memref<16xi32, #tpu.memory_space<hbm>>
    tpu.enqueue_dma source(%dma_start3A_1401 : memref<16xi32, #tpu.memory_space<hbm>>) target(%dma_start3A_1400 : memref<16xi32, #tpu.memory_space<vmem>>) target_semaphore(%arg11 : memref<!tpu.dma_semaphore, #tpu.memory_space<semaphore_mem>>)
    %mul3A_1402 = arith.constant 16 : i32
    %mul3A_1403 = arith.muli %add3A_1081, %mul3A_1402 : i32
    %add3A_1404 = arith.constant 20480 : i32
    %add3A_1405 = arith.addi %add3A_1404, %mul3A_1403 : i32
    %dma_start3A_1406 = arith.constant 320 : i32
    %dma_start3A_1407 = tpu.memref_slice %arg6[%dma_start3A_1406] : memref<512xf32, #tpu.memory_space<vmem>> -> memref<16xf32, #tpu.memory_space<vmem>>
    %dma_start3A_1408 = tpu.memref_slice %arg2[%add3A_1405] : memref<32768xf32, #tpu.memory_space<hbm>> -> memref<16xf32, #tpu.memory_space<hbm>>
    %dma_start3A_1409 = arith.constant 320 : i32
    %dma_start3A_1410 = tpu.memref_slice %arg6[%dma_start3A_1409] : memref<512xf32, #tpu.memory_space<vmem>> -> memref<16xf32, #tpu.memory_space<vmem>>
    %dma_start3A_1411 = tpu.memref_slice %arg2[%add3A_1405] : memref<32768xf32, #tpu.memory_space<hbm>> -> memref<16xf32, #tpu.memory_space<hbm>>
    tpu.enqueue_dma source(%dma_start3A_1411 : memref<16xf32, #tpu.memory_space<hbm>>) target(%dma_start3A_1410 : memref<16xf32, #tpu.memory_space<vmem>>) target_semaphore(%arg11 : memref<!tpu.dma_semaphore, #tpu.memory_space<semaphore_mem>>)
    %dma_start3A_1412 = arith.constant 320 : i32
    %dma_start3A_1413 = tpu.memref_slice %arg7[%dma_start3A_1412] : memref<512xi32, #tpu.memory_space<vmem>> -> memref<16xi32, #tpu.memory_space<vmem>>
    %dma_start3A_1414 = tpu.memref_slice %arg3[%add3A_1405] : memref<32768xi32, #tpu.memory_space<hbm>> -> memref<16xi32, #tpu.memory_space<hbm>>
    %dma_start3A_1415 = arith.constant 320 : i32
    %dma_start3A_1416 = tpu.memref_slice %arg7[%dma_start3A_1415] : memref<512xi32, #tpu.memory_space<vmem>> -> memref<16xi32, #tpu.memory_space<vmem>>
    %dma_start3A_1417 = tpu.memref_slice %arg3[%add3A_1405] : memref<32768xi32, #tpu.memory_space<hbm>> -> memref<16xi32, #tpu.memory_space<hbm>>
    tpu.enqueue_dma source(%dma_start3A_1417 : memref<16xi32, #tpu.memory_space<hbm>>) target(%dma_start3A_1416 : memref<16xi32, #tpu.memory_space<vmem>>) target_semaphore(%arg11 : memref<!tpu.dma_semaphore, #tpu.memory_space<semaphore_mem>>)
    %mul3A_1418 = arith.constant 16 : i32
    %mul3A_1419 = arith.muli %add3A_1081, %mul3A_1418 : i32
    %add3A_1420 = arith.constant 21504 : i32
    %add3A_1421 = arith.addi %add3A_1420, %mul3A_1419 : i32
    %dma_start3A_1422 = arith.constant 336 : i32
    %dma_start3A_1423 = tpu.memref_slice %arg6[%dma_start3A_1422] : memref<512xf32, #tpu.memory_space<vmem>> -> memref<16xf32, #tpu.memory_space<vmem>>
    %dma_start3A_1424 = tpu.memref_slice %arg2[%add3A_1421] : memref<32768xf32, #tpu.memory_space<hbm>> -> memref<16xf32, #tpu.memory_space<hbm>>
    %dma_start3A_1425 = arith.constant 336 : i32
    %dma_start3A_1426 = tpu.memref_slice %arg6[%dma_start3A_1425] : memref<512xf32, #tpu.memory_space<vmem>> -> memref<16xf32, #tpu.memory_space<vmem>>
    %dma_start3A_1427 = tpu.memref_slice %arg2[%add3A_1421] : memref<32768xf32, #tpu.memory_space<hbm>> -> memref<16xf32, #tpu.memory_space<hbm>>
    tpu.enqueue_dma source(%dma_start3A_1427 : memref<16xf32, #tpu.memory_space<hbm>>) target(%dma_start3A_1426 : memref<16xf32, #tpu.memory_space<vmem>>) target_semaphore(%arg11 : memref<!tpu.dma_semaphore, #tpu.memory_space<semaphore_mem>>)
    %dma_start3A_1428 = arith.constant 336 : i32
    %dma_start3A_1429 = tpu.memref_slice %arg7[%dma_start3A_1428] : memref<512xi32, #tpu.memory_space<vmem>> -> memref<16xi32, #tpu.memory_space<vmem>>
    %dma_start3A_1430 = tpu.memref_slice %arg3[%add3A_1421] : memref<32768xi32, #tpu.memory_space<hbm>> -> memref<16xi32, #tpu.memory_space<hbm>>
    %dma_start3A_1431 = arith.constant 336 : i32
    %dma_start3A_1432 = tpu.memref_slice %arg7[%dma_start3A_1431] : memref<512xi32, #tpu.memory_space<vmem>> -> memref<16xi32, #tpu.memory_space<vmem>>
    %dma_start3A_1433 = tpu.memref_slice %arg3[%add3A_1421] : memref<32768xi32, #tpu.memory_space<hbm>> -> memref<16xi32, #tpu.memory_space<hbm>>
    tpu.enqueue_dma source(%dma_start3A_1433 : memref<16xi32, #tpu.memory_space<hbm>>) target(%dma_start3A_1432 : memref<16xi32, #tpu.memory_space<vmem>>) target_semaphore(%arg11 : memref<!tpu.dma_semaphore, #tpu.memory_space<semaphore_mem>>)
    %mul3A_1434 = arith.constant 16 : i32
    %mul3A_1435 = arith.muli %add3A_1081, %mul3A_1434 : i32
    %add3A_1436 = arith.constant 22528 : i32
    %add3A_1437 = arith.addi %add3A_1436, %mul3A_1435 : i32
    %dma_start3A_1438 = arith.constant 352 : i32
    %dma_start3A_1439 = tpu.memref_slice %arg6[%dma_start3A_1438] : memref<512xf32, #tpu.memory_space<vmem>> -> memref<16xf32, #tpu.memory_space<vmem>>
    %dma_start3A_1440 = tpu.memref_slice %arg2[%add3A_1437] : memref<32768xf32, #tpu.memory_space<hbm>> -> memref<16xf32, #tpu.memory_space<hbm>>
    %dma_start3A_1441 = arith.constant 352 : i32
    %dma_start3A_1442 = tpu.memref_slice %arg6[%dma_start3A_1441] : memref<512xf32, #tpu.memory_space<vmem>> -> memref<16xf32, #tpu.memory_space<vmem>>
    %dma_start3A_1443 = tpu.memref_slice %arg2[%add3A_1437] : memref<32768xf32, #tpu.memory_space<hbm>> -> memref<16xf32, #tpu.memory_space<hbm>>
    tpu.enqueue_dma source(%dma_start3A_1443 : memref<16xf32, #tpu.memory_space<hbm>>) target(%dma_start3A_1442 : memref<16xf32, #tpu.memory_space<vmem>>) target_semaphore(%arg11 : memref<!tpu.dma_semaphore, #tpu.memory_space<semaphore_mem>>)
    %dma_start3A_1444 = arith.constant 352 : i32
    %dma_start3A_1445 = tpu.memref_slice %arg7[%dma_start3A_1444] : memref<512xi32, #tpu.memory_space<vmem>> -> memref<16xi32, #tpu.memory_space<vmem>>
    %dma_start3A_1446 = tpu.memref_slice %arg3[%add3A_1437] : memref<32768xi32, #tpu.memory_space<hbm>> -> memref<16xi32, #tpu.memory_space<hbm>>
    %dma_start3A_1447 = arith.constant 352 : i32
    %dma_start3A_1448 = tpu.memref_slice %arg7[%dma_start3A_1447] : memref<512xi32, #tpu.memory_space<vmem>> -> memref<16xi32, #tpu.memory_space<vmem>>
    %dma_start3A_1449 = tpu.memref_slice %arg3[%add3A_1437] : memref<32768xi32, #tpu.memory_space<hbm>> -> memref<16xi32, #tpu.memory_space<hbm>>
    tpu.enqueue_dma source(%dma_start3A_1449 : memref<16xi32, #tpu.memory_space<hbm>>) target(%dma_start3A_1448 : memref<16xi32, #tpu.memory_space<vmem>>) target_semaphore(%arg11 : memref<!tpu.dma_semaphore, #tpu.memory_space<semaphore_mem>>)
    %mul3A_1450 = arith.constant 16 : i32
    %mul3A_1451 = arith.muli %add3A_1081, %mul3A_1450 : i32
    %add3A_1452 = arith.constant 23552 : i32
    %add3A_1453 = arith.addi %add3A_1452, %mul3A_1451 : i32
    %dma_start3A_1454 = arith.constant 368 : i32
    %dma_start3A_1455 = tpu.memref_slice %arg6[%dma_start3A_1454] : memref<512xf32, #tpu.memory_space<vmem>> -> memref<16xf32, #tpu.memory_space<vmem>>
    %dma_start3A_1456 = tpu.memref_slice %arg2[%add3A_1453] : memref<32768xf32, #tpu.memory_space<hbm>> -> memref<16xf32, #tpu.memory_space<hbm>>
    %dma_start3A_1457 = arith.constant 368 : i32
    %dma_start3A_1458 = tpu.memref_slice %arg6[%dma_start3A_1457] : memref<512xf32, #tpu.memory_space<vmem>> -> memref<16xf32, #tpu.memory_space<vmem>>
    %dma_start3A_1459 = tpu.memref_slice %arg2[%add3A_1453] : memref<32768xf32, #tpu.memory_space<hbm>> -> memref<16xf32, #tpu.memory_space<hbm>>
    tpu.enqueue_dma source(%dma_start3A_1459 : memref<16xf32, #tpu.memory_space<hbm>>) target(%dma_start3A_1458 : memref<16xf32, #tpu.memory_space<vmem>>) target_semaphore(%arg11 : memref<!tpu.dma_semaphore, #tpu.memory_space<semaphore_mem>>)
    %dma_start3A_1460 = arith.constant 368 : i32
    %dma_start3A_1461 = tpu.memref_slice %arg7[%dma_start3A_1460] : memref<512xi32, #tpu.memory_space<vmem>> -> memref<16xi32, #tpu.memory_space<vmem>>
    %dma_start3A_1462 = tpu.memref_slice %arg3[%add3A_1453] : memref<32768xi32, #tpu.memory_space<hbm>> -> memref<16xi32, #tpu.memory_space<hbm>>
    %dma_start3A_1463 = arith.constant 368 : i32
    %dma_start3A_1464 = tpu.memref_slice %arg7[%dma_start3A_1463] : memref<512xi32, #tpu.memory_space<vmem>> -> memref<16xi32, #tpu.memory_space<vmem>>
    %dma_start3A_1465 = tpu.memref_slice %arg3[%add3A_1453] : memref<32768xi32, #tpu.memory_space<hbm>> -> memref<16xi32, #tpu.memory_space<hbm>>
    tpu.enqueue_dma source(%dma_start3A_1465 : memref<16xi32, #tpu.memory_space<hbm>>) target(%dma_start3A_1464 : memref<16xi32, #tpu.memory_space<vmem>>) target_semaphore(%arg11 : memref<!tpu.dma_semaphore, #tpu.memory_space<semaphore_mem>>)
    %mul3A_1466 = arith.constant 16 : i32
    %mul3A_1467 = arith.muli %add3A_1081, %mul3A_1466 : i32
    %add3A_1468 = arith.constant 24576 : i32
    %add3A_1469 = arith.addi %add3A_1468, %mul3A_1467 : i32
    %dma_start3A_1470 = arith.constant 384 : i32
    %dma_start3A_1471 = tpu.memref_slice %arg6[%dma_start3A_1470] : memref<512xf32, #tpu.memory_space<vmem>> -> memref<16xf32, #tpu.memory_space<vmem>>
    %dma_start3A_1472 = tpu.memref_slice %arg2[%add3A_1469] : memref<32768xf32, #tpu.memory_space<hbm>> -> memref<16xf32, #tpu.memory_space<hbm>>
    %dma_start3A_1473 = arith.constant 384 : i32
    %dma_start3A_1474 = tpu.memref_slice %arg6[%dma_start3A_1473] : memref<512xf32, #tpu.memory_space<vmem>> -> memref<16xf32, #tpu.memory_space<vmem>>
    %dma_start3A_1475 = tpu.memref_slice %arg2[%add3A_1469] : memref<32768xf32, #tpu.memory_space<hbm>> -> memref<16xf32, #tpu.memory_space<hbm>>
    tpu.enqueue_dma source(%dma_start3A_1475 : memref<16xf32, #tpu.memory_space<hbm>>) target(%dma_start3A_1474 : memref<16xf32, #tpu.memory_space<vmem>>) target_semaphore(%arg11 : memref<!tpu.dma_semaphore, #tpu.memory_space<semaphore_mem>>)
    %dma_start3A_1476 = arith.constant 384 : i32
    %dma_start3A_1477 = tpu.memref_slice %arg7[%dma_start3A_1476] : memref<512xi32, #tpu.memory_space<vmem>> -> memref<16xi32, #tpu.memory_space<vmem>>
    %dma_start3A_1478 = tpu.memref_slice %arg3[%add3A_1469] : memref<32768xi32, #tpu.memory_space<hbm>> -> memref<16xi32, #tpu.memory_space<hbm>>
    %dma_start3A_1479 = arith.constant 384 : i32
    %dma_start3A_1480 = tpu.memref_slice %arg7[%dma_start3A_1479] : memref<512xi32, #tpu.memory_space<vmem>> -> memref<16xi32, #tpu.memory_space<vmem>>
    %dma_start3A_1481 = tpu.memref_slice %arg3[%add3A_1469] : memref<32768xi32, #tpu.memory_space<hbm>> -> memref<16xi32, #tpu.memory_space<hbm>>
    tpu.enqueue_dma source(%dma_start3A_1481 : memref<16xi32, #tpu.memory_space<hbm>>) target(%dma_start3A_1480 : memref<16xi32, #tpu.memory_space<vmem>>) target_semaphore(%arg11 : memref<!tpu.dma_semaphore, #tpu.memory_space<semaphore_mem>>)
    %mul3A_1482 = arith.constant 16 : i32
    %mul3A_1483 = arith.muli %add3A_1081, %mul3A_1482 : i32
    %add3A_1484 = arith.constant 25600 : i32
    %add3A_1485 = arith.addi %add3A_1484, %mul3A_1483 : i32
    %dma_start3A_1486 = arith.constant 400 : i32
    %dma_start3A_1487 = tpu.memref_slice %arg6[%dma_start3A_1486] : memref<512xf32, #tpu.memory_space<vmem>> -> memref<16xf32, #tpu.memory_space<vmem>>
    %dma_start3A_1488 = tpu.memref_slice %arg2[%add3A_1485] : memref<32768xf32, #tpu.memory_space<hbm>> -> memref<16xf32, #tpu.memory_space<hbm>>
    %dma_start3A_1489 = arith.constant 400 : i32
    %dma_start3A_1490 = tpu.memref_slice %arg6[%dma_start3A_1489] : memref<512xf32, #tpu.memory_space<vmem>> -> memref<16xf32, #tpu.memory_space<vmem>>
    %dma_start3A_1491 = tpu.memref_slice %arg2[%add3A_1485] : memref<32768xf32, #tpu.memory_space<hbm>> -> memref<16xf32, #tpu.memory_space<hbm>>
    tpu.enqueue_dma source(%dma_start3A_1491 : memref<16xf32, #tpu.memory_space<hbm>>) target(%dma_start3A_1490 : memref<16xf32, #tpu.memory_space<vmem>>) target_semaphore(%arg11 : memref<!tpu.dma_semaphore, #tpu.memory_space<semaphore_mem>>)
    %dma_start3A_1492 = arith.constant 400 : i32
    %dma_start3A_1493 = tpu.memref_slice %arg7[%dma_start3A_1492] : memref<512xi32, #tpu.memory_space<vmem>> -> memref<16xi32, #tpu.memory_space<vmem>>
    %dma_start3A_1494 = tpu.memref_slice %arg3[%add3A_1485] : memref<32768xi32, #tpu.memory_space<hbm>> -> memref<16xi32, #tpu.memory_space<hbm>>
    %dma_start3A_1495 = arith.constant 400 : i32
    %dma_start3A_1496 = tpu.memref_slice %arg7[%dma_start3A_1495] : memref<512xi32, #tpu.memory_space<vmem>> -> memref<16xi32, #tpu.memory_space<vmem>>
    %dma_start3A_1497 = tpu.memref_slice %arg3[%add3A_1485] : memref<32768xi32, #tpu.memory_space<hbm>> -> memref<16xi32, #tpu.memory_space<hbm>>
    tpu.enqueue_dma source(%dma_start3A_1497 : memref<16xi32, #tpu.memory_space<hbm>>) target(%dma_start3A_1496 : memref<16xi32, #tpu.memory_space<vmem>>) target_semaphore(%arg11 : memref<!tpu.dma_semaphore, #tpu.memory_space<semaphore_mem>>)
    %mul3A_1498 = arith.constant 16 : i32
    %mul3A_1499 = arith.muli %add3A_1081, %mul3A_1498 : i32
    %add3A_1500 = arith.constant 26624 : i32
    %add3A_1501 = arith.addi %add3A_1500, %mul3A_1499 : i32
    %dma_start3A_1502 = arith.constant 416 : i32
    %dma_start3A_1503 = tpu.memref_slice %arg6[%dma_start3A_1502] : memref<512xf32, #tpu.memory_space<vmem>> -> memref<16xf32, #tpu.memory_space<vmem>>
    %dma_start3A_1504 = tpu.memref_slice %arg2[%add3A_1501] : memref<32768xf32, #tpu.memory_space<hbm>> -> memref<16xf32, #tpu.memory_space<hbm>>
    %dma_start3A_1505 = arith.constant 416 : i32
    %dma_start3A_1506 = tpu.memref_slice %arg6[%dma_start3A_1505] : memref<512xf32, #tpu.memory_space<vmem>> -> memref<16xf32, #tpu.memory_space<vmem>>
    %dma_start3A_1507 = tpu.memref_slice %arg2[%add3A_1501] : memref<32768xf32, #tpu.memory_space<hbm>> -> memref<16xf32, #tpu.memory_space<hbm>>
    tpu.enqueue_dma source(%dma_start3A_1507 : memref<16xf32, #tpu.memory_space<hbm>>) target(%dma_start3A_1506 : memref<16xf32, #tpu.memory_space<vmem>>) target_semaphore(%arg11 : memref<!tpu.dma_semaphore, #tpu.memory_space<semaphore_mem>>)
    %dma_start3A_1508 = arith.constant 416 : i32
    %dma_start3A_1509 = tpu.memref_slice %arg7[%dma_start3A_1508] : memref<512xi32, #tpu.memory_space<vmem>> -> memref<16xi32, #tpu.memory_space<vmem>>
    %dma_start3A_1510 = tpu.memref_slice %arg3[%add3A_1501] : memref<32768xi32, #tpu.memory_space<hbm>> -> memref<16xi32, #tpu.memory_space<hbm>>
    %dma_start3A_1511 = arith.constant 416 : i32
    %dma_start3A_1512 = tpu.memref_slice %arg7[%dma_start3A_1511] : memref<512xi32, #tpu.memory_space<vmem>> -> memref<16xi32, #tpu.memory_space<vmem>>
    %dma_start3A_1513 = tpu.memref_slice %arg3[%add3A_1501] : memref<32768xi32, #tpu.memory_space<hbm>> -> memref<16xi32, #tpu.memory_space<hbm>>
    tpu.enqueue_dma source(%dma_start3A_1513 : memref<16xi32, #tpu.memory_space<hbm>>) target(%dma_start3A_1512 : memref<16xi32, #tpu.memory_space<vmem>>) target_semaphore(%arg11 : memref<!tpu.dma_semaphore, #tpu.memory_space<semaphore_mem>>)
    %mul3A_1514 = arith.constant 16 : i32
    %mul3A_1515 = arith.muli %add3A_1081, %mul3A_1514 : i32
    %add3A_1516 = arith.constant 27648 : i32
    %add3A_1517 = arith.addi %add3A_1516, %mul3A_1515 : i32
    %dma_start3A_1518 = arith.constant 432 : i32
    %dma_start3A_1519 = tpu.memref_slice %arg6[%dma_start3A_1518] : memref<512xf32, #tpu.memory_space<vmem>> -> memref<16xf32, #tpu.memory_space<vmem>>
    %dma_start3A_1520 = tpu.memref_slice %arg2[%add3A_1517] : memref<32768xf32, #tpu.memory_space<hbm>> -> memref<16xf32, #tpu.memory_space<hbm>>
    %dma_start3A_1521 = arith.constant 432 : i32
    %dma_start3A_1522 = tpu.memref_slice %arg6[%dma_start3A_1521] : memref<512xf32, #tpu.memory_space<vmem>> -> memref<16xf32, #tpu.memory_space<vmem>>
    %dma_start3A_1523 = tpu.memref_slice %arg2[%add3A_1517] : memref<32768xf32, #tpu.memory_space<hbm>> -> memref<16xf32, #tpu.memory_space<hbm>>
    tpu.enqueue_dma source(%dma_start3A_1523 : memref<16xf32, #tpu.memory_space<hbm>>) target(%dma_start3A_1522 : memref<16xf32, #tpu.memory_space<vmem>>) target_semaphore(%arg11 : memref<!tpu.dma_semaphore, #tpu.memory_space<semaphore_mem>>)
    %dma_start3A_1524 = arith.constant 432 : i32
    %dma_start3A_1525 = tpu.memref_slice %arg7[%dma_start3A_1524] : memref<512xi32, #tpu.memory_space<vmem>> -> memref<16xi32, #tpu.memory_space<vmem>>
    %dma_start3A_1526 = tpu.memref_slice %arg3[%add3A_1517] : memref<32768xi32, #tpu.memory_space<hbm>> -> memref<16xi32, #tpu.memory_space<hbm>>
    %dma_start3A_1527 = arith.constant 432 : i32
    %dma_start3A_1528 = tpu.memref_slice %arg7[%dma_start3A_1527] : memref<512xi32, #tpu.memory_space<vmem>> -> memref<16xi32, #tpu.memory_space<vmem>>
    %dma_start3A_1529 = tpu.memref_slice %arg3[%add3A_1517] : memref<32768xi32, #tpu.memory_space<hbm>> -> memref<16xi32, #tpu.memory_space<hbm>>
    tpu.enqueue_dma source(%dma_start3A_1529 : memref<16xi32, #tpu.memory_space<hbm>>) target(%dma_start3A_1528 : memref<16xi32, #tpu.memory_space<vmem>>) target_semaphore(%arg11 : memref<!tpu.dma_semaphore, #tpu.memory_space<semaphore_mem>>)
    %mul3A_1530 = arith.constant 16 : i32
    %mul3A_1531 = arith.muli %add3A_1081, %mul3A_1530 : i32
    %add3A_1532 = arith.constant 28672 : i32
    %add3A_1533 = arith.addi %add3A_1532, %mul3A_1531 : i32
    %dma_start3A_1534 = arith.constant 448 : i32
    %dma_start3A_1535 = tpu.memref_slice %arg6[%dma_start3A_1534] : memref<512xf32, #tpu.memory_space<vmem>> -> memref<16xf32, #tpu.memory_space<vmem>>
    %dma_start3A_1536 = tpu.memref_slice %arg2[%add3A_1533] : memref<32768xf32, #tpu.memory_space<hbm>> -> memref<16xf32, #tpu.memory_space<hbm>>
    %dma_start3A_1537 = arith.constant 448 : i32
    %dma_start3A_1538 = tpu.memref_slice %arg6[%dma_start3A_1537] : memref<512xf32, #tpu.memory_space<vmem>> -> memref<16xf32, #tpu.memory_space<vmem>>
    %dma_start3A_1539 = tpu.memref_slice %arg2[%add3A_1533] : memref<32768xf32, #tpu.memory_space<hbm>> -> memref<16xf32, #tpu.memory_space<hbm>>
    tpu.enqueue_dma source(%dma_start3A_1539 : memref<16xf32, #tpu.memory_space<hbm>>) target(%dma_start3A_1538 : memref<16xf32, #tpu.memory_space<vmem>>) target_semaphore(%arg11 : memref<!tpu.dma_semaphore, #tpu.memory_space<semaphore_mem>>)
    %dma_start3A_1540 = arith.constant 448 : i32
    %dma_start3A_1541 = tpu.memref_slice %arg7[%dma_start3A_1540] : memref<512xi32, #tpu.memory_space<vmem>> -> memref<16xi32, #tpu.memory_space<vmem>>
    %dma_start3A_1542 = tpu.memref_slice %arg3[%add3A_1533] : memref<32768xi32, #tpu.memory_space<hbm>> -> memref<16xi32, #tpu.memory_space<hbm>>
    %dma_start3A_1543 = arith.constant 448 : i32
    %dma_start3A_1544 = tpu.memref_slice %arg7[%dma_start3A_1543] : memref<512xi32, #tpu.memory_space<vmem>> -> memref<16xi32, #tpu.memory_space<vmem>>
    %dma_start3A_1545 = tpu.memref_slice %arg3[%add3A_1533] : memref<32768xi32, #tpu.memory_space<hbm>> -> memref<16xi32, #tpu.memory_space<hbm>>
    tpu.enqueue_dma source(%dma_start3A_1545 : memref<16xi32, #tpu.memory_space<hbm>>) target(%dma_start3A_1544 : memref<16xi32, #tpu.memory_space<vmem>>) target_semaphore(%arg11 : memref<!tpu.dma_semaphore, #tpu.memory_space<semaphore_mem>>)
    %mul3A_1546 = arith.constant 16 : i32
    %mul3A_1547 = arith.muli %add3A_1081, %mul3A_1546 : i32
    %add3A_1548 = arith.constant 29696 : i32
    %add3A_1549 = arith.addi %add3A_1548, %mul3A_1547 : i32
    %dma_start3A_1550 = arith.constant 464 : i32
    %dma_start3A_1551 = tpu.memref_slice %arg6[%dma_start3A_1550] : memref<512xf32, #tpu.memory_space<vmem>> -> memref<16xf32, #tpu.memory_space<vmem>>
    %dma_start3A_1552 = tpu.memref_slice %arg2[%add3A_1549] : memref<32768xf32, #tpu.memory_space<hbm>> -> memref<16xf32, #tpu.memory_space<hbm>>
    %dma_start3A_1553 = arith.constant 464 : i32
    %dma_start3A_1554 = tpu.memref_slice %arg6[%dma_start3A_1553] : memref<512xf32, #tpu.memory_space<vmem>> -> memref<16xf32, #tpu.memory_space<vmem>>
    %dma_start3A_1555 = tpu.memref_slice %arg2[%add3A_1549] : memref<32768xf32, #tpu.memory_space<hbm>> -> memref<16xf32, #tpu.memory_space<hbm>>
    tpu.enqueue_dma source(%dma_start3A_1555 : memref<16xf32, #tpu.memory_space<hbm>>) target(%dma_start3A_1554 : memref<16xf32, #tpu.memory_space<vmem>>) target_semaphore(%arg11 : memref<!tpu.dma_semaphore, #tpu.memory_space<semaphore_mem>>)
    %dma_start3A_1556 = arith.constant 464 : i32
    %dma_start3A_1557 = tpu.memref_slice %arg7[%dma_start3A_1556] : memref<512xi32, #tpu.memory_space<vmem>> -> memref<16xi32, #tpu.memory_space<vmem>>
    %dma_start3A_1558 = tpu.memref_slice %arg3[%add3A_1549] : memref<32768xi32, #tpu.memory_space<hbm>> -> memref<16xi32, #tpu.memory_space<hbm>>
    %dma_start3A_1559 = arith.constant 464 : i32
    %dma_start3A_1560 = tpu.memref_slice %arg7[%dma_start3A_1559] : memref<512xi32, #tpu.memory_space<vmem>> -> memref<16xi32, #tpu.memory_space<vmem>>
    %dma_start3A_1561 = tpu.memref_slice %arg3[%add3A_1549] : memref<32768xi32, #tpu.memory_space<hbm>> -> memref<16xi32, #tpu.memory_space<hbm>>
    tpu.enqueue_dma source(%dma_start3A_1561 : memref<16xi32, #tpu.memory_space<hbm>>) target(%dma_start3A_1560 : memref<16xi32, #tpu.memory_space<vmem>>) target_semaphore(%arg11 : memref<!tpu.dma_semaphore, #tpu.memory_space<semaphore_mem>>)
    %mul3A_1562 = arith.constant 16 : i32
    %mul3A_1563 = arith.muli %add3A_1081, %mul3A_1562 : i32
    %add3A_1564 = arith.constant 30720 : i32
    %add3A_1565 = arith.addi %add3A_1564, %mul3A_1563 : i32
    %dma_start3A_1566 = arith.constant 480 : i32
    %dma_start3A_1567 = tpu.memref_slice %arg6[%dma_start3A_1566] : memref<512xf32, #tpu.memory_space<vmem>> -> memref<16xf32, #tpu.memory_space<vmem>>
    %dma_start3A_1568 = tpu.memref_slice %arg2[%add3A_1565] : memref<32768xf32, #tpu.memory_space<hbm>> -> memref<16xf32, #tpu.memory_space<hbm>>
    %dma_start3A_1569 = arith.constant 480 : i32
    %dma_start3A_1570 = tpu.memref_slice %arg6[%dma_start3A_1569] : memref<512xf32, #tpu.memory_space<vmem>> -> memref<16xf32, #tpu.memory_space<vmem>>
    %dma_start3A_1571 = tpu.memref_slice %arg2[%add3A_1565] : memref<32768xf32, #tpu.memory_space<hbm>> -> memref<16xf32, #tpu.memory_space<hbm>>
    tpu.enqueue_dma source(%dma_start3A_1571 : memref<16xf32, #tpu.memory_space<hbm>>) target(%dma_start3A_1570 : memref<16xf32, #tpu.memory_space<vmem>>) target_semaphore(%arg11 : memref<!tpu.dma_semaphore, #tpu.memory_space<semaphore_mem>>)
    %dma_start3A_1572 = arith.constant 480 : i32
    %dma_start3A_1573 = tpu.memref_slice %arg7[%dma_start3A_1572] : memref<512xi32, #tpu.memory_space<vmem>> -> memref<16xi32, #tpu.memory_space<vmem>>
    %dma_start3A_1574 = tpu.memref_slice %arg3[%add3A_1565] : memref<32768xi32, #tpu.memory_space<hbm>> -> memref<16xi32, #tpu.memory_space<hbm>>
    %dma_start3A_1575 = arith.constant 480 : i32
    %dma_start3A_1576 = tpu.memref_slice %arg7[%dma_start3A_1575] : memref<512xi32, #tpu.memory_space<vmem>> -> memref<16xi32, #tpu.memory_space<vmem>>
    %dma_start3A_1577 = tpu.memref_slice %arg3[%add3A_1565] : memref<32768xi32, #tpu.memory_space<hbm>> -> memref<16xi32, #tpu.memory_space<hbm>>
    tpu.enqueue_dma source(%dma_start3A_1577 : memref<16xi32, #tpu.memory_space<hbm>>) target(%dma_start3A_1576 : memref<16xi32, #tpu.memory_space<vmem>>) target_semaphore(%arg11 : memref<!tpu.dma_semaphore, #tpu.memory_space<semaphore_mem>>)
    %mul3A_1578 = arith.constant 16 : i32
    %mul3A_1579 = arith.muli %add3A_1081, %mul3A_1578 : i32
    %add3A_1580 = arith.constant 31744 : i32
    %add3A_1581 = arith.addi %add3A_1580, %mul3A_1579 : i32
    %dma_start3A_1582 = arith.constant 496 : i32
    %dma_start3A_1583 = tpu.memref_slice %arg6[%dma_start3A_1582] : memref<512xf32, #tpu.memory_space<vmem>> -> memref<16xf32, #tpu.memory_space<vmem>>
    %dma_start3A_1584 = tpu.memref_slice %arg2[%add3A_1581] : memref<32768xf32, #tpu.memory_space<hbm>> -> memref<16xf32, #tpu.memory_space<hbm>>
    %dma_start3A_1585 = arith.constant 496 : i32
    %dma_start3A_1586 = tpu.memref_slice %arg6[%dma_start3A_1585] : memref<512xf32, #tpu.memory_space<vmem>> -> memref<16xf32, #tpu.memory_space<vmem>>
    %dma_start3A_1587 = tpu.memref_slice %arg2[%add3A_1581] : memref<32768xf32, #tpu.memory_space<hbm>> -> memref<16xf32, #tpu.memory_space<hbm>>
    tpu.enqueue_dma source(%dma_start3A_1587 : memref<16xf32, #tpu.memory_space<hbm>>) target(%dma_start3A_1586 : memref<16xf32, #tpu.memory_space<vmem>>) target_semaphore(%arg11 : memref<!tpu.dma_semaphore, #tpu.memory_space<semaphore_mem>>)
    %dma_start3A_1588 = arith.constant 496 : i32
    %dma_start3A_1589 = tpu.memref_slice %arg7[%dma_start3A_1588] : memref<512xi32, #tpu.memory_space<vmem>> -> memref<16xi32, #tpu.memory_space<vmem>>
    %dma_start3A_1590 = tpu.memref_slice %arg3[%add3A_1581] : memref<32768xi32, #tpu.memory_space<hbm>> -> memref<16xi32, #tpu.memory_space<hbm>>
    %dma_start3A_1591 = arith.constant 496 : i32
    %dma_start3A_1592 = tpu.memref_slice %arg7[%dma_start3A_1591] : memref<512xi32, #tpu.memory_space<vmem>> -> memref<16xi32, #tpu.memory_space<vmem>>
    %dma_start3A_1593 = tpu.memref_slice %arg3[%add3A_1581] : memref<32768xi32, #tpu.memory_space<hbm>> -> memref<16xi32, #tpu.memory_space<hbm>>
    tpu.enqueue_dma source(%dma_start3A_1593 : memref<16xi32, #tpu.memory_space<hbm>>) target(%dma_start3A_1592 : memref<16xi32, #tpu.memory_space<vmem>>) target_semaphore(%arg11 : memref<!tpu.dma_semaphore, #tpu.memory_space<semaphore_mem>>)
    %dma_wait3A_1594 = arith.constant 0 : i32
    %dma_wait3A_1595 = tpu.memref_slice %arg6[%dma_wait3A_1594] : memref<512xf32, #tpu.memory_space<vmem>> -> memref<16xf32, #tpu.memory_space<vmem>>
    %dma_wait3A_1596 = tpu.memref_slice %arg2[%add3A_1085] : memref<32768xf32, #tpu.memory_space<hbm>> -> memref<16xf32, #tpu.memory_space<hbm>>
    %dma_wait3A_1597 = arith.constant 0 : i32
    %dma_wait3A_1598 = tpu.memref_slice %arg6[%dma_wait3A_1597] : memref<512xf32, #tpu.memory_space<vmem>> -> memref<16xf32, #tpu.memory_space<vmem>>
    %dma_wait3A_1599 = tpu.memref_slice %arg2[%add3A_1085] : memref<32768xf32, #tpu.memory_space<hbm>> -> memref<16xf32, #tpu.memory_space<hbm>>
    tpu.wait_dma2 semaphore(%arg11 : memref<!tpu.dma_semaphore, #tpu.memory_space<semaphore_mem>>) src(%dma_wait3A_1599 : memref<16xf32, #tpu.memory_space<hbm>>) dst(%dma_wait3A_1598 : memref<16xf32, #tpu.memory_space<vmem>>)
    %dma_wait3A_1600 = arith.constant 0 : i32
    %dma_wait3A_1601 = tpu.memref_slice %arg7[%dma_wait3A_1600] : memref<512xi32, #tpu.memory_space<vmem>> -> memref<16xi32, #tpu.memory_space<vmem>>
    %dma_wait3A_1602 = tpu.memref_slice %arg3[%add3A_1085] : memref<32768xi32, #tpu.memory_space<hbm>> -> memref<16xi32, #tpu.memory_space<hbm>>
    %dma_wait3A_1603 = arith.constant 0 : i32
    %dma_wait3A_1604 = tpu.memref_slice %arg7[%dma_wait3A_1603] : memref<512xi32, #tpu.memory_space<vmem>> -> memref<16xi32, #tpu.memory_space<vmem>>
    %dma_wait3A_1605 = tpu.memref_slice %arg3[%add3A_1085] : memref<32768xi32, #tpu.memory_space<hbm>> -> memref<16xi32, #tpu.memory_space<hbm>>
    tpu.wait_dma2 semaphore(%arg11 : memref<!tpu.dma_semaphore, #tpu.memory_space<semaphore_mem>>) src(%dma_wait3A_1605 : memref<16xi32, #tpu.memory_space<hbm>>) dst(%dma_wait3A_1604 : memref<16xi32, #tpu.memory_space<vmem>>)
    %dma_wait3A_1606 = arith.constant 16 : i32
    %dma_wait3A_1607 = tpu.memref_slice %arg6[%dma_wait3A_1606] : memref<512xf32, #tpu.memory_space<vmem>> -> memref<16xf32, #tpu.memory_space<vmem>>
    %dma_wait3A_1608 = tpu.memref_slice %arg2[%add3A_1101] : memref<32768xf32, #tpu.memory_space<hbm>> -> memref<16xf32, #tpu.memory_space<hbm>>
    %dma_wait3A_1609 = arith.constant 16 : i32
    %dma_wait3A_1610 = tpu.memref_slice %arg6[%dma_wait3A_1609] : memref<512xf32, #tpu.memory_space<vmem>> -> memref<16xf32, #tpu.memory_space<vmem>>
    %dma_wait3A_1611 = tpu.memref_slice %arg2[%add3A_1101] : memref<32768xf32, #tpu.memory_space<hbm>> -> memref<16xf32, #tpu.memory_space<hbm>>
    tpu.wait_dma2 semaphore(%arg11 : memref<!tpu.dma_semaphore, #tpu.memory_space<semaphore_mem>>) src(%dma_wait3A_1611 : memref<16xf32, #tpu.memory_space<hbm>>) dst(%dma_wait3A_1610 : memref<16xf32, #tpu.memory_space<vmem>>)
    %dma_wait3A_1612 = arith.constant 16 : i32
    %dma_wait3A_1613 = tpu.memref_slice %arg7[%dma_wait3A_1612] : memref<512xi32, #tpu.memory_space<vmem>> -> memref<16xi32, #tpu.memory_space<vmem>>
    %dma_wait3A_1614 = tpu.memref_slice %arg3[%add3A_1101] : memref<32768xi32, #tpu.memory_space<hbm>> -> memref<16xi32, #tpu.memory_space<hbm>>
    %dma_wait3A_1615 = arith.constant 16 : i32
    %dma_wait3A_1616 = tpu.memref_slice %arg7[%dma_wait3A_1615] : memref<512xi32, #tpu.memory_space<vmem>> -> memref<16xi32, #tpu.memory_space<vmem>>
    %dma_wait3A_1617 = tpu.memref_slice %arg3[%add3A_1101] : memref<32768xi32, #tpu.memory_space<hbm>> -> memref<16xi32, #tpu.memory_space<hbm>>
    tpu.wait_dma2 semaphore(%arg11 : memref<!tpu.dma_semaphore, #tpu.memory_space<semaphore_mem>>) src(%dma_wait3A_1617 : memref<16xi32, #tpu.memory_space<hbm>>) dst(%dma_wait3A_1616 : memref<16xi32, #tpu.memory_space<vmem>>)
    %dma_wait3A_1618 = arith.constant 32 : i32
    %dma_wait3A_1619 = tpu.memref_slice %arg6[%dma_wait3A_1618] : memref<512xf32, #tpu.memory_space<vmem>> -> memref<16xf32, #tpu.memory_space<vmem>>
    %dma_wait3A_1620 = tpu.memref_slice %arg2[%add3A_1117] : memref<32768xf32, #tpu.memory_space<hbm>> -> memref<16xf32, #tpu.memory_space<hbm>>
    %dma_wait3A_1621 = arith.constant 32 : i32
    %dma_wait3A_1622 = tpu.memref_slice %arg6[%dma_wait3A_1621] : memref<512xf32, #tpu.memory_space<vmem>> -> memref<16xf32, #tpu.memory_space<vmem>>
    %dma_wait3A_1623 = tpu.memref_slice %arg2[%add3A_1117] : memref<32768xf32, #tpu.memory_space<hbm>> -> memref<16xf32, #tpu.memory_space<hbm>>
    tpu.wait_dma2 semaphore(%arg11 : memref<!tpu.dma_semaphore, #tpu.memory_space<semaphore_mem>>) src(%dma_wait3A_1623 : memref<16xf32, #tpu.memory_space<hbm>>) dst(%dma_wait3A_1622 : memref<16xf32, #tpu.memory_space<vmem>>)
    %dma_wait3A_1624 = arith.constant 32 : i32
    %dma_wait3A_1625 = tpu.memref_slice %arg7[%dma_wait3A_1624] : memref<512xi32, #tpu.memory_space<vmem>> -> memref<16xi32, #tpu.memory_space<vmem>>
    %dma_wait3A_1626 = tpu.memref_slice %arg3[%add3A_1117] : memref<32768xi32, #tpu.memory_space<hbm>> -> memref<16xi32, #tpu.memory_space<hbm>>
    %dma_wait3A_1627 = arith.constant 32 : i32
    %dma_wait3A_1628 = tpu.memref_slice %arg7[%dma_wait3A_1627] : memref<512xi32, #tpu.memory_space<vmem>> -> memref<16xi32, #tpu.memory_space<vmem>>
    %dma_wait3A_1629 = tpu.memref_slice %arg3[%add3A_1117] : memref<32768xi32, #tpu.memory_space<hbm>> -> memref<16xi32, #tpu.memory_space<hbm>>
    tpu.wait_dma2 semaphore(%arg11 : memref<!tpu.dma_semaphore, #tpu.memory_space<semaphore_mem>>) src(%dma_wait3A_1629 : memref<16xi32, #tpu.memory_space<hbm>>) dst(%dma_wait3A_1628 : memref<16xi32, #tpu.memory_space<vmem>>)
    %dma_wait3A_1630 = arith.constant 48 : i32
    %dma_wait3A_1631 = tpu.memref_slice %arg6[%dma_wait3A_1630] : memref<512xf32, #tpu.memory_space<vmem>> -> memref<16xf32, #tpu.memory_space<vmem>>
    %dma_wait3A_1632 = tpu.memref_slice %arg2[%add3A_1133] : memref<32768xf32, #tpu.memory_space<hbm>> -> memref<16xf32, #tpu.memory_space<hbm>>
    %dma_wait3A_1633 = arith.constant 48 : i32
    %dma_wait3A_1634 = tpu.memref_slice %arg6[%dma_wait3A_1633] : memref<512xf32, #tpu.memory_space<vmem>> -> memref<16xf32, #tpu.memory_space<vmem>>
    %dma_wait3A_1635 = tpu.memref_slice %arg2[%add3A_1133] : memref<32768xf32, #tpu.memory_space<hbm>> -> memref<16xf32, #tpu.memory_space<hbm>>
    tpu.wait_dma2 semaphore(%arg11 : memref<!tpu.dma_semaphore, #tpu.memory_space<semaphore_mem>>) src(%dma_wait3A_1635 : memref<16xf32, #tpu.memory_space<hbm>>) dst(%dma_wait3A_1634 : memref<16xf32, #tpu.memory_space<vmem>>)
    %dma_wait3A_1636 = arith.constant 48 : i32
    %dma_wait3A_1637 = tpu.memref_slice %arg7[%dma_wait3A_1636] : memref<512xi32, #tpu.memory_space<vmem>> -> memref<16xi32, #tpu.memory_space<vmem>>
    %dma_wait3A_1638 = tpu.memref_slice %arg3[%add3A_1133] : memref<32768xi32, #tpu.memory_space<hbm>> -> memref<16xi32, #tpu.memory_space<hbm>>
    %dma_wait3A_1639 = arith.constant 48 : i32
    %dma_wait3A_1640 = tpu.memref_slice %arg7[%dma_wait3A_1639] : memref<512xi32, #tpu.memory_space<vmem>> -> memref<16xi32, #tpu.memory_space<vmem>>
    %dma_wait3A_1641 = tpu.memref_slice %arg3[%add3A_1133] : memref<32768xi32, #tpu.memory_space<hbm>> -> memref<16xi32, #tpu.memory_space<hbm>>
    tpu.wait_dma2 semaphore(%arg11 : memref<!tpu.dma_semaphore, #tpu.memory_space<semaphore_mem>>) src(%dma_wait3A_1641 : memref<16xi32, #tpu.memory_space<hbm>>) dst(%dma_wait3A_1640 : memref<16xi32, #tpu.memory_space<vmem>>)
    %dma_wait3A_1642 = arith.constant 64 : i32
    %dma_wait3A_1643 = tpu.memref_slice %arg6[%dma_wait3A_1642] : memref<512xf32, #tpu.memory_space<vmem>> -> memref<16xf32, #tpu.memory_space<vmem>>
    %dma_wait3A_1644 = tpu.memref_slice %arg2[%add3A_1149] : memref<32768xf32, #tpu.memory_space<hbm>> -> memref<16xf32, #tpu.memory_space<hbm>>
    %dma_wait3A_1645 = arith.constant 64 : i32
    %dma_wait3A_1646 = tpu.memref_slice %arg6[%dma_wait3A_1645] : memref<512xf32, #tpu.memory_space<vmem>> -> memref<16xf32, #tpu.memory_space<vmem>>
    %dma_wait3A_1647 = tpu.memref_slice %arg2[%add3A_1149] : memref<32768xf32, #tpu.memory_space<hbm>> -> memref<16xf32, #tpu.memory_space<hbm>>
    tpu.wait_dma2 semaphore(%arg11 : memref<!tpu.dma_semaphore, #tpu.memory_space<semaphore_mem>>) src(%dma_wait3A_1647 : memref<16xf32, #tpu.memory_space<hbm>>) dst(%dma_wait3A_1646 : memref<16xf32, #tpu.memory_space<vmem>>)
    %dma_wait3A_1648 = arith.constant 64 : i32
    %dma_wait3A_1649 = tpu.memref_slice %arg7[%dma_wait3A_1648] : memref<512xi32, #tpu.memory_space<vmem>> -> memref<16xi32, #tpu.memory_space<vmem>>
    %dma_wait3A_1650 = tpu.memref_slice %arg3[%add3A_1149] : memref<32768xi32, #tpu.memory_space<hbm>> -> memref<16xi32, #tpu.memory_space<hbm>>
    %dma_wait3A_1651 = arith.constant 64 : i32
    %dma_wait3A_1652 = tpu.memref_slice %arg7[%dma_wait3A_1651] : memref<512xi32, #tpu.memory_space<vmem>> -> memref<16xi32, #tpu.memory_space<vmem>>
    %dma_wait3A_1653 = tpu.memref_slice %arg3[%add3A_1149] : memref<32768xi32, #tpu.memory_space<hbm>> -> memref<16xi32, #tpu.memory_space<hbm>>
    tpu.wait_dma2 semaphore(%arg11 : memref<!tpu.dma_semaphore, #tpu.memory_space<semaphore_mem>>) src(%dma_wait3A_1653 : memref<16xi32, #tpu.memory_space<hbm>>) dst(%dma_wait3A_1652 : memref<16xi32, #tpu.memory_space<vmem>>)
    %dma_wait3A_1654 = arith.constant 80 : i32
    %dma_wait3A_1655 = tpu.memref_slice %arg6[%dma_wait3A_1654] : memref<512xf32, #tpu.memory_space<vmem>> -> memref<16xf32, #tpu.memory_space<vmem>>
    %dma_wait3A_1656 = tpu.memref_slice %arg2[%add3A_1165] : memref<32768xf32, #tpu.memory_space<hbm>> -> memref<16xf32, #tpu.memory_space<hbm>>
    %dma_wait3A_1657 = arith.constant 80 : i32
    %dma_wait3A_1658 = tpu.memref_slice %arg6[%dma_wait3A_1657] : memref<512xf32, #tpu.memory_space<vmem>> -> memref<16xf32, #tpu.memory_space<vmem>>
    %dma_wait3A_1659 = tpu.memref_slice %arg2[%add3A_1165] : memref<32768xf32, #tpu.memory_space<hbm>> -> memref<16xf32, #tpu.memory_space<hbm>>
    tpu.wait_dma2 semaphore(%arg11 : memref<!tpu.dma_semaphore, #tpu.memory_space<semaphore_mem>>) src(%dma_wait3A_1659 : memref<16xf32, #tpu.memory_space<hbm>>) dst(%dma_wait3A_1658 : memref<16xf32, #tpu.memory_space<vmem>>)
    %dma_wait3A_1660 = arith.constant 80 : i32
    %dma_wait3A_1661 = tpu.memref_slice %arg7[%dma_wait3A_1660] : memref<512xi32, #tpu.memory_space<vmem>> -> memref<16xi32, #tpu.memory_space<vmem>>
    %dma_wait3A_1662 = tpu.memref_slice %arg3[%add3A_1165] : memref<32768xi32, #tpu.memory_space<hbm>> -> memref<16xi32, #tpu.memory_space<hbm>>
    %dma_wait3A_1663 = arith.constant 80 : i32
    %dma_wait3A_1664 = tpu.memref_slice %arg7[%dma_wait3A_1663] : memref<512xi32, #tpu.memory_space<vmem>> -> memref<16xi32, #tpu.memory_space<vmem>>
    %dma_wait3A_1665 = tpu.memref_slice %arg3[%add3A_1165] : memref<32768xi32, #tpu.memory_space<hbm>> -> memref<16xi32, #tpu.memory_space<hbm>>
    tpu.wait_dma2 semaphore(%arg11 : memref<!tpu.dma_semaphore, #tpu.memory_space<semaphore_mem>>) src(%dma_wait3A_1665 : memref<16xi32, #tpu.memory_space<hbm>>) dst(%dma_wait3A_1664 : memref<16xi32, #tpu.memory_space<vmem>>)
    %dma_wait3A_1666 = arith.constant 96 : i32
    %dma_wait3A_1667 = tpu.memref_slice %arg6[%dma_wait3A_1666] : memref<512xf32, #tpu.memory_space<vmem>> -> memref<16xf32, #tpu.memory_space<vmem>>
    %dma_wait3A_1668 = tpu.memref_slice %arg2[%add3A_1181] : memref<32768xf32, #tpu.memory_space<hbm>> -> memref<16xf32, #tpu.memory_space<hbm>>
    %dma_wait3A_1669 = arith.constant 96 : i32
    %dma_wait3A_1670 = tpu.memref_slice %arg6[%dma_wait3A_1669] : memref<512xf32, #tpu.memory_space<vmem>> -> memref<16xf32, #tpu.memory_space<vmem>>
    %dma_wait3A_1671 = tpu.memref_slice %arg2[%add3A_1181] : memref<32768xf32, #tpu.memory_space<hbm>> -> memref<16xf32, #tpu.memory_space<hbm>>
    tpu.wait_dma2 semaphore(%arg11 : memref<!tpu.dma_semaphore, #tpu.memory_space<semaphore_mem>>) src(%dma_wait3A_1671 : memref<16xf32, #tpu.memory_space<hbm>>) dst(%dma_wait3A_1670 : memref<16xf32, #tpu.memory_space<vmem>>)
    %dma_wait3A_1672 = arith.constant 96 : i32
    %dma_wait3A_1673 = tpu.memref_slice %arg7[%dma_wait3A_1672] : memref<512xi32, #tpu.memory_space<vmem>> -> memref<16xi32, #tpu.memory_space<vmem>>
    %dma_wait3A_1674 = tpu.memref_slice %arg3[%add3A_1181] : memref<32768xi32, #tpu.memory_space<hbm>> -> memref<16xi32, #tpu.memory_space<hbm>>
    %dma_wait3A_1675 = arith.constant 96 : i32
    %dma_wait3A_1676 = tpu.memref_slice %arg7[%dma_wait3A_1675] : memref<512xi32, #tpu.memory_space<vmem>> -> memref<16xi32, #tpu.memory_space<vmem>>
    %dma_wait3A_1677 = tpu.memref_slice %arg3[%add3A_1181] : memref<32768xi32, #tpu.memory_space<hbm>> -> memref<16xi32, #tpu.memory_space<hbm>>
    tpu.wait_dma2 semaphore(%arg11 : memref<!tpu.dma_semaphore, #tpu.memory_space<semaphore_mem>>) src(%dma_wait3A_1677 : memref<16xi32, #tpu.memory_space<hbm>>) dst(%dma_wait3A_1676 : memref<16xi32, #tpu.memory_space<vmem>>)
    %dma_wait3A_1678 = arith.constant 112 : i32
    %dma_wait3A_1679 = tpu.memref_slice %arg6[%dma_wait3A_1678] : memref<512xf32, #tpu.memory_space<vmem>> -> memref<16xf32, #tpu.memory_space<vmem>>
    %dma_wait3A_1680 = tpu.memref_slice %arg2[%add3A_1197] : memref<32768xf32, #tpu.memory_space<hbm>> -> memref<16xf32, #tpu.memory_space<hbm>>
    %dma_wait3A_1681 = arith.constant 112 : i32
    %dma_wait3A_1682 = tpu.memref_slice %arg6[%dma_wait3A_1681] : memref<512xf32, #tpu.memory_space<vmem>> -> memref<16xf32, #tpu.memory_space<vmem>>
    %dma_wait3A_1683 = tpu.memref_slice %arg2[%add3A_1197] : memref<32768xf32, #tpu.memory_space<hbm>> -> memref<16xf32, #tpu.memory_space<hbm>>
    tpu.wait_dma2 semaphore(%arg11 : memref<!tpu.dma_semaphore, #tpu.memory_space<semaphore_mem>>) src(%dma_wait3A_1683 : memref<16xf32, #tpu.memory_space<hbm>>) dst(%dma_wait3A_1682 : memref<16xf32, #tpu.memory_space<vmem>>)
    %dma_wait3A_1684 = arith.constant 112 : i32
    %dma_wait3A_1685 = tpu.memref_slice %arg7[%dma_wait3A_1684] : memref<512xi32, #tpu.memory_space<vmem>> -> memref<16xi32, #tpu.memory_space<vmem>>
    %dma_wait3A_1686 = tpu.memref_slice %arg3[%add3A_1197] : memref<32768xi32, #tpu.memory_space<hbm>> -> memref<16xi32, #tpu.memory_space<hbm>>
    %dma_wait3A_1687 = arith.constant 112 : i32
    %dma_wait3A_1688 = tpu.memref_slice %arg7[%dma_wait3A_1687] : memref<512xi32, #tpu.memory_space<vmem>> -> memref<16xi32, #tpu.memory_space<vmem>>
    %dma_wait3A_1689 = tpu.memref_slice %arg3[%add3A_1197] : memref<32768xi32, #tpu.memory_space<hbm>> -> memref<16xi32, #tpu.memory_space<hbm>>
    tpu.wait_dma2 semaphore(%arg11 : memref<!tpu.dma_semaphore, #tpu.memory_space<semaphore_mem>>) src(%dma_wait3A_1689 : memref<16xi32, #tpu.memory_space<hbm>>) dst(%dma_wait3A_1688 : memref<16xi32, #tpu.memory_space<vmem>>)
    %dma_wait3A_1690 = arith.constant 128 : i32
    %dma_wait3A_1691 = tpu.memref_slice %arg6[%dma_wait3A_1690] : memref<512xf32, #tpu.memory_space<vmem>> -> memref<16xf32, #tpu.memory_space<vmem>>
    %dma_wait3A_1692 = tpu.memref_slice %arg2[%add3A_1213] : memref<32768xf32, #tpu.memory_space<hbm>> -> memref<16xf32, #tpu.memory_space<hbm>>
    %dma_wait3A_1693 = arith.constant 128 : i32
    %dma_wait3A_1694 = tpu.memref_slice %arg6[%dma_wait3A_1693] : memref<512xf32, #tpu.memory_space<vmem>> -> memref<16xf32, #tpu.memory_space<vmem>>
    %dma_wait3A_1695 = tpu.memref_slice %arg2[%add3A_1213] : memref<32768xf32, #tpu.memory_space<hbm>> -> memref<16xf32, #tpu.memory_space<hbm>>
    tpu.wait_dma2 semaphore(%arg11 : memref<!tpu.dma_semaphore, #tpu.memory_space<semaphore_mem>>) src(%dma_wait3A_1695 : memref<16xf32, #tpu.memory_space<hbm>>) dst(%dma_wait3A_1694 : memref<16xf32, #tpu.memory_space<vmem>>)
    %dma_wait3A_1696 = arith.constant 128 : i32
    %dma_wait3A_1697 = tpu.memref_slice %arg7[%dma_wait3A_1696] : memref<512xi32, #tpu.memory_space<vmem>> -> memref<16xi32, #tpu.memory_space<vmem>>
    %dma_wait3A_1698 = tpu.memref_slice %arg3[%add3A_1213] : memref<32768xi32, #tpu.memory_space<hbm>> -> memref<16xi32, #tpu.memory_space<hbm>>
    %dma_wait3A_1699 = arith.constant 128 : i32
    %dma_wait3A_1700 = tpu.memref_slice %arg7[%dma_wait3A_1699] : memref<512xi32, #tpu.memory_space<vmem>> -> memref<16xi32, #tpu.memory_space<vmem>>
    %dma_wait3A_1701 = tpu.memref_slice %arg3[%add3A_1213] : memref<32768xi32, #tpu.memory_space<hbm>> -> memref<16xi32, #tpu.memory_space<hbm>>
    tpu.wait_dma2 semaphore(%arg11 : memref<!tpu.dma_semaphore, #tpu.memory_space<semaphore_mem>>) src(%dma_wait3A_1701 : memref<16xi32, #tpu.memory_space<hbm>>) dst(%dma_wait3A_1700 : memref<16xi32, #tpu.memory_space<vmem>>)
    %dma_wait3A_1702 = arith.constant 144 : i32
    %dma_wait3A_1703 = tpu.memref_slice %arg6[%dma_wait3A_1702] : memref<512xf32, #tpu.memory_space<vmem>> -> memref<16xf32, #tpu.memory_space<vmem>>
    %dma_wait3A_1704 = tpu.memref_slice %arg2[%add3A_1229] : memref<32768xf32, #tpu.memory_space<hbm>> -> memref<16xf32, #tpu.memory_space<hbm>>
    %dma_wait3A_1705 = arith.constant 144 : i32
    %dma_wait3A_1706 = tpu.memref_slice %arg6[%dma_wait3A_1705] : memref<512xf32, #tpu.memory_space<vmem>> -> memref<16xf32, #tpu.memory_space<vmem>>
    %dma_wait3A_1707 = tpu.memref_slice %arg2[%add3A_1229] : memref<32768xf32, #tpu.memory_space<hbm>> -> memref<16xf32, #tpu.memory_space<hbm>>
    tpu.wait_dma2 semaphore(%arg11 : memref<!tpu.dma_semaphore, #tpu.memory_space<semaphore_mem>>) src(%dma_wait3A_1707 : memref<16xf32, #tpu.memory_space<hbm>>) dst(%dma_wait3A_1706 : memref<16xf32, #tpu.memory_space<vmem>>)
    %dma_wait3A_1708 = arith.constant 144 : i32
    %dma_wait3A_1709 = tpu.memref_slice %arg7[%dma_wait3A_1708] : memref<512xi32, #tpu.memory_space<vmem>> -> memref<16xi32, #tpu.memory_space<vmem>>
    %dma_wait3A_1710 = tpu.memref_slice %arg3[%add3A_1229] : memref<32768xi32, #tpu.memory_space<hbm>> -> memref<16xi32, #tpu.memory_space<hbm>>
    %dma_wait3A_1711 = arith.constant 144 : i32
    %dma_wait3A_1712 = tpu.memref_slice %arg7[%dma_wait3A_1711] : memref<512xi32, #tpu.memory_space<vmem>> -> memref<16xi32, #tpu.memory_space<vmem>>
    %dma_wait3A_1713 = tpu.memref_slice %arg3[%add3A_1229] : memref<32768xi32, #tpu.memory_space<hbm>> -> memref<16xi32, #tpu.memory_space<hbm>>
    tpu.wait_dma2 semaphore(%arg11 : memref<!tpu.dma_semaphore, #tpu.memory_space<semaphore_mem>>) src(%dma_wait3A_1713 : memref<16xi32, #tpu.memory_space<hbm>>) dst(%dma_wait3A_1712 : memref<16xi32, #tpu.memory_space<vmem>>)
    %dma_wait3A_1714 = arith.constant 160 : i32
    %dma_wait3A_1715 = tpu.memref_slice %arg6[%dma_wait3A_1714] : memref<512xf32, #tpu.memory_space<vmem>> -> memref<16xf32, #tpu.memory_space<vmem>>
    %dma_wait3A_1716 = tpu.memref_slice %arg2[%add3A_1245] : memref<32768xf32, #tpu.memory_space<hbm>> -> memref<16xf32, #tpu.memory_space<hbm>>
    %dma_wait3A_1717 = arith.constant 160 : i32
    %dma_wait3A_1718 = tpu.memref_slice %arg6[%dma_wait3A_1717] : memref<512xf32, #tpu.memory_space<vmem>> -> memref<16xf32, #tpu.memory_space<vmem>>
    %dma_wait3A_1719 = tpu.memref_slice %arg2[%add3A_1245] : memref<32768xf32, #tpu.memory_space<hbm>> -> memref<16xf32, #tpu.memory_space<hbm>>
    tpu.wait_dma2 semaphore(%arg11 : memref<!tpu.dma_semaphore, #tpu.memory_space<semaphore_mem>>) src(%dma_wait3A_1719 : memref<16xf32, #tpu.memory_space<hbm>>) dst(%dma_wait3A_1718 : memref<16xf32, #tpu.memory_space<vmem>>)
    %dma_wait3A_1720 = arith.constant 160 : i32
    %dma_wait3A_1721 = tpu.memref_slice %arg7[%dma_wait3A_1720] : memref<512xi32, #tpu.memory_space<vmem>> -> memref<16xi32, #tpu.memory_space<vmem>>
    %dma_wait3A_1722 = tpu.memref_slice %arg3[%add3A_1245] : memref<32768xi32, #tpu.memory_space<hbm>> -> memref<16xi32, #tpu.memory_space<hbm>>
    %dma_wait3A_1723 = arith.constant 160 : i32
    %dma_wait3A_1724 = tpu.memref_slice %arg7[%dma_wait3A_1723] : memref<512xi32, #tpu.memory_space<vmem>> -> memref<16xi32, #tpu.memory_space<vmem>>
    %dma_wait3A_1725 = tpu.memref_slice %arg3[%add3A_1245] : memref<32768xi32, #tpu.memory_space<hbm>> -> memref<16xi32, #tpu.memory_space<hbm>>
    tpu.wait_dma2 semaphore(%arg11 : memref<!tpu.dma_semaphore, #tpu.memory_space<semaphore_mem>>) src(%dma_wait3A_1725 : memref<16xi32, #tpu.memory_space<hbm>>) dst(%dma_wait3A_1724 : memref<16xi32, #tpu.memory_space<vmem>>)
    %dma_wait3A_1726 = arith.constant 176 : i32
    %dma_wait3A_1727 = tpu.memref_slice %arg6[%dma_wait3A_1726] : memref<512xf32, #tpu.memory_space<vmem>> -> memref<16xf32, #tpu.memory_space<vmem>>
    %dma_wait3A_1728 = tpu.memref_slice %arg2[%add3A_1261] : memref<32768xf32, #tpu.memory_space<hbm>> -> memref<16xf32, #tpu.memory_space<hbm>>
    %dma_wait3A_1729 = arith.constant 176 : i32
    %dma_wait3A_1730 = tpu.memref_slice %arg6[%dma_wait3A_1729] : memref<512xf32, #tpu.memory_space<vmem>> -> memref<16xf32, #tpu.memory_space<vmem>>
    %dma_wait3A_1731 = tpu.memref_slice %arg2[%add3A_1261] : memref<32768xf32, #tpu.memory_space<hbm>> -> memref<16xf32, #tpu.memory_space<hbm>>
    tpu.wait_dma2 semaphore(%arg11 : memref<!tpu.dma_semaphore, #tpu.memory_space<semaphore_mem>>) src(%dma_wait3A_1731 : memref<16xf32, #tpu.memory_space<hbm>>) dst(%dma_wait3A_1730 : memref<16xf32, #tpu.memory_space<vmem>>)
    %dma_wait3A_1732 = arith.constant 176 : i32
    %dma_wait3A_1733 = tpu.memref_slice %arg7[%dma_wait3A_1732] : memref<512xi32, #tpu.memory_space<vmem>> -> memref<16xi32, #tpu.memory_space<vmem>>
    %dma_wait3A_1734 = tpu.memref_slice %arg3[%add3A_1261] : memref<32768xi32, #tpu.memory_space<hbm>> -> memref<16xi32, #tpu.memory_space<hbm>>
    %dma_wait3A_1735 = arith.constant 176 : i32
    %dma_wait3A_1736 = tpu.memref_slice %arg7[%dma_wait3A_1735] : memref<512xi32, #tpu.memory_space<vmem>> -> memref<16xi32, #tpu.memory_space<vmem>>
    %dma_wait3A_1737 = tpu.memref_slice %arg3[%add3A_1261] : memref<32768xi32, #tpu.memory_space<hbm>> -> memref<16xi32, #tpu.memory_space<hbm>>
    tpu.wait_dma2 semaphore(%arg11 : memref<!tpu.dma_semaphore, #tpu.memory_space<semaphore_mem>>) src(%dma_wait3A_1737 : memref<16xi32, #tpu.memory_space<hbm>>) dst(%dma_wait3A_1736 : memref<16xi32, #tpu.memory_space<vmem>>)
    %dma_wait3A_1738 = arith.constant 192 : i32
    %dma_wait3A_1739 = tpu.memref_slice %arg6[%dma_wait3A_1738] : memref<512xf32, #tpu.memory_space<vmem>> -> memref<16xf32, #tpu.memory_space<vmem>>
    %dma_wait3A_1740 = tpu.memref_slice %arg2[%add3A_1277] : memref<32768xf32, #tpu.memory_space<hbm>> -> memref<16xf32, #tpu.memory_space<hbm>>
    %dma_wait3A_1741 = arith.constant 192 : i32
    %dma_wait3A_1742 = tpu.memref_slice %arg6[%dma_wait3A_1741] : memref<512xf32, #tpu.memory_space<vmem>> -> memref<16xf32, #tpu.memory_space<vmem>>
    %dma_wait3A_1743 = tpu.memref_slice %arg2[%add3A_1277] : memref<32768xf32, #tpu.memory_space<hbm>> -> memref<16xf32, #tpu.memory_space<hbm>>
    tpu.wait_dma2 semaphore(%arg11 : memref<!tpu.dma_semaphore, #tpu.memory_space<semaphore_mem>>) src(%dma_wait3A_1743 : memref<16xf32, #tpu.memory_space<hbm>>) dst(%dma_wait3A_1742 : memref<16xf32, #tpu.memory_space<vmem>>)
    %dma_wait3A_1744 = arith.constant 192 : i32
    %dma_wait3A_1745 = tpu.memref_slice %arg7[%dma_wait3A_1744] : memref<512xi32, #tpu.memory_space<vmem>> -> memref<16xi32, #tpu.memory_space<vmem>>
    %dma_wait3A_1746 = tpu.memref_slice %arg3[%add3A_1277] : memref<32768xi32, #tpu.memory_space<hbm>> -> memref<16xi32, #tpu.memory_space<hbm>>
    %dma_wait3A_1747 = arith.constant 192 : i32
    %dma_wait3A_1748 = tpu.memref_slice %arg7[%dma_wait3A_1747] : memref<512xi32, #tpu.memory_space<vmem>> -> memref<16xi32, #tpu.memory_space<vmem>>
    %dma_wait3A_1749 = tpu.memref_slice %arg3[%add3A_1277] : memref<32768xi32, #tpu.memory_space<hbm>> -> memref<16xi32, #tpu.memory_space<hbm>>
    tpu.wait_dma2 semaphore(%arg11 : memref<!tpu.dma_semaphore, #tpu.memory_space<semaphore_mem>>) src(%dma_wait3A_1749 : memref<16xi32, #tpu.memory_space<hbm>>) dst(%dma_wait3A_1748 : memref<16xi32, #tpu.memory_space<vmem>>)
    %dma_wait3A_1750 = arith.constant 208 : i32
    %dma_wait3A_1751 = tpu.memref_slice %arg6[%dma_wait3A_1750] : memref<512xf32, #tpu.memory_space<vmem>> -> memref<16xf32, #tpu.memory_space<vmem>>
    %dma_wait3A_1752 = tpu.memref_slice %arg2[%add3A_1293] : memref<32768xf32, #tpu.memory_space<hbm>> -> memref<16xf32, #tpu.memory_space<hbm>>
    %dma_wait3A_1753 = arith.constant 208 : i32
    %dma_wait3A_1754 = tpu.memref_slice %arg6[%dma_wait3A_1753] : memref<512xf32, #tpu.memory_space<vmem>> -> memref<16xf32, #tpu.memory_space<vmem>>
    %dma_wait3A_1755 = tpu.memref_slice %arg2[%add3A_1293] : memref<32768xf32, #tpu.memory_space<hbm>> -> memref<16xf32, #tpu.memory_space<hbm>>
    tpu.wait_dma2 semaphore(%arg11 : memref<!tpu.dma_semaphore, #tpu.memory_space<semaphore_mem>>) src(%dma_wait3A_1755 : memref<16xf32, #tpu.memory_space<hbm>>) dst(%dma_wait3A_1754 : memref<16xf32, #tpu.memory_space<vmem>>)
    %dma_wait3A_1756 = arith.constant 208 : i32
    %dma_wait3A_1757 = tpu.memref_slice %arg7[%dma_wait3A_1756] : memref<512xi32, #tpu.memory_space<vmem>> -> memref<16xi32, #tpu.memory_space<vmem>>
    %dma_wait3A_1758 = tpu.memref_slice %arg3[%add3A_1293] : memref<32768xi32, #tpu.memory_space<hbm>> -> memref<16xi32, #tpu.memory_space<hbm>>
    %dma_wait3A_1759 = arith.constant 208 : i32
    %dma_wait3A_1760 = tpu.memref_slice %arg7[%dma_wait3A_1759] : memref<512xi32, #tpu.memory_space<vmem>> -> memref<16xi32, #tpu.memory_space<vmem>>
    %dma_wait3A_1761 = tpu.memref_slice %arg3[%add3A_1293] : memref<32768xi32, #tpu.memory_space<hbm>> -> memref<16xi32, #tpu.memory_space<hbm>>
    tpu.wait_dma2 semaphore(%arg11 : memref<!tpu.dma_semaphore, #tpu.memory_space<semaphore_mem>>) src(%dma_wait3A_1761 : memref<16xi32, #tpu.memory_space<hbm>>) dst(%dma_wait3A_1760 : memref<16xi32, #tpu.memory_space<vmem>>)
    %dma_wait3A_1762 = arith.constant 224 : i32
    %dma_wait3A_1763 = tpu.memref_slice %arg6[%dma_wait3A_1762] : memref<512xf32, #tpu.memory_space<vmem>> -> memref<16xf32, #tpu.memory_space<vmem>>
    %dma_wait3A_1764 = tpu.memref_slice %arg2[%add3A_1309] : memref<32768xf32, #tpu.memory_space<hbm>> -> memref<16xf32, #tpu.memory_space<hbm>>
    %dma_wait3A_1765 = arith.constant 224 : i32
    %dma_wait3A_1766 = tpu.memref_slice %arg6[%dma_wait3A_1765] : memref<512xf32, #tpu.memory_space<vmem>> -> memref<16xf32, #tpu.memory_space<vmem>>
    %dma_wait3A_1767 = tpu.memref_slice %arg2[%add3A_1309] : memref<32768xf32, #tpu.memory_space<hbm>> -> memref<16xf32, #tpu.memory_space<hbm>>
    tpu.wait_dma2 semaphore(%arg11 : memref<!tpu.dma_semaphore, #tpu.memory_space<semaphore_mem>>) src(%dma_wait3A_1767 : memref<16xf32, #tpu.memory_space<hbm>>) dst(%dma_wait3A_1766 : memref<16xf32, #tpu.memory_space<vmem>>)
    %dma_wait3A_1768 = arith.constant 224 : i32
    %dma_wait3A_1769 = tpu.memref_slice %arg7[%dma_wait3A_1768] : memref<512xi32, #tpu.memory_space<vmem>> -> memref<16xi32, #tpu.memory_space<vmem>>
    %dma_wait3A_1770 = tpu.memref_slice %arg3[%add3A_1309] : memref<32768xi32, #tpu.memory_space<hbm>> -> memref<16xi32, #tpu.memory_space<hbm>>
    %dma_wait3A_1771 = arith.constant 224 : i32
    %dma_wait3A_1772 = tpu.memref_slice %arg7[%dma_wait3A_1771] : memref<512xi32, #tpu.memory_space<vmem>> -> memref<16xi32, #tpu.memory_space<vmem>>
    %dma_wait3A_1773 = tpu.memref_slice %arg3[%add3A_1309] : memref<32768xi32, #tpu.memory_space<hbm>> -> memref<16xi32, #tpu.memory_space<hbm>>
    tpu.wait_dma2 semaphore(%arg11 : memref<!tpu.dma_semaphore, #tpu.memory_space<semaphore_mem>>) src(%dma_wait3A_1773 : memref<16xi32, #tpu.memory_space<hbm>>) dst(%dma_wait3A_1772 : memref<16xi32, #tpu.memory_space<vmem>>)
    %dma_wait3A_1774 = arith.constant 240 : i32
    %dma_wait3A_1775 = tpu.memref_slice %arg6[%dma_wait3A_1774] : memref<512xf32, #tpu.memory_space<vmem>> -> memref<16xf32, #tpu.memory_space<vmem>>
    %dma_wait3A_1776 = tpu.memref_slice %arg2[%add3A_1325] : memref<32768xf32, #tpu.memory_space<hbm>> -> memref<16xf32, #tpu.memory_space<hbm>>
    %dma_wait3A_1777 = arith.constant 240 : i32
    %dma_wait3A_1778 = tpu.memref_slice %arg6[%dma_wait3A_1777] : memref<512xf32, #tpu.memory_space<vmem>> -> memref<16xf32, #tpu.memory_space<vmem>>
    %dma_wait3A_1779 = tpu.memref_slice %arg2[%add3A_1325] : memref<32768xf32, #tpu.memory_space<hbm>> -> memref<16xf32, #tpu.memory_space<hbm>>
    tpu.wait_dma2 semaphore(%arg11 : memref<!tpu.dma_semaphore, #tpu.memory_space<semaphore_mem>>) src(%dma_wait3A_1779 : memref<16xf32, #tpu.memory_space<hbm>>) dst(%dma_wait3A_1778 : memref<16xf32, #tpu.memory_space<vmem>>)
    %dma_wait3A_1780 = arith.constant 240 : i32
    %dma_wait3A_1781 = tpu.memref_slice %arg7[%dma_wait3A_1780] : memref<512xi32, #tpu.memory_space<vmem>> -> memref<16xi32, #tpu.memory_space<vmem>>
    %dma_wait3A_1782 = tpu.memref_slice %arg3[%add3A_1325] : memref<32768xi32, #tpu.memory_space<hbm>> -> memref<16xi32, #tpu.memory_space<hbm>>
    %dma_wait3A_1783 = arith.constant 240 : i32
    %dma_wait3A_1784 = tpu.memref_slice %arg7[%dma_wait3A_1783] : memref<512xi32, #tpu.memory_space<vmem>> -> memref<16xi32, #tpu.memory_space<vmem>>
    %dma_wait3A_1785 = tpu.memref_slice %arg3[%add3A_1325] : memref<32768xi32, #tpu.memory_space<hbm>> -> memref<16xi32, #tpu.memory_space<hbm>>
    tpu.wait_dma2 semaphore(%arg11 : memref<!tpu.dma_semaphore, #tpu.memory_space<semaphore_mem>>) src(%dma_wait3A_1785 : memref<16xi32, #tpu.memory_space<hbm>>) dst(%dma_wait3A_1784 : memref<16xi32, #tpu.memory_space<vmem>>)
    %dma_wait3A_1786 = arith.constant 256 : i32
    %dma_wait3A_1787 = tpu.memref_slice %arg6[%dma_wait3A_1786] : memref<512xf32, #tpu.memory_space<vmem>> -> memref<16xf32, #tpu.memory_space<vmem>>
    %dma_wait3A_1788 = tpu.memref_slice %arg2[%add3A_1341] : memref<32768xf32, #tpu.memory_space<hbm>> -> memref<16xf32, #tpu.memory_space<hbm>>
    %dma_wait3A_1789 = arith.constant 256 : i32
    %dma_wait3A_1790 = tpu.memref_slice %arg6[%dma_wait3A_1789] : memref<512xf32, #tpu.memory_space<vmem>> -> memref<16xf32, #tpu.memory_space<vmem>>
    %dma_wait3A_1791 = tpu.memref_slice %arg2[%add3A_1341] : memref<32768xf32, #tpu.memory_space<hbm>> -> memref<16xf32, #tpu.memory_space<hbm>>
    tpu.wait_dma2 semaphore(%arg11 : memref<!tpu.dma_semaphore, #tpu.memory_space<semaphore_mem>>) src(%dma_wait3A_1791 : memref<16xf32, #tpu.memory_space<hbm>>) dst(%dma_wait3A_1790 : memref<16xf32, #tpu.memory_space<vmem>>)
    %dma_wait3A_1792 = arith.constant 256 : i32
    %dma_wait3A_1793 = tpu.memref_slice %arg7[%dma_wait3A_1792] : memref<512xi32, #tpu.memory_space<vmem>> -> memref<16xi32, #tpu.memory_space<vmem>>
    %dma_wait3A_1794 = tpu.memref_slice %arg3[%add3A_1341] : memref<32768xi32, #tpu.memory_space<hbm>> -> memref<16xi32, #tpu.memory_space<hbm>>
    %dma_wait3A_1795 = arith.constant 256 : i32
    %dma_wait3A_1796 = tpu.memref_slice %arg7[%dma_wait3A_1795] : memref<512xi32, #tpu.memory_space<vmem>> -> memref<16xi32, #tpu.memory_space<vmem>>
    %dma_wait3A_1797 = tpu.memref_slice %arg3[%add3A_1341] : memref<32768xi32, #tpu.memory_space<hbm>> -> memref<16xi32, #tpu.memory_space<hbm>>
    tpu.wait_dma2 semaphore(%arg11 : memref<!tpu.dma_semaphore, #tpu.memory_space<semaphore_mem>>) src(%dma_wait3A_1797 : memref<16xi32, #tpu.memory_space<hbm>>) dst(%dma_wait3A_1796 : memref<16xi32, #tpu.memory_space<vmem>>)
    %dma_wait3A_1798 = arith.constant 272 : i32
    %dma_wait3A_1799 = tpu.memref_slice %arg6[%dma_wait3A_1798] : memref<512xf32, #tpu.memory_space<vmem>> -> memref<16xf32, #tpu.memory_space<vmem>>
    %dma_wait3A_1800 = tpu.memref_slice %arg2[%add3A_1357] : memref<32768xf32, #tpu.memory_space<hbm>> -> memref<16xf32, #tpu.memory_space<hbm>>
    %dma_wait3A_1801 = arith.constant 272 : i32
    %dma_wait3A_1802 = tpu.memref_slice %arg6[%dma_wait3A_1801] : memref<512xf32, #tpu.memory_space<vmem>> -> memref<16xf32, #tpu.memory_space<vmem>>
    %dma_wait3A_1803 = tpu.memref_slice %arg2[%add3A_1357] : memref<32768xf32, #tpu.memory_space<hbm>> -> memref<16xf32, #tpu.memory_space<hbm>>
    tpu.wait_dma2 semaphore(%arg11 : memref<!tpu.dma_semaphore, #tpu.memory_space<semaphore_mem>>) src(%dma_wait3A_1803 : memref<16xf32, #tpu.memory_space<hbm>>) dst(%dma_wait3A_1802 : memref<16xf32, #tpu.memory_space<vmem>>)
    %dma_wait3A_1804 = arith.constant 272 : i32
    %dma_wait3A_1805 = tpu.memref_slice %arg7[%dma_wait3A_1804] : memref<512xi32, #tpu.memory_space<vmem>> -> memref<16xi32, #tpu.memory_space<vmem>>
    %dma_wait3A_1806 = tpu.memref_slice %arg3[%add3A_1357] : memref<32768xi32, #tpu.memory_space<hbm>> -> memref<16xi32, #tpu.memory_space<hbm>>
    %dma_wait3A_1807 = arith.constant 272 : i32
    %dma_wait3A_1808 = tpu.memref_slice %arg7[%dma_wait3A_1807] : memref<512xi32, #tpu.memory_space<vmem>> -> memref<16xi32, #tpu.memory_space<vmem>>
    %dma_wait3A_1809 = tpu.memref_slice %arg3[%add3A_1357] : memref<32768xi32, #tpu.memory_space<hbm>> -> memref<16xi32, #tpu.memory_space<hbm>>
    tpu.wait_dma2 semaphore(%arg11 : memref<!tpu.dma_semaphore, #tpu.memory_space<semaphore_mem>>) src(%dma_wait3A_1809 : memref<16xi32, #tpu.memory_space<hbm>>) dst(%dma_wait3A_1808 : memref<16xi32, #tpu.memory_space<vmem>>)
    %dma_wait3A_1810 = arith.constant 288 : i32
    %dma_wait3A_1811 = tpu.memref_slice %arg6[%dma_wait3A_1810] : memref<512xf32, #tpu.memory_space<vmem>> -> memref<16xf32, #tpu.memory_space<vmem>>
    %dma_wait3A_1812 = tpu.memref_slice %arg2[%add3A_1373] : memref<32768xf32, #tpu.memory_space<hbm>> -> memref<16xf32, #tpu.memory_space<hbm>>
    %dma_wait3A_1813 = arith.constant 288 : i32
    %dma_wait3A_1814 = tpu.memref_slice %arg6[%dma_wait3A_1813] : memref<512xf32, #tpu.memory_space<vmem>> -> memref<16xf32, #tpu.memory_space<vmem>>
    %dma_wait3A_1815 = tpu.memref_slice %arg2[%add3A_1373] : memref<32768xf32, #tpu.memory_space<hbm>> -> memref<16xf32, #tpu.memory_space<hbm>>
    tpu.wait_dma2 semaphore(%arg11 : memref<!tpu.dma_semaphore, #tpu.memory_space<semaphore_mem>>) src(%dma_wait3A_1815 : memref<16xf32, #tpu.memory_space<hbm>>) dst(%dma_wait3A_1814 : memref<16xf32, #tpu.memory_space<vmem>>)
    %dma_wait3A_1816 = arith.constant 288 : i32
    %dma_wait3A_1817 = tpu.memref_slice %arg7[%dma_wait3A_1816] : memref<512xi32, #tpu.memory_space<vmem>> -> memref<16xi32, #tpu.memory_space<vmem>>
    %dma_wait3A_1818 = tpu.memref_slice %arg3[%add3A_1373] : memref<32768xi32, #tpu.memory_space<hbm>> -> memref<16xi32, #tpu.memory_space<hbm>>
    %dma_wait3A_1819 = arith.constant 288 : i32
    %dma_wait3A_1820 = tpu.memref_slice %arg7[%dma_wait3A_1819] : memref<512xi32, #tpu.memory_space<vmem>> -> memref<16xi32, #tpu.memory_space<vmem>>
    %dma_wait3A_1821 = tpu.memref_slice %arg3[%add3A_1373] : memref<32768xi32, #tpu.memory_space<hbm>> -> memref<16xi32, #tpu.memory_space<hbm>>
    tpu.wait_dma2 semaphore(%arg11 : memref<!tpu.dma_semaphore, #tpu.memory_space<semaphore_mem>>) src(%dma_wait3A_1821 : memref<16xi32, #tpu.memory_space<hbm>>) dst(%dma_wait3A_1820 : memref<16xi32, #tpu.memory_space<vmem>>)
    %dma_wait3A_1822 = arith.constant 304 : i32
    %dma_wait3A_1823 = tpu.memref_slice %arg6[%dma_wait3A_1822] : memref<512xf32, #tpu.memory_space<vmem>> -> memref<16xf32, #tpu.memory_space<vmem>>
    %dma_wait3A_1824 = tpu.memref_slice %arg2[%add3A_1389] : memref<32768xf32, #tpu.memory_space<hbm>> -> memref<16xf32, #tpu.memory_space<hbm>>
    %dma_wait3A_1825 = arith.constant 304 : i32
    %dma_wait3A_1826 = tpu.memref_slice %arg6[%dma_wait3A_1825] : memref<512xf32, #tpu.memory_space<vmem>> -> memref<16xf32, #tpu.memory_space<vmem>>
    %dma_wait3A_1827 = tpu.memref_slice %arg2[%add3A_1389] : memref<32768xf32, #tpu.memory_space<hbm>> -> memref<16xf32, #tpu.memory_space<hbm>>
    tpu.wait_dma2 semaphore(%arg11 : memref<!tpu.dma_semaphore, #tpu.memory_space<semaphore_mem>>) src(%dma_wait3A_1827 : memref<16xf32, #tpu.memory_space<hbm>>) dst(%dma_wait3A_1826 : memref<16xf32, #tpu.memory_space<vmem>>)
    %dma_wait3A_1828 = arith.constant 304 : i32
    %dma_wait3A_1829 = tpu.memref_slice %arg7[%dma_wait3A_1828] : memref<512xi32, #tpu.memory_space<vmem>> -> memref<16xi32, #tpu.memory_space<vmem>>
    %dma_wait3A_1830 = tpu.memref_slice %arg3[%add3A_1389] : memref<32768xi32, #tpu.memory_space<hbm>> -> memref<16xi32, #tpu.memory_space<hbm>>
    %dma_wait3A_1831 = arith.constant 304 : i32
    %dma_wait3A_1832 = tpu.memref_slice %arg7[%dma_wait3A_1831] : memref<512xi32, #tpu.memory_space<vmem>> -> memref<16xi32, #tpu.memory_space<vmem>>
    %dma_wait3A_1833 = tpu.memref_slice %arg3[%add3A_1389] : memref<32768xi32, #tpu.memory_space<hbm>> -> memref<16xi32, #tpu.memory_space<hbm>>
    tpu.wait_dma2 semaphore(%arg11 : memref<!tpu.dma_semaphore, #tpu.memory_space<semaphore_mem>>) src(%dma_wait3A_1833 : memref<16xi32, #tpu.memory_space<hbm>>) dst(%dma_wait3A_1832 : memref<16xi32, #tpu.memory_space<vmem>>)
    %dma_wait3A_1834 = arith.constant 320 : i32
    %dma_wait3A_1835 = tpu.memref_slice %arg6[%dma_wait3A_1834] : memref<512xf32, #tpu.memory_space<vmem>> -> memref<16xf32, #tpu.memory_space<vmem>>
    %dma_wait3A_1836 = tpu.memref_slice %arg2[%add3A_1405] : memref<32768xf32, #tpu.memory_space<hbm>> -> memref<16xf32, #tpu.memory_space<hbm>>
    %dma_wait3A_1837 = arith.constant 320 : i32
    %dma_wait3A_1838 = tpu.memref_slice %arg6[%dma_wait3A_1837] : memref<512xf32, #tpu.memory_space<vmem>> -> memref<16xf32, #tpu.memory_space<vmem>>
    %dma_wait3A_1839 = tpu.memref_slice %arg2[%add3A_1405] : memref<32768xf32, #tpu.memory_space<hbm>> -> memref<16xf32, #tpu.memory_space<hbm>>
    tpu.wait_dma2 semaphore(%arg11 : memref<!tpu.dma_semaphore, #tpu.memory_space<semaphore_mem>>) src(%dma_wait3A_1839 : memref<16xf32, #tpu.memory_space<hbm>>) dst(%dma_wait3A_1838 : memref<16xf32, #tpu.memory_space<vmem>>)
    %dma_wait3A_1840 = arith.constant 320 : i32
    %dma_wait3A_1841 = tpu.memref_slice %arg7[%dma_wait3A_1840] : memref<512xi32, #tpu.memory_space<vmem>> -> memref<16xi32, #tpu.memory_space<vmem>>
    %dma_wait3A_1842 = tpu.memref_slice %arg3[%add3A_1405] : memref<32768xi32, #tpu.memory_space<hbm>> -> memref<16xi32, #tpu.memory_space<hbm>>
    %dma_wait3A_1843 = arith.constant 320 : i32
    %dma_wait3A_1844 = tpu.memref_slice %arg7[%dma_wait3A_1843] : memref<512xi32, #tpu.memory_space<vmem>> -> memref<16xi32, #tpu.memory_space<vmem>>
    %dma_wait3A_1845 = tpu.memref_slice %arg3[%add3A_1405] : memref<32768xi32, #tpu.memory_space<hbm>> -> memref<16xi32, #tpu.memory_space<hbm>>
    tpu.wait_dma2 semaphore(%arg11 : memref<!tpu.dma_semaphore, #tpu.memory_space<semaphore_mem>>) src(%dma_wait3A_1845 : memref<16xi32, #tpu.memory_space<hbm>>) dst(%dma_wait3A_1844 : memref<16xi32, #tpu.memory_space<vmem>>)
    %dma_wait3A_1846 = arith.constant 336 : i32
    %dma_wait3A_1847 = tpu.memref_slice %arg6[%dma_wait3A_1846] : memref<512xf32, #tpu.memory_space<vmem>> -> memref<16xf32, #tpu.memory_space<vmem>>
    %dma_wait3A_1848 = tpu.memref_slice %arg2[%add3A_1421] : memref<32768xf32, #tpu.memory_space<hbm>> -> memref<16xf32, #tpu.memory_space<hbm>>
    %dma_wait3A_1849 = arith.constant 336 : i32
    %dma_wait3A_1850 = tpu.memref_slice %arg6[%dma_wait3A_1849] : memref<512xf32, #tpu.memory_space<vmem>> -> memref<16xf32, #tpu.memory_space<vmem>>
    %dma_wait3A_1851 = tpu.memref_slice %arg2[%add3A_1421] : memref<32768xf32, #tpu.memory_space<hbm>> -> memref<16xf32, #tpu.memory_space<hbm>>
    tpu.wait_dma2 semaphore(%arg11 : memref<!tpu.dma_semaphore, #tpu.memory_space<semaphore_mem>>) src(%dma_wait3A_1851 : memref<16xf32, #tpu.memory_space<hbm>>) dst(%dma_wait3A_1850 : memref<16xf32, #tpu.memory_space<vmem>>)
    %dma_wait3A_1852 = arith.constant 336 : i32
    %dma_wait3A_1853 = tpu.memref_slice %arg7[%dma_wait3A_1852] : memref<512xi32, #tpu.memory_space<vmem>> -> memref<16xi32, #tpu.memory_space<vmem>>
    %dma_wait3A_1854 = tpu.memref_slice %arg3[%add3A_1421] : memref<32768xi32, #tpu.memory_space<hbm>> -> memref<16xi32, #tpu.memory_space<hbm>>
    %dma_wait3A_1855 = arith.constant 336 : i32
    %dma_wait3A_1856 = tpu.memref_slice %arg7[%dma_wait3A_1855] : memref<512xi32, #tpu.memory_space<vmem>> -> memref<16xi32, #tpu.memory_space<vmem>>
    %dma_wait3A_1857 = tpu.memref_slice %arg3[%add3A_1421] : memref<32768xi32, #tpu.memory_space<hbm>> -> memref<16xi32, #tpu.memory_space<hbm>>
    tpu.wait_dma2 semaphore(%arg11 : memref<!tpu.dma_semaphore, #tpu.memory_space<semaphore_mem>>) src(%dma_wait3A_1857 : memref<16xi32, #tpu.memory_space<hbm>>) dst(%dma_wait3A_1856 : memref<16xi32, #tpu.memory_space<vmem>>)
    %dma_wait3A_1858 = arith.constant 352 : i32
    %dma_wait3A_1859 = tpu.memref_slice %arg6[%dma_wait3A_1858] : memref<512xf32, #tpu.memory_space<vmem>> -> memref<16xf32, #tpu.memory_space<vmem>>
    %dma_wait3A_1860 = tpu.memref_slice %arg2[%add3A_1437] : memref<32768xf32, #tpu.memory_space<hbm>> -> memref<16xf32, #tpu.memory_space<hbm>>
    %dma_wait3A_1861 = arith.constant 352 : i32
    %dma_wait3A_1862 = tpu.memref_slice %arg6[%dma_wait3A_1861] : memref<512xf32, #tpu.memory_space<vmem>> -> memref<16xf32, #tpu.memory_space<vmem>>
    %dma_wait3A_1863 = tpu.memref_slice %arg2[%add3A_1437] : memref<32768xf32, #tpu.memory_space<hbm>> -> memref<16xf32, #tpu.memory_space<hbm>>
    tpu.wait_dma2 semaphore(%arg11 : memref<!tpu.dma_semaphore, #tpu.memory_space<semaphore_mem>>) src(%dma_wait3A_1863 : memref<16xf32, #tpu.memory_space<hbm>>) dst(%dma_wait3A_1862 : memref<16xf32, #tpu.memory_space<vmem>>)
    %dma_wait3A_1864 = arith.constant 352 : i32
    %dma_wait3A_1865 = tpu.memref_slice %arg7[%dma_wait3A_1864] : memref<512xi32, #tpu.memory_space<vmem>> -> memref<16xi32, #tpu.memory_space<vmem>>
    %dma_wait3A_1866 = tpu.memref_slice %arg3[%add3A_1437] : memref<32768xi32, #tpu.memory_space<hbm>> -> memref<16xi32, #tpu.memory_space<hbm>>
    %dma_wait3A_1867 = arith.constant 352 : i32
    %dma_wait3A_1868 = tpu.memref_slice %arg7[%dma_wait3A_1867] : memref<512xi32, #tpu.memory_space<vmem>> -> memref<16xi32, #tpu.memory_space<vmem>>
    %dma_wait3A_1869 = tpu.memref_slice %arg3[%add3A_1437] : memref<32768xi32, #tpu.memory_space<hbm>> -> memref<16xi32, #tpu.memory_space<hbm>>
    tpu.wait_dma2 semaphore(%arg11 : memref<!tpu.dma_semaphore, #tpu.memory_space<semaphore_mem>>) src(%dma_wait3A_1869 : memref<16xi32, #tpu.memory_space<hbm>>) dst(%dma_wait3A_1868 : memref<16xi32, #tpu.memory_space<vmem>>)
    %dma_wait3A_1870 = arith.constant 368 : i32
    %dma_wait3A_1871 = tpu.memref_slice %arg6[%dma_wait3A_1870] : memref<512xf32, #tpu.memory_space<vmem>> -> memref<16xf32, #tpu.memory_space<vmem>>
    %dma_wait3A_1872 = tpu.memref_slice %arg2[%add3A_1453] : memref<32768xf32, #tpu.memory_space<hbm>> -> memref<16xf32, #tpu.memory_space<hbm>>
    %dma_wait3A_1873 = arith.constant 368 : i32
    %dma_wait3A_1874 = tpu.memref_slice %arg6[%dma_wait3A_1873] : memref<512xf32, #tpu.memory_space<vmem>> -> memref<16xf32, #tpu.memory_space<vmem>>
    %dma_wait3A_1875 = tpu.memref_slice %arg2[%add3A_1453] : memref<32768xf32, #tpu.memory_space<hbm>> -> memref<16xf32, #tpu.memory_space<hbm>>
    tpu.wait_dma2 semaphore(%arg11 : memref<!tpu.dma_semaphore, #tpu.memory_space<semaphore_mem>>) src(%dma_wait3A_1875 : memref<16xf32, #tpu.memory_space<hbm>>) dst(%dma_wait3A_1874 : memref<16xf32, #tpu.memory_space<vmem>>)
    %dma_wait3A_1876 = arith.constant 368 : i32
    %dma_wait3A_1877 = tpu.memref_slice %arg7[%dma_wait3A_1876] : memref<512xi32, #tpu.memory_space<vmem>> -> memref<16xi32, #tpu.memory_space<vmem>>
    %dma_wait3A_1878 = tpu.memref_slice %arg3[%add3A_1453] : memref<32768xi32, #tpu.memory_space<hbm>> -> memref<16xi32, #tpu.memory_space<hbm>>
    %dma_wait3A_1879 = arith.constant 368 : i32
    %dma_wait3A_1880 = tpu.memref_slice %arg7[%dma_wait3A_1879] : memref<512xi32, #tpu.memory_space<vmem>> -> memref<16xi32, #tpu.memory_space<vmem>>
    %dma_wait3A_1881 = tpu.memref_slice %arg3[%add3A_1453] : memref<32768xi32, #tpu.memory_space<hbm>> -> memref<16xi32, #tpu.memory_space<hbm>>
    tpu.wait_dma2 semaphore(%arg11 : memref<!tpu.dma_semaphore, #tpu.memory_space<semaphore_mem>>) src(%dma_wait3A_1881 : memref<16xi32, #tpu.memory_space<hbm>>) dst(%dma_wait3A_1880 : memref<16xi32, #tpu.memory_space<vmem>>)
    %dma_wait3A_1882 = arith.constant 384 : i32
    %dma_wait3A_1883 = tpu.memref_slice %arg6[%dma_wait3A_1882] : memref<512xf32, #tpu.memory_space<vmem>> -> memref<16xf32, #tpu.memory_space<vmem>>
    %dma_wait3A_1884 = tpu.memref_slice %arg2[%add3A_1469] : memref<32768xf32, #tpu.memory_space<hbm>> -> memref<16xf32, #tpu.memory_space<hbm>>
    %dma_wait3A_1885 = arith.constant 384 : i32
    %dma_wait3A_1886 = tpu.memref_slice %arg6[%dma_wait3A_1885] : memref<512xf32, #tpu.memory_space<vmem>> -> memref<16xf32, #tpu.memory_space<vmem>>
    %dma_wait3A_1887 = tpu.memref_slice %arg2[%add3A_1469] : memref<32768xf32, #tpu.memory_space<hbm>> -> memref<16xf32, #tpu.memory_space<hbm>>
    tpu.wait_dma2 semaphore(%arg11 : memref<!tpu.dma_semaphore, #tpu.memory_space<semaphore_mem>>) src(%dma_wait3A_1887 : memref<16xf32, #tpu.memory_space<hbm>>) dst(%dma_wait3A_1886 : memref<16xf32, #tpu.memory_space<vmem>>)
    %dma_wait3A_1888 = arith.constant 384 : i32
    %dma_wait3A_1889 = tpu.memref_slice %arg7[%dma_wait3A_1888] : memref<512xi32, #tpu.memory_space<vmem>> -> memref<16xi32, #tpu.memory_space<vmem>>
    %dma_wait3A_1890 = tpu.memref_slice %arg3[%add3A_1469] : memref<32768xi32, #tpu.memory_space<hbm>> -> memref<16xi32, #tpu.memory_space<hbm>>
    %dma_wait3A_1891 = arith.constant 384 : i32
    %dma_wait3A_1892 = tpu.memref_slice %arg7[%dma_wait3A_1891] : memref<512xi32, #tpu.memory_space<vmem>> -> memref<16xi32, #tpu.memory_space<vmem>>
    %dma_wait3A_1893 = tpu.memref_slice %arg3[%add3A_1469] : memref<32768xi32, #tpu.memory_space<hbm>> -> memref<16xi32, #tpu.memory_space<hbm>>
    tpu.wait_dma2 semaphore(%arg11 : memref<!tpu.dma_semaphore, #tpu.memory_space<semaphore_mem>>) src(%dma_wait3A_1893 : memref<16xi32, #tpu.memory_space<hbm>>) dst(%dma_wait3A_1892 : memref<16xi32, #tpu.memory_space<vmem>>)
    %dma_wait3A_1894 = arith.constant 400 : i32
    %dma_wait3A_1895 = tpu.memref_slice %arg6[%dma_wait3A_1894] : memref<512xf32, #tpu.memory_space<vmem>> -> memref<16xf32, #tpu.memory_space<vmem>>
    %dma_wait3A_1896 = tpu.memref_slice %arg2[%add3A_1485] : memref<32768xf32, #tpu.memory_space<hbm>> -> memref<16xf32, #tpu.memory_space<hbm>>
    %dma_wait3A_1897 = arith.constant 400 : i32
    %dma_wait3A_1898 = tpu.memref_slice %arg6[%dma_wait3A_1897] : memref<512xf32, #tpu.memory_space<vmem>> -> memref<16xf32, #tpu.memory_space<vmem>>
    %dma_wait3A_1899 = tpu.memref_slice %arg2[%add3A_1485] : memref<32768xf32, #tpu.memory_space<hbm>> -> memref<16xf32, #tpu.memory_space<hbm>>
    tpu.wait_dma2 semaphore(%arg11 : memref<!tpu.dma_semaphore, #tpu.memory_space<semaphore_mem>>) src(%dma_wait3A_1899 : memref<16xf32, #tpu.memory_space<hbm>>) dst(%dma_wait3A_1898 : memref<16xf32, #tpu.memory_space<vmem>>)
    %dma_wait3A_1900 = arith.constant 400 : i32
    %dma_wait3A_1901 = tpu.memref_slice %arg7[%dma_wait3A_1900] : memref<512xi32, #tpu.memory_space<vmem>> -> memref<16xi32, #tpu.memory_space<vmem>>
    %dma_wait3A_1902 = tpu.memref_slice %arg3[%add3A_1485] : memref<32768xi32, #tpu.memory_space<hbm>> -> memref<16xi32, #tpu.memory_space<hbm>>
    %dma_wait3A_1903 = arith.constant 400 : i32
    %dma_wait3A_1904 = tpu.memref_slice %arg7[%dma_wait3A_1903] : memref<512xi32, #tpu.memory_space<vmem>> -> memref<16xi32, #tpu.memory_space<vmem>>
    %dma_wait3A_1905 = tpu.memref_slice %arg3[%add3A_1485] : memref<32768xi32, #tpu.memory_space<hbm>> -> memref<16xi32, #tpu.memory_space<hbm>>
    tpu.wait_dma2 semaphore(%arg11 : memref<!tpu.dma_semaphore, #tpu.memory_space<semaphore_mem>>) src(%dma_wait3A_1905 : memref<16xi32, #tpu.memory_space<hbm>>) dst(%dma_wait3A_1904 : memref<16xi32, #tpu.memory_space<vmem>>)
    %dma_wait3A_1906 = arith.constant 416 : i32
    %dma_wait3A_1907 = tpu.memref_slice %arg6[%dma_wait3A_1906] : memref<512xf32, #tpu.memory_space<vmem>> -> memref<16xf32, #tpu.memory_space<vmem>>
    %dma_wait3A_1908 = tpu.memref_slice %arg2[%add3A_1501] : memref<32768xf32, #tpu.memory_space<hbm>> -> memref<16xf32, #tpu.memory_space<hbm>>
    %dma_wait3A_1909 = arith.constant 416 : i32
    %dma_wait3A_1910 = tpu.memref_slice %arg6[%dma_wait3A_1909] : memref<512xf32, #tpu.memory_space<vmem>> -> memref<16xf32, #tpu.memory_space<vmem>>
    %dma_wait3A_1911 = tpu.memref_slice %arg2[%add3A_1501] : memref<32768xf32, #tpu.memory_space<hbm>> -> memref<16xf32, #tpu.memory_space<hbm>>
    tpu.wait_dma2 semaphore(%arg11 : memref<!tpu.dma_semaphore, #tpu.memory_space<semaphore_mem>>) src(%dma_wait3A_1911 : memref<16xf32, #tpu.memory_space<hbm>>) dst(%dma_wait3A_1910 : memref<16xf32, #tpu.memory_space<vmem>>)
    %dma_wait3A_1912 = arith.constant 416 : i32
    %dma_wait3A_1913 = tpu.memref_slice %arg7[%dma_wait3A_1912] : memref<512xi32, #tpu.memory_space<vmem>> -> memref<16xi32, #tpu.memory_space<vmem>>
    %dma_wait3A_1914 = tpu.memref_slice %arg3[%add3A_1501] : memref<32768xi32, #tpu.memory_space<hbm>> -> memref<16xi32, #tpu.memory_space<hbm>>
    %dma_wait3A_1915 = arith.constant 416 : i32
    %dma_wait3A_1916 = tpu.memref_slice %arg7[%dma_wait3A_1915] : memref<512xi32, #tpu.memory_space<vmem>> -> memref<16xi32, #tpu.memory_space<vmem>>
    %dma_wait3A_1917 = tpu.memref_slice %arg3[%add3A_1501] : memref<32768xi32, #tpu.memory_space<hbm>> -> memref<16xi32, #tpu.memory_space<hbm>>
    tpu.wait_dma2 semaphore(%arg11 : memref<!tpu.dma_semaphore, #tpu.memory_space<semaphore_mem>>) src(%dma_wait3A_1917 : memref<16xi32, #tpu.memory_space<hbm>>) dst(%dma_wait3A_1916 : memref<16xi32, #tpu.memory_space<vmem>>)
    %dma_wait3A_1918 = arith.constant 432 : i32
    %dma_wait3A_1919 = tpu.memref_slice %arg6[%dma_wait3A_1918] : memref<512xf32, #tpu.memory_space<vmem>> -> memref<16xf32, #tpu.memory_space<vmem>>
    %dma_wait3A_1920 = tpu.memref_slice %arg2[%add3A_1517] : memref<32768xf32, #tpu.memory_space<hbm>> -> memref<16xf32, #tpu.memory_space<hbm>>
    %dma_wait3A_1921 = arith.constant 432 : i32
    %dma_wait3A_1922 = tpu.memref_slice %arg6[%dma_wait3A_1921] : memref<512xf32, #tpu.memory_space<vmem>> -> memref<16xf32, #tpu.memory_space<vmem>>
    %dma_wait3A_1923 = tpu.memref_slice %arg2[%add3A_1517] : memref<32768xf32, #tpu.memory_space<hbm>> -> memref<16xf32, #tpu.memory_space<hbm>>
    tpu.wait_dma2 semaphore(%arg11 : memref<!tpu.dma_semaphore, #tpu.memory_space<semaphore_mem>>) src(%dma_wait3A_1923 : memref<16xf32, #tpu.memory_space<hbm>>) dst(%dma_wait3A_1922 : memref<16xf32, #tpu.memory_space<vmem>>)
    %dma_wait3A_1924 = arith.constant 432 : i32
    %dma_wait3A_1925 = tpu.memref_slice %arg7[%dma_wait3A_1924] : memref<512xi32, #tpu.memory_space<vmem>> -> memref<16xi32, #tpu.memory_space<vmem>>
    %dma_wait3A_1926 = tpu.memref_slice %arg3[%add3A_1517] : memref<32768xi32, #tpu.memory_space<hbm>> -> memref<16xi32, #tpu.memory_space<hbm>>
    %dma_wait3A_1927 = arith.constant 432 : i32
    %dma_wait3A_1928 = tpu.memref_slice %arg7[%dma_wait3A_1927] : memref<512xi32, #tpu.memory_space<vmem>> -> memref<16xi32, #tpu.memory_space<vmem>>
    %dma_wait3A_1929 = tpu.memref_slice %arg3[%add3A_1517] : memref<32768xi32, #tpu.memory_space<hbm>> -> memref<16xi32, #tpu.memory_space<hbm>>
    tpu.wait_dma2 semaphore(%arg11 : memref<!tpu.dma_semaphore, #tpu.memory_space<semaphore_mem>>) src(%dma_wait3A_1929 : memref<16xi32, #tpu.memory_space<hbm>>) dst(%dma_wait3A_1928 : memref<16xi32, #tpu.memory_space<vmem>>)
    %dma_wait3A_1930 = arith.constant 448 : i32
    %dma_wait3A_1931 = tpu.memref_slice %arg6[%dma_wait3A_1930] : memref<512xf32, #tpu.memory_space<vmem>> -> memref<16xf32, #tpu.memory_space<vmem>>
    %dma_wait3A_1932 = tpu.memref_slice %arg2[%add3A_1533] : memref<32768xf32, #tpu.memory_space<hbm>> -> memref<16xf32, #tpu.memory_space<hbm>>
    %dma_wait3A_1933 = arith.constant 448 : i32
    %dma_wait3A_1934 = tpu.memref_slice %arg6[%dma_wait3A_1933] : memref<512xf32, #tpu.memory_space<vmem>> -> memref<16xf32, #tpu.memory_space<vmem>>
    %dma_wait3A_1935 = tpu.memref_slice %arg2[%add3A_1533] : memref<32768xf32, #tpu.memory_space<hbm>> -> memref<16xf32, #tpu.memory_space<hbm>>
    tpu.wait_dma2 semaphore(%arg11 : memref<!tpu.dma_semaphore, #tpu.memory_space<semaphore_mem>>) src(%dma_wait3A_1935 : memref<16xf32, #tpu.memory_space<hbm>>) dst(%dma_wait3A_1934 : memref<16xf32, #tpu.memory_space<vmem>>)
    %dma_wait3A_1936 = arith.constant 448 : i32
    %dma_wait3A_1937 = tpu.memref_slice %arg7[%dma_wait3A_1936] : memref<512xi32, #tpu.memory_space<vmem>> -> memref<16xi32, #tpu.memory_space<vmem>>
    %dma_wait3A_1938 = tpu.memref_slice %arg3[%add3A_1533] : memref<32768xi32, #tpu.memory_space<hbm>> -> memref<16xi32, #tpu.memory_space<hbm>>
    %dma_wait3A_1939 = arith.constant 448 : i32
    %dma_wait3A_1940 = tpu.memref_slice %arg7[%dma_wait3A_1939] : memref<512xi32, #tpu.memory_space<vmem>> -> memref<16xi32, #tpu.memory_space<vmem>>
    %dma_wait3A_1941 = tpu.memref_slice %arg3[%add3A_1533] : memref<32768xi32, #tpu.memory_space<hbm>> -> memref<16xi32, #tpu.memory_space<hbm>>
    tpu.wait_dma2 semaphore(%arg11 : memref<!tpu.dma_semaphore, #tpu.memory_space<semaphore_mem>>) src(%dma_wait3A_1941 : memref<16xi32, #tpu.memory_space<hbm>>) dst(%dma_wait3A_1940 : memref<16xi32, #tpu.memory_space<vmem>>)
    %dma_wait3A_1942 = arith.constant 464 : i32
    %dma_wait3A_1943 = tpu.memref_slice %arg6[%dma_wait3A_1942] : memref<512xf32, #tpu.memory_space<vmem>> -> memref<16xf32, #tpu.memory_space<vmem>>
    %dma_wait3A_1944 = tpu.memref_slice %arg2[%add3A_1549] : memref<32768xf32, #tpu.memory_space<hbm>> -> memref<16xf32, #tpu.memory_space<hbm>>
    %dma_wait3A_1945 = arith.constant 464 : i32
    %dma_wait3A_1946 = tpu.memref_slice %arg6[%dma_wait3A_1945] : memref<512xf32, #tpu.memory_space<vmem>> -> memref<16xf32, #tpu.memory_space<vmem>>
    %dma_wait3A_1947 = tpu.memref_slice %arg2[%add3A_1549] : memref<32768xf32, #tpu.memory_space<hbm>> -> memref<16xf32, #tpu.memory_space<hbm>>
    tpu.wait_dma2 semaphore(%arg11 : memref<!tpu.dma_semaphore, #tpu.memory_space<semaphore_mem>>) src(%dma_wait3A_1947 : memref<16xf32, #tpu.memory_space<hbm>>) dst(%dma_wait3A_1946 : memref<16xf32, #tpu.memory_space<vmem>>)
    %dma_wait3A_1948 = arith.constant 464 : i32
    %dma_wait3A_1949 = tpu.memref_slice %arg7[%dma_wait3A_1948] : memref<512xi32, #tpu.memory_space<vmem>> -> memref<16xi32, #tpu.memory_space<vmem>>
    %dma_wait3A_1950 = tpu.memref_slice %arg3[%add3A_1549] : memref<32768xi32, #tpu.memory_space<hbm>> -> memref<16xi32, #tpu.memory_space<hbm>>
    %dma_wait3A_1951 = arith.constant 464 : i32
    %dma_wait3A_1952 = tpu.memref_slice %arg7[%dma_wait3A_1951] : memref<512xi32, #tpu.memory_space<vmem>> -> memref<16xi32, #tpu.memory_space<vmem>>
    %dma_wait3A_1953 = tpu.memref_slice %arg3[%add3A_1549] : memref<32768xi32, #tpu.memory_space<hbm>> -> memref<16xi32, #tpu.memory_space<hbm>>
    tpu.wait_dma2 semaphore(%arg11 : memref<!tpu.dma_semaphore, #tpu.memory_space<semaphore_mem>>) src(%dma_wait3A_1953 : memref<16xi32, #tpu.memory_space<hbm>>) dst(%dma_wait3A_1952 : memref<16xi32, #tpu.memory_space<vmem>>)
    %dma_wait3A_1954 = arith.constant 480 : i32
    %dma_wait3A_1955 = tpu.memref_slice %arg6[%dma_wait3A_1954] : memref<512xf32, #tpu.memory_space<vmem>> -> memref<16xf32, #tpu.memory_space<vmem>>
    %dma_wait3A_1956 = tpu.memref_slice %arg2[%add3A_1565] : memref<32768xf32, #tpu.memory_space<hbm>> -> memref<16xf32, #tpu.memory_space<hbm>>
    %dma_wait3A_1957 = arith.constant 480 : i32
    %dma_wait3A_1958 = tpu.memref_slice %arg6[%dma_wait3A_1957] : memref<512xf32, #tpu.memory_space<vmem>> -> memref<16xf32, #tpu.memory_space<vmem>>
    %dma_wait3A_1959 = tpu.memref_slice %arg2[%add3A_1565] : memref<32768xf32, #tpu.memory_space<hbm>> -> memref<16xf32, #tpu.memory_space<hbm>>
    tpu.wait_dma2 semaphore(%arg11 : memref<!tpu.dma_semaphore, #tpu.memory_space<semaphore_mem>>) src(%dma_wait3A_1959 : memref<16xf32, #tpu.memory_space<hbm>>) dst(%dma_wait3A_1958 : memref<16xf32, #tpu.memory_space<vmem>>)
    %dma_wait3A_1960 = arith.constant 480 : i32
    %dma_wait3A_1961 = tpu.memref_slice %arg7[%dma_wait3A_1960] : memref<512xi32, #tpu.memory_space<vmem>> -> memref<16xi32, #tpu.memory_space<vmem>>
    %dma_wait3A_1962 = tpu.memref_slice %arg3[%add3A_1565] : memref<32768xi32, #tpu.memory_space<hbm>> -> memref<16xi32, #tpu.memory_space<hbm>>
    %dma_wait3A_1963 = arith.constant 480 : i32
    %dma_wait3A_1964 = tpu.memref_slice %arg7[%dma_wait3A_1963] : memref<512xi32, #tpu.memory_space<vmem>> -> memref<16xi32, #tpu.memory_space<vmem>>
    %dma_wait3A_1965 = tpu.memref_slice %arg3[%add3A_1565] : memref<32768xi32, #tpu.memory_space<hbm>> -> memref<16xi32, #tpu.memory_space<hbm>>
    tpu.wait_dma2 semaphore(%arg11 : memref<!tpu.dma_semaphore, #tpu.memory_space<semaphore_mem>>) src(%dma_wait3A_1965 : memref<16xi32, #tpu.memory_space<hbm>>) dst(%dma_wait3A_1964 : memref<16xi32, #tpu.memory_space<vmem>>)
    %dma_wait3A_1966 = arith.constant 496 : i32
    %dma_wait3A_1967 = tpu.memref_slice %arg6[%dma_wait3A_1966] : memref<512xf32, #tpu.memory_space<vmem>> -> memref<16xf32, #tpu.memory_space<vmem>>
    %dma_wait3A_1968 = tpu.memref_slice %arg2[%add3A_1581] : memref<32768xf32, #tpu.memory_space<hbm>> -> memref<16xf32, #tpu.memory_space<hbm>>
    %dma_wait3A_1969 = arith.constant 496 : i32
    %dma_wait3A_1970 = tpu.memref_slice %arg6[%dma_wait3A_1969] : memref<512xf32, #tpu.memory_space<vmem>> -> memref<16xf32, #tpu.memory_space<vmem>>
    %dma_wait3A_1971 = tpu.memref_slice %arg2[%add3A_1581] : memref<32768xf32, #tpu.memory_space<hbm>> -> memref<16xf32, #tpu.memory_space<hbm>>
    tpu.wait_dma2 semaphore(%arg11 : memref<!tpu.dma_semaphore, #tpu.memory_space<semaphore_mem>>) src(%dma_wait3A_1971 : memref<16xf32, #tpu.memory_space<hbm>>) dst(%dma_wait3A_1970 : memref<16xf32, #tpu.memory_space<vmem>>)
    %dma_wait3A_1972 = arith.constant 496 : i32
    %dma_wait3A_1973 = tpu.memref_slice %arg7[%dma_wait3A_1972] : memref<512xi32, #tpu.memory_space<vmem>> -> memref<16xi32, #tpu.memory_space<vmem>>
    %dma_wait3A_1974 = tpu.memref_slice %arg3[%add3A_1581] : memref<32768xi32, #tpu.memory_space<hbm>> -> memref<16xi32, #tpu.memory_space<hbm>>
    %dma_wait3A_1975 = arith.constant 496 : i32
    %dma_wait3A_1976 = tpu.memref_slice %arg7[%dma_wait3A_1975] : memref<512xi32, #tpu.memory_space<vmem>> -> memref<16xi32, #tpu.memory_space<vmem>>
    %dma_wait3A_1977 = tpu.memref_slice %arg3[%add3A_1581] : memref<32768xi32, #tpu.memory_space<hbm>> -> memref<16xi32, #tpu.memory_space<hbm>>
    tpu.wait_dma2 semaphore(%arg11 : memref<!tpu.dma_semaphore, #tpu.memory_space<semaphore_mem>>) src(%dma_wait3A_1977 : memref<16xi32, #tpu.memory_space<hbm>>) dst(%dma_wait3A_1976 : memref<16xi32, #tpu.memory_space<vmem>>)
    %broadcast_in_dim3A_1978 = arith.constant 3.000000e+29 : f32
    %broadcast_in_dim3A_1979 = vector.broadcast %broadcast_in_dim3A_1978 : f32 to vector<16xf32>
    %broadcast_in_dim3A_1980 = arith.constant 0 : i32
    %broadcast_in_dim3A_1981 = vector.broadcast %broadcast_in_dim3A_1980 : i32 to vector<16xi32>
    %scan3A_1982 = arith.constant 0 : i32
    %scan3A_1983 = arith.constant 32 : i32
    %scan3A_1984 = arith.addi %scan3A_1982, %scan3A_1983 : i32
    %scan3A_1985 = arith.constant 1 : i32
    %scan3A_1986:2 = scf.for %scan3A_2165 = %scan3A_1982 to %scan3A_1984 step %scan3A_1985 iter_args(%scan3A_2166 = %broadcast_in_dim3A_1979, %scan3A_2167 = %broadcast_in_dim3A_1981) -> (vector<16xf32>, vector<16xi32>)  : i32 {
      %mul3A_2168 = arith.constant 16 : i32
      %mul3A_2169 = arith.muli %scan3A_2165, %mul3A_2168 : i32
      %get3A_2170 = arith.index_cast %mul3A_2169 : i32 to index
      %get3A_2171 = tpu.vector_load %arg6[%get3A_2170] {strides = array<i32>} : memref<512xf32, #tpu.memory_space<vmem>>, vector<16xf32>,
      %mul3A_2172 = arith.constant 16 : i32
      %mul3A_2173 = arith.muli %scan3A_2165, %mul3A_2172 : i32
      %get3A_2174 = arith.index_cast %mul3A_2173 : i32 to index
      %get3A_2175 = tpu.vector_load %arg7[%get3A_2174] {strides = array<i32>} : memref<512xi32, #tpu.memory_space<vmem>>, vector<16xi32>,
      %masked_sort3A = arith.constant dense<true> : vector<16xi1>
      %masked_sort3A_2176, %masked_sort3A_2177, %masked_sort3A_2178 = tpu.sort %get3A_2171, %get3A_2175 masked %masked_sort3A {descending = true} : (vector<16xf32>, vector<16xi32>, vector<16xi1>) -> (vector<16xi1>, vector<16xf32>, vector<16xi32>)
      %lt3A = arith.cmpf olt, %masked_sort3A_2177, %scan3A_2166 : vector<16xf32>
      %select_n3A = arith.select %lt3A, %masked_sort3A_2177, %scan3A_2166 : vector<16xi1>, vector<16xf32>
      %select_n3A_2179 = arith.select %lt3A, %masked_sort3A_2178, %scan3A_2167 : vector<16xi1>, vector<16xi32>
      %masked_sort3A_2180 = arith.constant dense<true> : vector<16xi1>
      %masked_sort3A_2181, %masked_sort3A_2182, %masked_sort3A_2183 = tpu.sort %select_n3A, %select_n3A_2179 masked %masked_sort3A_2180 : (vector<16xf32>, vector<16xi32>, vector<16xi1>) -> (vector<16xi1>, vector<16xf32>, vector<16xi32>)
      scf.yield %masked_sort3A_2182, %masked_sort3A_2183 : vector<16xf32>, vector<16xi32>
    }
    %scan3A_1987 = arith.constant 32 : i32
    %shift_right_logical3A_1988 = arith.constant 3 : i32
    %shift_right_logical3A_1989 = vector.broadcast %shift_right_logical3A_1988 : i32 to vector<16xi32>
    %shift_right_logical3A_1990 = arith.shrui %scan3A_1986#1, %shift_right_logical3A_1989 : vector<16xi32>
    %swap3A_1991 = arith.constant 0 : index
    %swap3A_1992 = tpu.vector_load %arg8[%swap3A_1991] {strides = array<i32>} : memref<16xi32, #tpu.memory_space<vmem>>, vector<16xi32>,
    tpu.vector_store %arg8[%swap3A_1991], %shift_right_logical3A_1990 {strides = array<i32>} : memref<16xi32, #tpu.memory_space<vmem>>, vector<16xi32>,
    %dma_start3A_1993 = arith.constant 0 : i32
    %dma_start3A_1994 = arith.constant 0 : i32
    %dma_start3A_1995 = tpu.memref_slice %arg4[%dma_start3A_1993, %dma_start3A_1994] : memref<12500x128xf32, #tpu.memory_space<hbm>> -> memref<12500x128xf32, #tpu.memory_space<hbm>>
    tpu.enqueue_indirect_dma source(%dma_start3A_1995 : memref<12500x128xf32, #tpu.memory_space<hbm>>) target(%arg9 : memref<16x128xf32, #tpu.memory_space<vmem>>) offsets(%arg8 : memref<16xi32, #tpu.memory_space<vmem>>) semaphore(%arg11 : memref<!tpu.dma_semaphore, #tpu.memory_space<semaphore_mem>>)
    %dma_wait3A_1996 = arith.constant 0 : i32
    %dma_wait3A_1997 = arith.constant 0 : i32
    %dma_wait3A_1998 = tpu.memref_slice %arg4[%dma_wait3A_1996, %dma_wait3A_1997] : memref<12500x128xf32, #tpu.memory_space<hbm>> -> memref<12500x128xf32, #tpu.memory_space<hbm>>
    tpu.wait_indirect_dma semaphore(%arg11 : memref<!tpu.dma_semaphore, #tpu.memory_space<semaphore_mem>>) src(%dma_wait3A_1998 : memref<12500x128xf32, #tpu.memory_space<hbm>>) dst(%arg9 : memref<16x128xf32, #tpu.memory_space<vmem>>)
    %rem3A_1999 = arith.constant 8 : i32
    %rem3A_2000 = vector.broadcast %rem3A_1999 : i32 to vector<16xi32>
    %rem3A_2001 = arith.remsi %scan3A_1986#1, %rem3A_2000 : vector<16xi32>
    %mul3A_2002 = arith.constant 16 : i32
    %mul3A_2003 = vector.broadcast %mul3A_2002 : i32 to vector<16xi32>
    %mul3A_2004 = arith.muli %rem3A_2001, %mul3A_2003 : vector<16xi32>
    %slice3A_2005 = vector.extract_strided_slice %mul3A_2004 {offsets = [0], sizes = [1], strides = [1]} : vector<16xi32> to vector<1xi32>
    %squeeze3A_2006 = vector.extract %slice3A_2005[0] : i32 from vector<1xi32>
    %get3A_2007 = arith.constant 0 : i32
    %get3A_2008 = arith.index_cast %get3A_2007 : i32 to index
    %get3A_2009 = arith.index_cast %squeeze3A_2006 : i32 to index
    %get3A_2010 = tpu.vector_load %arg9[%get3A_2008, %get3A_2009] {strides = array<i32>} : memref<16x128xf32, #tpu.memory_space<vmem>>, vector<16xf32>,
    %swap3A_2011 = arith.constant 0 : i32
    %swap3A_2012 = arith.index_cast %swap3A_2011 : i32 to index
    %swap3A_2013 = arith.constant 0 : index
    %swap3A_2014 = tpu.vector_load %arg10[%swap3A_2012, %swap3A_2013] {strides = array<i32>} : memref<16x16xf32, #tpu.memory_space<vmem>>, vector<16xf32>,
    tpu.vector_store %arg10[%swap3A_2012, %swap3A_2013], %get3A_2010 {strides = array<i32>} : memref<16x16xf32, #tpu.memory_space<vmem>>, vector<16xf32>,
    %slice3A_2015 = vector.extract_strided_slice %mul3A_2004 {offsets = [1], sizes = [1], strides = [1]} : vector<16xi32> to vector<1xi32>
    %squeeze3A_2016 = vector.extract %slice3A_2015[0] : i32 from vector<1xi32>
    %get3A_2017 = arith.constant 1 : i32
    %get3A_2018 = arith.index_cast %get3A_2017 : i32 to index
    %get3A_2019 = arith.index_cast %squeeze3A_2016 : i32 to index
    %get3A_2020 = tpu.vector_load %arg9[%get3A_2018, %get3A_2019] {strides = array<i32>} : memref<16x128xf32, #tpu.memory_space<vmem>>, vector<16xf32>,
    %swap3A_2021 = arith.constant 1 : i32
    %swap3A_2022 = arith.index_cast %swap3A_2021 : i32 to index
    %swap3A_2023 = arith.constant 0 : index
    %swap3A_2024 = tpu.vector_load %arg10[%swap3A_2022, %swap3A_2023] {strides = array<i32>} : memref<16x16xf32, #tpu.memory_space<vmem>>, vector<16xf32>,
    tpu.vector_store %arg10[%swap3A_2022, %swap3A_2023], %get3A_2020 {strides = array<i32>} : memref<16x16xf32, #tpu.memory_space<vmem>>, vector<16xf32>,
    %slice3A_2025 = vector.extract_strided_slice %mul3A_2004 {offsets = [2], sizes = [1], strides = [1]} : vector<16xi32> to vector<1xi32>
    %squeeze3A_2026 = vector.extract %slice3A_2025[0] : i32 from vector<1xi32>
    %get3A_2027 = arith.constant 2 : i32
    %get3A_2028 = arith.index_cast %get3A_2027 : i32 to index
    %get3A_2029 = arith.index_cast %squeeze3A_2026 : i32 to index
    %get3A_2030 = tpu.vector_load %arg9[%get3A_2028, %get3A_2029] {strides = array<i32>} : memref<16x128xf32, #tpu.memory_space<vmem>>, vector<16xf32>,
    %swap3A_2031 = arith.constant 2 : i32
    %swap3A_2032 = arith.index_cast %swap3A_2031 : i32 to index
    %swap3A_2033 = arith.constant 0 : index
    %swap3A_2034 = tpu.vector_load %arg10[%swap3A_2032, %swap3A_2033] {strides = array<i32>} : memref<16x16xf32, #tpu.memory_space<vmem>>, vector<16xf32>,
    tpu.vector_store %arg10[%swap3A_2032, %swap3A_2033], %get3A_2030 {strides = array<i32>} : memref<16x16xf32, #tpu.memory_space<vmem>>, vector<16xf32>,
    %slice3A_2035 = vector.extract_strided_slice %mul3A_2004 {offsets = [3], sizes = [1], strides = [1]} : vector<16xi32> to vector<1xi32>
    %squeeze3A_2036 = vector.extract %slice3A_2035[0] : i32 from vector<1xi32>
    %get3A_2037 = arith.constant 3 : i32
    %get3A_2038 = arith.index_cast %get3A_2037 : i32 to index
    %get3A_2039 = arith.index_cast %squeeze3A_2036 : i32 to index
    %get3A_2040 = tpu.vector_load %arg9[%get3A_2038, %get3A_2039] {strides = array<i32>} : memref<16x128xf32, #tpu.memory_space<vmem>>, vector<16xf32>,
    %swap3A_2041 = arith.constant 3 : i32
    %swap3A_2042 = arith.index_cast %swap3A_2041 : i32 to index
    %swap3A_2043 = arith.constant 0 : index
    %swap3A_2044 = tpu.vector_load %arg10[%swap3A_2042, %swap3A_2043] {strides = array<i32>} : memref<16x16xf32, #tpu.memory_space<vmem>>, vector<16xf32>,
    tpu.vector_store %arg10[%swap3A_2042, %swap3A_2043], %get3A_2040 {strides = array<i32>} : memref<16x16xf32, #tpu.memory_space<vmem>>, vector<16xf32>,
    %slice3A_2045 = vector.extract_strided_slice %mul3A_2004 {offsets = [4], sizes = [1], strides = [1]} : vector<16xi32> to vector<1xi32>
    %squeeze3A_2046 = vector.extract %slice3A_2045[0] : i32 from vector<1xi32>
    %get3A_2047 = arith.constant 4 : i32
    %get3A_2048 = arith.index_cast %get3A_2047 : i32 to index
    %get3A_2049 = arith.index_cast %squeeze3A_2046 : i32 to index
    %get3A_2050 = tpu.vector_load %arg9[%get3A_2048, %get3A_2049] {strides = array<i32>} : memref<16x128xf32, #tpu.memory_space<vmem>>, vector<16xf32>,
    %swap3A_2051 = arith.constant 4 : i32
    %swap3A_2052 = arith.index_cast %swap3A_2051 : i32 to index
    %swap3A_2053 = arith.constant 0 : index
    %swap3A_2054 = tpu.vector_load %arg10[%swap3A_2052, %swap3A_2053] {strides = array<i32>} : memref<16x16xf32, #tpu.memory_space<vmem>>, vector<16xf32>,
    tpu.vector_store %arg10[%swap3A_2052, %swap3A_2053], %get3A_2050 {strides = array<i32>} : memref<16x16xf32, #tpu.memory_space<vmem>>, vector<16xf32>,
    %slice3A_2055 = vector.extract_strided_slice %mul3A_2004 {offsets = [5], sizes = [1], strides = [1]} : vector<16xi32> to vector<1xi32>
    %squeeze3A_2056 = vector.extract %slice3A_2055[0] : i32 from vector<1xi32>
    %get3A_2057 = arith.constant 5 : i32
    %get3A_2058 = arith.index_cast %get3A_2057 : i32 to index
    %get3A_2059 = arith.index_cast %squeeze3A_2056 : i32 to index
    %get3A_2060 = tpu.vector_load %arg9[%get3A_2058, %get3A_2059] {strides = array<i32>} : memref<16x128xf32, #tpu.memory_space<vmem>>, vector<16xf32>,
    %swap3A_2061 = arith.constant 5 : i32
    %swap3A_2062 = arith.index_cast %swap3A_2061 : i32 to index
    %swap3A_2063 = arith.constant 0 : index
    %swap3A_2064 = tpu.vector_load %arg10[%swap3A_2062, %swap3A_2063] {strides = array<i32>} : memref<16x16xf32, #tpu.memory_space<vmem>>, vector<16xf32>,
    tpu.vector_store %arg10[%swap3A_2062, %swap3A_2063], %get3A_2060 {strides = array<i32>} : memref<16x16xf32, #tpu.memory_space<vmem>>, vector<16xf32>,
    %slice3A_2065 = vector.extract_strided_slice %mul3A_2004 {offsets = [6], sizes = [1], strides = [1]} : vector<16xi32> to vector<1xi32>
    %squeeze3A_2066 = vector.extract %slice3A_2065[0] : i32 from vector<1xi32>
    %get3A_2067 = arith.constant 6 : i32
    %get3A_2068 = arith.index_cast %get3A_2067 : i32 to index
    %get3A_2069 = arith.index_cast %squeeze3A_2066 : i32 to index
    %get3A_2070 = tpu.vector_load %arg9[%get3A_2068, %get3A_2069] {strides = array<i32>} : memref<16x128xf32, #tpu.memory_space<vmem>>, vector<16xf32>,
    %swap3A_2071 = arith.constant 6 : i32
    %swap3A_2072 = arith.index_cast %swap3A_2071 : i32 to index
    %swap3A_2073 = arith.constant 0 : index
    %swap3A_2074 = tpu.vector_load %arg10[%swap3A_2072, %swap3A_2073] {strides = array<i32>} : memref<16x16xf32, #tpu.memory_space<vmem>>, vector<16xf32>,
    tpu.vector_store %arg10[%swap3A_2072, %swap3A_2073], %get3A_2070 {strides = array<i32>} : memref<16x16xf32, #tpu.memory_space<vmem>>, vector<16xf32>,
    %slice3A_2075 = vector.extract_strided_slice %mul3A_2004 {offsets = [7], sizes = [1], strides = [1]} : vector<16xi32> to vector<1xi32>
    %squeeze3A_2076 = vector.extract %slice3A_2075[0] : i32 from vector<1xi32>
    %get3A_2077 = arith.constant 7 : i32
    %get3A_2078 = arith.index_cast %get3A_2077 : i32 to index
    %get3A_2079 = arith.index_cast %squeeze3A_2076 : i32 to index
    %get3A_2080 = tpu.vector_load %arg9[%get3A_2078, %get3A_2079] {strides = array<i32>} : memref<16x128xf32, #tpu.memory_space<vmem>>, vector<16xf32>,
    %swap3A_2081 = arith.constant 7 : i32
    %swap3A_2082 = arith.index_cast %swap3A_2081 : i32 to index
    %swap3A_2083 = arith.constant 0 : index
    %swap3A_2084 = tpu.vector_load %arg10[%swap3A_2082, %swap3A_2083] {strides = array<i32>} : memref<16x16xf32, #tpu.memory_space<vmem>>, vector<16xf32>,
    tpu.vector_store %arg10[%swap3A_2082, %swap3A_2083], %get3A_2080 {strides = array<i32>} : memref<16x16xf32, #tpu.memory_space<vmem>>, vector<16xf32>,
    %slice3A_2085 = vector.extract_strided_slice %mul3A_2004 {offsets = [8], sizes = [1], strides = [1]} : vector<16xi32> to vector<1xi32>
    %squeeze3A_2086 = vector.extract %slice3A_2085[0] : i32 from vector<1xi32>
    %get3A_2087 = arith.constant 8 : i32
    %get3A_2088 = arith.index_cast %get3A_2087 : i32 to index
    %get3A_2089 = arith.index_cast %squeeze3A_2086 : i32 to index
    %get3A_2090 = tpu.vector_load %arg9[%get3A_2088, %get3A_2089] {strides = array<i32>} : memref<16x128xf32, #tpu.memory_space<vmem>>, vector<16xf32>,
    %swap3A_2091 = arith.constant 8 : i32
    %swap3A_2092 = arith.index_cast %swap3A_2091 : i32 to index
    %swap3A_2093 = arith.constant 0 : index
    %swap3A_2094 = tpu.vector_load %arg10[%swap3A_2092, %swap3A_2093] {strides = array<i32>} : memref<16x16xf32, #tpu.memory_space<vmem>>, vector<16xf32>,
    tpu.vector_store %arg10[%swap3A_2092, %swap3A_2093], %get3A_2090 {strides = array<i32>} : memref<16x16xf32, #tpu.memory_space<vmem>>, vector<16xf32>,
    %slice3A_2095 = vector.extract_strided_slice %mul3A_2004 {offsets = [9], sizes = [1], strides = [1]} : vector<16xi32> to vector<1xi32>
    %squeeze3A_2096 = vector.extract %slice3A_2095[0] : i32 from vector<1xi32>
    %get3A_2097 = arith.constant 9 : i32
    %get3A_2098 = arith.index_cast %get3A_2097 : i32 to index
    %get3A_2099 = arith.index_cast %squeeze3A_2096 : i32 to index
    %get3A_2100 = tpu.vector_load %arg9[%get3A_2098, %get3A_2099] {strides = array<i32>} : memref<16x128xf32, #tpu.memory_space<vmem>>, vector<16xf32>,
    %swap3A_2101 = arith.constant 9 : i32
    %swap3A_2102 = arith.index_cast %swap3A_2101 : i32 to index
    %swap3A_2103 = arith.constant 0 : index
    %swap3A_2104 = tpu.vector_load %arg10[%swap3A_2102, %swap3A_2103] {strides = array<i32>} : memref<16x16xf32, #tpu.memory_space<vmem>>, vector<16xf32>,
    tpu.vector_store %arg10[%swap3A_2102, %swap3A_2103], %get3A_2100 {strides = array<i32>} : memref<16x16xf32, #tpu.memory_space<vmem>>, vector<16xf32>,
    %slice3A_2105 = vector.extract_strided_slice %mul3A_2004 {offsets = [10], sizes = [1], strides = [1]} : vector<16xi32> to vector<1xi32>
    %squeeze3A_2106 = vector.extract %slice3A_2105[0] : i32 from vector<1xi32>
    %get3A_2107 = arith.constant 10 : i32
    %get3A_2108 = arith.index_cast %get3A_2107 : i32 to index
    %get3A_2109 = arith.index_cast %squeeze3A_2106 : i32 to index
    %get3A_2110 = tpu.vector_load %arg9[%get3A_2108, %get3A_2109] {strides = array<i32>} : memref<16x128xf32, #tpu.memory_space<vmem>>, vector<16xf32>,
    %swap3A_2111 = arith.constant 10 : i32
    %swap3A_2112 = arith.index_cast %swap3A_2111 : i32 to index
    %swap3A_2113 = arith.constant 0 : index
    %swap3A_2114 = tpu.vector_load %arg10[%swap3A_2112, %swap3A_2113] {strides = array<i32>} : memref<16x16xf32, #tpu.memory_space<vmem>>, vector<16xf32>,
    tpu.vector_store %arg10[%swap3A_2112, %swap3A_2113], %get3A_2110 {strides = array<i32>} : memref<16x16xf32, #tpu.memory_space<vmem>>, vector<16xf32>,
    %slice3A_2115 = vector.extract_strided_slice %mul3A_2004 {offsets = [11], sizes = [1], strides = [1]} : vector<16xi32> to vector<1xi32>
    %squeeze3A_2116 = vector.extract %slice3A_2115[0] : i32 from vector<1xi32>
    %get3A_2117 = arith.constant 11 : i32
    %get3A_2118 = arith.index_cast %get3A_2117 : i32 to index
    %get3A_2119 = arith.index_cast %squeeze3A_2116 : i32 to index
    %get3A_2120 = tpu.vector_load %arg9[%get3A_2118, %get3A_2119] {strides = array<i32>} : memref<16x128xf32, #tpu.memory_space<vmem>>, vector<16xf32>,
    %swap3A_2121 = arith.constant 11 : i32
    %swap3A_2122 = arith.index_cast %swap3A_2121 : i32 to index
    %swap3A_2123 = arith.constant 0 : index
    %swap3A_2124 = tpu.vector_load %arg10[%swap3A_2122, %swap3A_2123] {strides = array<i32>} : memref<16x16xf32, #tpu.memory_space<vmem>>, vector<16xf32>,
    tpu.vector_store %arg10[%swap3A_2122, %swap3A_2123], %get3A_2120 {strides = array<i32>} : memref<16x16xf32, #tpu.memory_space<vmem>>, vector<16xf32>,
    %slice3A_2125 = vector.extract_strided_slice %mul3A_2004 {offsets = [12], sizes = [1], strides = [1]} : vector<16xi32> to vector<1xi32>
    %squeeze3A_2126 = vector.extract %slice3A_2125[0] : i32 from vector<1xi32>
    %get3A_2127 = arith.constant 12 : i32
    %get3A_2128 = arith.index_cast %get3A_2127 : i32 to index
    %get3A_2129 = arith.index_cast %squeeze3A_2126 : i32 to index
    %get3A_2130 = tpu.vector_load %arg9[%get3A_2128, %get3A_2129] {strides = array<i32>} : memref<16x128xf32, #tpu.memory_space<vmem>>, vector<16xf32>,
    %swap3A_2131 = arith.constant 12 : i32
    %swap3A_2132 = arith.index_cast %swap3A_2131 : i32 to index
    %swap3A_2133 = arith.constant 0 : index
    %swap3A_2134 = tpu.vector_load %arg10[%swap3A_2132, %swap3A_2133] {strides = array<i32>} : memref<16x16xf32, #tpu.memory_space<vmem>>, vector<16xf32>,
    tpu.vector_store %arg10[%swap3A_2132, %swap3A_2133], %get3A_2130 {strides = array<i32>} : memref<16x16xf32, #tpu.memory_space<vmem>>, vector<16xf32>,
    %slice3A_2135 = vector.extract_strided_slice %mul3A_2004 {offsets = [13], sizes = [1], strides = [1]} : vector<16xi32> to vector<1xi32>
    %squeeze3A_2136 = vector.extract %slice3A_2135[0] : i32 from vector<1xi32>
    %get3A_2137 = arith.constant 13 : i32
    %get3A_2138 = arith.index_cast %get3A_2137 : i32 to index
    %get3A_2139 = arith.index_cast %squeeze3A_2136 : i32 to index
    %get3A_2140 = tpu.vector_load %arg9[%get3A_2138, %get3A_2139] {strides = array<i32>} : memref<16x128xf32, #tpu.memory_space<vmem>>, vector<16xf32>,
    %swap3A_2141 = arith.constant 13 : i32
    %swap3A_2142 = arith.index_cast %swap3A_2141 : i32 to index
    %swap3A_2143 = arith.constant 0 : index
    %swap3A_2144 = tpu.vector_load %arg10[%swap3A_2142, %swap3A_2143] {strides = array<i32>} : memref<16x16xf32, #tpu.memory_space<vmem>>, vector<16xf32>,
    tpu.vector_store %arg10[%swap3A_2142, %swap3A_2143], %get3A_2140 {strides = array<i32>} : memref<16x16xf32, #tpu.memory_space<vmem>>, vector<16xf32>,
    %slice3A_2145 = vector.extract_strided_slice %mul3A_2004 {offsets = [14], sizes = [1], strides = [1]} : vector<16xi32> to vector<1xi32>
    %squeeze3A_2146 = vector.extract %slice3A_2145[0] : i32 from vector<1xi32>
    %get3A_2147 = arith.constant 14 : i32
    %get3A_2148 = arith.index_cast %get3A_2147 : i32 to index
    %get3A_2149 = arith.index_cast %squeeze3A_2146 : i32 to index
    %get3A_2150 = tpu.vector_load %arg9[%get3A_2148, %get3A_2149] {strides = array<i32>} : memref<16x128xf32, #tpu.memory_space<vmem>>, vector<16xf32>,
    %swap3A_2151 = arith.constant 14 : i32
    %swap3A_2152 = arith.index_cast %swap3A_2151 : i32 to index
    %swap3A_2153 = arith.constant 0 : index
    %swap3A_2154 = tpu.vector_load %arg10[%swap3A_2152, %swap3A_2153] {strides = array<i32>} : memref<16x16xf32, #tpu.memory_space<vmem>>, vector<16xf32>,
    tpu.vector_store %arg10[%swap3A_2152, %swap3A_2153], %get3A_2150 {strides = array<i32>} : memref<16x16xf32, #tpu.memory_space<vmem>>, vector<16xf32>,
    %slice3A_2155 = vector.extract_strided_slice %mul3A_2004 {offsets = [15], sizes = [1], strides = [1]} : vector<16xi32> to vector<1xi32>
    %squeeze3A_2156 = vector.extract %slice3A_2155[0] : i32 from vector<1xi32>
    %get3A_2157 = arith.constant 15 : i32
    %get3A_2158 = arith.index_cast %get3A_2157 : i32 to index
    %get3A_2159 = arith.index_cast %squeeze3A_2156 : i32 to index
    %get3A_2160 = tpu.vector_load %arg9[%get3A_2158, %get3A_2159] {strides = array<i32>} : memref<16x128xf32, #tpu.memory_space<vmem>>, vector<16xf32>,
    %swap3A_2161 = arith.constant 15 : i32
    %swap3A_2162 = arith.index_cast %swap3A_2161 : i32 to index
    %swap3A_2163 = arith.constant 0 : index
    %swap3A_2164 = tpu.vector_load %arg10[%swap3A_2162, %swap3A_2163] {strides = array<i32>} : memref<16x16xf32, #tpu.memory_space<vmem>>, vector<16xf32>,
    tpu.vector_store %arg10[%swap3A_2162, %swap3A_2163], %get3A_2160 {strides = array<i32>} : memref<16x16xf32, #tpu.memory_space<vmem>>, vector<16xf32>,
    "tpu.region"() ({
      %run_scoped3A = tpu.sem_alloc : memref<!tpu.dma_semaphore, #tpu.memory_space<semaphore_mem>>
      %dma_start3A_2165 = arith.constant 0 : i32
      %dma_start3A_2166 = arith.constant 0 : i32
      %dma_start3A_2167 = tpu.memref_slice %arg5[%add3A_1081, %dma_start3A_2165, %dma_start3A_2166] : memref<64x16x16xf32, #tpu.memory_space<hbm>> -> memref<1x16x16xf32, #tpu.memory_space<hbm>>
      %dma_start3A_2168 = tpu.memref_squeeze %dma_start3A_2167 : memref<1x16x16xf32, #tpu.memory_space<hbm>> -> memref<16x16xf32, #tpu.memory_space<hbm>>
      %dma_start3A_2169 = arith.constant 0 : i32
      %dma_start3A_2170 = arith.constant 0 : i32
      %dma_start3A_2171 = tpu.memref_slice %arg5[%add3A_1081, %dma_start3A_2169, %dma_start3A_2170] : memref<64x16x16xf32, #tpu.memory_space<hbm>> -> memref<1x16x16xf32, #tpu.memory_space<hbm>>
      %dma_start3A_2172 = tpu.memref_squeeze %dma_start3A_2171 : memref<1x16x16xf32, #tpu.memory_space<hbm>> -> memref<16x16xf32, #tpu.memory_space<hbm>>
      tpu.enqueue_dma source(%arg10 : memref<16x16xf32, #tpu.memory_space<vmem>>) target(%dma_start3A_2172 : memref<16x16xf32, #tpu.memory_space<hbm>>) target_semaphore(%run_scoped3A : memref<!tpu.dma_semaphore, #tpu.memory_space<semaphore_mem>>)
      %dma_wait3A_2173 = arith.constant 0 : i32
      %dma_wait3A_2174 = arith.constant 0 : i32
      %dma_wait3A_2175 = tpu.memref_slice %arg5[%add3A_1081, %dma_wait3A_2173, %dma_wait3A_2174] : memref<64x16x16xf32, #tpu.memory_space<hbm>> -> memref<1x16x16xf32, #tpu.memory_space<hbm>>
      %dma_wait3A_2176 = tpu.memref_squeeze %dma_wait3A_2175 : memref<1x16x16xf32, #tpu.memory_space<hbm>> -> memref<16x16xf32, #tpu.memory_space<hbm>>
      %dma_wait3A_2177 = arith.constant 0 : i32
      %dma_wait3A_2178 = arith.constant 0 : i32
      %dma_wait3A_2179 = tpu.memref_slice %arg5[%add3A_1081, %dma_wait3A_2177, %dma_wait3A_2178] : memref<64x16x16xf32, #tpu.memory_space<hbm>> -> memref<1x16x16xf32, #tpu.memory_space<hbm>>
      %dma_wait3A_2180 = tpu.memref_squeeze %dma_wait3A_2179 : memref<1x16x16xf32, #tpu.memory_space<hbm>> -> memref<16x16xf32, #tpu.memory_space<hbm>>
      tpu.wait_dma2 semaphore(%run_scoped3A : memref<!tpu.dma_semaphore, #tpu.memory_space<semaphore_mem>>) src(%arg10 : memref<16x16xf32, #tpu.memory_space<vmem>>) dst(%dma_wait3A_2180 : memref<16x16xf32, #tpu.memory_space<hbm>>)
      tpu.yield
    }) : () -> ()
    return
  }
}

</mosaic_0001>

<sc_bundles>
// kernel: kernel.4.cloned.1.call-start
scs
__scs_entry_jumppad:
0x0: {  	(pc) =	sbr.rel $0x88, $3  }
0x1: {  	(tag) =	ssettag $0x0;
	lr =	simm.s32 $0x1  }
0x2: {  	[smem:$0x3F9F] =	sst lr;
	_ =	strace $0xD0000000  }
0x3: {  	_ = 	snop  }
0x4: {  	_ = 	snop  }
0x5: {  	_ = 	snop  }
0x6: {  	_ = 	snop  }
0x7: {  	_ = 	snop  }
__scs_overlays_trampoline_lowered:
0x8: {  	[smem:$0x3FAE] =	sst s0  }
0x9: {  	[smem:$0x3FAF] =	sst s1  }
0xa: {  	[smem:$0x3FB0] =	sst s2  }
0xb: {  	[smem:$0x3FB1] =	sst s3  }
0xc: {  	[smem:$0x3FB2] =	sst s4  }
0xd: {  	[smem:$0x3FB3] =	sst s5  }
0xe: {  	[smem:$0x3FB4] =	sst s6  }
0xf: {  	[smem:$0x3FB5] =	sst s7  }
0x10: {  	[smem:$0x3FB6] =	sst s8  }
0x11: {  	[smem:$0x3FB7] =	sst s9;
	s0 =	simm.s32 @!p0 $0x0  }
0x12: {  	s1 =	sld [smem:$0x3F9D];
	s0 =	simm.s32 @p0 $0x1  }
0x13: {  	[smem:$0x3FB8] =	sst s0;
	s0 =	simm.s32 @!p1 $0x0  }
0x14: {  	s2 =	sld [smem:$0x3F9C];
	s0 =	simm.s32 @p1 $0x1  }
0x15: {  	[smem:$0x3FB9] =	sst s0;
	s0 =	simm.s32 @!p2 $0x0  }
0x16: {  	s3 =	sld [smem:$0x3FDB];
	s0 =	simm.s32 @p2 $0x1  }
0x17: {  	s4 =	simm.s32 $0x1BF5;
	[smem:$0x3FBB] =	sst s0  }
0x18: {  	s0 =	sld [smem:$0x3F9E];
	_ =	swait.ge [sflag:s4], $0x0  }
0x19: {  	s7 =	sld [smem:$0x3F9F]  }
0x1a: {  	s8 =	sadd.s32 $0xFFFFE003, lr  }
0x1b: {  	s9 =	sadd.s32 $0xFFFFFEF7, lr;
	s5 =	simm.s32 $0xFFFFFFFF;
	p2 =	slt.u32 s8, $0xFFFFF086  }
0x1c: {  	p1 =	slt.u32 s9, $0xF7A;
	s5 =	simm.s32 @!p2 $0x0  }
0x1d: {  	s5 =	simm.s32 @p1 $0x1;
	p0 =	seq.s32 s7, s2  }
0x1e: {  	s7 =	smul.u32 @!p0 $0xF7A, s2;
	p2 =	seq.s32 @!p0 s5, $0x0  }
0x1f: {  	s9 =	smul.u32 $0xF7A, s1;
	s8 =	simm.s32 @!p0 $0x1BF5;
	p2 =	por !p2, p0  }
0x20: {  	[sflag:s8] =	ssyncset.s32 @!p0 $0xFFFFF086;
	s6 =	sadd.s32 @!p0 s3, s7;
	s7 =	simm.s32 @!p0 $0x108  }
0x21: {  	s3 =	sadd.s32 s3, s9;
	s6 =	sadd.s32 @!p0 $0x88, s6;
	s7 =	simm.s32 @p2 $0x1082  }
0x22: {  	[simem:s7], [sflag:s8] =	dma.local @!p0 [hbm:s6], $0xF7A  }
0x23: {  	s9 =	sor.u32 $0xD0000000, s2;
	s6 =	simm.s32 $0x108;
	_ =	swait.ge @!p0 [sflag:s8], $0x0  }
0x24: {  	s3 =	sadd.s32 $0x88, s3;
	s6 =	simm.s32 @!p1 $0x1082;
	[sflag:s4] =	ssyncset.s32 $0xFFFFF086  }
0x25: {  	[simem:s6], [sflag:s4] =	dma.local [hbm:s3], $0xF7A  }
0x26: {  	[smem:$0x3F9F] =	sst s1;
	(tag) =	ssettag s2;
	_ =	strace s9  }
0x27: {  	s1 =	sld [smem:$0x3FAF]  }
0x28: {  	s2 =	sld [smem:$0x3FB0]  }
0x29: {  	s4 =	sld [smem:$0x3FB2]  }
0x2a: {  	p0 =	seq.s32 s5, $0x0;
	s5 =	sld [smem:$0x3FB3]  }
0x2b: {  	s6 =	sld [smem:$0x3FB4]  }
0x2c: {  	s7 =	sld [smem:$0x3FB5]  }
0x2d: {  	s3 =	simm.s32 $0x108;
	s8 =	sld [smem:$0x3FB6]  }
0x2e: {  	s3 =	simm.s32 @!p0 $0x1082;
	s9 =	sld [smem:$0x3FB7]  }
0x2f: {  	lr =	sadd.s32 s0, s3;
	s0 =	sld [smem:$0x3FAE]  }
0x30: {  	s3 =	sld [smem:$0x3FB1]  }
0x31: {  	[smem:$0x3FBA] =	sst s10  }
0x32: {  	s10 =	sld [smem:$0x3FB8];
	_ =	sdelay $0x3  }
0x33: {  	p0 =	seq.s32 s10, $0x1;
	s10 =	sld [smem:$0x3FBA];
	_ =	sdelay $0x3  }
0x34: {  	[smem:$0x3FBA] =	sst s10  }
0x35: {  	s10 =	sld [smem:$0x3FB9];
	_ =	sdelay $0x3  }
0x36: {  	p1 =	seq.s32 s10, $0x1;
	s10 =	sld [smem:$0x3FBA];
	_ =	sdelay $0x3  }
0x37: {  	[smem:$0x3FBA] =	sst s10  }
0x38: {  	s10 =	sld [smem:$0x3FBB]  }
0x39: {  	_ = 	snop;
	(pc) =	sbr.ind lr, $3  }
0x3a: {  	_ = 	snop  }
0x3b: {  	_ = 	snop  }
0x3c: {  	p2 =	seq.s32 s10, $0x1;
	s10 =	sld [smem:$0x3FBA]  }
0x3d: {  	_ =	shalt  }
0x3e: {  	_ =	shalt  }
0x3f: {  	_ =	shalt  }
0x40: {  	_ =	shalt  }
0x41: {  	_ =	shalt  }
0x42: {  	_ =	shalt  }
0x43: {  	_ =	shalt  }
0x44: {  	_ =	shalt  }
0x45: {  	_ =	shalt  }
0x46: {  	_ =	shalt  }
0x47: {  	_ =	shalt  }
0x48: {  	_ =	shalt  }
0x49: {  	_ =	shalt  }
0x4a: {  	_ =	shalt  }
0x4b: {  	_ =	shalt  }
0x4c: {  	_ =	shalt  }
0x4d: {  	_ =	shalt  }
0x4e: {  	_ =	shalt  }
0x4f: {  	_ =	shalt  }
0x50: {  	_ =	shalt  }
0x51: {  	_ =	shalt  }
0x52: {  	_ =	shalt  }
0x53: {  	_ =	shalt  }
0x54: {  	_ =	shalt  }
0x55: {  	_ =	shalt  }
0x56: {  	_ =	shalt  }
0x57: {  	_ =	shalt  }
0x58: {  	_ =	shalt  }
0x59: {  	_ =	shalt  }
0x5a: {  	_ =	shalt  }
0x5b: {  	_ =	shalt  }
0x5c: {  	_ =	shalt  }
0x5d: {  	_ =	shalt  }
0x5e: {  	_ =	shalt  }
0x5f: {  	_ =	shalt  }
0x60: {  	_ =	shalt  }
0x61: {  	_ =	shalt  }
0x62: {  	_ =	shalt  }
0x63: {  	_ =	shalt  }
0x64: {  	_ =	shalt  }
0x65: {  	_ =	shalt  }
0x66: {  	_ =	shalt  }
0x67: {  	_ =	shalt  }
0x68: {  	_ =	shalt  }
0x69: {  	_ =	shalt  }
0x6a: {  	_ =	shalt  }
0x6b: {  	_ =	shalt  }
0x6c: {  	_ =	shalt  }
0x6d: {  	_ =	shalt  }
0x6e: {  	_ =	shalt  }
0x6f: {  	_ =	shalt  }
0x70: {  	_ =	shalt  }
0x71: {  	_ =	shalt  }
0x72: {  	_ =	shalt  }
0x73: {  	_ =	shalt  }
0x74: {  	_ =	shalt  }
0x75: {  	_ =	shalt  }
0x76: {  	_ =	shalt  }
0x77: {  	_ =	shalt  }
0x78: {  	_ =	shalt  }
0x79: {  	_ =	shalt  }
0x7a: {  	_ =	shalt  }
0x7b: {  	_ =	shalt  }
0x7c: {  	_ =	shalt  }
0x7d: {  	_ =	shalt  }
0x7e: {  	_ =	shalt  }
0x7f: {  	_ =	shalt  }
0x80: {  	_ =	shalt  }
0x81: {  	_ =	shalt  }
0x82: {  	_ =	shalt  }
0x83: {  	_ =	shalt  }
0x84: {  	_ =	shalt  }
0x85: {  	_ =	shalt  }
0x86: {  	_ =	shalt  }
0x87: {  	_ =	shalt  }
.Lfunc_end0:
.L_simem_size_0:
called_computation_lowered:
.L_overlay_start_0:
0x88: {  	s2 =	sld [smem:$0x3FD9]  }
0x89: {  	s3 =	sld [smem:$0x3FFE];
	_ =	sdelay $0x1  }
0x8a: {  	s1 =	srdreg.scid  }
0x8b: {  	s0 =	sand.u32 $0x1, s1  }
0x8c: {  	s17 =	sshll.u32 s0, $0xA;
	s2 =	sadd.s32 s3, s2  }
0x8d: {  	s2 =	sadd.s32 s2, s17  }
0x8e: {  	[smem:$0x3FC6] =	sst s2  }
0x8f: {  	_ = 	snop  }
0x90: {  	s2 =	sld [smem:$0x3FD0];
	(tm) =	ssettm $0x1  }
0x91: {  	s18 =	sld [smem:$0x3FFB];
	_ =	sdelay $0x3  }
0x92: {  	_ =	strace s18  }
0x93: {  	s3 =	sld [smem:$0x3FFC];
	_ =	sdelay $0x3  }
0x94: {  	_ =	strace s3  }
0x95: {  	s3 =	sld [smem:$0x3FFD];
	_ =	sdelay $0x3  }
0x96: {  	_ =	strace s3  }
0x97: {  	_ =	strace $0x8FFFFFFF  }
0x98: {  	s19 =	sld [smem:$0x3FDB];
	_ =	sdelay $0x1  }
0x99: {  	s4 =	simm.s32 $_scs_section_size  }
0x9a: {  	s5 =	simm.s32 $_size__tile_overlayer_lowered;
	s6 =	simm.s32 $_tile_overlayer_lowered  }
0x9b: {  	s22 =	simm.s32 $0x1BFF;
	s21 =	sshll.u32 s6, $0x1;
	s3 =	sadd.s32 s4, s19  }
0x9c: {  	s7 =	simm.s32 $0x0;
	s20 =	sshll.u32 s5, $0x1;
	s5 =	sadd.s32 s21, s3  }
0x9d: {  	[timem:s7], [sflag:s22] =	dma.local [hbm:s5], s20  }
0x9e: {  	_ =	swait.ge [sflag:s22], s20  }
0x9f: {  	s4 =	ssub.s32 $0x0, s20;
	[sflag:s22] =	ssyncset.done $0x0  }
0xa0: {  	[sflag:s22] =	ssyncadd.s32 s4;
	_ =	sdelay $0x1  }
0xa1: {  	s23 =	simm.s32 $0x1B8B  }
0xa2: {  	_ =	swait.ge [sflag:s23], $0x1  }
0xa3: {  	[sflag:s23] =	ssyncset.done $0x0  }
0xa4: {  	s25 =	simm.s32 $0x1B8E;
	s24 =	sld [smem:$0x3FFE];
	[sflag:s23] =	ssyncadd.s32 $0xFFFFFFFF  }
0xa5: {  	s26 =	simm.s32 $execute0_lowered;
	[smem:$0x3FD2] =	sst s25  }
0xa6: {  	s5 =	sshll.u32 s26, $0x1;
	_ =	strace $0x80000046;
	[dreg:$0x1] =	wrdreg $0xFFFFFFFF  }
0xa7: {  	s28 =	simm.s32 $_size_execute0_lowered;
	s3 =	sadd.s32 s3, s5;
	[dreg:$0x0] =	wrdreg $0x0  }
0xa8: {  	s5 =	sshll.u32 s28, $0x1;
	[dreg:$0x2] =	wrdreg s3  }
0xa9: {  	[dreg:$0x3] =	wrdreg s5  }
0xaa: {  	[dreg:$0x4] =	wrdreg $0xC0  }
0xab: {  	_ =	task [dreg:s7], $0x5FFFF  }
0xac: {  	[dreg:$0x1] =	wrdreg $0xFFFFFFFF  }
0xad: {  	[dreg:$0x0] =	wrdreg $0x60  }
0xae: {  	[dreg:$0x2] =	wrdreg s24  }
0xaf: {  	[dreg:$0x3] =	wrdreg s2  }
0xb0: {  	[dreg:$0x4] =	wrdreg $0x9  }
0xb1: {  	_ =	task.clear_ibuf [dreg:s7], $0x5FFFF;
	_ =	strace $0x90000046  }
0xb2: {  	s29 =	simm.s32 $0x9;
	_ =	strace $0x80000048  }
0xb3: {  	_ =	swait.ge [sflag:s29], $0x1  }
0xb4: {  	[sflag:s29] =	ssyncadd.s32 $0xFFFFFFFF  }
0xb5: {  	_ =	strace $0x90000048  }
0xb6: {  	_ =	sfence  }
0xb7: {  	s30 =	sld [smem:$0x0];
	_ =	sdelay $0x2  }
0xb8: {  	s31 =	sshll.u32 s1, $0xD;
	s1 =	sshrl.u32 s1, $0x2  }
0xb9: {  	s3 =	sand.u32 $0x4000, s31;
	s1 =	sadd.s32 s1, s30  }
0xba: {  	s0 =	sor.u32 s3, s0;
	s1 =	sshll.u32 s1, $0x11  }
0xbb: {  	s0 =	sor.u32 s1, s0  }
0xbc: {  	s0 =	sadd.s32 $0x8F2B, s0  }
0xbd: {  	[sflag:s0] =	ssyncadd.remote.s32 $0x1  }
0xbe: {  	_ =	sfence.sel $0xFFFF  }
0xbf: {  	[dreg:$0x0] =	wrdreg $0xFFFFFFFF;
	(pc) =	sbr.abs _section_cstart, $3  }
0xc0: {  	[dreg:$0x1] =	wrdreg $0xFFFFFFFF  }
0xc1: {  	_ =	task.clear_ibuf [dreg:s7], $0x2FFFF;
	_ =	strace $0x9FFFFFFF  }
0xc2: {  	(tm) =	ssettm $0x7FFFFFFF  }
0xc3: {  	_ =	shalt  }
tec
execute0_lowered:
.L_overlay_start_1:
0x0: {  	(tag) =	ssettag $0x1  }
0x1: {  	s1 =	srdreg.scid;
	s4 =	rddreg [dreg:$0x0]  }
0x2: {  	s0 =	stileid.u32;
	s6 =	rddreg [dreg:$0x1];
	s2 =	simm.s32 $0x0  }
0x3: {  	v0 =	vlaneseq.u32;
	s12 =	simm.s32 $0x19000;
	s13 =	simm.s32 $0x0;
	s5 =	sand.u32 $0x1, s1  }
0x4: {  	s29 =	sshll.u32 s0, $0x1;
	s1 =	rddreg [dreg:$0x2];
	v1 =	vand.u32 $0x7, v0;
	v0 =	vmul.u32 $0x10, v0;
	s11 =	smul.u32 $0x186A, s0  }
0x5: {  	[smem:$0x7FF] =	sst s2;
	s7 =	sor.u32 s5, s29;
	s31 =	smul.u32 $0xC35, s5  }
0x6: {  	v2 =	vmul.u32 $0x10, v1;
	_ =	strace $0x80000047;
	s9 =	ssub.s32 $0x2, s5;
	v1 =	vimm.f32 $3.000000050e+29;
	s3 =	smul.u32 $0x186A, s7;
	v3 =	vor.u32 $0x1, v0  }
.Ltmp0:
0x7: {  	s7 =	sshll.u32 s7, $0x7;
	s30 =	sshrl.u32 s9, $0x1;
	v4 =	vor.u32 $0x2, v0;
	v5 =	vor.u32 $0x3, v0;
	v6 =	vor.u32 $0x4, v0;
	(pc) =	sbr.rel .LBB2_1-.Ltmp0, $4  }
0x8: {  	v7 =	vor.u32 $0x5, v0;
	v8 =	vor.u32 $0x6, v0;
	v9 =	vor.u32 $0x7, v0;
	s10 =	sadd.s32 s7, s4;
	s9 =	ssub.s32 s9, s30;
	s5 =	sadd.s32 s6, s7  }
0x9: {  	v10 =	vor.u32 $0x8, v0;
	v11 =	vor.u32 $0x9, v0;
	v12 =	vor.u32 $0xA, v0;
	s8 =	sadd.s32 s3, s4;
	s3 =	sadd.s32 $0x1B8600, s4;
	s6 =	sadd.s32 $0x1B8800, s10  }
0xa: {  	v13 =	vor.u32 $0xB, v0;
	v14 =	vor.u32 $0xC, v0;
	v15 =	vor.u32 $0xD, v0;
	s7 =	smax.u32 s9, $0x1;
	s9 =	simm.s32 $0x1;
	s10 =	simm.s32 $0x18800  }
0xb: {  	v16 =	vor.u32 $0xE, v0;
	v17 =	vor.u32 $0xF, v0;
	v2 =	vor.u32 $0xFFFFFF80, v2;
	s4 =	sadd.s32 $0x187800, s8;
	s8 =	sadd.s32 s31, s11;
	s11 =	simm.s32 $0x18C00  }
.LBB2_10:
0xc: {  	[hbm4b:s5+s2] =	stream.linear.scatter [tilespmem:s11], [sflag:$0x1], $0x400, $0x38;
	[tilespmem:$0x19400] =	vst v63  }
0xd: {  	s13 =	sadd.s32 $0x1, s13;
	_ =	swait.ge [sflag:s9], $0x400  }
0xe: {  	p0 =	sne.s32 s13, s7;
	[sflag:s9] =	ssyncset.done $0x0  }
.Ltmp1:
0xf: {  	[sflag:s9] =	ssyncadd.s32 $0xFFFFFC00;
	(pc) =	sbr.rel @!p0 .LBB2_11-.Ltmp1, $4  }
0x10: {  	[hbm4b:s6+s2] =	stream.linear.scatter [tilespmem:s12], [sflag:$0x1], $0x400, $0x38;
	[tilespmem:$0x19400] =	vst v63  }
0x11: {  	_ =	swait.ge [sflag:s9], $0x400  }
0x12: {  	[sflag:s9] =	ssyncset.done $0x0  }
0x13: {  	[sflag:s9] =	ssyncadd.s32 $0xFFFFFC00  }
.LBB2_1:
0x14: {  	[tilespmem:s2], [sflag:$0x1] =	stream.linear.gather [hbm4b:s4+s2], $0xC350, $0x38;
	[tilespmem:$0x19400] =	vst v63  }
0x15: {  	_ =	swait.ge [sflag:s9], $0xC350  }
0x16: {  	[sflag:s9] =	ssyncset.done $0x0  }
0x17: {  	[sflag:s9] =	ssyncadd.s32 $0xFFFF3CB0  }
0x18: {  	[tilespmem:s10], [sflag:$0x1] =	stream.linear.gather [hbm4b:s3+s2], $0x400, $0x38;
	[tilespmem:$0x19400] =	vst v63  }
0x19: {  	_ =	swait.ge [sflag:s9], $0x400  }
0x1a: {  	[sflag:s9] =	ssyncset.done $0x0  }
0x1b: {  	[sflag:s9] =	ssyncadd.s32 $0xFFFFFC00  }
0x1c: {  	[tilespmem:$0xC350] =	vst v1  }
0x1d: {  	[tilespmem:$0xC360] =	vst v1  }
0x1e: {  	[tilespmem:$0xC370] =	vst v1  }
0x1f: {  	[tilespmem:$0xC380] =	vst v1  }
0x20: {  	[tilespmem:$0xC390] =	vst v1  }
0x21: {  	v18 =	vor.u32 s2, v0;
	[tilespmem:$0xC3A0] =	vst v1  }
0x22: {  	v18 =	vand.u32 v2, v18;
	[tilespmem:$0xC3B0] =	vst v1  }
0x23: {  	[tilespmem:$0xC3C0] =	vst v1  }
0x24: {  	[tilespmem:$0xC3D0] =	vst v1  }
0x25: {  	[tilespmem:$0xC3E0] =	vst v1  }
0x26: {  	[tilespmem:$0xC3F0] =	vst v1  }
0x27: {  	v18 =	vld.idx.msk [tilespmem:v18+s2+$0x0], $0xffff  }
0x28: {  	v19 =	vor.u32 s2, v3;
	_ =	sdelay $0x2  }
0x29: {  	s15 =	simm.s32 $0xC480  }
0x2a: {  	[tilespmem:s15+$0xFFFFFF80] =	vst v18  }
0x2b: {  	v18 =	vld.idx.msk [tilespmem:v19+s2+$0x0], $0xffff  }
0x2c: {  	v19 =	vor.u32 s2, v4;
	_ =	sdelay $0x3  }
0x2d: {  	[tilespmem:s15+$0xFFFFFF90] =	vst v18  }
0x2e: {  	v18 =	vld.idx.msk [tilespmem:v19+s2+$0x0], $0xffff  }
0x2f: {  	v19 =	vor.u32 s2, v5;
	_ =	sdelay $0x3  }
0x30: {  	[tilespmem:s15+$0xFFFFFFA0] =	vst v18  }
0x31: {  	v18 =	vld.idx.msk [tilespmem:v19+s2+$0x0], $0xffff  }
0x32: {  	v19 =	vor.u32 s2, v6;
	_ =	sdelay $0x3  }
0x33: {  	[tilespmem:s15+$0xFFFFFFB0] =	vst v18  }
0x34: {  	v18 =	vld.idx.msk [tilespmem:v19+s2+$0x0], $0xffff  }
0x35: {  	v19 =	vor.u32 s2, v7;
	_ =	sdelay $0x3  }
0x36: {  	[tilespmem:s15+$0xFFFFFFC0] =	vst v18  }
0x37: {  	v18 =	vld.idx.msk [tilespmem:v19+s2+$0x0], $0xffff  }
0x38: {  	v19 =	vor.u32 s2, v8;
	_ =	sdelay $0x3  }
0x39: {  	[tilespmem:s15+$0xFFFFFFD0] =	vst v18  }
0x3a: {  	v18 =	vld.idx.msk [tilespmem:v19+s2+$0x0], $0xffff  }
0x3b: {  	v19 =	vor.u32 s2, v9;
	_ =	sdelay $0x3  }
0x3c: {  	[tilespmem:s15+$0xFFFFFFE0] =	vst v18  }
0x3d: {  	v18 =	vld.idx.msk [tilespmem:v19+s2+$0x0], $0xffff  }
0x3e: {  	v19 =	vor.u32 s2, v10;
	_ =	sdelay $0x3  }
0x3f: {  	[tilespmem:s15+$0xFFFFFFF0] =	vst v18  }
0x40: {  	v18 =	vld.idx.msk [tilespmem:v19+s2+$0x0], $0xffff  }
0x41: {  	v19 =	vor.u32 s2, v11;
	_ =	sdelay $0x3  }
0x42: {  	[tilespmem:s15+$0x0] =	vst v18  }
0x43: {  	v18 =	vld.idx.msk [tilespmem:v19+s2+$0x0], $0xffff  }
0x44: {  	v19 =	vor.u32 s2, v12;
	_ =	sdelay $0x3  }
0x45: {  	[tilespmem:s15+$0x10] =	vst v18  }
0x46: {  	v18 =	vld.idx.msk [tilespmem:v19+s2+$0x0], $0xffff  }
0x47: {  	v19 =	vor.u32 s2, v13;
	_ =	sdelay $0x3  }
0x48: {  	[tilespmem:s15+$0x20] =	vst v18  }
0x49: {  	v18 =	vld.idx.msk [tilespmem:v19+s2+$0x0], $0xffff  }
0x4a: {  	v19 =	vor.u32 s2, v14;
	_ =	sdelay $0x3  }
0x4b: {  	[tilespmem:s15+$0x30] =	vst v18  }
0x4c: {  	v18 =	vld.idx.msk [tilespmem:v19+s2+$0x0], $0xffff  }
0x4d: {  	v19 =	vor.u32 s2, v15;
	_ =	sdelay $0x3  }
0x4e: {  	[tilespmem:s15+$0x40] =	vst v18  }
0x4f: {  	v18 =	vld.idx.msk [tilespmem:v19+s2+$0x0], $0xffff  }
0x50: {  	v19 =	vor.u32 s2, v16;
	_ =	sdelay $0x3  }
0x51: {  	[tilespmem:s15+$0x50] =	vst v18  }
0x52: {  	v18 =	vld.idx.msk [tilespmem:v19+s2+$0x0], $0xffff  }
0x53: {  	v19 =	vor.u32 s2, v17;
	_ =	sdelay $0x3  }
0x54: {  	s16 =	simm.s32 $0x100;
	[tilespmem:s15+$0x60] =	vst v18  }
0x55: {  	s17 =	simm.s32 $0x200;
	v18 =	vld.idx.msk [tilespmem:v19+s2+$0x0], $0xffff;
	v19 =	vor.u32 s16, v0  }
.LBB2_2:
0x56: {  	p0 =	sne.s32 s17, $0xC300;
	v19 =	vand.u32 v2, v19;
	_ =	sdelay $0x3  }
0x57: {  	s14 =	simm.s32 $0x0;
	[tilespmem:s15+$0x70] =	vst v18  }
0x58: {  	v18 =	vld.idx.msk [tilespmem:v19+s14+$0x0], $0xffff;
	_ =	sdelay $0x1  }
0x59: {  	v19 =	vor.u32 s16, v3;
	_ =	sdelay $0x2  }
0x5a: {  	s15 =	sadd.s32 $0x100, s15  }
0x5b: {  	[tilespmem:s15+$0xFFFFFF80] =	vst v18  }
0x5c: {  	v18 =	vld.idx.msk [tilespmem:v19+s14+$0x0], $0xffff;
	_ =	sdelay $0x1  }
0x5d: {  	v19 =	vor.u32 s16, v4;
	_ =	sdelay $0x3  }
0x5e: {  	[tilespmem:s15+$0xFFFFFF90] =	vst v18  }
0x5f: {  	v18 =	vld.idx.msk [tilespmem:v19+s14+$0x0], $0xffff;
	_ =	sdelay $0x1  }
0x60: {  	v19 =	vor.u32 s16, v5;
	_ =	sdelay $0x3  }
0x61: {  	[tilespmem:s15+$0xFFFFFFA0] =	vst v18  }
0x62: {  	v18 =	vld.idx.msk [tilespmem:v19+s14+$0x0], $0xffff;
	_ =	sdelay $0x1  }
0x63: {  	v19 =	vor.u32 s16, v6;
	_ =	sdelay $0x3  }
0x64: {  	[tilespmem:s15+$0xFFFFFFB0] =	vst v18  }
0x65: {  	v18 =	vld.idx.msk [tilespmem:v19+s14+$0x0], $0xffff;
	_ =	sdelay $0x1  }
0x66: {  	v19 =	vor.u32 s16, v7;
	_ =	sdelay $0x3  }
0x67: {  	[tilespmem:s15+$0xFFFFFFC0] =	vst v18  }
0x68: {  	v18 =	vld.idx.msk [tilespmem:v19+s14+$0x0], $0xffff;
	_ =	sdelay $0x1  }
0x69: {  	v19 =	vor.u32 s16, v8;
	_ =	sdelay $0x3  }
0x6a: {  	[tilespmem:s15+$0xFFFFFFD0] =	vst v18  }
0x6b: {  	v18 =	vld.idx.msk [tilespmem:v19+s14+$0x0], $0xffff;
	_ =	sdelay $0x1  }
0x6c: {  	v19 =	vor.u32 s16, v9;
	_ =	sdelay $0x3  }
0x6d: {  	[tilespmem:s15+$0xFFFFFFE0] =	vst v18  }
0x6e: {  	v18 =	vld.idx.msk [tilespmem:v19+s14+$0x0], $0xffff;
	_ =	sdelay $0x1  }
0x6f: {  	v19 =	vor.u32 s16, v10;
	_ =	sdelay $0x3  }
0x70: {  	[tilespmem:s15+$0xFFFFFFF0] =	vst v18  }
0x71: {  	v18 =	vld.idx.msk [tilespmem:v19+s14+$0x0], $0xffff;
	_ =	sdelay $0x1  }
0x72: {  	v19 =	vor.u32 s16, v11;
	_ =	sdelay $0x3  }
0x73: {  	[tilespmem:s15+$0x0] =	vst v18  }
0x74: {  	v18 =	vld.idx.msk [tilespmem:v19+s14+$0x0], $0xffff;
	_ =	sdelay $0x1  }
0x75: {  	v19 =	vor.u32 s16, v12;
	_ =	sdelay $0x3  }
0x76: {  	[tilespmem:s15+$0x10] =	vst v18  }
0x77: {  	v18 =	vld.idx.msk [tilespmem:v19+s14+$0x0], $0xffff;
	_ =	sdelay $0x1  }
0x78: {  	v19 =	vor.u32 s16, v13;
	_ =	sdelay $0x3  }
0x79: {  	[tilespmem:s15+$0x20] =	vst v18  }
0x7a: {  	v18 =	vld.idx.msk [tilespmem:v19+s14+$0x0], $0xffff;
	_ =	sdelay $0x1  }
0x7b: {  	v19 =	vor.u32 s16, v14;
	_ =	sdelay $0x3  }
0x7c: {  	[tilespmem:s15+$0x30] =	vst v18  }
0x7d: {  	v18 =	vld.idx.msk [tilespmem:v19+s14+$0x0], $0xffff;
	_ =	sdelay $0x1  }
0x7e: {  	v19 =	vor.u32 s16, v15;
	_ =	sdelay $0x3  }
0x7f: {  	[tilespmem:s15+$0x40] =	vst v18  }
0x80: {  	v18 =	vld.idx.msk [tilespmem:v19+s14+$0x0], $0xffff;
	_ =	sdelay $0x1  }
0x81: {  	v19 =	vor.u32 s16, v16;
	_ =	sdelay $0x3  }
0x82: {  	[tilespmem:s15+$0x50] =	vst v18  }
0x83: {  	v18 =	vld.idx.msk [tilespmem:v19+s14+$0x0], $0xffff;
	_ =	sdelay $0x1  }
0x84: {  	v19 =	vor.u32 s16, v17;
	s16 =	smov.u32 s17;
	_ =	sdelay $0x1  }
.Ltmp2:
0x85: {  	(pc) =	sbr.rel @p0 .LBB2_2-.Ltmp2, $4  }
0x86: {  	_ = 	snop  }
0x87: {  	[tilespmem:s15+$0x60] =	vst v18  }
0x88: {  	v18 =	vld.idx.msk [tilespmem:v19+s14+$0x0], $0xffff  }
0x89: {  	s17 =	sadd.s32 $0x100, s17;
	v19 =	vor.u32 s16, v0  }
0x8a: {  	v19 =	vand.u32 v2, v19;
	_ =	sdelay $0x3  }
0x8b: {  	[tilespmem:s15+$0x70] =	vst v18  }
0x8c: {  	v18 =	vld.idx.msk [tilespmem:v19+s14+$0x0], $0xffff  }
0x8d: {  	v19 =	vor.u32 s16, v3;
	_ =	sdelay $0x2  }
0x8e: {  	s31 =	sadd.s32 $0x100, s15  }
0x8f: {  	[tilespmem:s31+$0xFFFFFF80] =	vst v18  }
0x90: {  	v18 =	vld.idx.msk [tilespmem:v19+s14+$0x0], $0xffff  }
0x91: {  	v19 =	vor.u32 s16, v4;
	_ =	sdelay $0x3  }
0x92: {  	[tilespmem:s31+$0xFFFFFF90] =	vst v18  }
0x93: {  	v18 =	vld.idx.msk [tilespmem:v19+s14+$0x0], $0xffff  }
0x94: {  	v19 =	vor.u32 s16, v5;
	_ =	sdelay $0x3  }
0x95: {  	[tilespmem:s31+$0xFFFFFFA0] =	vst v18  }
0x96: {  	v18 =	vld.idx.msk [tilespmem:v19+s14+$0x0], $0xffff  }
0x97: {  	v19 =	vor.u32 s16, v6;
	_ =	sdelay $0x3  }
0x98: {  	[tilespmem:s31+$0xFFFFFFB0] =	vst v18  }
0x99: {  	v18 =	vld.idx.msk [tilespmem:v19+s14+$0x0], $0xffff  }
0x9a: {  	v19 =	vor.u32 s16, v7;
	_ =	sdelay $0x3  }
0x9b: {  	[tilespmem:s31+$0xFFFFFFC0] =	vst v18  }
0x9c: {  	v18 =	vld.idx.msk [tilespmem:v19+s14+$0x0], $0xffff  }
0x9d: {  	v19 =	vor.u32 s16, v8;
	_ =	sdelay $0x3  }
0x9e: {  	[tilespmem:s31+$0xFFFFFFD0] =	vst v18  }
0x9f: {  	v18 =	vld.idx.msk [tilespmem:v19+s14+$0x0], $0xffff  }
0xa0: {  	v19 =	vor.u32 s16, v9;
	_ =	sdelay $0x3  }
0xa1: {  	[tilespmem:s31+$0xFFFFFFE0] =	vst v18  }
0xa2: {  	v18 =	vld.idx.msk [tilespmem:v19+s14+$0x0], $0xffff  }
0xa3: {  	v19 =	vor.u32 s16, v10;
	_ =	sdelay $0x3  }
0xa4: {  	[tilespmem:s31+$0xFFFFFFF0] =	vst v18  }
0xa5: {  	v18 =	vld.idx.msk [tilespmem:v19+s14+$0x0], $0xffff  }
0xa6: {  	v19 =	vor.u32 s16, v11;
	_ =	sdelay $0x3  }
0xa7: {  	[tilespmem:s31+$0x0] =	vst v18  }
0xa8: {  	v18 =	vld.idx.msk [tilespmem:v19+s14+$0x0], $0xffff  }
0xa9: {  	v19 =	vor.u32 s16, v12;
	_ =	sdelay $0x3  }
0xaa: {  	[tilespmem:s31+$0x10] =	vst v18  }
0xab: {  	v18 =	vld.idx.msk [tilespmem:v19+s14+$0x0], $0xffff  }
0xac: {  	v19 =	vor.u32 s16, v13;
	_ =	sdelay $0x3  }
0xad: {  	[tilespmem:s31+$0x20] =	vst v18  }
0xae: {  	v18 =	vld.idx.msk [tilespmem:v19+s14+$0x0], $0xffff  }
0xaf: {  	v19 =	vor.u32 s16, v14;
	_ =	sdelay $0x3  }
0xb0: {  	[tilespmem:s31+$0x30] =	vst v18  }
0xb1: {  	v18 =	vld.idx.msk [tilespmem:v19+s14+$0x0], $0xffff  }
0xb2: {  	v19 =	vor.u32 s16, v15;
	_ =	sdelay $0x3  }
0xb3: {  	[tilespmem:s31+$0x40] =	vst v18  }
0xb4: {  	v18 =	vld.idx.msk [tilespmem:v19+s14+$0x0], $0xffff  }
0xb5: {  	v19 =	vor.u32 s16, v16;
	_ =	sdelay $0x3  }
0xb6: {  	[tilespmem:s31+$0x50] =	vst v18  }
0xb7: {  	v18 =	vld.idx.msk [tilespmem:v19+s14+$0x0], $0xffff  }
0xb8: {  	v19 =	vor.u32 s16, v17;
	_ =	sdelay $0x3  }
0xb9: {  	[tilespmem:s31+$0x60] =	vst v18  }
0xba: {  	v18 =	vld.idx.msk [tilespmem:v19+s14+$0x0], $0xffff;
	_ =	sdelay $0x4  }
0xbb: {  	[tilespmem:s31+$0x70] =	vst v18  }
.LBB2_4:
0xbc: {  	s15 =	sshll.u32 s14, $0x4  }
0xbd: {  	v20 =	vld [tilespmem:s15+$0x18800];
	_ =	sdelay $0x2  }
0xbe: {  	s16 =	simm.s32 $0xC500  }
0xbf: {  	v30 =	vld [tilespmem:s16+$0xFFFFFF00]  }
0xc0: {  	v31 =	vld [tilespmem:s16+$0xFFFFFF30];
	v32 =	vbroadcast v20, $0x0;
	v34 =	vbroadcast v20, $0x1  }
0xc1: {  	v36 =	vld [tilespmem:s16+$0xFFFFFF20];
	v33 =	vbroadcast v20, $0x2;
	v35 =	vbroadcast v20, $0x3  }
0xc2: {  	v37 =	vld [tilespmem:s16+$0xFFFFFF10];
	v27 =	vbroadcast v20, $0x4;
	v29 =	vbroadcast v20, $0x5  }
0xc3: {  	v38 =	vld [tilespmem:s16+$0xFFFFFF40];
	v26 =	vbroadcast v20, $0x6;
	v28 =	vbroadcast v20, $0x7  }
0xc4: {  	v39 =	vld [tilespmem:s16+$0xFFFFFF50];
	v23 =	vbroadcast v20, $0x8;
	v25 =	vbroadcast v20, $0x9  }
0xc5: {  	v40 =	vld [tilespmem:s16+$0xFFFFFF60];
	v21 =	vbroadcast v20, $0xA;
	v24 =	vbroadcast v20, $0xB  }
0xc6: {  	v41 =	vld [tilespmem:s16+$0xFFFFFF70];
	v19 =	vbroadcast v20, $0xC;
	v22 =	vbroadcast v20, $0xD  }
0xc7: {  	v42 =	vld [tilespmem:s16+$0xFFFFFF80];
	v18 =	vbroadcast v20, $0xE;
	v30 =	vsub.f32 v30, v32;
	v36 =	vsub.f32 v36, v33  }
0xc8: {  	v43 =	vld [tilespmem:s16+$0xFFFFFF90];
	v20 =	vbroadcast v20, $0xF;
	v31 =	vsub.f32 v31, v35;
	v37 =	vsub.f32 v37, v34  }
0xc9: {  	v44 =	vld [tilespmem:s16+$0xFFFFFFA0];
	v38 =	vsub.f32 v38, v27;
	v30 =	vmul.f32 v30, v30;
	v36 =	vmul.f32 v36, v36  }
0xca: {  	v57 =	vld [tilespmem:s16+$0xFFFFFFB0];
	v39 =	vsub.f32 v39, v29;
	v31 =	vmul.f32 v31, v31;
	v37 =	vmul.f32 v37, v37  }
0xcb: {  	v60 =	vld [tilespmem:s16+$0xFFFFFFC0];
	v56 =	vsub.f32 v40, v26;
	v59 =	vsub.f32 v41, v28;
	v55 =	vmul.f32 v38, v38  }
0xcc: {  	v63 =	vld [tilespmem:s16+$0xFFFFFFD0];
	v58 =	vmul.f32 v39, v39;
	v30 =	vadd.f32 v36, v30;
	v31 =	vadd.f32 v31, v37  }
0xcd: {  	v50 =	vld [tilespmem:s16+$0xFFFFFFF0];
	v62 =	vsub.f32 v42, v23;
	v49 =	vsub.f32 v43, v25;
	v61 =	vmul.f32 v56, v56  }
0xce: {  	v53 =	vld [tilespmem:s16+$0xFFFFFFE0];
	v48 =	vmul.f32 v59, v59;
	v30 =	vadd.f32 v55, v30;
	v31 =	vadd.f32 v58, v31  }
0xcf: {  	v52 =	vsub.f32 v44, v21;
	v51 =	vmul.f32 v62, v62;
	v55 =	vsub.f32 v57, v24  }
0xd0: {  	v54 =	vmul.f32 v49, v49;
	v30 =	vadd.f32 v61, v30;
	v31 =	vadd.f32 v48, v31  }
0xd1: {  	v56 =	vmul.f32 v52, v52;
	v59 =	vsub.f32 v63, v22;
	v57 =	vsub.f32 v60, v19  }
0xd2: {  	v58 =	vmul.f32 v55, v55;
	v30 =	vadd.f32 v51, v30;
	v31 =	vadd.f32 v54, v31  }
0xd3: {  	p1 =	por $0x1, $0x1;
	v63 =	vsub.f32 v53, v18;
	v62 =	vmul.f32 v59, v59;
	v61 =	vsub.f32 v50, v20  }
.Ltmp3:
0xd4: {  	v45 =	vld [tilespmem:s16+$0x0];
	v60 =	vmul.f32 v57, v57;
	v30 =	vadd.f32 v56, v30;
	v31 =	vadd.f32 v58, v31;
	(pc) =	sbr.rel @!p1 .LBB2_5-.Ltmp3, $4  }
0xd5: {  	v41 =	vld [tilespmem:s16+$0x30];
	v39 =	vmul.f32 v63, v63  }
0xd6: {  	v42 =	vld [tilespmem:s16+$0x20];
	v38 =	vmul.f32 v61, v61;
	v36 =	vadd.f32 v60, v30;
	v37 =	vadd.f32 v62, v31  }
0xd7: {  	v44 =	vld [tilespmem:s16+$0x10];
	v31 =	vimm.f32 $3.000000050e+29  }
0xd8: {  	s17 =	simm.s32 $0x20;
	p0 =	por $0x0, $0x0;
	v43 =	vld [tilespmem:s16+$0x50];
	v30 =	vimm.s32 $0x0;
	v39 =	vadd.f32 v39, v36;
	v40 =	vadd.f32 v38, v37  }
0xd9: {  	v36 =	vld [tilespmem:s16+$0x40]  }
0xda: {  	v37 =	vld [tilespmem:s16+$0x70]  }
0xdb: {  	v53 =	vld [tilespmem:s16+$0x60];
	v45 =	vsub.f32 v45, v32  }
0xdc: {  	v46 =	vld [tilespmem:s16+$0x90];
	v41 =	vsub.f32 v41, v35;
	v39 =	vadd.f32 v40, v39  }
0xdd: {  	v42 =	vsub.f32 v42, v33;
	v45 =	vmul.f32 v45, v45  }
0xde: {  	v47 =	vld [tilespmem:s16+$0x80];
	v38 =	vsub.f32 v44, v34;
	v41 =	vmul.f32 v41, v41;
	vm0 =	vlt.f32 v39, v31  }
0xdf: {  	v54 =	vld [tilespmem:s16+$0xB0];
	v43 =	vsub.f32 v43, v29;
	v42 =	vmul.f32 v42, v42;
	v58 =	vmpcnt.ones.xlane vm0  }
0xe0: {  	v55 =	vld [tilespmem:s16+$0xA0];
	v38 =	vmul.f32 v38, v38;
	v36 =	vsub.f32 v36, v27;
	v37 =	vsub.f32 v37, v28  }
0xe1: {  	v56 =	vld [tilespmem:s16+$0xD0];
	v44 =	vsub.f32 v53, v26;
	v57 =	vsub.f32 v46, v25;
	v43 =	vmul.f32 v43, v43  }
0xe2: {  	v59 =	vld [tilespmem:s16+$0xC0];
	v42 =	vadd.f32 v42, v45;
	v38 =	vadd.f32 v41, v38;
	v36 =	vmul.f32 v36, v36  }
0xe3: {  	v61 =	vld [tilespmem:s16+$0xF0];
	v47 =	vsub.f32 v47, v23;
	(v2sf) =	vpush v58, $0x0;
	v37 =	vmul.f32 v37, v37  }
0xe4: {  	v63 =	vld [tilespmem:s16+$0xE0];
	v44 =	vmul.f32 v44, v44;
	v38 =	vadd.f32 v43, v38;
	v36 =	vadd.f32 v36, v42  }
0xe5: {  	v40 =	vsub.f32 v55, v21;
	v60 =	vmul.f32 v57, v57;
	v41 =	vsub.f32 v54, v24  }
0xe6: {  	v62 =	vmul.f32 v47, v47;
	v37 =	vadd.f32 v37, v38;
	v36 =	vadd.f32 v44, v36  }
0xe7: {  	v48 =	vsub.f32 v56, v22;
	v49 =	vsub.f32 v59, v19;
	v40 =	vmul.f32 v40, v40  }
0xe8: {  	v47 =	vmul.f32 v41, v41;
	v37 =	vadd.f32 v60, v37;
	v36 =	vadd.f32 v62, v36  }
0xe9: {  	v51 =	vsub.f32 v61, v20;
	v53 =	vsub.f32 v63, v18;
	v50 =	vmul.f32 v48, v48  }
0xea: {  	v52 =	vmul.f32 v49, v49;
	v37 =	vadd.f32 v47, v37;
	v36 =	vadd.f32 v40, v36  }
0xeb: {  	v54 =	vmul.f32 v53, v53  }
0xec: {  	v40 =	vmul.f32 v51, v51;
	v37 =	vadd.f32 v50, v37;
	v36 =	vadd.f32 v52, v36;
	_ =	sdelay $0x1  }
0xed: {  	v36 =	vadd.f32 v54, v36;
	v37 =	vadd.f32 v40, v37;
	_ =	sdelay $0x1  }
0xee: {  	v36 =	vadd.f32 v37, v36;
	_ =	sdelay $0x1  }
0xef: {  	vm15 =	vlt.f32 v36, v31  }
0xf0: {  	s31 =	spop (v2sf);
	v55 =	vmpcnt.ones.xlane vm15  }
0xf1: {  	p2 =	slt.s32 s31, $0x1  }
0xf2: {  	s16 =	sadd.s32 @!p2 $0x0, s8;
	v37 =	vlaneseq.u32 @!p2;
	(v2sf) =	vpush v55, $0x0  }
0xf3: {  	v37 =	vadd.s32 @!p2 s16, v37  }
0xf4: {  	(xrf1) =	vsort.dscd.msk.f32 @!p2 $0xffff, v39, v37;
	_ =	sdelay $0x7  }
0xf5: {  	s16 =	simm.s32 $0xC700  }
0xf6: {  	v56 =	vld [tilespmem:s16+$0xFFFFFF00]  }
0xf7: {  	v57 =	vld [tilespmem:s16+$0xFFFFFF30]  }
0xf8: {  	v58 =	vld [tilespmem:s16+$0xFFFFFF20]  }
0xf9: {  	v59 =	vld [tilespmem:s16+$0xFFFFFF10]  }
0xfa: {  	v60 =	vld [tilespmem:s16+$0xFFFFFF40];
	s18 =	spop (v2sf)  }
0xfb: {  	v61 =	vld [tilespmem:s16+$0xFFFFFF50];
	v42, v43, _ =	vpop @!p2 (xrf1);
	p1 =	slt.s32 s18, $0x1  }
0xfc: {  	v62 =	vld [tilespmem:s16+$0xFFFFFF60];
	v37 =	vsub.f32 v56, v32;
	vm0 =	vlt.f32 @!p2 v42, v31;
	s18 =	sadd.s32 @!p1 $0x0, s8  }
0xfd: {  	v63 =	vld [tilespmem:s16+$0xFFFFFF70];
	v42 =	vsel @!p2 vm0, v42, v31;
	v43 =	vsel @!p2 vm0, v43, v30;
	v45 =	vlaneseq.u32 @!p1;
	s18 =	sadd.s32 @!p1 $0x10, s18  }
0xfe: {  	v48 =	vld [tilespmem:s16+$0xFFFFFF80];
	v38 =	vsub.f32 v57, v35;
	v40 =	vsub.f32 v59, v34;
	(xrf1) =	vsort.ascd.msk.f32 @!p2 $0xffff, v42, v43;
	v45 =	vadd.s32 @!p1 s18, v45  }
0xff: {  	v52 =	vld [tilespmem:s16+$0xFFFFFF90];
	v39 =	vsub.f32 v58, v33;
	v51 =	vsub.f32 v60, v27;
	(xrf1) =	vsort.dscd.msk.f32 @!p1 $0xffff, v36, v45  }
0x100: {  	v54 =	vld [tilespmem:s16+$0xFFFFFFA0];
	v53 =	vsub.f32 v61, v29;
	v38 =	vmul.f32 v38, v38;
	v40 =	vmul.f32 v40, v40  }
0x101: {  	v56 =	vsub.f32 v62, v26;
	v57 =	vld [tilespmem:s16+$0xFFFFFFB0];
	v49 =	vmul.f32 v37, v37;
	v50 =	vmul.f32 v39, v39  }
0x102: {  	v59 =	vsub.f32 v63, v28;
	v58 =	vmul.f32 v53, v53;
	v38 =	vadd.f32 v38, v40  }
0x103: {  	v62 =	vsub.f32 v48, v23;
	v63 =	vld [tilespmem:s16+$0xFFFFFFD0];
	v55 =	vmul.f32 v51, v51;
	v36 =	vadd.f32 v50, v49  }
0x104: {  	v60 =	vld [tilespmem:s16+$0xFFFFFFC0];
	v41 =	vsub.f32 v52, v25;
	v48 =	vmul.f32 v59, v59;
	v38 =	vadd.f32 v58, v38  }
0x105: {  	v52 =	vld [tilespmem:s16+$0xFFFFFFE0];
	v61 =	vmul.f32 v56, v56;
	v51 =	vsub.f32 v54, v21;
	v36 =	vadd.f32 v55, v36  }
0x106: {  	v53 =	vmul.f32 v41, v41;
	v54 =	vsub.f32 v57, v24;
	v38 =	vadd.f32 v48, v38;
	v49 =	vld [tilespmem:s16+$0xFFFFFFF0]  }
0x107: {  	v50 =	vmul.f32 v62, v62;
	v36 =	vadd.f32 v61, v36  }
0x108: {  	v58 =	vsub.f32 v63, v22;
	v57 =	vmul.f32 v54, v54;
	v38 =	vadd.f32 v53, v38  }
0x109: {  	v56 =	vsub.f32 v60, v19;
	v55 =	vmul.f32 v51, v51;
	v36 =	vadd.f32 v50, v36  }
0x10a: {  	v38 =	vadd.f32 v57, v38;
	v62 =	vsub.f32 v52, v18;
	v61 =	vmul.f32 v58, v58  }
0x10b: {  	v59 =	vmul.f32 v56, v56;
	v60 =	vsub.f32 v49, v20;
	v36 =	vadd.f32 v55, v36  }
0x10c: {  	p3 =	por $0x1, $0x1;
	v63 =	vmul.f32 v62, v62;
	v40 =	vadd.f32 v61, v38;
	v39, v44, _ =	vpop @!p2 (xrf1)  }
.Ltmp4:
0x10d: {  	v41 =	vld [tilespmem:s16+$0x30];
	v43 =	vmul.f32 v60, v60;
	v37 =	vadd.f32 v59, v36;
	v36 =	vpsel p2, v31, v39;
	v46, v47, _ =	vpop @!p1 (xrf1);
	(pc) =	sbr.rel @!p3 .LBB2_7-.Ltmp4, $4  }
0x10e: {  	v42 =	vld [tilespmem:s16+$0x20];
	v48 =	vbroadcast @!p2 v39, $0xF;
	v38 =	vpsel p2, v30, v44;
	vm0 =	vlt.f32 @!p1 v46, v36  }
0x10f: {  	v44 =	vld [tilespmem:s16+$0x10];
	v39 =	vadd.f32 v63, v37;
	v37 =	vsel @!p1 vm0, v46, v36;
	v47 =	vsel @!p1 vm0, v47, v38  }
0x110: {  	v45 =	vld [tilespmem:s16+$0x0];
	(xrf1) =	vsort.ascd.msk.f32 @!p1 $0xffff, v37, v47  }
0x111: {  	p0 =	por $0x1, $0x1;
	s18 =	simm.s32 $0x40;
	v40 =	vadd.f32 v43, v40;
	v43 =	vld [tilespmem:s16+$0x50];
	v46 =	vmin.f32 @!p2 v31, v48;
	v37 =	vimm.f32 $3.000000050e+29  }
.LBB2_8:
0x112: {  	v47 =	vld [tilespmem:s16+$0x40];
	s19 =	smov.u32 s18;
	s18 =	sadd.s32 $0x20, s18  }
0x113: {  	p3 =	sne.s32 s18, $0xC40;
	v42 =	vsub.f32 v42, v33;
	v48 =	vld [tilespmem:s16+$0x70]  }
0x114: {  	v41 =	vsub.f32 v41, v35;
	v44 =	vsub.f32 v44, v34;
	v49 =	vld [tilespmem:s16+$0x60]  }
0x115: {  	v37 =	vpsel p2, v37, v46;
	v45 =	vsub.f32 v45, v32;
	v50 =	vld [tilespmem:s16+$0x90]  }
0x116: {  	v41 =	vmul.f32 v41, v41;
	v44 =	vmul.f32 v44, v44;
	v43 =	vsub.f32 v43, v29;
	v46 =	vld [tilespmem:s16+$0x80]  }
0x117: {  	v42 =	vmul.f32 v42, v42;
	v45 =	vmul.f32 v45, v45;
	v47 =	vsub.f32 v47, v27;
	v51 =	vld [tilespmem:s16+$0xB0]  }
0x118: {  	v41 =	vadd.f32 v41, v44;
	v43 =	vmul.f32 v43, v43;
	v44 =	vsub.f32 v48, v28;
	v48 =	vld [tilespmem:s16+$0xA0]  }
0x119: {  	v42 =	vadd.f32 v42, v45;
	v45 =	vmul.f32 v47, v47;
	v47 =	vsub.f32 v49, v26;
	v49 =	vld [tilespmem:s16+$0xD0]  }
0x11a: {  	v41 =	vadd.f32 v43, v41;
	v43 =	vmul.f32 v44, v44;
	v44 =	vsub.f32 v50, v25;
	v50 =	vld [tilespmem:s16+$0xC0]  }
0x11b: {  	v42 =	vadd.f32 v45, v42;
	v45 =	vmul.f32 v47, v47;
	v46 =	vsub.f32 v46, v23  }
0x11c: {  	v41 =	vadd.f32 v43, v41;
	v43 =	vmul.f32 v44, v44;
	v44 =	vsub.f32 v51, v24;
	v47 =	vld [tilespmem:s16+$0xF0]  }
0x11d: {  	v42 =	vadd.f32 v45, v42;
	v45 =	vmul.f32 v46, v46;
	v46 =	vsub.f32 v48, v21  }
0x11e: {  	v41 =	vadd.f32 v43, v41;
	v43 =	vmul.f32 v44, v44;
	v44 =	vsub.f32 v49, v22;
	v48 =	vld [tilespmem:s16+$0xE0];
	v49, v51, _ =	vpop @!p1 (xrf1)  }
0x11f: {  	v42 =	vadd.f32 v45, v42;
	v45 =	vmul.f32 v46, v46;
	v46 =	vbroadcast @!p1 v49, $0xF  }
0x120: {  	v41 =	vadd.f32 v43, v41;
	v43 =	vsub.f32 v50, v19;
	v44 =	vmul.f32 v44, v44  }
0x121: {  	v39 =	vadd.f32 v40, v39;
	v40 =	vadd.f32 v45, v42;
	v42 =	vmin.f32 @!p1 v37, v46  }
0x122: {  	v41 =	vadd.f32 v44, v41;
	v44 =	vsub.f32 v47, v20;
	v37 =	vpsel p1, v37, v42  }
0x123: {  	v42 =	vmul.f32 v43, v43;
	v43 =	vsub.f32 v48, v18;
	vm0 =	vlt.f32 v39, v37  }
0x124: {  	v36 =	vpsel p1, v36, v49;
	v38 =	vpsel p1, v38, v51;
	v45 =	vmpcnt.ones.xlane vm0  }
0x125: {  	v40 =	vadd.f32 v42, v40;
	v42 =	vmul.f32 v43, v43;
	v43 =	vmul.f32 v44, v44  }
0x126: {  	(v2sf) =	vpush v45, $0x0  }
0x127: {  	v40 =	vadd.f32 v42, v40;
	v41 =	vadd.f32 v43, v41;
	_ =	sdelay $0x1  }
0x128: {  	v40 =	vadd.f32 v41, v40;
	_ =	sdelay $0x1  }
0x129: {  	vm0 =	vlt.f32 v40, v37  }
0x12a: {  	v41 =	vmpcnt.ones.xlane vm0;
	_ =	sdelay $0x1  }
0x12b: {  	(v2sf) =	vpush v41, $0x0;
	_ =	sdelay $0x6  }
0x12c: {  	s20 =	spop (v2sf)  }
0x12d: {  	p2 =	slt.s32 s20, $0x1  }
0x12e: {  	s20 =	sadd.s32 @!p2 s17, s8;
	v41 =	vlaneseq.u32 @!p2  }
0x12f: {  	v41 =	vadd.s32 @!p2 s20, v41  }
0x130: {  	(xrf1) =	vsort.dscd.msk.f32 @!p2 $0xffff, v39, v41;
	_ =	sdelay $0x3  }
0x131: {  	s20 =	spop (v2sf);
	_ =	sdelay $0x4  }
0x132: {  	s16 =	sadd.s32 $0x200, s16  }
0x133: {  	v39 =	vld [tilespmem:s16+$0xFFFFFF00]  }
0x134: {  	v41 =	vld [tilespmem:s16+$0xFFFFFF30]  }
0x135: {  	v42 =	vld [tilespmem:s16+$0xFFFFFF20]  }
0x136: {  	v43 =	vld [tilespmem:s16+$0xFFFFFF10]  }
0x137: {  	p1 =	slt.s32 s20, $0x1;
	v44 =	vld [tilespmem:s16+$0xFFFFFF40];
	v45, v46, _ =	vpop @!p2 (xrf1)  }
0x138: {  	s20 =	sadd.s32 @!p1 s17, s8;
	v48 =	vlaneseq.u32 @!p1;
	s17 =	smov.u32 s19;
	v39 =	vsub.f32 v39, v32;
	v47 =	vld [tilespmem:s16+$0xFFFFFF50];
	vm0 =	vlt.f32 @!p2 v45, v36  }
0x139: {  	s19 =	sadd.s32 @!p1 $0x10, s20;
	v41 =	vsub.f32 v41, v35;
	v49 =	vld [tilespmem:s16+$0xFFFFFF60];
	v45 =	vsel @!p2 vm0, v45, v36;
	v46 =	vsel @!p2 vm0, v46, v38  }
0x13a: {  	v48 =	vadd.s32 @!p1 s19, v48;
	v39 =	vmul.f32 v39, v39;
	v42 =	vsub.f32 v42, v33;
	v50 =	vld [tilespmem:s16+$0xFFFFFF70];
	(xrf1) =	vsort.ascd.msk.f32 @!p2 $0xffff, v45, v46  }
0x13b: {  	v43 =	vsub.f32 v43, v34;
	v41 =	vmul.f32 v41, v41;
	v45 =	vld [tilespmem:s16+$0xFFFFFF80];
	(xrf1) =	vsort.dscd.msk.f32 @!p1 $0xffff, v40, v48  }
0x13c: {  	v40 =	vmul.f32 v42, v42;
	v42 =	vsub.f32 v44, v27;
	v44 =	vld [tilespmem:s16+$0xFFFFFF90]  }
0x13d: {  	v43 =	vmul.f32 v43, v43;
	v46 =	vsub.f32 v47, v29;
	v47 =	vld [tilespmem:s16+$0xFFFFFFA0]  }
0x13e: {  	v39 =	vadd.f32 v40, v39;
	v40 =	vmul.f32 v42, v42;
	v42 =	vsub.f32 v49, v26;
	v48 =	vld [tilespmem:s16+$0xFFFFFFB0]  }
0x13f: {  	v41 =	vadd.f32 v41, v43;
	v43 =	vmul.f32 v46, v46;
	v46 =	vsub.f32 v50, v28;
	v49 =	vld [tilespmem:s16+$0xFFFFFFC0]  }
0x140: {  	v39 =	vadd.f32 v40, v39;
	v40 =	vmul.f32 v42, v42;
	v42 =	vsub.f32 v45, v23;
	v45 =	vld [tilespmem:s16+$0xFFFFFFD0]  }
0x141: {  	v41 =	vadd.f32 v43, v41;
	v43 =	vmul.f32 v46, v46;
	v44 =	vsub.f32 v44, v25;
	v46 =	vld [tilespmem:s16+$0xFFFFFFF0]  }
0x142: {  	v39 =	vadd.f32 v40, v39;
	v40 =	vmul.f32 v42, v42;
	v42 =	vsub.f32 v47, v21;
	v47 =	vld [tilespmem:s16+$0xFFFFFFE0]  }
0x143: {  	v41 =	vadd.f32 v43, v41;
	v43 =	vmul.f32 v44, v44;
	v44 =	vsub.f32 v48, v24  }
0x144: {  	v39 =	vadd.f32 v40, v39;
	v40 =	vmul.f32 v42, v42;
	v42 =	vsub.f32 v49, v19  }
0x145: {  	v41 =	vadd.f32 v43, v41;
	v43 =	vmul.f32 v44, v44;
	v44 =	vsub.f32 v45, v22  }
0x146: {  	v39 =	vadd.f32 v40, v39;
	v40 =	vmul.f32 v42, v42;
	v42 =	vsub.f32 v46, v20  }
0x147: {  	v41 =	vadd.f32 v43, v41;
	v43 =	vmul.f32 v44, v44;
	v44 =	vsub.f32 v47, v18  }
0x148: {  	v39 =	vadd.f32 v40, v39;
	v40 =	vmul.f32 v42, v42;
	v45, v46, _ =	vpop @!p2 (xrf1)  }
.Ltmp5:
0x149: {  	v43 =	vadd.f32 v43, v41;
	v44 =	vmul.f32 v44, v44;
	v41 =	vld [tilespmem:s16+$0x30];
	v36 =	vpsel p2, v36, v45;
	v47, v48, _ =	vpop @!p1 (xrf1);
	(pc) =	sbr.rel @p3 .LBB2_8-.Ltmp5, $4  }
0x14a: {  	v49 =	vbroadcast @!p2 v45, $0xF;
	v38 =	vpsel p2, v38, v46;
	v42 =	vld [tilespmem:s16+$0x20];
	vm0 =	vlt.f32 @!p1 v47, v36  }
0x14b: {  	v39 =	vadd.f32 v44, v39;
	v44 =	vld [tilespmem:s16+$0x10];
	v47 =	vsel @!p1 vm0, v47, v36;
	v48 =	vsel @!p1 vm0, v48, v38  }
0x14c: {  	v40 =	vadd.f32 v40, v43;
	v46 =	vmin.f32 @!p2 v37, v49;
	v45 =	vld [tilespmem:s16+$0x0];
	(xrf1) =	vsort.ascd.msk.f32 @!p1 $0xffff, v47, v48  }
0x14d: {  	v43 =	vld [tilespmem:s16+$0x50]  }
.LBB2_9:
0x14e: {  	_ =	sdelay $0x9  }
0x14f: {  	v47 =	vld [tilespmem:s16+$0x40];
	p2 =	por !p2, !p0  }
0x150: {  	v52 =	vld [tilespmem:s16+$0x70];
	v35 =	vsub.f32 v41, v35;
	v37 =	vpsel p2, v46, v37;
	p2 =	por p1, !p0;
	v33 =	vsub.f32 v42, v33  }
0x151: {  	v53 =	vld [tilespmem:s16+$0x60];
	v34 =	vsub.f32 v44, v34;
	v32 =	vsub.f32 v45, v32;
	v42, v45, _ =	vpop @!p2 (xrf1)  }
0x152: {  	v35 =	vmul.f32 v35, v35;
	v29 =	vsub.f32 v43, v29;
	v43 =	vbroadcast @!p2 v42, $0xF  }
0x153: {  	v54 =	vld [tilespmem:s16+$0x90];
	v33 =	vmul.f32 v33, v33;
	v32 =	vmul.f32 v32, v32  }
0x154: {  	v55 =	vld [tilespmem:s16+$0x80];
	p6 =	por !p1, !p0;
	v34 =	vmul.f32 v34, v34;
	v27 =	vsub.f32 v47, v27;
	v43 =	vmin.f32 @!p2 v37, v43  }
0x155: {  	v56 =	vld [tilespmem:s16+$0xB0];
	v32 =	vadd.f32 v33, v32;
	v33 =	vadd.f32 v40, v39;
	v37 =	vpsel p6, v43, v37  }
0x156: {  	v57 =	vld [tilespmem:s16+$0xA0];
	v28 =	vsub.f32 v52, v28;
	v26 =	vsub.f32 v53, v26;
	v37 =	vpsel p0, v37, v31  }
0x157: {  	v58 =	vld [tilespmem:s16+$0xD0];
	v34 =	vadd.f32 v35, v34;
	v29 =	vmul.f32 v29, v29;
	vm0 =	vlt.f32 v33, v37  }
0x158: {  	v60 =	vld [tilespmem:s16+$0xC0];
	v25 =	vsub.f32 v54, v25;
	v27 =	vmul.f32 v27, v27;
	v59 =	vmpcnt.ones.xlane vm0  }
0x159: {  	v61 =	vld [tilespmem:s16+$0xF0];
	v23 =	vsub.f32 v55, v23;
	v28 =	vmul.f32 v28, v28;
	v29 =	vadd.f32 v29, v34  }
0x15a: {  	v62 =	vld [tilespmem:s16+$0xE0];
	v26 =	vmul.f32 v26, v26;
	v27 =	vadd.f32 v27, v32;
	(v2sf) =	vpush v59, $0x0  }
0x15b: {  	v24 =	vsub.f32 v56, v24;
	v21 =	vsub.f32 v57, v21;
	v25 =	vmul.f32 v25, v25  }
0x15c: {  	v23 =	vmul.f32 v23, v23;
	v28 =	vadd.f32 v28, v29;
	v26 =	vadd.f32 v26, v27  }
0x15d: {  	v22 =	vsub.f32 v58, v22;
	v19 =	vsub.f32 v60, v19;
	v24 =	vmul.f32 v24, v24  }
0x15e: {  	v21 =	vmul.f32 v21, v21;
	v25 =	vadd.f32 v25, v28;
	v23 =	vadd.f32 v23, v26  }
0x15f: {  	v20 =	vsub.f32 v61, v20;
	v18 =	vsub.f32 v62, v18;
	v22 =	vmul.f32 v22, v22  }
0x160: {  	v19 =	vmul.f32 v19, v19;
	v24 =	vadd.f32 v24, v25;
	v21 =	vadd.f32 v21, v23  }
0x161: {  	v18 =	vmul.f32 v18, v18  }
0x162: {  	v20 =	vmul.f32 v20, v20;
	v22 =	vadd.f32 v22, v24;
	v19 =	vadd.f32 v19, v21;
	_ =	sdelay $0x1  }
0x163: {  	v18 =	vadd.f32 v18, v19;
	v19 =	vadd.f32 v20, v22;
	_ =	sdelay $0x1  }
0x164: {  	v18 =	vadd.f32 v19, v18;
	_ =	sdelay $0x1  }
0x165: {  	vm15 =	vlt.f32 v18, v37  }
0x166: {  	v19 =	vmpcnt.ones.xlane vm15;
	s30 =	spop (v2sf)  }
0x167: {  	p2 =	slt.s32 s30, $0x1  }
0x168: {  	(v2sf) =	vpush v19, $0x0;
	s16 =	sadd.s32 @!p2 s17, s8;
	v19 =	vlaneseq.u32 @!p2  }
0x169: {  	v19 =	vadd.s32 @!p2 s16, v19  }
0x16a: {  	(xrf1) =	vsort.dscd.msk.f32 @!p2 $0xffff, v33, v19;
	_ =	sdelay $0xc  }
0x16b: {  	v19 =	vpsel p6, v42, v36;
	s31 =	spop (v2sf)  }
0x16c: {  	v63 =	vpsel p6, v45, v38;
	v19 =	vpsel p0, v19, v31;
	p1 =	slt.s32 s31, $0x1;
	v21, v22, _ =	vpop @!p2 (xrf1)  }
0x16d: {  	v20 =	vpsel p0, v63, v30;
	s16 =	sadd.s32 @!p1 s17, s8;
	vm0 =	vlt.f32 @!p2 v21, v19  }
0x16e: {  	v23 =	vlaneseq.u32 @!p1;
	s16 =	sadd.s32 @!p1 $0x10, s16;
	v21 =	vsel @!p2 vm0, v21, v19;
	v22 =	vsel @!p2 vm0, v22, v20  }
0x16f: {  	v23 =	vadd.s32 @!p1 s16, v23;
	(xrf1) =	vsort.ascd.msk.f32 @!p2 $0xffff, v21, v22  }
0x170: {  	(xrf1) =	vsort.dscd.msk.f32 @!p1 $0xffff, v18, v23;
	_ =	sdelay $0xc  }
0x171: {  	v18, v21, _ =	vpop @!p2 (xrf1)  }
0x172: {  	v18 =	vpsel p2, v19, v18;
	v19, v22, _ =	vpop @!p1 (xrf1)  }
0x173: {  	v20 =	vpsel p2, v20, v21;
	vm0 =	vlt.f32 @!p1 v19, v18  }
0x174: {  	v19 =	vsel @!p1 vm0, v19, v18;
	v21 =	vsel @!p1 vm0, v22, v20  }
0x175: {  	(xrf1) =	vsort.ascd.msk.f32 @!p1 $0xffff, v19, v21;
	_ =	sdelay $0xa  }
0x176: {  	s14 =	sadd.s32 $0x1, s14  }
0x177: {  	p0 =	sne.s32 s14, $0x40  }
.Ltmp6:
0x178: {  	_ = 	snop;
	(pc) =	sbr.rel @p0 .LBB2_4-.Ltmp6, $4  }
.Ltmp7:
0x179: {  	v19, v21, _ =	vpop @!p1 (xrf1);
	(pc) =	sbr.rel @!p0 .LBB2_10-.Ltmp7, $4  }
0x17a: {  	v18 =	vpsel p1, v18, v19  }
0x17b: {  	v19 =	vpsel p1, v20, v21;
	[tilespmem:s15+$0x18C00] =	vst v18  }
0x17c: {  	[tilespmem:s15+$0x19000] =	vst v19  }
0x17d: {  	_ = 	snop  }
.LBB2_5:
.Ltmp8:
0x17e: {  	(pc) =	sbr.rel .LBB2_9-.Ltmp8, $2  }
0x17f: {  	_ =	sdelay $0x2  }
0x180: {  	v37 =	vimm.f32 $3.000000050e+29;
	s17 =	simm.s32 $0x0  }
.LBB2_7:
.Ltmp9:
0x181: {  	(pc) =	sbr.rel .LBB2_9-.Ltmp9, $2  }
0x182: {  	_ =	sdelay $0x2  }
0x183: {  	v37 =	vimm.f32 $3.000000050e+29  }
.LBB2_11:
0x184: {  	_ =	sfence.sel $0x180000  }
0x185: {  	[bflag:$0x0] =	sbarrier.arrive $0xFFFF  }
0x186: {  	p0 =	sne.s32 s0, $0x0;
	_ =	strace $0x90000047  }
0x187: {  	s0 =	sadd.s32 @!p0 $0x100000, s1;
	[bflag:$0x2] =	sbarrier.arrive $0xFFFF  }
0x188: {  	[sflag:s0] =	ssyncadd.tile.s32 @!p0 $0x1;
	_ =	shalt  }
.Lfunc_end2:
_tile_overlayer_lowered:
.L_overlay_start_2:
0x189: {  	(tag) =	ssettag $0x2  }
0x18a: {  	s0 =	rddreg [dreg:$0x0];
	s2 =	stileid.u32  }
0x18b: {  	s1 =	rddreg [dreg:$0x1];
	p0 =	sne.s32 s2, $0x0  }
0x18c: {  	s3 =	rddreg [dreg:$0x2];
	[bflag:$0x3] =	sbarrier.arrive $0xFFFF;
	s2 =	simm.s32 @!p0 $0x1C01  }
0x18d: {  	[timem:s3], [sflag:s2] =	dma.local @!p0 [hbm:s0], s1  }
0x18e: {  	s0 =	simm.s32 @!p0 $0x1  }
0x18f: {  	_ =	swait.ge @!p0 [sflag:s0], s1  }
0x190: {  	s1 =	ssub.s32 @!p0 $0x0, s1;
	[sflag:s0] =	ssyncset.done @!p0 $0x0  }
0x191: {  	[sflag:s0] =	ssyncadd.s32 @!p0 s1  }
0x192: {  	[bflag:$0x3] =	sbarrier.arrive $0xFFFF  }
0x193: {  	_ =	shalt  }

// kernel: kernel.7.cloned.1.call-start
scs
__scs_entry_jumppad:
0x0: {  	(pc) =	sbr.rel $0x88, $3  }
0x1: {  	(tag) =	ssettag $0x0;
	lr =	simm.s32 $0x1  }
0x2: {  	[smem:$0x3F9F] =	sst lr;
	_ =	strace $0xD0000000  }
0x3: {  	_ = 	snop  }
0x4: {  	_ = 	snop  }
0x5: {  	_ = 	snop  }
0x6: {  	_ = 	snop  }
0x7: {  	_ = 	snop  }
__scs_overlays_trampoline_lowered:
0x8: {  	[smem:$0x3FAE] =	sst s0  }
0x9: {  	[smem:$0x3FAF] =	sst s1  }
0xa: {  	[smem:$0x3FB0] =	sst s2  }
0xb: {  	[smem:$0x3FB1] =	sst s3  }
0xc: {  	[smem:$0x3FB2] =	sst s4  }
0xd: {  	[smem:$0x3FB3] =	sst s5  }
0xe: {  	[smem:$0x3FB4] =	sst s6  }
0xf: {  	[smem:$0x3FB5] =	sst s7  }
0x10: {  	[smem:$0x3FB6] =	sst s8  }
0x11: {  	[smem:$0x3FB7] =	sst s9;
	s0 =	simm.s32 @!p0 $0x0  }
0x12: {  	s1 =	sld [smem:$0x3F9D];
	s0 =	simm.s32 @p0 $0x1  }
0x13: {  	[smem:$0x3FB8] =	sst s0;
	s0 =	simm.s32 @!p1 $0x0  }
0x14: {  	s2 =	sld [smem:$0x3F9C];
	s0 =	simm.s32 @p1 $0x1  }
0x15: {  	[smem:$0x3FB9] =	sst s0;
	s0 =	simm.s32 @!p2 $0x0  }
0x16: {  	s3 =	sld [smem:$0x3FDB];
	s0 =	simm.s32 @p2 $0x1  }
0x17: {  	s4 =	simm.s32 $0x1BF5;
	[smem:$0x3FBB] =	sst s0  }
0x18: {  	s0 =	sld [smem:$0x3F9E];
	_ =	swait.ge [sflag:s4], $0x0  }
0x19: {  	s7 =	sld [smem:$0x3F9F]  }
0x1a: {  	s8 =	sadd.s32 $0xFFFFE003, lr  }
0x1b: {  	s9 =	sadd.s32 $0xFFFFFEF7, lr;
	s5 =	simm.s32 $0xFFFFFFFF;
	p2 =	slt.u32 s8, $0xFFFFF086  }
0x1c: {  	p1 =	slt.u32 s9, $0xF7A;
	s5 =	simm.s32 @!p2 $0x0  }
0x1d: {  	s5 =	simm.s32 @p1 $0x1;
	p0 =	seq.s32 s7, s2  }
0x1e: {  	s7 =	smul.u32 @!p0 $0xF7A, s2;
	p2 =	seq.s32 @!p0 s5, $0x0  }
0x1f: {  	s9 =	smul.u32 $0xF7A, s1;
	s8 =	simm.s32 @!p0 $0x1BF5;
	p2 =	por !p2, p0  }
0x20: {  	[sflag:s8] =	ssyncset.s32 @!p0 $0xFFFFF086;
	s6 =	sadd.s32 @!p0 s3, s7;
	s7 =	simm.s32 @!p0 $0x108  }
0x21: {  	s3 =	sadd.s32 s3, s9;
	s6 =	sadd.s32 @!p0 $0x88, s6;
	s7 =	simm.s32 @p2 $0x1082  }
0x22: {  	[simem:s7], [sflag:s8] =	dma.local @!p0 [hbm:s6], $0xF7A  }
0x23: {  	s9 =	sor.u32 $0xD0000000, s2;
	s6 =	simm.s32 $0x108;
	_ =	swait.ge @!p0 [sflag:s8], $0x0  }
0x24: {  	s3 =	sadd.s32 $0x88, s3;
	s6 =	simm.s32 @!p1 $0x1082;
	[sflag:s4] =	ssyncset.s32 $0xFFFFF086  }
0x25: {  	[simem:s6], [sflag:s4] =	dma.local [hbm:s3], $0xF7A  }
0x26: {  	[smem:$0x3F9F] =	sst s1;
	(tag) =	ssettag s2;
	_ =	strace s9  }
0x27: {  	s1 =	sld [smem:$0x3FAF]  }
0x28: {  	s2 =	sld [smem:$0x3FB0]  }
0x29: {  	s4 =	sld [smem:$0x3FB2]  }
0x2a: {  	p0 =	seq.s32 s5, $0x0;
	s5 =	sld [smem:$0x3FB3]  }
0x2b: {  	s6 =	sld [smem:$0x3FB4]  }
0x2c: {  	s7 =	sld [smem:$0x3FB5]  }
0x2d: {  	s3 =	simm.s32 $0x108;
	s8 =	sld [smem:$0x3FB6]  }
0x2e: {  	s3 =	simm.s32 @!p0 $0x1082;
	s9 =	sld [smem:$0x3FB7]  }
0x2f: {  	lr =	sadd.s32 s0, s3;
	s0 =	sld [smem:$0x3FAE]  }
0x30: {  	s3 =	sld [smem:$0x3FB1]  }
0x31: {  	[smem:$0x3FBA] =	sst s10  }
0x32: {  	s10 =	sld [smem:$0x3FB8];
	_ =	sdelay $0x3  }
0x33: {  	p0 =	seq.s32 s10, $0x1;
	s10 =	sld [smem:$0x3FBA];
	_ =	sdelay $0x3  }
0x34: {  	[smem:$0x3FBA] =	sst s10  }
0x35: {  	s10 =	sld [smem:$0x3FB9];
	_ =	sdelay $0x3  }
0x36: {  	p1 =	seq.s32 s10, $0x1;
	s10 =	sld [smem:$0x3FBA];
	_ =	sdelay $0x3  }
0x37: {  	[smem:$0x3FBA] =	sst s10  }
0x38: {  	s10 =	sld [smem:$0x3FBB]  }
0x39: {  	_ = 	snop;
	(pc) =	sbr.ind lr, $3  }
0x3a: {  	_ = 	snop  }
0x3b: {  	_ = 	snop  }
0x3c: {  	p2 =	seq.s32 s10, $0x1;
	s10 =	sld [smem:$0x3FBA]  }
0x3d: {  	_ =	shalt  }
0x3e: {  	_ =	shalt  }
0x3f: {  	_ =	shalt  }
0x40: {  	_ =	shalt  }
0x41: {  	_ =	shalt  }
0x42: {  	_ =	shalt  }
0x43: {  	_ =	shalt  }
0x44: {  	_ =	shalt  }
0x45: {  	_ =	shalt  }
0x46: {  	_ =	shalt  }
0x47: {  	_ =	shalt  }
0x48: {  	_ =	shalt  }
0x49: {  	_ =	shalt  }
0x4a: {  	_ =	shalt  }
0x4b: {  	_ =	shalt  }
0x4c: {  	_ =	shalt  }
0x4d: {  	_ =	shalt  }
0x4e: {  	_ =	shalt  }
0x4f: {  	_ =	shalt  }
0x50: {  	_ =	shalt  }
0x51: {  	_ =	shalt  }
0x52: {  	_ =	shalt  }
0x53: {  	_ =	shalt  }
0x54: {  	_ =	shalt  }
0x55: {  	_ =	shalt  }
0x56: {  	_ =	shalt  }
0x57: {  	_ =	shalt  }
0x58: {  	_ =	shalt  }
0x59: {  	_ =	shalt  }
0x5a: {  	_ =	shalt  }
0x5b: {  	_ =	shalt  }
0x5c: {  	_ =	shalt  }
0x5d: {  	_ =	shalt  }
0x5e: {  	_ =	shalt  }
0x5f: {  	_ =	shalt  }
0x60: {  	_ =	shalt  }
0x61: {  	_ =	shalt  }
0x62: {  	_ =	shalt  }
0x63: {  	_ =	shalt  }
0x64: {  	_ =	shalt  }
0x65: {  	_ =	shalt  }
0x66: {  	_ =	shalt  }
0x67: {  	_ =	shalt  }
0x68: {  	_ =	shalt  }
0x69: {  	_ =	shalt  }
0x6a: {  	_ =	shalt  }
0x6b: {  	_ =	shalt  }
0x6c: {  	_ =	shalt  }
0x6d: {  	_ =	shalt  }
0x6e: {  	_ =	shalt  }
0x6f: {  	_ =	shalt  }
0x70: {  	_ =	shalt  }
0x71: {  	_ =	shalt  }
0x72: {  	_ =	shalt  }
0x73: {  	_ =	shalt  }
0x74: {  	_ =	shalt  }
0x75: {  	_ =	shalt  }
0x76: {  	_ =	shalt  }
0x77: {  	_ =	shalt  }
0x78: {  	_ =	shalt  }
0x79: {  	_ =	shalt  }
0x7a: {  	_ =	shalt  }
0x7b: {  	_ =	shalt  }
0x7c: {  	_ =	shalt  }
0x7d: {  	_ =	shalt  }
0x7e: {  	_ =	shalt  }
0x7f: {  	_ =	shalt  }
0x80: {  	_ =	shalt  }
0x81: {  	_ =	shalt  }
0x82: {  	_ =	shalt  }
0x83: {  	_ =	shalt  }
0x84: {  	_ =	shalt  }
0x85: {  	_ =	shalt  }
0x86: {  	_ =	shalt  }
0x87: {  	_ =	shalt  }
.Lfunc_end0:
.L_simem_size_0:
called_computation.1_lowered:
.L_overlay_start_0:
0x88: {  	s2 =	sld [smem:$0x3FD9]  }
0x89: {  	s3 =	sld [smem:$0x3FFE];
	_ =	sdelay $0x1  }
0x8a: {  	s1 =	srdreg.scid  }
0x8b: {  	s0 =	sand.u32 $0x1, s1  }
0x8c: {  	s17 =	sshll.u32 s0, $0xA;
	s2 =	sadd.s32 s3, s2  }
0x8d: {  	s2 =	sadd.s32 s2, s17  }
0x8e: {  	[smem:$0x3FC6] =	sst s2  }
0x8f: {  	_ = 	snop  }
0x90: {  	s2 =	sld [smem:$0x3FD0];
	(tm) =	ssettm $0x1  }
0x91: {  	s18 =	sld [smem:$0x3FFB];
	_ =	sdelay $0x3  }
0x92: {  	_ =	strace s18  }
0x93: {  	s3 =	sld [smem:$0x3FFC];
	_ =	sdelay $0x3  }
0x94: {  	_ =	strace s3  }
0x95: {  	s3 =	sld [smem:$0x3FFD];
	_ =	sdelay $0x3  }
0x96: {  	_ =	strace s3  }
0x97: {  	_ =	strace $0x8FFFFFFF  }
0x98: {  	s19 =	sld [smem:$0x3FDB];
	_ =	sdelay $0x1  }
0x99: {  	s4 =	simm.s32 $_scs_section_size  }
0x9a: {  	s5 =	simm.s32 $_size__tile_overlayer_lowered;
	s6 =	simm.s32 $_tile_overlayer_lowered  }
0x9b: {  	s22 =	simm.s32 $0x1BFF;
	s21 =	sshll.u32 s6, $0x1;
	s3 =	sadd.s32 s4, s19  }
0x9c: {  	s7 =	simm.s32 $0x0;
	s20 =	sshll.u32 s5, $0x1;
	s5 =	sadd.s32 s21, s3  }
0x9d: {  	[timem:s7], [sflag:s22] =	dma.local [hbm:s5], s20  }
0x9e: {  	_ =	swait.ge [sflag:s22], s20  }
0x9f: {  	s4 =	ssub.s32 $0x0, s20;
	[sflag:s22] =	ssyncset.done $0x0  }
0xa0: {  	[sflag:s22] =	ssyncadd.s32 s4;
	_ =	sdelay $0x1  }
0xa1: {  	s23 =	simm.s32 $0x1B8B  }
0xa2: {  	_ =	swait.ge [sflag:s23], $0x1  }
0xa3: {  	[sflag:s23] =	ssyncset.done $0x0  }
0xa4: {  	s25 =	simm.s32 $0x1B8E;
	s24 =	sld [smem:$0x3FFE];
	[sflag:s23] =	ssyncadd.s32 $0xFFFFFFFF  }
0xa5: {  	s26 =	simm.s32 $execute0_lowered;
	[smem:$0x3FD2] =	sst s25  }
0xa6: {  	s5 =	sshll.u32 s26, $0x1;
	_ =	strace $0x80000049;
	[dreg:$0x1] =	wrdreg $0xFFFFFFFF  }
0xa7: {  	s28 =	simm.s32 $_size_execute0_lowered;
	s3 =	sadd.s32 s3, s5;
	[dreg:$0x0] =	wrdreg $0x0  }
0xa8: {  	s5 =	sshll.u32 s28, $0x1;
	[dreg:$0x2] =	wrdreg s3  }
0xa9: {  	[dreg:$0x3] =	wrdreg s5  }
0xaa: {  	[dreg:$0x4] =	wrdreg $0xC0  }
0xab: {  	_ =	task [dreg:s7], $0x5FFFF  }
0xac: {  	[dreg:$0x1] =	wrdreg $0xFFFFFFFF  }
0xad: {  	[dreg:$0x0] =	wrdreg $0x60  }
0xae: {  	[dreg:$0x2] =	wrdreg s2  }
0xaf: {  	[dreg:$0x3] =	wrdreg s24  }
0xb0: {  	[dreg:$0x4] =	wrdreg $0x9  }
0xb1: {  	_ =	task.clear_ibuf [dreg:s7], $0x5FFFF;
	_ =	strace $0x90000049  }
0xb2: {  	s29 =	simm.s32 $0x9;
	_ =	strace $0x8000004B  }
0xb3: {  	_ =	swait.ge [sflag:s29], $0x1  }
0xb4: {  	[sflag:s29] =	ssyncadd.s32 $0xFFFFFFFF  }
0xb5: {  	_ =	strace $0x9000004B  }
0xb6: {  	_ =	sfence  }
0xb7: {  	s30 =	sld [smem:$0x0];
	_ =	sdelay $0x2  }
0xb8: {  	s31 =	sshll.u32 s1, $0xD;
	s1 =	sshrl.u32 s1, $0x2  }
0xb9: {  	s3 =	sand.u32 $0x4000, s31;
	s1 =	sadd.s32 s1, s30  }
0xba: {  	s0 =	sor.u32 s3, s0;
	s1 =	sshll.u32 s1, $0x11  }
0xbb: {  	s0 =	sor.u32 s1, s0  }
0xbc: {  	s0 =	sadd.s32 $0x8F2B, s0  }
0xbd: {  	[sflag:s0] =	ssyncadd.remote.s32 $0x1  }
0xbe: {  	_ =	sfence.sel $0xFFFF  }
0xbf: {  	[dreg:$0x0] =	wrdreg $0xFFFFFFFF;
	(pc) =	sbr.abs _section_cstart, $3  }
0xc0: {  	[dreg:$0x1] =	wrdreg $0xFFFFFFFF  }
0xc1: {  	_ =	task.clear_ibuf [dreg:s7], $0x2FFFF;
	_ =	strace $0x9FFFFFFF  }
0xc2: {  	(tm) =	ssettm $0x7FFFFFFF  }
0xc3: {  	_ =	shalt  }
tec
execute0_lowered:
.L_overlay_start_1:
0x0: {  	(tag) =	ssettag $0x1  }
0x1: {  	s0 =	srdreg.scid;
	s3 =	stileid.u32  }
0x2: {  	s1 =	sand.u32 $0x1, s0;
	s3 =	sshll.u32 s3, $0x1  }
0x3: {  	s4 =	sor.u32 s1, s3  }
0x4: {  	s2 =	rddreg [dreg:$0x0];
	s6 =	ssub.s32 $0x2, s1;
	s3 =	sshll.u32 s4, $0x2  }
0x5: {  	s0 =	rddreg [dreg:$0x1];
	s10 =	sshrl.u32 s6, $0x1;
	s11 =	sor.u32 $0x80, s3  }
0x6: {  	s5 =	sadd.s32 $0x1B8800, s0;
	s1 =	ssub.s32 s6, s10;
	s8 =	sadd.s32 s2, s11  }
0x7: {  	s7 =	sor.u32 $0x100, s3;
	s6 =	sadd.s32 s5, s11;
	[dreg:$0x3] =	wrdreg s8  }
0x8: {  	s12 =	sadd.s32 s2, s7;
	[dreg:$0x4] =	wrdreg s6  }
0x9: {  	s14 =	sor.u32 $0x180, s3;
	s13 =	sadd.s32 s5, s7;
	[dreg:$0x5] =	wrdreg s12  }
0xa: {  	s15 =	sor.u32 $0x200, s3;
	s16 =	sadd.s32 s2, s14;
	[dreg:$0x6] =	wrdreg s13  }
0xb: {  	s17 =	sadd.s32 s2, s15;
	[dreg:$0x7] =	wrdreg s16  }
0xc: {  	s19 =	sor.u32 $0x280, s3;
	s18 =	sadd.s32 s5, s15;
	[dreg:$0x9] =	wrdreg s17  }
0xd: {  	s20 =	sor.u32 $0x300, s3;
	s21 =	sadd.s32 s2, s19;
	[dreg:$0xa] =	wrdreg s18  }
0xe: {  	s22 =	sadd.s32 s2, s20;
	[dreg:$0xb] =	wrdreg s21  }
0xf: {  	s24 =	sor.u32 $0x380, s3;
	s23 =	sadd.s32 s5, s20;
	[dreg:$0xd] =	wrdreg s22  }
0x10: {  	s25 =	sor.u32 $0x400, s3;
	s26 =	sadd.s32 s2, s24;
	[dreg:$0xe] =	wrdreg s23  }
0x11: {  	s9 =	sadd.s32 s5, s25;
	[dreg:$0xf] =	wrdreg s26  }
0x12: {  	s6 =	sadd.s32 s5, s14;
	[dreg:$0x12] =	wrdreg s9  }
0x13: {  	s10 =	sor.u32 $0x480, s3;
	s8 =	sadd.s32 s2, s25;
	[dreg:$0x8] =	wrdreg s6  }
0x14: {  	s11 =	sor.u32 $0x500, s3;
	s12 =	sadd.s32 s2, s10;
	[dreg:$0x11] =	wrdreg s8  }
0x15: {  	s13 =	sadd.s32 s2, s11;
	[dreg:$0x13] =	wrdreg s12  }
0x16: {  	s15 =	sor.u32 $0x580, s3;
	s14 =	sadd.s32 s5, s11;
	[dreg:$0x15] =	wrdreg s13  }
0x17: {  	s20 =	sor.u32 $0x680, s3;
	s17 =	sadd.s32 s2, s15;
	[dreg:$0x16] =	wrdreg s14  }
0x18: {  	s22 =	sadd.s32 s2, s20;
	[dreg:$0x17] =	wrdreg s17  }
0x19: {  	s16 =	sor.u32 $0x600, s3;
	s6 =	sadd.s32 s5, s19;
	[dreg:$0x1b] =	wrdreg s22  }
0x1a: {  	s18 =	sadd.s32 s2, s16;
	[dreg:$0xc] =	wrdreg s6  }
0x1b: {  	s21 =	sor.u32 $0x700, s3;
	s19 =	sadd.s32 s5, s16;
	[dreg:$0x19] =	wrdreg s18  }
0x1c: {  	s25 =	sor.u32 $0x780, s3;
	s23 =	sadd.s32 s2, s21;
	[dreg:$0x1a] =	wrdreg s19  }
0x1d: {  	s26 =	sor.u32 $0x800, s3;
	s9 =	sadd.s32 s2, s25;
	[dreg:$0x1d] =	wrdreg s23  }
0x1e: {  	s11 =	sadd.s32 s5, s26;
	[dreg:$0x1f] =	wrdreg s9  }
0x1f: {  	s8 =	sadd.s32 s2, s3;
	[smem:$0x79A] =	sst s11  }
0x20: {  	s6 =	sadd.s32 s5, s24;
	[smem:$0x7B7] =	sst s8  }
0x21: {  	s12 =	sor.u32 $0x880, s3;
	s24 =	sadd.s32 s5, s21;
	[dreg:$0x10] =	wrdreg s6  }
0x22: {  	s13 =	sor.u32 $0x900, s3;
	s14 =	sadd.s32 s2, s12;
	[dreg:$0x1e] =	wrdreg s24  }
0x23: {  	s17 =	sor.u32 $0x980, s3;
	s16 =	sadd.s32 s5, s13;
	[smem:$0x79B] =	sst s14  }
0x24: {  	s19 =	sadd.s32 s2, s17;
	[smem:$0x79E] =	sst s16  }
0x25: {  	s6 =	sadd.s32 s5, s10;
	[smem:$0x79F] =	sst s19  }
0x26: {  	s18 =	sor.u32 $0xA00, s3;
	s10 =	sadd.s32 s2, s26;
	[dreg:$0x14] =	wrdreg s6  }
0x27: {  	s22 =	sor.u32 $0xA80, s3;
	s21 =	sadd.s32 s5, s18;
	[smem:$0x799] =	sst s10  }
0x28: {  	s23 =	sor.u32 $0xB00, s3;
	s24 =	sadd.s32 s2, s22;
	[smem:$0x7A2] =	sst s21  }
0x29: {  	s9 =	sor.u32 $0xC00, s3;
	s26 =	sadd.s32 s5, s23;
	[smem:$0x7A3] =	sst s24  }
0x2a: {  	s11 =	sadd.s32 s2, s9;
	[smem:$0x7A6] =	sst s26  }
0x2b: {  	s6 =	sadd.s32 s5, s15;
	[smem:$0x7A9] =	sst s11  }
0x2c: {  	s7 =	sor.u32 $0xB80, s3;
	s15 =	sadd.s32 s2, s13;
	[dreg:$0x18] =	wrdreg s6  }
0x2d: {  	s14 =	sor.u32 $0xD00, s3;
	s10 =	sadd.s32 s2, s7;
	[smem:$0x79D] =	sst s15  }
0x2e: {  	s19 =	sor.u32 $0xE00, s3;
	s16 =	sadd.s32 s2, s14;
	[smem:$0x7A7] =	sst s10  }
0x2f: {  	s21 =	sadd.s32 s2, s19;
	[smem:$0x7AD] =	sst s16  }
0x30: {  	s6 =	sadd.s32 s5, s20;
	[smem:$0x7B1] =	sst s21  }
0x31: {  	s13 =	sor.u32 $0xC80, s3;
	s20 =	sadd.s32 s2, s18;
	[dreg:$0x1c] =	wrdreg s6  }
0x32: {  	s24 =	sor.u32 $0xF00, s3;
	s15 =	sadd.s32 s2, s13;
	[smem:$0x7A1] =	sst s20  }
0x33: {  	s26 =	sadd.s32 s2, s24;
	[smem:$0x7AB] =	sst s15  }
0x34: {  	s6 =	sadd.s32 s5, s25;
	[smem:$0x7B5] =	sst s26  }
0x35: {  	s18 =	sor.u32 $0xD80, s3;
	s25 =	sadd.s32 s2, s23;
	[smem:$0x798] =	sst s6  }
0x36: {  	s10 =	sor.u32 $0xF80, s3;
	s20 =	sadd.s32 s2, s18;
	[smem:$0x7A5] =	sst s25  }
0x37: {  	s11 =	sadd.s32 s2, s10;
	[smem:$0x7AF] =	sst s20  }
0x38: {  	s6 =	sadd.s32 s5, s12;
	[smem:$0x7B9] =	sst s11  }
0x39: {  	s23 =	sor.u32 $0xE80, s3;
	s12 =	sadd.s32 s5, s9;
	[smem:$0x79C] =	sst s6  }
0x3a: {  	s25 =	sadd.s32 s2, s23;
	[smem:$0x7AA] =	sst s12  }
0x3b: {  	s9 =	sadd.s32 s5, s3;
	[smem:$0x7B3] =	sst s25  }
0x3c: {  	s6 =	sadd.s32 s5, s17;
	[smem:$0x7B8] =	sst s9  }
0x3d: {  	s17 =	sadd.s32 s5, s14;
	[smem:$0x7A0] =	sst s6  }
0x3e: {  	s6 =	sadd.s32 s5, s22;
	[smem:$0x7AE] =	sst s17  }
0x3f: {  	[smem:$0x7A4] =	sst s6;
	s6 =	sadd.s32 s5, s7  }
0x40: {  	[smem:$0x7A8] =	sst s6;
	s6 =	sadd.s32 s5, s13  }
0x41: {  	[smem:$0x7AC] =	sst s6;
	s6 =	sadd.s32 s5, s18  }
0x42: {  	[smem:$0x7B0] =	sst s6;
	s6 =	sadd.s32 s5, s23  }
0x43: {  	s22 =	sadd.s32 s5, s19;
	[smem:$0x7B4] =	sst s6;
	s6 =	sshllo.u32 s4, $0x1  }
0x44: {  	[smem:$0x7B2] =	sst s22;
	s7 =	sadd.s32 s5, s24;
	s3 =	sshll.u32 s6, $0x1  }
0x45: {  	[smem:$0x7B6] =	sst s7;
	s7 =	sadd.s32 s5, s10;
	s12 =	sor.u32 $0x80, s3  }
0x46: {  	[smem:$0x7BA] =	sst s7;
	s13 =	sadd.s32 s2, s12  }
0x47: {  	s14 =	sor.u32 $0x100, s3;
	s7 =	sadd.s32 s5, s12;
	[smem:$0x7BB] =	sst s13  }
0x48: {  	s16 =	sor.u32 $0x180, s3;
	s15 =	sadd.s32 s2, s14;
	[smem:$0x7BC] =	sst s7  }
0x49: {  	s18 =	sor.u32 $0x200, s3;
	s17 =	sadd.s32 s2, s16;
	[smem:$0x7BD] =	sst s15  }
0x4a: {  	s20 =	sor.u32 $0x280, s3;
	s19 =	sadd.s32 s2, s18;
	[smem:$0x7BF] =	sst s17  }
0x4b: {  	s22 =	sor.u32 $0x300, s3;
	s21 =	sadd.s32 s2, s20;
	[smem:$0x7C1] =	sst s19  }
0x4c: {  	s24 =	sor.u32 $0x380, s3;
	s23 =	sadd.s32 s2, s22;
	[smem:$0x7C3] =	sst s21  }
0x4d: {  	s26 =	sor.u32 $0x400, s3;
	s25 =	sadd.s32 s2, s24;
	[smem:$0x7C5] =	sst s23  }
0x4e: {  	s10 =	sor.u32 $0x480, s3;
	s9 =	sadd.s32 s2, s26;
	[smem:$0x7C7] =	sst s25  }
0x4f: {  	s11 =	sadd.s32 s2, s10;
	[smem:$0x7C9] =	sst s9  }
0x50: {  	s12 =	sor.u32 $0x500, s3;
	s7 =	sadd.s32 s5, s14;
	[smem:$0x7CB] =	sst s11  }
0x51: {  	s13 =	sadd.s32 s2, s12;
	[smem:$0x7BE] =	sst s7  }
0x52: {  	s14 =	sor.u32 $0x580, s3;
	s7 =	sadd.s32 s5, s16;
	[smem:$0x7CD] =	sst s13  }
0x53: {  	s15 =	sadd.s32 s2, s14;
	[smem:$0x7C0] =	sst s7  }
0x54: {  	s16 =	sor.u32 $0x600, s3;
	s7 =	sadd.s32 s5, s18;
	[smem:$0x7CF] =	sst s15  }
0x55: {  	s17 =	sadd.s32 s2, s16;
	[smem:$0x7C2] =	sst s7  }
0x56: {  	s18 =	sor.u32 $0x680, s3;
	s7 =	sadd.s32 s5, s20;
	[smem:$0x7D1] =	sst s17  }
0x57: {  	s19 =	sadd.s32 s2, s18;
	[smem:$0x7C4] =	sst s7  }
0x58: {  	s20 =	sor.u32 $0x700, s3;
	s7 =	sadd.s32 s5, s22;
	[smem:$0x7D3] =	sst s19  }
0x59: {  	s21 =	sadd.s32 s2, s20;
	[smem:$0x7C6] =	sst s7  }
0x5a: {  	s22 =	sor.u32 $0x780, s3;
	s7 =	sadd.s32 s5, s24;
	[smem:$0x7D5] =	sst s21  }
0x5b: {  	s23 =	sadd.s32 s2, s22;
	[smem:$0x7C8] =	sst s7  }
0x5c: {  	s24 =	sor.u32 $0x800, s3;
	s7 =	sadd.s32 s5, s26;
	[smem:$0x7D7] =	sst s23  }
0x5d: {  	s25 =	sadd.s32 s2, s24;
	[smem:$0x7CA] =	sst s7  }
0x5e: {  	s26 =	sor.u32 $0x880, s3;
	s7 =	sadd.s32 s5, s10;
	[smem:$0x7D9] =	sst s25  }
0x5f: {  	s9 =	sadd.s32 s2, s26;
	[smem:$0x7CC] =	sst s7  }
0x60: {  	s10 =	sor.u32 $0x900, s3;
	s7 =	sadd.s32 s5, s12;
	[smem:$0x7DB] =	sst s9  }
0x61: {  	s11 =	sadd.s32 s2, s10;
	[smem:$0x7CE] =	sst s7  }
0x62: {  	s12 =	sor.u32 $0x980, s3;
	s7 =	sadd.s32 s5, s14;
	[smem:$0x7DD] =	sst s11  }
0x63: {  	s13 =	sadd.s32 s2, s12;
	[smem:$0x7D0] =	sst s7  }
0x64: {  	s14 =	sor.u32 $0xA00, s3;
	s7 =	sadd.s32 s5, s16;
	[smem:$0x7DF] =	sst s13  }
0x65: {  	s15 =	sadd.s32 s2, s14;
	[smem:$0x7D2] =	sst s7  }
0x66: {  	s16 =	sor.u32 $0xA80, s3;
	s7 =	sadd.s32 s5, s18;
	[smem:$0x7E1] =	sst s15  }
0x67: {  	s17 =	sadd.s32 s2, s16;
	[smem:$0x7D4] =	sst s7  }
0x68: {  	s18 =	sor.u32 $0xB00, s3;
	s7 =	sadd.s32 s5, s20;
	[smem:$0x7E3] =	sst s17  }
0x69: {  	s28 =	simm.s32 $0x230;
	s19 =	sadd.s32 s2, s18;
	[smem:$0x7D6] =	sst s7  }
0x6a: {  	s20 =	sor.u32 $0xB80, s3;
	s7 =	sadd.s32 s5, s22;
	[smem:$0x7E5] =	sst s19  }
0x6b: {  	s29 =	simm.s32 $0x240;
	s21 =	sadd.s32 s2, s20;
	[smem:$0x7D8] =	sst s7  }
0x6c: {  	s30 =	simm.s32 $0x250;
	s19 =	sadd.s32 s5, s3;
	[smem:$0x7E7] =	sst s21  }
0x6d: {  	s22 =	sor.u32 $0xC00, s3;
	s7 =	sadd.s32 s5, s24;
	[smem:$0x7F8] =	sst s19  }
0x6e: {  	s31 =	simm.s32 $0x260;
	s23 =	sadd.s32 s2, s22;
	[smem:$0x7DA] =	sst s7  }
0x6f: {  	s24 =	sor.u32 $0xC80, s3;
	s7 =	sadd.s32 s5, s26;
	[smem:$0x7E9] =	sst s23  }
0x70: {  	s8 =	sadd.s32 $0x1B9800, s0;
	s25 =	sadd.s32 s2, s24;
	[smem:$0x7DC] =	sst s7  }
0x71: {  	s26 =	sor.u32 $0xD00, s3;
	s7 =	sadd.s32 s5, s10;
	[smem:$0x7EB] =	sst s25  }
0x72: {  	s19 =	simm.s32 $0x350;
	s9 =	sadd.s32 s2, s26;
	[smem:$0x7DE] =	sst s7  }
0x73: {  	s10 =	sor.u32 $0xD80, s3;
	s7 =	sadd.s32 s5, s12;
	[smem:$0x7ED] =	sst s9  }
0x74: {  	s23 =	sshll.u32 s6, $0x8;
	s11 =	sadd.s32 s2, s10;
	[smem:$0x7E0] =	sst s7  }
0x75: {  	s12 =	sor.u32 $0xE00, s3;
	s7 =	sadd.s32 s5, s14;
	[smem:$0x7EF] =	sst s11  }
0x76: {  	s6 =	simm.s32 $0x330;
	s13 =	sadd.s32 s2, s12;
	[smem:$0x7E2] =	sst s7  }
0x77: {  	s14 =	sor.u32 $0xE80, s3;
	s7 =	sadd.s32 s5, s16;
	[smem:$0x7F1] =	sst s13  }
0x78: {  	s9 =	simm.s32 $0x0;
	s15 =	sadd.s32 s2, s14;
	[smem:$0x7E4] =	sst s7  }
0x79: {  	s16 =	sor.u32 $0xF00, s3;
	s7 =	sadd.s32 s5, s18;
	[smem:$0x7F3] =	sst s15  }
0x7a: {  	s11 =	simm.s32 $0x10;
	s17 =	sadd.s32 s2, s16;
	[smem:$0x7E6] =	sst s7  }
0x7b: {  	s13 =	simm.s32 $0x2E0;
	s18 =	sadd.s32 s2, s3;
	[smem:$0x7F5] =	sst s17  }
0x7c: {  	s15 =	simm.s32 $0x300;
	s7 =	sadd.s32 s5, s20;
	[smem:$0x7F7] =	sst s18  }
0x7d: {  	s20 =	sor.u32 $0xF80, s3;
	s3 =	simm.s32 $0x0;
	s17 =	simm.s32 $0x320  }
0x7e: {  	s18 =	simm.s32 $0x340;
	[smem:$0x7E8] =	sst s7;
	s7 =	sadd.s32 s5, s22  }
0x7f: {  	s2 =	sadd.s32 s2, s20;
	s21 =	sadd.s32 s5, s20;
	[smem:$0x7FF] =	sst s3  }
0x80: {  	s22 =	sshll.u32 s4, $0x9;
	s4 =	simm.s32 $0x2B0;
	[smem:$0x7EA] =	sst s7  }
0x81: {  	s20 =	simm.s32 $0x360;
	s7 =	sadd.s32 s5, s24;
	[smem:$0x7F9] =	sst s2  }
0x82: {  	[smem:$0x7FA] =	sst s21;
	s24 =	sadd.s32 $0xE00, s0;
	s0 =	simm.s32 $0x270  }
0x83: {  	s21 =	simm.s32 $0x370;
	[smem:$0x7EC] =	sst s7;
	s7 =	sadd.s32 s5, s26  }
0x84: {  	s2 =	sadd.s32 s24, s22;
	s25 =	sadd.s32 s24, s23;
	[smem:$0x7EE] =	sst s7  }
0x85: {  	s26 =	smax.u32 s1, $0x1;
	s1 =	simm.s32 $0x280;
	[smem:$0x7FB] =	sst s2  }
0x86: {  	s22 =	simm.s32 $0x2;
	s7 =	sadd.s32 s5, s10;
	[smem:$0x7FC] =	sst s25  }
0x87: {  	s25 =	simm.s32 $0x210;
	s2 =	simm.s32 $0x290;
	s10 =	simm.s32 $0x2A0  }
0x88: {  	[smem:$0x7F0] =	sst s7;
	s7 =	sadd.s32 s5, s12;
	s12 =	simm.s32 $0x2C0  }
0x89: {  	[smem:$0x7F2] =	sst s7;
	s7 =	sadd.s32 s5, s14;
	s14 =	simm.s32 $0x2F0  }
0x8a: {  	[smem:$0x7F4] =	sst s7;
	s7 =	sadd.s32 s5, s16;
	s5 =	simm.s32 $0x2D0  }
0x8b: {  	s16 =	simm.s32 $0x310;
	[smem:$0x7F6] =	sst s7;
	s7 =	simm.s32 $0x1  }
0x8c: {  	_ =	strace $0x8000004A;
	[smem:$0x7FD] =	sst s26;
	s26 =	simm.s32 $0x220  }
.LBB2_1:
0x8d: {  	s23 =	sld [smem:$0x7B7];
	_ =	sdelay $0x2  }
0x8e: {  	[tilespmem:s3], [sflag:$0x1] =	stream.linear.gather [hbm4b:s23+s3], $0x10, $0x38;
	[tilespmem:$0x1480] =	vst v63  }
0x8f: {  	s23 =	sld [smem:$0x7B8];
	_ =	sdelay $0x1  }
0x90: {  	s24 =	simm.s32 $0x200  }
0x91: {  	[tilespmem:s24], [sflag:$0x1] =	stream.linear.gather [hbm4b:s23+s3], $0x10, $0x38;
	[tilespmem:$0x1480] =	vst v63  }
0x92: {  	s24 =	rddreg [dreg:$0x3]  }
0x93: {  	[tilespmem:s11], [sflag:$0x1] =	stream.linear.gather [hbm4b:s24+s3], $0x10, $0x38;
	[tilespmem:$0x1480] =	vst v63  }
0x94: {  	s24 =	rddreg [dreg:$0x4]  }
0x95: {  	[tilespmem:s25], [sflag:$0x1] =	stream.linear.gather [hbm4b:s24+s3], $0x10, $0x38;
	[tilespmem:$0x1480] =	vst v63  }
0x96: {  	s24 =	rddreg [dreg:$0x5];
	s25 =	simm.s32 $0x20  }
0x97: {  	[tilespmem:s25], [sflag:$0x1] =	stream.linear.gather [hbm4b:s24+s3], $0x10, $0x38;
	[tilespmem:$0x1480] =	vst v63  }
0x98: {  	s24 =	rddreg [dreg:$0x6]  }
0x99: {  	s25 =	rddreg [dreg:$0x7]  }
0x9a: {  	[tilespmem:s26], [sflag:$0x1] =	stream.linear.gather [hbm4b:s24+s3], $0x10, $0x38;
	[tilespmem:$0x1480] =	vst v63  }
0x9b: {  	s26 =	simm.s32 $0x30;
	s24 =	rddreg [dreg:$0xa]  }
0x9c: {  	[tilespmem:s26], [sflag:$0x1] =	stream.linear.gather [hbm4b:s25+s3], $0x10, $0x38;
	[tilespmem:$0x1480] =	vst v63  }
0x9d: {  	s25 =	rddreg [dreg:$0x8]  }
0x9e: {  	[tilespmem:s28], [sflag:$0x1] =	stream.linear.gather [hbm4b:s25+s3], $0x10, $0x38;
	[tilespmem:$0x1480] =	vst v63  }
0x9f: {  	s26 =	rddreg [dreg:$0x9];
	s28 =	simm.s32 $0x40  }
0xa0: {  	[tilespmem:s28], [sflag:$0x1] =	stream.linear.gather [hbm4b:s26+s3], $0x10, $0x38;
	[tilespmem:$0x1480] =	vst v63  }
0xa1: {  	s25 =	rddreg [dreg:$0xb]  }
0xa2: {  	[tilespmem:s29], [sflag:$0x1] =	stream.linear.gather [hbm4b:s24+s3], $0x10, $0x38;
	[tilespmem:$0x1480] =	vst v63  }
0xa3: {  	s26 =	simm.s32 $0x50;
	s28 =	rddreg [dreg:$0xc]  }
0xa4: {  	[tilespmem:s26], [sflag:$0x1] =	stream.linear.gather [hbm4b:s25+s3], $0x10, $0x38;
	[tilespmem:$0x1480] =	vst v63  }
0xa5: {  	s29 =	rddreg [dreg:$0xd]  }
0xa6: {  	[tilespmem:s30], [sflag:$0x1] =	stream.linear.gather [hbm4b:s28+s3], $0x10, $0x38;
	[tilespmem:$0x1480] =	vst v63  }
0xa7: {  	s24 =	rddreg [dreg:$0x12];
	s30 =	simm.s32 $0x60  }
0xa8: {  	[tilespmem:s30], [sflag:$0x1] =	stream.linear.gather [hbm4b:s29+s3], $0x10, $0x38;
	[tilespmem:$0x1480] =	vst v63  }
0xa9: {  	s25 =	rddreg [dreg:$0xe]  }
0xaa: {  	[tilespmem:s31], [sflag:$0x1] =	stream.linear.gather [hbm4b:s25+s3], $0x10, $0x38;
	[tilespmem:$0x1480] =	vst v63  }
0xab: {  	s26 =	rddreg [dreg:$0xf];
	s28 =	simm.s32 $0x70  }
0xac: {  	[tilespmem:s28], [sflag:$0x1] =	stream.linear.gather [hbm4b:s26+s3], $0x10, $0x38;
	[tilespmem:$0x1480] =	vst v63  }
0xad: {  	s29 =	rddreg [dreg:$0x10]  }
0xae: {  	[tilespmem:s0], [sflag:$0x1] =	stream.linear.gather [hbm4b:s29+s3], $0x10, $0x38;
	[tilespmem:$0x1480] =	vst v63  }
0xaf: {  	s30 =	rddreg [dreg:$0x11];
	s31 =	simm.s32 $0x80  }
0xb0: {  	[tilespmem:s31], [sflag:$0x1] =	stream.linear.gather [hbm4b:s30+s3], $0x10, $0x38;
	[tilespmem:$0x1480] =	vst v63  }
0xb1: {  	s25 =	rddreg [dreg:$0x13]  }
0xb2: {  	[tilespmem:s1], [sflag:$0x1] =	stream.linear.gather [hbm4b:s24+s3], $0x10, $0x38;
	[tilespmem:$0x1480] =	vst v63  }
0xb3: {  	s26 =	simm.s32 $0x90;
	s28 =	rddreg [dreg:$0x14]  }
0xb4: {  	[tilespmem:s26], [sflag:$0x1] =	stream.linear.gather [hbm4b:s25+s3], $0x10, $0x38;
	[tilespmem:$0x1480] =	vst v63  }
0xb5: {  	s29 =	rddreg [dreg:$0x15]  }
0xb6: {  	[tilespmem:s2], [sflag:$0x1] =	stream.linear.gather [hbm4b:s28+s3], $0x10, $0x38;
	[tilespmem:$0x1480] =	vst v63  }
0xb7: {  	s0 =	rddreg [dreg:$0x17];
	s30 =	simm.s32 $0xA0  }
0xb8: {  	[tilespmem:s30], [sflag:$0x1] =	stream.linear.gather [hbm4b:s29+s3], $0x10, $0x38;
	[tilespmem:$0x1480] =	vst v63  }
0xb9: {  	s31 =	rddreg [dreg:$0x16]  }
0xba: {  	[tilespmem:s10], [sflag:$0x1] =	stream.linear.gather [hbm4b:s31+s3], $0x10, $0x38;
	[tilespmem:$0x1480] =	vst v63  }
0xbb: {  	s1 =	simm.s32 $0xB0;
	s25 =	rddreg [dreg:$0x1a]  }
0xbc: {  	[tilespmem:s1], [sflag:$0x1] =	stream.linear.gather [hbm4b:s0+s3], $0x10, $0x38;
	[tilespmem:$0x1480] =	vst v63  }
0xbd: {  	s2 =	rddreg [dreg:$0x18]  }
0xbe: {  	[tilespmem:s4], [sflag:$0x1] =	stream.linear.gather [hbm4b:s2+s3], $0x10, $0x38;
	[tilespmem:$0x1480] =	vst v63  }
0xbf: {  	s24 =	simm.s32 $0xC0;
	s10 =	rddreg [dreg:$0x19]  }
0xc0: {  	[tilespmem:s24], [sflag:$0x1] =	stream.linear.gather [hbm4b:s10+s3], $0x10, $0x38;
	[tilespmem:$0x1480] =	vst v63  }
0xc1: {  	s26 =	rddreg [dreg:$0x1b]  }
0xc2: {  	[tilespmem:s12], [sflag:$0x1] =	stream.linear.gather [hbm4b:s25+s3], $0x10, $0x38;
	[tilespmem:$0x1480] =	vst v63  }
0xc3: {  	s28 =	simm.s32 $0xD0;
	s29 =	rddreg [dreg:$0x1c]  }
0xc4: {  	[tilespmem:s28], [sflag:$0x1] =	stream.linear.gather [hbm4b:s26+s3], $0x10, $0x38;
	[tilespmem:$0x1480] =	vst v63  }
0xc5: {  	s30 =	rddreg [dreg:$0x1d]  }
0xc6: {  	[tilespmem:s5], [sflag:$0x1] =	stream.linear.gather [hbm4b:s29+s3], $0x10, $0x38;
	[tilespmem:$0x1480] =	vst v63  }
0xc7: {  	s31 =	simm.s32 $0xE0;
	s1 =	rddreg [dreg:$0x1e]  }
0xc8: {  	[tilespmem:s31], [sflag:$0x1] =	stream.linear.gather [hbm4b:s30+s3], $0x10, $0x38;
	[tilespmem:$0x1480] =	vst v63  }
0xc9: {  	s2 =	rddreg [dreg:$0x1f]  }
0xca: {  	[tilespmem:s13], [sflag:$0x1] =	stream.linear.gather [hbm4b:s1+s3], $0x10, $0x38;
	[tilespmem:$0x1480] =	vst v63  }
0xcb: {  	s4 =	simm.s32 $0xF0;
	s5 =	sld [smem:$0x798]  }
0xcc: {  	[tilespmem:s4], [sflag:$0x1] =	stream.linear.gather [hbm4b:s2+s3], $0x10, $0x38;
	[tilespmem:$0x1480] =	vst v63  }
0xcd: {  	s10 =	sld [smem:$0x799]  }
0xce: {  	[tilespmem:s14], [sflag:$0x1] =	stream.linear.gather [hbm4b:s5+s3], $0x10, $0x38;
	[tilespmem:$0x1480] =	vst v63  }
0xcf: {  	s12 =	simm.s32 $0x100;
	s13 =	sld [smem:$0x79A]  }
0xd0: {  	[tilespmem:s12], [sflag:$0x1] =	stream.linear.gather [hbm4b:s10+s3], $0x10, $0x38;
	[tilespmem:$0x1480] =	vst v63  }
0xd1: {  	s14 =	sld [smem:$0x79B]  }
0xd2: {  	[tilespmem:s15], [sflag:$0x1] =	stream.linear.gather [hbm4b:s13+s3], $0x10, $0x38;
	[tilespmem:$0x1480] =	vst v63  }
0xd3: {  	s24 =	sld [smem:$0x79C];
	s15 =	simm.s32 $0x110  }
0xd4: {  	[tilespmem:s15], [sflag:$0x1] =	stream.linear.gather [hbm4b:s14+s3], $0x10, $0x38;
	[tilespmem:$0x1480] =	vst v63  }
0xd5: {  	s25 =	sld [smem:$0x79D]  }
0xd6: {  	[tilespmem:s16], [sflag:$0x1] =	stream.linear.gather [hbm4b:s24+s3], $0x10, $0x38;
	[tilespmem:$0x1480] =	vst v63  }
0xd7: {  	s26 =	simm.s32 $0x120;
	s28 =	sld [smem:$0x79E]  }
0xd8: {  	[tilespmem:s26], [sflag:$0x1] =	stream.linear.gather [hbm4b:s25+s3], $0x10, $0x38;
	[tilespmem:$0x1480] =	vst v63  }
0xd9: {  	s29 =	sld [smem:$0x79F]  }
0xda: {  	[tilespmem:s17], [sflag:$0x1] =	stream.linear.gather [hbm4b:s28+s3], $0x10, $0x38;
	[tilespmem:$0x1480] =	vst v63  }
0xdb: {  	s30 =	simm.s32 $0x130;
	s31 =	sld [smem:$0x7A0]  }
0xdc: {  	[tilespmem:s30], [sflag:$0x1] =	stream.linear.gather [hbm4b:s29+s3], $0x10, $0x38;
	[tilespmem:$0x1480] =	vst v63  }
0xdd: {  	s0 =	sld [smem:$0x7A1]  }
0xde: {  	[tilespmem:s6], [sflag:$0x1] =	stream.linear.gather [hbm4b:s31+s3], $0x10, $0x38;
	[tilespmem:$0x1480] =	vst v63  }
0xdf: {  	s1 =	simm.s32 $0x140;
	s2 =	sld [smem:$0x7A2]  }
0xe0: {  	[tilespmem:s1], [sflag:$0x1] =	stream.linear.gather [hbm4b:s0+s3], $0x10, $0x38;
	[tilespmem:$0x1480] =	vst v63  }
0xe1: {  	s4 =	sld [smem:$0x7A3]  }
0xe2: {  	[tilespmem:s18], [sflag:$0x1] =	stream.linear.gather [hbm4b:s2+s3], $0x10, $0x38;
	[tilespmem:$0x1480] =	vst v63  }
0xe3: {  	s5 =	simm.s32 $0x150;
	s6 =	sld [smem:$0x7A4]  }
0xe4: {  	[tilespmem:s5], [sflag:$0x1] =	stream.linear.gather [hbm4b:s4+s3], $0x10, $0x38;
	[tilespmem:$0x1480] =	vst v63  }
0xe5: {  	s10 =	sld [smem:$0x7A5]  }
0xe6: {  	[tilespmem:s19], [sflag:$0x1] =	stream.linear.gather [hbm4b:s6+s3], $0x10, $0x38;
	[tilespmem:$0x1480] =	vst v63  }
0xe7: {  	s12 =	simm.s32 $0x160;
	s13 =	sld [smem:$0x7A6]  }
0xe8: {  	[tilespmem:s12], [sflag:$0x1] =	stream.linear.gather [hbm4b:s10+s3], $0x10, $0x38;
	[tilespmem:$0x1480] =	vst v63  }
0xe9: {  	s14 =	sld [smem:$0x7A7]  }
0xea: {  	[tilespmem:s20], [sflag:$0x1] =	stream.linear.gather [hbm4b:s13+s3], $0x10, $0x38;
	[tilespmem:$0x1480] =	vst v63  }
0xeb: {  	s15 =	simm.s32 $0x170;
	s16 =	sld [smem:$0x7A8]  }
0xec: {  	[tilespmem:s15], [sflag:$0x1] =	stream.linear.gather [hbm4b:s14+s3], $0x10, $0x38;
	[tilespmem:$0x1480] =	vst v63  }
0xed: {  	s17 =	sld [smem:$0x7A9]  }
0xee: {  	[tilespmem:s21], [sflag:$0x1] =	stream.linear.gather [hbm4b:s16+s3], $0x10, $0x38;
	[tilespmem:$0x1480] =	vst v63  }
0xef: {  	s18 =	simm.s32 $0x180;
	s19 =	sld [smem:$0x7AA]  }
0xf0: {  	[tilespmem:s18], [sflag:$0x1] =	stream.linear.gather [hbm4b:s17+s3], $0x10, $0x38;
	[tilespmem:$0x1480] =	vst v63  }
0xf1: {  	s20 =	simm.s32 $0x380;
	s21 =	sld [smem:$0x7AB]  }
0xf2: {  	[tilespmem:s20], [sflag:$0x1] =	stream.linear.gather [hbm4b:s19+s3], $0x10, $0x38;
	[tilespmem:$0x1480] =	vst v63  }
0xf3: {  	s24 =	simm.s32 $0x190;
	s25 =	sld [smem:$0x7AC]  }
0xf4: {  	[tilespmem:s24], [sflag:$0x1] =	stream.linear.gather [hbm4b:s21+s3], $0x10, $0x38;
	[tilespmem:$0x1480] =	vst v63  }
0xf5: {  	s26 =	simm.s32 $0x390;
	s28 =	sld [smem:$0x7AD]  }
0xf6: {  	[tilespmem:s26], [sflag:$0x1] =	stream.linear.gather [hbm4b:s25+s3], $0x10, $0x38;
	[tilespmem:$0x1480] =	vst v63  }
0xf7: {  	s29 =	simm.s32 $0x1A0;
	s30 =	sld [smem:$0x7AE]  }
0xf8: {  	[tilespmem:s29], [sflag:$0x1] =	stream.linear.gather [hbm4b:s28+s3], $0x10, $0x38;
	[tilespmem:$0x1480] =	vst v63  }
0xf9: {  	s31 =	simm.s32 $0x3A0;
	s1 =	sld [smem:$0x7AF]  }
0xfa: {  	[tilespmem:s31], [sflag:$0x1] =	stream.linear.gather [hbm4b:s30+s3], $0x10, $0x38;
	[tilespmem:$0x1480] =	vst v63  }
0xfb: {  	s2 =	simm.s32 $0x1B0;
	s4 =	sld [smem:$0x7B0]  }
0xfc: {  	[tilespmem:s2], [sflag:$0x1] =	stream.linear.gather [hbm4b:s1+s3], $0x10, $0x38;
	[tilespmem:$0x1480] =	vst v63  }
0xfd: {  	s5 =	simm.s32 $0x3B0;
	s6 =	sld [smem:$0x7B1]  }
0xfe: {  	[tilespmem:s5], [sflag:$0x1] =	stream.linear.gather [hbm4b:s4+s3], $0x10, $0x38;
	[tilespmem:$0x1480] =	vst v63  }
0xff: {  	s10 =	simm.s32 $0x1C0;
	s12 =	sld [smem:$0x7B2]  }
0x100: {  	[tilespmem:s10], [sflag:$0x1] =	stream.linear.gather [hbm4b:s6+s3], $0x10, $0x38;
	[tilespmem:$0x1480] =	vst v63  }
0x101: {  	s13 =	simm.s32 $0x3C0;
	s14 =	sld [smem:$0x7B3]  }
0x102: {  	[tilespmem:s13], [sflag:$0x1] =	stream.linear.gather [hbm4b:s12+s3], $0x10, $0x38;
	[tilespmem:$0x1480] =	vst v63  }
0x103: {  	s15 =	simm.s32 $0x1D0;
	s16 =	sld [smem:$0x7B4]  }
0x104: {  	[tilespmem:s15], [sflag:$0x1] =	stream.linear.gather [hbm4b:s14+s3], $0x10, $0x38;
	[tilespmem:$0x1480] =	vst v63  }
0x105: {  	s17 =	simm.s32 $0x3D0;
	s18 =	sld [smem:$0x7B5]  }
0x106: {  	[tilespmem:s17], [sflag:$0x1] =	stream.linear.gather [hbm4b:s16+s3], $0x10, $0x38;
	[tilespmem:$0x1480] =	vst v63  }
0x107: {  	s19 =	simm.s32 $0x1E0;
	s20 =	sld [smem:$0x7B6]  }
0x108: {  	[tilespmem:s19], [sflag:$0x1] =	stream.linear.gather [hbm4b:s18+s3], $0x10, $0x38;
	[tilespmem:$0x1480] =	vst v63  }
0x109: {  	s21 =	simm.s32 $0x3E0;
	s24 =	sld [smem:$0x7B9]  }
0x10a: {  	[tilespmem:s21], [sflag:$0x1] =	stream.linear.gather [hbm4b:s20+s3], $0x10, $0x38;
	[tilespmem:$0x1480] =	vst v63  }
0x10b: {  	s25 =	simm.s32 $0x1F0;
	s26 =	sld [smem:$0x7BA]  }
0x10c: {  	[tilespmem:s25], [sflag:$0x1] =	stream.linear.gather [hbm4b:s24+s3], $0x10, $0x38;
	[tilespmem:$0x1480] =	vst v63  }
0x10d: {  	s28 =	simm.s32 $0x3F0  }
0x10e: {  	[tilespmem:s28], [sflag:$0x1] =	stream.linear.gather [hbm4b:s26+s3], $0x10, $0x38;
	[tilespmem:$0x1480] =	vst v63  }
0x10f: {  	_ =	swait.ge [sflag:s7], $0x10  }
0x110: {  	[sflag:s7] =	ssyncset.done $0x0  }
0x111: {  	[sflag:s7] =	ssyncadd.s32 $0xFFFFFFF0  }
0x112: {  	_ =	swait.ge [sflag:s7], $0x10  }
0x113: {  	[sflag:s7] =	ssyncset.done $0x0  }
0x114: {  	[sflag:s7] =	ssyncadd.s32 $0xFFFFFFF0  }
0x115: {  	_ =	swait.ge [sflag:s7], $0x10  }
0x116: {  	[sflag:s7] =	ssyncset.done $0x0  }
0x117: {  	[sflag:s7] =	ssyncadd.s32 $0xFFFFFFF0  }
0x118: {  	_ =	swait.ge [sflag:s7], $0x10  }
0x119: {  	[sflag:s7] =	ssyncset.done $0x0  }
0x11a: {  	[sflag:s7] =	ssyncadd.s32 $0xFFFFFFF0  }
0x11b: {  	_ =	swait.ge [sflag:s7], $0x10  }
0x11c: {  	[sflag:s7] =	ssyncset.done $0x0  }
0x11d: {  	[sflag:s7] =	ssyncadd.s32 $0xFFFFFFF0  }
0x11e: {  	_ =	swait.ge [sflag:s7], $0x10  }
0x11f: {  	[sflag:s7] =	ssyncset.done $0x0  }
0x120: {  	[sflag:s7] =	ssyncadd.s32 $0xFFFFFFF0  }
0x121: {  	_ =	swait.ge [sflag:s7], $0x10  }
0x122: {  	[sflag:s7] =	ssyncset.done $0x0  }
0x123: {  	[sflag:s7] =	ssyncadd.s32 $0xFFFFFFF0  }
0x124: {  	_ =	swait.ge [sflag:s7], $0x10  }
0x125: {  	[sflag:s7] =	ssyncset.done $0x0  }
0x126: {  	[sflag:s7] =	ssyncadd.s32 $0xFFFFFFF0  }
0x127: {  	_ =	swait.ge [sflag:s7], $0x10  }
0x128: {  	[sflag:s7] =	ssyncset.done $0x0  }
0x129: {  	[sflag:s7] =	ssyncadd.s32 $0xFFFFFFF0  }
0x12a: {  	_ =	swait.ge [sflag:s7], $0x10  }
0x12b: {  	[sflag:s7] =	ssyncset.done $0x0  }
0x12c: {  	[sflag:s7] =	ssyncadd.s32 $0xFFFFFFF0  }
0x12d: {  	_ =	swait.ge [sflag:s7], $0x10  }
0x12e: {  	[sflag:s7] =	ssyncset.done $0x0  }
0x12f: {  	[sflag:s7] =	ssyncadd.s32 $0xFFFFFFF0  }
0x130: {  	_ =	swait.ge [sflag:s7], $0x10  }
0x131: {  	[sflag:s7] =	ssyncset.done $0x0  }
0x132: {  	[sflag:s7] =	ssyncadd.s32 $0xFFFFFFF0  }
0x133: {  	_ =	swait.ge [sflag:s7], $0x10  }
0x134: {  	[sflag:s7] =	ssyncset.done $0x0  }
0x135: {  	[sflag:s7] =	ssyncadd.s32 $0xFFFFFFF0  }
0x136: {  	_ =	swait.ge [sflag:s7], $0x10  }
0x137: {  	[sflag:s7] =	ssyncset.done $0x0  }
0x138: {  	[sflag:s7] =	ssyncadd.s32 $0xFFFFFFF0  }
0x139: {  	_ =	swait.ge [sflag:s7], $0x10  }
0x13a: {  	[sflag:s7] =	ssyncset.done $0x0  }
0x13b: {  	[sflag:s7] =	ssyncadd.s32 $0xFFFFFFF0  }
0x13c: {  	_ =	swait.ge [sflag:s7], $0x10  }
0x13d: {  	[sflag:s7] =	ssyncset.done $0x0  }
0x13e: {  	[sflag:s7] =	ssyncadd.s32 $0xFFFFFFF0  }
0x13f: {  	_ =	swait.ge [sflag:s7], $0x10  }
0x140: {  	[sflag:s7] =	ssyncset.done $0x0  }
0x141: {  	[sflag:s7] =	ssyncadd.s32 $0xFFFFFFF0  }
0x142: {  	_ =	swait.ge [sflag:s7], $0x10  }
0x143: {  	[sflag:s7] =	ssyncset.done $0x0  }
0x144: {  	[sflag:s7] =	ssyncadd.s32 $0xFFFFFFF0  }
0x145: {  	_ =	swait.ge [sflag:s7], $0x10  }
0x146: {  	[sflag:s7] =	ssyncset.done $0x0  }
0x147: {  	[sflag:s7] =	ssyncadd.s32 $0xFFFFFFF0  }
0x148: {  	_ =	swait.ge [sflag:s7], $0x10  }
0x149: {  	[sflag:s7] =	ssyncset.done $0x0  }
0x14a: {  	[sflag:s7] =	ssyncadd.s32 $0xFFFFFFF0  }
0x14b: {  	_ =	swait.ge [sflag:s7], $0x10  }
0x14c: {  	[sflag:s7] =	ssyncset.done $0x0  }
0x14d: {  	[sflag:s7] =	ssyncadd.s32 $0xFFFFFFF0  }
0x14e: {  	_ =	swait.ge [sflag:s7], $0x10  }
0x14f: {  	[sflag:s7] =	ssyncset.done $0x0  }
0x150: {  	[sflag:s7] =	ssyncadd.s32 $0xFFFFFFF0  }
0x151: {  	_ =	swait.ge [sflag:s7], $0x10  }
0x152: {  	[sflag:s7] =	ssyncset.done $0x0  }
0x153: {  	[sflag:s7] =	ssyncadd.s32 $0xFFFFFFF0  }
0x154: {  	_ =	swait.ge [sflag:s7], $0x10  }
0x155: {  	[sflag:s7] =	ssyncset.done $0x0  }
0x156: {  	[sflag:s7] =	ssyncadd.s32 $0xFFFFFFF0  }
0x157: {  	_ =	swait.ge [sflag:s7], $0x10  }
0x158: {  	[sflag:s7] =	ssyncset.done $0x0  }
0x159: {  	[sflag:s7] =	ssyncadd.s32 $0xFFFFFFF0  }
0x15a: {  	_ =	swait.ge [sflag:s7], $0x10  }
0x15b: {  	[sflag:s7] =	ssyncset.done $0x0  }
0x15c: {  	[sflag:s7] =	ssyncadd.s32 $0xFFFFFFF0  }
0x15d: {  	_ =	swait.ge [sflag:s7], $0x10  }
0x15e: {  	[sflag:s7] =	ssyncset.done $0x0  }
0x15f: {  	[sflag:s7] =	ssyncadd.s32 $0xFFFFFFF0  }
0x160: {  	_ =	swait.ge [sflag:s7], $0x10  }
0x161: {  	[sflag:s7] =	ssyncset.done $0x0  }
0x162: {  	[sflag:s7] =	ssyncadd.s32 $0xFFFFFFF0  }
0x163: {  	_ =	swait.ge [sflag:s7], $0x10  }
0x164: {  	[sflag:s7] =	ssyncset.done $0x0  }
0x165: {  	[sflag:s7] =	ssyncadd.s32 $0xFFFFFFF0  }
0x166: {  	_ =	swait.ge [sflag:s7], $0x10  }
0x167: {  	[sflag:s7] =	ssyncset.done $0x0  }
0x168: {  	[sflag:s7] =	ssyncadd.s32 $0xFFFFFFF0  }
0x169: {  	_ =	swait.ge [sflag:s7], $0x10  }
0x16a: {  	[sflag:s7] =	ssyncset.done $0x0  }
0x16b: {  	[sflag:s7] =	ssyncadd.s32 $0xFFFFFFF0  }
0x16c: {  	_ =	swait.ge [sflag:s7], $0x10  }
0x16d: {  	[sflag:s7] =	ssyncset.done $0x0  }
0x16e: {  	[sflag:s7] =	ssyncadd.s32 $0xFFFFFFF0  }
0x16f: {  	_ =	swait.ge [sflag:s7], $0x10  }
0x170: {  	[sflag:s7] =	ssyncset.done $0x0  }
0x171: {  	[sflag:s7] =	ssyncadd.s32 $0xFFFFFFF0  }
0x172: {  	_ =	swait.ge [sflag:s7], $0x10  }
0x173: {  	[sflag:s7] =	ssyncset.done $0x0  }
0x174: {  	[sflag:s7] =	ssyncadd.s32 $0xFFFFFFF0  }
0x175: {  	_ =	swait.ge [sflag:s7], $0x10  }
0x176: {  	[sflag:s7] =	ssyncset.done $0x0  }
0x177: {  	[sflag:s7] =	ssyncadd.s32 $0xFFFFFFF0  }
0x178: {  	_ =	swait.ge [sflag:s7], $0x10  }
0x179: {  	[sflag:s7] =	ssyncset.done $0x0  }
0x17a: {  	[sflag:s7] =	ssyncadd.s32 $0xFFFFFFF0  }
0x17b: {  	_ =	swait.ge [sflag:s7], $0x10  }
0x17c: {  	[sflag:s7] =	ssyncset.done $0x0  }
0x17d: {  	[sflag:s7] =	ssyncadd.s32 $0xFFFFFFF0  }
0x17e: {  	_ =	swait.ge [sflag:s7], $0x10  }
0x17f: {  	[sflag:s7] =	ssyncset.done $0x0  }
0x180: {  	[sflag:s7] =	ssyncadd.s32 $0xFFFFFFF0  }
0x181: {  	_ =	swait.ge [sflag:s7], $0x10  }
0x182: {  	[sflag:s7] =	ssyncset.done $0x0  }
0x183: {  	[sflag:s7] =	ssyncadd.s32 $0xFFFFFFF0  }
0x184: {  	_ =	swait.ge [sflag:s7], $0x10  }
0x185: {  	[sflag:s7] =	ssyncset.done $0x0  }
0x186: {  	[sflag:s7] =	ssyncadd.s32 $0xFFFFFFF0  }
0x187: {  	_ =	swait.ge [sflag:s7], $0x10  }
0x188: {  	[sflag:s7] =	ssyncset.done $0x0  }
0x189: {  	[sflag:s7] =	ssyncadd.s32 $0xFFFFFFF0  }
0x18a: {  	_ =	swait.ge [sflag:s7], $0x10  }
0x18b: {  	[sflag:s7] =	ssyncset.done $0x0  }
0x18c: {  	[sflag:s7] =	ssyncadd.s32 $0xFFFFFFF0  }
0x18d: {  	_ =	swait.ge [sflag:s7], $0x10  }
0x18e: {  	[sflag:s7] =	ssyncset.done $0x0  }
0x18f: {  	[sflag:s7] =	ssyncadd.s32 $0xFFFFFFF0  }
0x190: {  	_ =	swait.ge [sflag:s7], $0x10  }
0x191: {  	[sflag:s7] =	ssyncset.done $0x0  }
0x192: {  	[sflag:s7] =	ssyncadd.s32 $0xFFFFFFF0  }
0x193: {  	_ =	swait.ge [sflag:s7], $0x10  }
0x194: {  	[sflag:s7] =	ssyncset.done $0x0  }
0x195: {  	[sflag:s7] =	ssyncadd.s32 $0xFFFFFFF0  }
0x196: {  	_ =	swait.ge [sflag:s7], $0x10  }
0x197: {  	[sflag:s7] =	ssyncset.done $0x0  }
0x198: {  	[sflag:s7] =	ssyncadd.s32 $0xFFFFFFF0  }
0x199: {  	_ =	swait.ge [sflag:s7], $0x10  }
0x19a: {  	[sflag:s7] =	ssyncset.done $0x0  }
0x19b: {  	[sflag:s7] =	ssyncadd.s32 $0xFFFFFFF0  }
0x19c: {  	_ =	swait.ge [sflag:s7], $0x10  }
0x19d: {  	[sflag:s7] =	ssyncset.done $0x0  }
0x19e: {  	[sflag:s7] =	ssyncadd.s32 $0xFFFFFFF0  }
0x19f: {  	_ =	swait.ge [sflag:s7], $0x10  }
0x1a0: {  	[sflag:s7] =	ssyncset.done $0x0  }
0x1a1: {  	[sflag:s7] =	ssyncadd.s32 $0xFFFFFFF0  }
0x1a2: {  	_ =	swait.ge [sflag:s7], $0x10  }
0x1a3: {  	[sflag:s7] =	ssyncset.done $0x0  }
0x1a4: {  	[sflag:s7] =	ssyncadd.s32 $0xFFFFFFF0  }
0x1a5: {  	_ =	swait.ge [sflag:s7], $0x10  }
0x1a6: {  	[sflag:s7] =	ssyncset.done $0x0  }
0x1a7: {  	[sflag:s7] =	ssyncadd.s32 $0xFFFFFFF0  }
0x1a8: {  	_ =	swait.ge [sflag:s7], $0x10  }
0x1a9: {  	[sflag:s7] =	ssyncset.done $0x0  }
0x1aa: {  	[sflag:s7] =	ssyncadd.s32 $0xFFFFFFF0  }
0x1ab: {  	_ =	swait.ge [sflag:s7], $0x10  }
0x1ac: {  	[sflag:s7] =	ssyncset.done $0x0  }
0x1ad: {  	[sflag:s7] =	ssyncadd.s32 $0xFFFFFFF0  }
0x1ae: {  	_ =	swait.ge [sflag:s7], $0x10  }
0x1af: {  	[sflag:s7] =	ssyncset.done $0x0  }
0x1b0: {  	[sflag:s7] =	ssyncadd.s32 $0xFFFFFFF0  }
0x1b1: {  	_ =	swait.ge [sflag:s7], $0x10  }
0x1b2: {  	[sflag:s7] =	ssyncset.done $0x0  }
0x1b3: {  	[sflag:s7] =	ssyncadd.s32 $0xFFFFFFF0  }
0x1b4: {  	_ =	swait.ge [sflag:s7], $0x10  }
0x1b5: {  	[sflag:s7] =	ssyncset.done $0x0  }
0x1b6: {  	[sflag:s7] =	ssyncadd.s32 $0xFFFFFFF0  }
0x1b7: {  	_ =	swait.ge [sflag:s7], $0x10  }
0x1b8: {  	[sflag:s7] =	ssyncset.done $0x0  }
0x1b9: {  	[sflag:s7] =	ssyncadd.s32 $0xFFFFFFF0  }
0x1ba: {  	_ =	swait.ge [sflag:s7], $0x10  }
0x1bb: {  	[sflag:s7] =	ssyncset.done $0x0  }
0x1bc: {  	[sflag:s7] =	ssyncadd.s32 $0xFFFFFFF0  }
0x1bd: {  	_ =	swait.ge [sflag:s7], $0x10  }
0x1be: {  	[sflag:s7] =	ssyncset.done $0x0  }
0x1bf: {  	[sflag:s7] =	ssyncadd.s32 $0xFFFFFFF0  }
0x1c0: {  	_ =	swait.ge [sflag:s7], $0x10  }
0x1c1: {  	[sflag:s7] =	ssyncset.done $0x0  }
0x1c2: {  	[sflag:s7] =	ssyncadd.s32 $0xFFFFFFF0  }
0x1c3: {  	_ =	swait.ge [sflag:s7], $0x10  }
0x1c4: {  	[sflag:s7] =	ssyncset.done $0x0  }
0x1c5: {  	[sflag:s7] =	ssyncadd.s32 $0xFFFFFFF0  }
0x1c6: {  	_ =	swait.ge [sflag:s7], $0x10  }
0x1c7: {  	[sflag:s7] =	ssyncset.done $0x0  }
0x1c8: {  	[sflag:s7] =	ssyncadd.s32 $0xFFFFFFF0  }
0x1c9: {  	_ =	swait.ge [sflag:s7], $0x10  }
0x1ca: {  	[sflag:s7] =	ssyncset.done $0x0  }
0x1cb: {  	[sflag:s7] =	ssyncadd.s32 $0xFFFFFFF0  }
0x1cc: {  	_ =	swait.ge [sflag:s7], $0x10  }
0x1cd: {  	[sflag:s7] =	ssyncset.done $0x0  }
0x1ce: {  	s29 =	simm.s32 $0x0;
	[sflag:s7] =	ssyncadd.s32 $0xFFFFFFF0  }
0x1cf: {  	v0 =	vld [tilespmem:s29+$0x0]  }
0x1d0: {  	v1 =	vld [tilespmem:s29+$0x200];
	_ =	sdelay $0x4  }
0x1d1: {  	(xrf1) =	vsort.dscd.msk.f32 $0xffff, v0, v1;
	_ =	sdelay $0x8  }
0x1d2: {  	s30 =	simm.s32 $0x10  }
0x1d3: {  	v0 =	vld [tilespmem:s30+$0x0]  }
0x1d4: {  	v1 =	vld [tilespmem:s30+$0x200];
	_ =	sdelay $0x2  }
0x1d5: {  	v2 =	vimm.f32 $3.000000050e+29;
	v3, v4, _ =	vpop (xrf1)  }
0x1d6: {  	v5 =	vimm.s32 $0x0;
	vm0 =	vlt.f32 v3, v2  }
0x1d7: {  	(xrf1) =	vsort.dscd.msk.f32 $0xffff, v0, v1;
	v1 =	vsel vm0, v3, v2;
	v2 =	vsel vm0, v4, v5  }
0x1d8: {  	(xrf1) =	vsort.ascd.msk.f32 $0xffff, v1, v2;
	_ =	sdelay $0x8  }
0x1d9: {  	s31 =	simm.s32 $0x20  }
0x1da: {  	v0 =	vld [tilespmem:s31+$0x0]  }
0x1db: {  	s23 =	simm.s32 $0xC0;
	v1 =	vld [tilespmem:s31+$0x200]  }
.LBB2_2:
0x1dc: {  	p0 =	sne.s32 s23, $0x7C0  }
0x1dd: {  	v2, v3, _ =	vpop (xrf1)  }
0x1de: {  	v4, v5, _ =	vpop (xrf1)  }
0x1df: {  	vm0 =	vlt.f32 v2, v4  }
0x1e0: {  	(xrf1) =	vsort.dscd.msk.f32 $0xffff, v0, v1;
	v0 =	vsel vm0, v2, v4;
	v1 =	vsel vm0, v3, v5  }
0x1e1: {  	(xrf1) =	vsort.ascd.msk.f32 $0xffff, v0, v1;
	_ =	sdelay $0x6  }
.Ltmp0:
0x1e2: {  	(pc) =	sbr.rel @p0 .LBB2_2-.Ltmp0, $4  }
0x1e3: {  	_ = 	snop  }
0x1e4: {  	s24 =	sshra.s32 s23, $0x2  }
0x1e5: {  	v0 =	vld [tilespmem:s24+$0x0]  }
0x1e6: {  	s23 =	sadd.s32 $0x40, s23;
	v1 =	vld [tilespmem:s24+$0x200]  }
0x1e7: {  	_ = 	snop  }
0x1e8: {  	v2, v3, _ =	vpop (xrf1)  }
0x1e9: {  	v4, v5, _ =	vpop (xrf1)  }
0x1ea: {  	vm0 =	vlt.f32 v2, v4  }
0x1eb: {  	(xrf1) =	vsort.dscd.msk.f32 $0xffff, v0, v1;
	v0 =	vsel vm0, v2, v4;
	v1 =	vsel vm0, v3, v5  }
0x1ec: {  	(xrf1) =	vsort.ascd.msk.f32 $0xffff, v0, v1;
	_ =	sdelay $0xc  }
0x1ed: {  	v0, v1, _ =	vpop (xrf1)  }
0x1ee: {  	v2, v3, _ =	vpop (xrf1)  }
0x1ef: {  	vm14 =	vlt.f32 v0, v2  }
0x1f0: {  	v0 =	vsel vm14, v0, v2;
	v1 =	vsel vm14, v1, v3  }
0x1f1: {  	(xrf1) =	vsort.ascd.msk.f32 $0xffff, v0, v1;
	_ =	sdelay $0xd  }
0x1f2: {  	v0, v1, _ =	vpop (xrf1)  }
0x1f3: {  	v0 =	vshra.s32 v1, $0x1F  }
0x1f4: {  	v0 =	vshrl.u32 v0, $0x1D  }
0x1f5: {  	v2 =	vshrl.u32 v1, $0x3;
	v0 =	vadd.s32 v0, v1  }
0x1f6: {  	s0 =	simm.s32 $0x400;
	s1 =	simm.s32 $0x480;
	[tilespmem:$0x400] =	vst v2;
	v0 =	vand.u32 $0xFFFFFFF8, v0  }
0x1f7: {  	[tilespmem:s1], [sflag:$0x1] =	stream.indirect.gather [hbm4b:s8+s11], $0x80, s0, s11, $0xb8;
	v0 =	vsub.s32 v1, v0;
	[tilespmem:$0x1480] =	vst v63  }
0x1f8: {  	_ =	swait.ge [sflag:s7], $0x800;
	v0 =	vshll.u32 v0, $0x4  }
0x1f9: {  	(v2sf) =	vpush v0, $0x0;
	_ =	sdelay $0x5  }
0x1fa: {  	(v2sf) =	vpush v0, $0x1;
	_ =	sdelay $0x5  }
0x1fb: {  	(v2sf) =	vpush v0, $0x2;
	_ =	sdelay $0x1  }
0x1fc: {  	[sflag:s7] =	ssyncset.done $0x0  }
0x1fd: {  	[sflag:s7] =	ssyncadd.s32 $0xFFFFF800;
	s23 =	spop (v2sf)  }
0x1fe: {  	v1 =	vld [tilespmem:s23+$0x480];
	_ =	sdelay $0x1  }
0x1ff: {  	(v2sf) =	vpush v0, $0x3;
	_ =	sdelay $0x2  }
0x200: {  	s26 =	spop (v2sf);
	[tilespmem:$0xC80] =	vst v1  }
0x201: {  	v1 =	vld [tilespmem:s26+$0x500];
	_ =	sdelay $0x1  }
0x202: {  	(v2sf) =	vpush v0, $0x4;
	_ =	sdelay $0x2  }
0x203: {  	s0 =	spop (v2sf);
	[tilespmem:$0xD00] =	vst v1  }
0x204: {  	v1 =	vld [tilespmem:s0+$0x580];
	_ =	sdelay $0x1  }
0x205: {  	(v2sf) =	vpush v0, $0x5;
	_ =	sdelay $0x2  }
0x206: {  	s1 =	spop (v2sf);
	[tilespmem:$0xD80] =	vst v1  }
0x207: {  	v1 =	vld [tilespmem:s1+$0x600];
	_ =	sdelay $0x1  }
0x208: {  	(v2sf) =	vpush v0, $0x6;
	_ =	sdelay $0x2  }
0x209: {  	s2 =	spop (v2sf);
	[tilespmem:$0xE00] =	vst v1  }
0x20a: {  	v1 =	vld [tilespmem:s2+$0x680];
	_ =	sdelay $0x1  }
0x20b: {  	(v2sf) =	vpush v0, $0x7;
	_ =	sdelay $0x2  }
0x20c: {  	s4 =	spop (v2sf);
	[tilespmem:$0xE80] =	vst v1  }
0x20d: {  	v1 =	vld [tilespmem:s4+$0x700];
	_ =	sdelay $0x1  }
0x20e: {  	(v2sf) =	vpush v0, $0x8;
	_ =	sdelay $0x2  }
0x20f: {  	s5 =	spop (v2sf);
	[tilespmem:$0xF00] =	vst v1  }
0x210: {  	v1 =	vld [tilespmem:s5+$0x780];
	_ =	sdelay $0x1  }
0x211: {  	(v2sf) =	vpush v0, $0x9;
	_ =	sdelay $0x2  }
0x212: {  	s6 =	spop (v2sf);
	[tilespmem:$0xF80] =	vst v1  }
0x213: {  	v1 =	vld [tilespmem:s6+$0x800];
	_ =	sdelay $0x1  }
0x214: {  	(v2sf) =	vpush v0, $0xA;
	_ =	sdelay $0x2  }
0x215: {  	s10 =	spop (v2sf);
	[tilespmem:$0x1000] =	vst v1  }
0x216: {  	v1 =	vld [tilespmem:s10+$0x880];
	_ =	sdelay $0x1  }
0x217: {  	(v2sf) =	vpush v0, $0xB;
	_ =	sdelay $0x2  }
0x218: {  	s12 =	spop (v2sf);
	[tilespmem:$0x1080] =	vst v1  }
0x219: {  	v1 =	vld [tilespmem:s12+$0x900];
	_ =	sdelay $0x1  }
0x21a: {  	(v2sf) =	vpush v0, $0xC;
	_ =	sdelay $0x2  }
0x21b: {  	s13 =	spop (v2sf);
	[tilespmem:$0x1100] =	vst v1  }
0x21c: {  	v1 =	vld [tilespmem:s13+$0x980];
	_ =	sdelay $0x1  }
0x21d: {  	(v2sf) =	vpush v0, $0xD;
	_ =	sdelay $0x2  }
0x21e: {  	s14 =	spop (v2sf);
	[tilespmem:$0x1180] =	vst v1  }
0x21f: {  	v1 =	vld [tilespmem:s14+$0xA00];
	_ =	sdelay $0x1  }
0x220: {  	(v2sf) =	vpush v0, $0xE;
	_ =	sdelay $0x2  }
0x221: {  	s15 =	spop (v2sf);
	[tilespmem:$0x1200] =	vst v1  }
0x222: {  	v1 =	vld [tilespmem:s15+$0xA80];
	_ =	sdelay $0x1  }
0x223: {  	(v2sf) =	vpush v0, $0xF;
	_ =	sdelay $0x2  }
0x224: {  	s16 =	spop (v2sf);
	[tilespmem:$0x1280] =	vst v1  }
0x225: {  	v0 =	vld [tilespmem:s16+$0xB00];
	_ =	sdelay $0x4  }
0x226: {  	s17 =	spop (v2sf);
	[tilespmem:$0x1300] =	vst v0  }
0x227: {  	v0 =	vld [tilespmem:s17+$0xB80];
	_ =	sdelay $0x4  }
0x228: {  	s18 =	spop (v2sf);
	[tilespmem:$0x1380] =	vst v0  }
0x229: {  	v0 =	vld [tilespmem:s18+$0xC00];
	_ =	sdelay $0x2  }
0x22a: {  	s24 =	sld [smem:$0x7FB];
	_ =	sdelay $0x1  }
0x22b: {  	s19 =	simm.s32 $0xC80;
	s23 =	simm.s32 $0x0;
	[tilespmem:$0x1400] =	vst v0  }
0x22c: {  	[hbm4b:s24+s23] =	stream.linear.scatter [tilespmem:s19], [sflag:$0x2], $0x800, $0x38;
	[tilespmem:$0x1480] =	vst v63  }
0x22d: {  	_ =	swait.ge [sflag:s22], $0x800  }
0x22e: {  	s20 =	sld [smem:$0x7F7]  }
0x22f: {  	[sflag:s22] =	ssyncset.done $0x0  }
0x230: {  	s21 =	sld [smem:$0x7F8];
	[sflag:s22] =	ssyncadd.s32 $0xFFFFF800  }
0x231: {  	[tilespmem:s23], [sflag:$0x1] =	stream.linear.gather [hbm4b:s20+s23], $0x10, $0x38;
	[tilespmem:$0x1480] =	vst v63  }
0x232: {  	s25 =	simm.s32 $0x200;
	s26 =	sld [smem:$0x7BB]  }
0x233: {  	[tilespmem:s25], [sflag:$0x1] =	stream.linear.gather [hbm4b:s21+s23], $0x10, $0x38;
	[tilespmem:$0x1480] =	vst v63  }
0x234: {  	s0 =	sld [smem:$0x7BC]  }
0x235: {  	[tilespmem:s11], [sflag:$0x1] =	stream.linear.gather [hbm4b:s26+s23], $0x10, $0x38;
	[tilespmem:$0x1480] =	vst v63  }
0x236: {  	s1 =	sld [smem:$0x7BD];
	s25 =	simm.s32 $0x210  }
0x237: {  	[tilespmem:s25], [sflag:$0x1] =	stream.linear.gather [hbm4b:s0+s23], $0x10, $0x38;
	[tilespmem:$0x1480] =	vst v63  }
0x238: {  	s2 =	sld [smem:$0x7BE];
	s26 =	simm.s32 $0x20  }
0x239: {  	[tilespmem:s26], [sflag:$0x1] =	stream.linear.gather [hbm4b:s1+s23], $0x10, $0x38;
	[tilespmem:$0x1480] =	vst v63  }
0x23a: {  	s4 =	sld [smem:$0x7BF];
	s26 =	simm.s32 $0x220  }
0x23b: {  	[tilespmem:s26], [sflag:$0x1] =	stream.linear.gather [hbm4b:s2+s23], $0x10, $0x38;
	[tilespmem:$0x1480] =	vst v63  }
0x23c: {  	s28 =	simm.s32 $0x30;
	s5 =	sld [smem:$0x7C0]  }
0x23d: {  	[tilespmem:s28], [sflag:$0x1] =	stream.linear.gather [hbm4b:s4+s23], $0x10, $0x38;
	[tilespmem:$0x1480] =	vst v63  }
0x23e: {  	s6 =	sld [smem:$0x7C1];
	s28 =	simm.s32 $0x230  }
0x23f: {  	[tilespmem:s28], [sflag:$0x1] =	stream.linear.gather [hbm4b:s5+s23], $0x10, $0x38;
	[tilespmem:$0x1480] =	vst v63  }
0x240: {  	s29 =	simm.s32 $0x40;
	s10 =	sld [smem:$0x7C2]  }
0x241: {  	[tilespmem:s29], [sflag:$0x1] =	stream.linear.gather [hbm4b:s6+s23], $0x10, $0x38;
	[tilespmem:$0x1480] =	vst v63  }
0x242: {  	s11 =	sld [smem:$0x7C3];
	s29 =	simm.s32 $0x240  }
0x243: {  	[tilespmem:s29], [sflag:$0x1] =	stream.linear.gather [hbm4b:s10+s23], $0x10, $0x38;
	[tilespmem:$0x1480] =	vst v63  }
0x244: {  	s30 =	simm.s32 $0x50;
	s12 =	sld [smem:$0x7C4]  }
0x245: {  	[tilespmem:s30], [sflag:$0x1] =	stream.linear.gather [hbm4b:s11+s23], $0x10, $0x38;
	[tilespmem:$0x1480] =	vst v63  }
0x246: {  	s13 =	sld [smem:$0x7C5];
	s30 =	simm.s32 $0x250  }
0x247: {  	[tilespmem:s30], [sflag:$0x1] =	stream.linear.gather [hbm4b:s12+s23], $0x10, $0x38;
	[tilespmem:$0x1480] =	vst v63  }
0x248: {  	s31 =	simm.s32 $0x60;
	s14 =	sld [smem:$0x7C6]  }
0x249: {  	[tilespmem:s31], [sflag:$0x1] =	stream.linear.gather [hbm4b:s13+s23], $0x10, $0x38;
	[tilespmem:$0x1480] =	vst v63  }
0x24a: {  	s15 =	sld [smem:$0x7C7];
	s31 =	simm.s32 $0x260  }
0x24b: {  	[tilespmem:s31], [sflag:$0x1] =	stream.linear.gather [hbm4b:s14+s23], $0x10, $0x38;
	[tilespmem:$0x1480] =	vst v63  }
0x24c: {  	s16 =	simm.s32 $0x70;
	s17 =	sld [smem:$0x7C8]  }
0x24d: {  	[tilespmem:s16], [sflag:$0x1] =	stream.linear.gather [hbm4b:s15+s23], $0x10, $0x38;
	[tilespmem:$0x1480] =	vst v63  }
0x24e: {  	s18 =	sld [smem:$0x7C9];
	s0 =	simm.s32 $0x270  }
0x24f: {  	[tilespmem:s0], [sflag:$0x1] =	stream.linear.gather [hbm4b:s17+s23], $0x10, $0x38;
	[tilespmem:$0x1480] =	vst v63  }
0x250: {  	s19 =	simm.s32 $0x80;
	s20 =	sld [smem:$0x7CA]  }
0x251: {  	[tilespmem:s19], [sflag:$0x1] =	stream.linear.gather [hbm4b:s18+s23], $0x10, $0x38;
	[tilespmem:$0x1480] =	vst v63  }
0x252: {  	s21 =	sld [smem:$0x7CB];
	s1 =	simm.s32 $0x280  }
0x253: {  	[tilespmem:s1], [sflag:$0x1] =	stream.linear.gather [hbm4b:s20+s23], $0x10, $0x38;
	[tilespmem:$0x1480] =	vst v63  }
0x254: {  	s2 =	simm.s32 $0x90;
	s4 =	sld [smem:$0x7CC]  }
0x255: {  	[tilespmem:s2], [sflag:$0x1] =	stream.linear.gather [hbm4b:s21+s23], $0x10, $0x38;
	[tilespmem:$0x1480] =	vst v63  }
0x256: {  	s5 =	sld [smem:$0x7CD];
	s2 =	simm.s32 $0x290  }
0x257: {  	[tilespmem:s2], [sflag:$0x1] =	stream.linear.gather [hbm4b:s4+s23], $0x10, $0x38;
	[tilespmem:$0x1480] =	vst v63  }
0x258: {  	s6 =	sld [smem:$0x7CE];
	s10 =	simm.s32 $0xA0  }
0x259: {  	[tilespmem:s10], [sflag:$0x1] =	stream.linear.gather [hbm4b:s5+s23], $0x10, $0x38;
	[tilespmem:$0x1480] =	vst v63  }
0x25a: {  	s11 =	sld [smem:$0x7CF];
	s10 =	simm.s32 $0x2A0  }
0x25b: {  	[tilespmem:s10], [sflag:$0x1] =	stream.linear.gather [hbm4b:s6+s23], $0x10, $0x38;
	[tilespmem:$0x1480] =	vst v63  }
0x25c: {  	s12 =	sld [smem:$0x7D0];
	s4 =	simm.s32 $0xB0  }
0x25d: {  	[tilespmem:s4], [sflag:$0x1] =	stream.linear.gather [hbm4b:s11+s23], $0x10, $0x38;
	[tilespmem:$0x1480] =	vst v63  }
0x25e: {  	s13 =	sld [smem:$0x7D1];
	s4 =	simm.s32 $0x2B0  }
0x25f: {  	[tilespmem:s4], [sflag:$0x1] =	stream.linear.gather [hbm4b:s12+s23], $0x10, $0x38;
	[tilespmem:$0x1480] =	vst v63  }
0x260: {  	s14 =	sld [smem:$0x7D2];
	s12 =	simm.s32 $0xC0  }
0x261: {  	[tilespmem:s12], [sflag:$0x1] =	stream.linear.gather [hbm4b:s13+s23], $0x10, $0x38;
	[tilespmem:$0x1480] =	vst v63  }
0x262: {  	s15 =	sld [smem:$0x7D3];
	s12 =	simm.s32 $0x2C0  }
0x263: {  	[tilespmem:s12], [sflag:$0x1] =	stream.linear.gather [hbm4b:s14+s23], $0x10, $0x38;
	[tilespmem:$0x1480] =	vst v63  }
0x264: {  	s16 =	sld [smem:$0x7D4];
	s5 =	simm.s32 $0xD0  }
0x265: {  	[tilespmem:s5], [sflag:$0x1] =	stream.linear.gather [hbm4b:s15+s23], $0x10, $0x38;
	[tilespmem:$0x1480] =	vst v63  }
0x266: {  	s17 =	sld [smem:$0x7D5];
	s5 =	simm.s32 $0x2D0  }
0x267: {  	[tilespmem:s5], [sflag:$0x1] =	stream.linear.gather [hbm4b:s16+s23], $0x10, $0x38;
	[tilespmem:$0x1480] =	vst v63  }
0x268: {  	s18 =	sld [smem:$0x7D6];
	s13 =	simm.s32 $0xE0  }
0x269: {  	[tilespmem:s13], [sflag:$0x1] =	stream.linear.gather [hbm4b:s17+s23], $0x10, $0x38;
	[tilespmem:$0x1480] =	vst v63  }
0x26a: {  	s19 =	sld [smem:$0x7D7];
	s13 =	simm.s32 $0x2E0  }
0x26b: {  	[tilespmem:s13], [sflag:$0x1] =	stream.linear.gather [hbm4b:s18+s23], $0x10, $0x38;
	[tilespmem:$0x1480] =	vst v63  }
0x26c: {  	s20 =	sld [smem:$0x7D8];
	s14 =	simm.s32 $0xF0  }
0x26d: {  	[tilespmem:s14], [sflag:$0x1] =	stream.linear.gather [hbm4b:s19+s23], $0x10, $0x38;
	[tilespmem:$0x1480] =	vst v63  }
0x26e: {  	s21 =	sld [smem:$0x7D9];
	s14 =	simm.s32 $0x2F0  }
0x26f: {  	[tilespmem:s14], [sflag:$0x1] =	stream.linear.gather [hbm4b:s20+s23], $0x10, $0x38;
	[tilespmem:$0x1480] =	vst v63  }
0x270: {  	s6 =	sld [smem:$0x7DA];
	s15 =	simm.s32 $0x100  }
0x271: {  	[tilespmem:s15], [sflag:$0x1] =	stream.linear.gather [hbm4b:s21+s23], $0x10, $0x38;
	[tilespmem:$0x1480] =	vst v63  }
0x272: {  	s11 =	sld [smem:$0x7DB];
	s15 =	simm.s32 $0x300  }
0x273: {  	[tilespmem:s15], [sflag:$0x1] =	stream.linear.gather [hbm4b:s6+s23], $0x10, $0x38;
	[tilespmem:$0x1480] =	vst v63  }
0x274: {  	s16 =	simm.s32 $0x110;
	s17 =	sld [smem:$0x7DC]  }
0x275: {  	[tilespmem:s16], [sflag:$0x1] =	stream.linear.gather [hbm4b:s11+s23], $0x10, $0x38;
	[tilespmem:$0x1480] =	vst v63  }
0x276: {  	s18 =	sld [smem:$0x7DD];
	s16 =	simm.s32 $0x310  }
0x277: {  	[tilespmem:s16], [sflag:$0x1] =	stream.linear.gather [hbm4b:s17+s23], $0x10, $0x38;
	[tilespmem:$0x1480] =	vst v63  }
0x278: {  	s19 =	sld [smem:$0x7DE];
	s17 =	simm.s32 $0x120  }
0x279: {  	[tilespmem:s17], [sflag:$0x1] =	stream.linear.gather [hbm4b:s18+s23], $0x10, $0x38;
	[tilespmem:$0x1480] =	vst v63  }
0x27a: {  	s20 =	sld [smem:$0x7DF];
	s17 =	simm.s32 $0x320  }
0x27b: {  	[tilespmem:s17], [sflag:$0x1] =	stream.linear.gather [hbm4b:s19+s23], $0x10, $0x38;
	[tilespmem:$0x1480] =	vst v63  }
0x27c: {  	s21 =	sld [smem:$0x7E0];
	s6 =	simm.s32 $0x130  }
0x27d: {  	[tilespmem:s6], [sflag:$0x1] =	stream.linear.gather [hbm4b:s20+s23], $0x10, $0x38;
	[tilespmem:$0x1480] =	vst v63  }
0x27e: {  	s11 =	sld [smem:$0x7E1];
	s6 =	simm.s32 $0x330  }
0x27f: {  	[tilespmem:s6], [sflag:$0x1] =	stream.linear.gather [hbm4b:s21+s23], $0x10, $0x38;
	[tilespmem:$0x1480] =	vst v63  }
0x280: {  	s18 =	simm.s32 $0x140;
	s19 =	sld [smem:$0x7E2]  }
0x281: {  	[tilespmem:s18], [sflag:$0x1] =	stream.linear.gather [hbm4b:s11+s23], $0x10, $0x38;
	[tilespmem:$0x1480] =	vst v63  }
0x282: {  	s20 =	sld [smem:$0x7E3];
	s18 =	simm.s32 $0x340  }
0x283: {  	[tilespmem:s18], [sflag:$0x1] =	stream.linear.gather [hbm4b:s19+s23], $0x10, $0x38;
	[tilespmem:$0x1480] =	vst v63  }
0x284: {  	s21 =	sld [smem:$0x7E4];
	s19 =	simm.s32 $0x150  }
0x285: {  	[tilespmem:s19], [sflag:$0x1] =	stream.linear.gather [hbm4b:s20+s23], $0x10, $0x38;
	[tilespmem:$0x1480] =	vst v63  }
0x286: {  	s11 =	sld [smem:$0x7E5];
	s19 =	simm.s32 $0x350  }
0x287: {  	[tilespmem:s19], [sflag:$0x1] =	stream.linear.gather [hbm4b:s21+s23], $0x10, $0x38;
	[tilespmem:$0x1480] =	vst v63  }
0x288: {  	s20 =	simm.s32 $0x160;
	s21 =	sld [smem:$0x7E6]  }
0x289: {  	[tilespmem:s20], [sflag:$0x1] =	stream.linear.gather [hbm4b:s11+s23], $0x10, $0x38;
	[tilespmem:$0x1480] =	vst v63  }
0x28a: {  	s20 =	simm.s32 $0x360;
	s11 =	sld [smem:$0x7E7]  }
0x28b: {  	[tilespmem:s20], [sflag:$0x1] =	stream.linear.gather [hbm4b:s21+s23], $0x10, $0x38;
	[tilespmem:$0x1480] =	vst v63  }
0x28c: {  	s21 =	simm.s32 $0x170  }
0x28d: {  	[tilespmem:s21], [sflag:$0x1] =	stream.linear.gather [hbm4b:s11+s23], $0x10, $0x38;
	[tilespmem:$0x1480] =	vst v63  }
0x28e: {  	s11 =	sld [smem:$0x7E8];
	_ =	sdelay $0x1  }
0x28f: {  	s24 =	sld [smem:$0x7E9];
	s21 =	simm.s32 $0x370  }
0x290: {  	[tilespmem:s21], [sflag:$0x1] =	stream.linear.gather [hbm4b:s11+s23], $0x10, $0x38;
	[tilespmem:$0x1480] =	vst v63  }
0x291: {  	s11 =	simm.s32 $0x180  }
0x292: {  	[tilespmem:s11], [sflag:$0x1] =	stream.linear.gather [hbm4b:s24+s23], $0x10, $0x38;
	[tilespmem:$0x1480] =	vst v63  }
0x293: {  	s24 =	sld [smem:$0x7EA];
	_ =	sdelay $0x1  }
0x294: {  	s11 =	simm.s32 $0x380  }
0x295: {  	[tilespmem:s11], [sflag:$0x1] =	stream.linear.gather [hbm4b:s24+s23], $0x10, $0x38;
	[tilespmem:$0x1480] =	vst v63  }
0x296: {  	s24 =	sld [smem:$0x7EB];
	_ =	sdelay $0x1  }
0x297: {  	s11 =	simm.s32 $0x190  }
0x298: {  	[tilespmem:s11], [sflag:$0x1] =	stream.linear.gather [hbm4b:s24+s23], $0x10, $0x38;
	[tilespmem:$0x1480] =	vst v63  }
0x299: {  	s24 =	sld [smem:$0x7EC];
	_ =	sdelay $0x1  }
0x29a: {  	s11 =	simm.s32 $0x390  }
0x29b: {  	[tilespmem:s11], [sflag:$0x1] =	stream.linear.gather [hbm4b:s24+s23], $0x10, $0x38;
	[tilespmem:$0x1480] =	vst v63  }
0x29c: {  	s24 =	sld [smem:$0x7ED];
	_ =	sdelay $0x1  }
0x29d: {  	s11 =	simm.s32 $0x1A0  }
0x29e: {  	[tilespmem:s11], [sflag:$0x1] =	stream.linear.gather [hbm4b:s24+s23], $0x10, $0x38;
	[tilespmem:$0x1480] =	vst v63  }
0x29f: {  	s24 =	sld [smem:$0x7EE];
	_ =	sdelay $0x1  }
0x2a0: {  	s11 =	simm.s32 $0x3A0  }
0x2a1: {  	[tilespmem:s11], [sflag:$0x1] =	stream.linear.gather [hbm4b:s24+s23], $0x10, $0x38;
	[tilespmem:$0x1480] =	vst v63  }
0x2a2: {  	s24 =	sld [smem:$0x7EF];
	_ =	sdelay $0x1  }
0x2a3: {  	s11 =	simm.s32 $0x1B0  }
0x2a4: {  	[tilespmem:s11], [sflag:$0x1] =	stream.linear.gather [hbm4b:s24+s23], $0x10, $0x38;
	[tilespmem:$0x1480] =	vst v63  }
0x2a5: {  	s24 =	sld [smem:$0x7F0];
	_ =	sdelay $0x1  }
0x2a6: {  	s11 =	simm.s32 $0x3B0  }
0x2a7: {  	[tilespmem:s11], [sflag:$0x1] =	stream.linear.gather [hbm4b:s24+s23], $0x10, $0x38;
	[tilespmem:$0x1480] =	vst v63  }
0x2a8: {  	s24 =	sld [smem:$0x7F1];
	_ =	sdelay $0x1  }
0x2a9: {  	s11 =	simm.s32 $0x1C0  }
0x2aa: {  	[tilespmem:s11], [sflag:$0x1] =	stream.linear.gather [hbm4b:s24+s23], $0x10, $0x38;
	[tilespmem:$0x1480] =	vst v63  }
0x2ab: {  	s24 =	sld [smem:$0x7F2];
	_ =	sdelay $0x1  }
0x2ac: {  	s11 =	simm.s32 $0x3C0  }
0x2ad: {  	[tilespmem:s11], [sflag:$0x1] =	stream.linear.gather [hbm4b:s24+s23], $0x10, $0x38;
	[tilespmem:$0x1480] =	vst v63  }
0x2ae: {  	s24 =	sld [smem:$0x7F3];
	_ =	sdelay $0x1  }
0x2af: {  	s11 =	simm.s32 $0x1D0  }
0x2b0: {  	[tilespmem:s11], [sflag:$0x1] =	stream.linear.gather [hbm4b:s24+s23], $0x10, $0x38;
	[tilespmem:$0x1480] =	vst v63  }
0x2b1: {  	s24 =	sld [smem:$0x7F4];
	_ =	sdelay $0x1  }
0x2b2: {  	s11 =	simm.s32 $0x3D0  }
0x2b3: {  	[tilespmem:s11], [sflag:$0x1] =	stream.linear.gather [hbm4b:s24+s23], $0x10, $0x38;
	[tilespmem:$0x1480] =	vst v63  }
0x2b4: {  	s24 =	sld [smem:$0x7F5];
	_ =	sdelay $0x1  }
0x2b5: {  	s11 =	simm.s32 $0x1E0  }
0x2b6: {  	[tilespmem:s11], [sflag:$0x1] =	stream.linear.gather [hbm4b:s24+s23], $0x10, $0x38;
	[tilespmem:$0x1480] =	vst v63  }
0x2b7: {  	s24 =	sld [smem:$0x7F6];
	_ =	sdelay $0x1  }
0x2b8: {  	s11 =	simm.s32 $0x3E0  }
0x2b9: {  	[tilespmem:s11], [sflag:$0x1] =	stream.linear.gather [hbm4b:s24+s23], $0x10, $0x38;
	[tilespmem:$0x1480] =	vst v63  }
0x2ba: {  	s24 =	sld [smem:$0x7F9];
	_ =	sdelay $0x1  }
0x2bb: {  	s11 =	simm.s32 $0x1F0  }
0x2bc: {  	[tilespmem:s11], [sflag:$0x1] =	stream.linear.gather [hbm4b:s24+s23], $0x10, $0x38;
	[tilespmem:$0x1480] =	vst v63  }
0x2bd: {  	s24 =	sld [smem:$0x7FA];
	_ =	sdelay $0x1  }
0x2be: {  	s11 =	simm.s32 $0x3F0  }
0x2bf: {  	[tilespmem:s11], [sflag:$0x1] =	stream.linear.gather [hbm4b:s24+s23], $0x10, $0x38;
	[tilespmem:$0x1480] =	vst v63  }
0x2c0: {  	_ =	swait.ge [sflag:s7], $0x10  }
0x2c1: {  	[sflag:s7] =	ssyncset.done $0x0  }
0x2c2: {  	[sflag:s7] =	ssyncadd.s32 $0xFFFFFFF0  }
0x2c3: {  	_ =	swait.ge [sflag:s7], $0x10  }
0x2c4: {  	[sflag:s7] =	ssyncset.done $0x0  }
0x2c5: {  	[sflag:s7] =	ssyncadd.s32 $0xFFFFFFF0  }
0x2c6: {  	_ =	swait.ge [sflag:s7], $0x10  }
0x2c7: {  	[sflag:s7] =	ssyncset.done $0x0  }
0x2c8: {  	[sflag:s7] =	ssyncadd.s32 $0xFFFFFFF0  }
0x2c9: {  	_ =	swait.ge [sflag:s7], $0x10  }
0x2ca: {  	[sflag:s7] =	ssyncset.done $0x0  }
0x2cb: {  	[sflag:s7] =	ssyncadd.s32 $0xFFFFFFF0  }
0x2cc: {  	_ =	swait.ge [sflag:s7], $0x10  }
0x2cd: {  	[sflag:s7] =	ssyncset.done $0x0  }
0x2ce: {  	[sflag:s7] =	ssyncadd.s32 $0xFFFFFFF0  }
0x2cf: {  	_ =	swait.ge [sflag:s7], $0x10  }
0x2d0: {  	[sflag:s7] =	ssyncset.done $0x0  }
0x2d1: {  	[sflag:s7] =	ssyncadd.s32 $0xFFFFFFF0  }
0x2d2: {  	_ =	swait.ge [sflag:s7], $0x10  }
0x2d3: {  	[sflag:s7] =	ssyncset.done $0x0  }
0x2d4: {  	[sflag:s7] =	ssyncadd.s32 $0xFFFFFFF0  }
0x2d5: {  	_ =	swait.ge [sflag:s7], $0x10  }
0x2d6: {  	[sflag:s7] =	ssyncset.done $0x0  }
0x2d7: {  	[sflag:s7] =	ssyncadd.s32 $0xFFFFFFF0  }
0x2d8: {  	_ =	swait.ge [sflag:s7], $0x10  }
0x2d9: {  	[sflag:s7] =	ssyncset.done $0x0  }
0x2da: {  	[sflag:s7] =	ssyncadd.s32 $0xFFFFFFF0  }
0x2db: {  	_ =	swait.ge [sflag:s7], $0x10  }
0x2dc: {  	[sflag:s7] =	ssyncset.done $0x0  }
0x2dd: {  	[sflag:s7] =	ssyncadd.s32 $0xFFFFFFF0  }
0x2de: {  	_ =	swait.ge [sflag:s7], $0x10  }
0x2df: {  	[sflag:s7] =	ssyncset.done $0x0  }
0x2e0: {  	[sflag:s7] =	ssyncadd.s32 $0xFFFFFFF0  }
0x2e1: {  	_ =	swait.ge [sflag:s7], $0x10  }
0x2e2: {  	[sflag:s7] =	ssyncset.done $0x0  }
0x2e3: {  	[sflag:s7] =	ssyncadd.s32 $0xFFFFFFF0  }
0x2e4: {  	_ =	swait.ge [sflag:s7], $0x10  }
0x2e5: {  	[sflag:s7] =	ssyncset.done $0x0  }
0x2e6: {  	[sflag:s7] =	ssyncadd.s32 $0xFFFFFFF0  }
0x2e7: {  	_ =	swait.ge [sflag:s7], $0x10  }
0x2e8: {  	[sflag:s7] =	ssyncset.done $0x0  }
0x2e9: {  	[sflag:s7] =	ssyncadd.s32 $0xFFFFFFF0  }
0x2ea: {  	_ =	swait.ge [sflag:s7], $0x10  }
0x2eb: {  	[sflag:s7] =	ssyncset.done $0x0  }
0x2ec: {  	[sflag:s7] =	ssyncadd.s32 $0xFFFFFFF0  }
0x2ed: {  	_ =	swait.ge [sflag:s7], $0x10  }
0x2ee: {  	[sflag:s7] =	ssyncset.done $0x0  }
0x2ef: {  	[sflag:s7] =	ssyncadd.s32 $0xFFFFFFF0  }
0x2f0: {  	_ =	swait.ge [sflag:s7], $0x10  }
0x2f1: {  	[sflag:s7] =	ssyncset.done $0x0  }
0x2f2: {  	[sflag:s7] =	ssyncadd.s32 $0xFFFFFFF0  }
0x2f3: {  	_ =	swait.ge [sflag:s7], $0x10  }
0x2f4: {  	[sflag:s7] =	ssyncset.done $0x0  }
0x2f5: {  	[sflag:s7] =	ssyncadd.s32 $0xFFFFFFF0  }
0x2f6: {  	_ =	swait.ge [sflag:s7], $0x10  }
0x2f7: {  	[sflag:s7] =	ssyncset.done $0x0  }
0x2f8: {  	[sflag:s7] =	ssyncadd.s32 $0xFFFFFFF0  }
0x2f9: {  	_ =	swait.ge [sflag:s7], $0x10  }
0x2fa: {  	[sflag:s7] =	ssyncset.done $0x0  }
0x2fb: {  	[sflag:s7] =	ssyncadd.s32 $0xFFFFFFF0  }
0x2fc: {  	_ =	swait.ge [sflag:s7], $0x10  }
0x2fd: {  	[sflag:s7] =	ssyncset.done $0x0  }
0x2fe: {  	[sflag:s7] =	ssyncadd.s32 $0xFFFFFFF0  }
0x2ff: {  	_ =	swait.ge [sflag:s7], $0x10  }
0x300: {  	[sflag:s7] =	ssyncset.done $0x0  }
0x301: {  	[sflag:s7] =	ssyncadd.s32 $0xFFFFFFF0  }
0x302: {  	_ =	swait.ge [sflag:s7], $0x10  }
0x303: {  	[sflag:s7] =	ssyncset.done $0x0  }
0x304: {  	[sflag:s7] =	ssyncadd.s32 $0xFFFFFFF0  }
0x305: {  	_ =	swait.ge [sflag:s7], $0x10  }
0x306: {  	[sflag:s7] =	ssyncset.done $0x0  }
0x307: {  	[sflag:s7] =	ssyncadd.s32 $0xFFFFFFF0  }
0x308: {  	_ =	swait.ge [sflag:s7], $0x10  }
0x309: {  	[sflag:s7] =	ssyncset.done $0x0  }
0x30a: {  	[sflag:s7] =	ssyncadd.s32 $0xFFFFFFF0  }
0x30b: {  	_ =	swait.ge [sflag:s7], $0x10  }
0x30c: {  	[sflag:s7] =	ssyncset.done $0x0  }
0x30d: {  	[sflag:s7] =	ssyncadd.s32 $0xFFFFFFF0  }
0x30e: {  	_ =	swait.ge [sflag:s7], $0x10  }
0x30f: {  	[sflag:s7] =	ssyncset.done $0x0  }
0x310: {  	[sflag:s7] =	ssyncadd.s32 $0xFFFFFFF0  }
0x311: {  	_ =	swait.ge [sflag:s7], $0x10  }
0x312: {  	[sflag:s7] =	ssyncset.done $0x0  }
0x313: {  	[sflag:s7] =	ssyncadd.s32 $0xFFFFFFF0  }
0x314: {  	_ =	swait.ge [sflag:s7], $0x10  }
0x315: {  	[sflag:s7] =	ssyncset.done $0x0  }
0x316: {  	[sflag:s7] =	ssyncadd.s32 $0xFFFFFFF0  }
0x317: {  	_ =	swait.ge [sflag:s7], $0x10  }
0x318: {  	[sflag:s7] =	ssyncset.done $0x0  }
0x319: {  	[sflag:s7] =	ssyncadd.s32 $0xFFFFFFF0  }
0x31a: {  	_ =	swait.ge [sflag:s7], $0x10  }
0x31b: {  	[sflag:s7] =	ssyncset.done $0x0  }
0x31c: {  	[sflag:s7] =	ssyncadd.s32 $0xFFFFFFF0  }
0x31d: {  	_ =	swait.ge [sflag:s7], $0x10  }
0x31e: {  	[sflag:s7] =	ssyncset.done $0x0  }
0x31f: {  	[sflag:s7] =	ssyncadd.s32 $0xFFFFFFF0  }
0x320: {  	_ =	swait.ge [sflag:s7], $0x10  }
0x321: {  	[sflag:s7] =	ssyncset.done $0x0  }
0x322: {  	[sflag:s7] =	ssyncadd.s32 $0xFFFFFFF0  }
0x323: {  	_ =	swait.ge [sflag:s7], $0x10  }
0x324: {  	[sflag:s7] =	ssyncset.done $0x0  }
0x325: {  	[sflag:s7] =	ssyncadd.s32 $0xFFFFFFF0  }
0x326: {  	_ =	swait.ge [sflag:s7], $0x10  }
0x327: {  	[sflag:s7] =	ssyncset.done $0x0  }
0x328: {  	[sflag:s7] =	ssyncadd.s32 $0xFFFFFFF0  }
0x329: {  	_ =	swait.ge [sflag:s7], $0x10  }
0x32a: {  	[sflag:s7] =	ssyncset.done $0x0  }
0x32b: {  	[sflag:s7] =	ssyncadd.s32 $0xFFFFFFF0  }
0x32c: {  	_ =	swait.ge [sflag:s7], $0x10  }
0x32d: {  	[sflag:s7] =	ssyncset.done $0x0  }
0x32e: {  	[sflag:s7] =	ssyncadd.s32 $0xFFFFFFF0  }
0x32f: {  	_ =	swait.ge [sflag:s7], $0x10  }
0x330: {  	[sflag:s7] =	ssyncset.done $0x0  }
0x331: {  	[sflag:s7] =	ssyncadd.s32 $0xFFFFFFF0  }
0x332: {  	_ =	swait.ge [sflag:s7], $0x10  }
0x333: {  	[sflag:s7] =	ssyncset.done $0x0  }
0x334: {  	[sflag:s7] =	ssyncadd.s32 $0xFFFFFFF0  }
0x335: {  	_ =	swait.ge [sflag:s7], $0x10  }
0x336: {  	[sflag:s7] =	ssyncset.done $0x0  }
0x337: {  	[sflag:s7] =	ssyncadd.s32 $0xFFFFFFF0  }
0x338: {  	_ =	swait.ge [sflag:s7], $0x10  }
0x339: {  	[sflag:s7] =	ssyncset.done $0x0  }
0x33a: {  	[sflag:s7] =	ssyncadd.s32 $0xFFFFFFF0  }
0x33b: {  	_ =	swait.ge [sflag:s7], $0x10  }
0x33c: {  	[sflag:s7] =	ssyncset.done $0x0  }
0x33d: {  	[sflag:s7] =	ssyncadd.s32 $0xFFFFFFF0  }
0x33e: {  	_ =	swait.ge [sflag:s7], $0x10  }
0x33f: {  	[sflag:s7] =	ssyncset.done $0x0  }
0x340: {  	[sflag:s7] =	ssyncadd.s32 $0xFFFFFFF0  }
0x341: {  	_ =	swait.ge [sflag:s7], $0x10  }
0x342: {  	[sflag:s7] =	ssyncset.done $0x0  }
0x343: {  	[sflag:s7] =	ssyncadd.s32 $0xFFFFFFF0  }
0x344: {  	_ =	swait.ge [sflag:s7], $0x10  }
0x345: {  	[sflag:s7] =	ssyncset.done $0x0  }
0x346: {  	[sflag:s7] =	ssyncadd.s32 $0xFFFFFFF0  }
0x347: {  	_ =	swait.ge [sflag:s7], $0x10  }
0x348: {  	[sflag:s7] =	ssyncset.done $0x0  }
0x349: {  	[sflag:s7] =	ssyncadd.s32 $0xFFFFFFF0  }
0x34a: {  	_ =	swait.ge [sflag:s7], $0x10  }
0x34b: {  	[sflag:s7] =	ssyncset.done $0x0  }
0x34c: {  	[sflag:s7] =	ssyncadd.s32 $0xFFFFFFF0  }
0x34d: {  	_ =	swait.ge [sflag:s7], $0x10  }
0x34e: {  	[sflag:s7] =	ssyncset.done $0x0  }
0x34f: {  	[sflag:s7] =	ssyncadd.s32 $0xFFFFFFF0  }
0x350: {  	_ =	swait.ge [sflag:s7], $0x10  }
0x351: {  	[sflag:s7] =	ssyncset.done $0x0  }
0x352: {  	[sflag:s7] =	ssyncadd.s32 $0xFFFFFFF0  }
0x353: {  	_ =	swait.ge [sflag:s7], $0x10  }
0x354: {  	[sflag:s7] =	ssyncset.done $0x0  }
0x355: {  	[sflag:s7] =	ssyncadd.s32 $0xFFFFFFF0  }
0x356: {  	_ =	swait.ge [sflag:s7], $0x10  }
0x357: {  	[sflag:s7] =	ssyncset.done $0x0  }
0x358: {  	[sflag:s7] =	ssyncadd.s32 $0xFFFFFFF0  }
0x359: {  	_ =	swait.ge [sflag:s7], $0x10  }
0x35a: {  	[sflag:s7] =	ssyncset.done $0x0  }
0x35b: {  	[sflag:s7] =	ssyncadd.s32 $0xFFFFFFF0  }
0x35c: {  	_ =	swait.ge [sflag:s7], $0x10  }
0x35d: {  	[sflag:s7] =	ssyncset.done $0x0  }
0x35e: {  	[sflag:s7] =	ssyncadd.s32 $0xFFFFFFF0  }
0x35f: {  	_ =	swait.ge [sflag:s7], $0x10  }
0x360: {  	[sflag:s7] =	ssyncset.done $0x0  }
0x361: {  	[sflag:s7] =	ssyncadd.s32 $0xFFFFFFF0  }
0x362: {  	_ =	swait.ge [sflag:s7], $0x10  }
0x363: {  	[sflag:s7] =	ssyncset.done $0x0  }
0x364: {  	[sflag:s7] =	ssyncadd.s32 $0xFFFFFFF0  }
0x365: {  	_ =	swait.ge [sflag:s7], $0x10  }
0x366: {  	[sflag:s7] =	ssyncset.done $0x0  }
0x367: {  	[sflag:s7] =	ssyncadd.s32 $0xFFFFFFF0  }
0x368: {  	_ =	swait.ge [sflag:s7], $0x10  }
0x369: {  	[sflag:s7] =	ssyncset.done $0x0  }
0x36a: {  	[sflag:s7] =	ssyncadd.s32 $0xFFFFFFF0  }
0x36b: {  	_ =	swait.ge [sflag:s7], $0x10  }
0x36c: {  	[sflag:s7] =	ssyncset.done $0x0  }
0x36d: {  	[sflag:s7] =	ssyncadd.s32 $0xFFFFFFF0  }
0x36e: {  	_ =	swait.ge [sflag:s7], $0x10  }
0x36f: {  	[sflag:s7] =	ssyncset.done $0x0  }
0x370: {  	[sflag:s7] =	ssyncadd.s32 $0xFFFFFFF0  }
0x371: {  	_ =	swait.ge [sflag:s7], $0x10  }
0x372: {  	[sflag:s7] =	ssyncset.done $0x0  }
0x373: {  	[sflag:s7] =	ssyncadd.s32 $0xFFFFFFF0  }
0x374: {  	_ =	swait.ge [sflag:s7], $0x10  }
0x375: {  	[sflag:s7] =	ssyncset.done $0x0  }
0x376: {  	[sflag:s7] =	ssyncadd.s32 $0xFFFFFFF0  }
0x377: {  	_ =	swait.ge [sflag:s7], $0x10  }
0x378: {  	[sflag:s7] =	ssyncset.done $0x0  }
0x379: {  	[sflag:s7] =	ssyncadd.s32 $0xFFFFFFF0  }
0x37a: {  	_ =	swait.ge [sflag:s7], $0x10  }
0x37b: {  	[sflag:s7] =	ssyncset.done $0x0  }
0x37c: {  	[sflag:s7] =	ssyncadd.s32 $0xFFFFFFF0  }
0x37d: {  	_ =	swait.ge [sflag:s7], $0x10  }
0x37e: {  	[sflag:s7] =	ssyncset.done $0x0  }
0x37f: {  	s24 =	simm.s32 $0x0;
	[sflag:s7] =	ssyncadd.s32 $0xFFFFFFF0  }
0x380: {  	v0 =	vld [tilespmem:s24+$0x0]  }
0x381: {  	v1 =	vld [tilespmem:s24+$0x200];
	_ =	sdelay $0x4  }
0x382: {  	(xrf1) =	vsort.dscd.msk.f32 $0xffff, v0, v1;
	_ =	sdelay $0x8  }
0x383: {  	s11 =	simm.s32 $0x10  }
0x384: {  	v0 =	vld [tilespmem:s11+$0x0]  }
0x385: {  	v1 =	vld [tilespmem:s11+$0x200];
	_ =	sdelay $0x2  }
0x386: {  	v2 =	vimm.f32 $3.000000050e+29;
	v3, v62, _ =	vpop (xrf1)  }
0x387: {  	v63 =	vimm.s32 $0x0;
	vm15 =	vlt.f32 v3, v2  }
0x388: {  	(xrf1) =	vsort.dscd.msk.f32 $0xffff, v0, v1;
	v1 =	vsel vm15, v3, v2;
	v2 =	vsel vm15, v62, v63  }
0x389: {  	(xrf1) =	vsort.ascd.msk.f32 $0xffff, v1, v2;
	_ =	sdelay $0x8  }
0x38a: {  	s24 =	simm.s32 $0x20  }
0x38b: {  	v0 =	vld [tilespmem:s24+$0x0]  }
0x38c: {  	s23 =	simm.s32 $0xC0;
	v1 =	vld [tilespmem:s24+$0x200]  }
.LBB2_4:
0x38d: {  	p0 =	sne.s32 s23, $0x7C0  }
0x38e: {  	v2, v3, _ =	vpop (xrf1)  }
0x38f: {  	v4, v5, _ =	vpop (xrf1)  }
0x390: {  	vm0 =	vlt.f32 v2, v4  }
0x391: {  	(xrf1) =	vsort.dscd.msk.f32 $0xffff, v0, v1;
	v0 =	vsel vm0, v2, v4;
	v1 =	vsel vm0, v3, v5  }
0x392: {  	(xrf1) =	vsort.ascd.msk.f32 $0xffff, v0, v1;
	_ =	sdelay $0x6  }
.Ltmp1:
0x393: {  	(pc) =	sbr.rel @p0 .LBB2_4-.Ltmp1, $4  }
0x394: {  	_ = 	snop  }
0x395: {  	s24 =	sshra.s32 s23, $0x2  }
0x396: {  	v0 =	vld [tilespmem:s24+$0x0]  }
0x397: {  	s23 =	sadd.s32 $0x40, s23;
	v1 =	vld [tilespmem:s24+$0x200]  }
0x398: {  	_ = 	snop  }
0x399: {  	v2, v3, _ =	vpop (xrf1)  }
0x39a: {  	v4, v5, _ =	vpop (xrf1)  }
0x39b: {  	vm0 =	vlt.f32 v2, v4  }
0x39c: {  	(xrf1) =	vsort.dscd.msk.f32 $0xffff, v0, v1;
	v57 =	vsel vm0, v2, v4;
	v58 =	vsel vm0, v3, v5  }
0x39d: {  	(xrf1) =	vsort.ascd.msk.f32 $0xffff, v57, v58;
	_ =	sdelay $0xc  }
0x39e: {  	v0, v1, _ =	vpop (xrf1)  }
0x39f: {  	v59, v60, _ =	vpop (xrf1)  }
0x3a0: {  	vm15 =	vlt.f32 v0, v59  }
0x3a1: {  	v0 =	vsel vm15, v0, v59;
	v1 =	vsel vm15, v1, v60  }
0x3a2: {  	(xrf1) =	vsort.ascd.msk.f32 $0xffff, v0, v1;
	_ =	sdelay $0xd  }
0x3a3: {  	v0, v1, _ =	vpop (xrf1)  }
0x3a4: {  	v0 =	vshra.s32 v1, $0x1F  }
0x3a5: {  	v0 =	vshrl.u32 v0, $0x1D  }
0x3a6: {  	v61 =	vshrl.u32 v1, $0x3;
	v0 =	vadd.s32 v0, v1  }
0x3a7: {  	s11 =	simm.s32 $0x10;
	s23 =	simm.s32 $0x400;
	s24 =	simm.s32 $0x480;
	[tilespmem:$0x400] =	vst v61;
	v0 =	vand.u32 $0xFFFFFFF8, v0  }
0x3a8: {  	[tilespmem:s24], [sflag:$0x1] =	stream.indirect.gather [hbm4b:s8+s11], $0x80, s23, s11, $0xb8;
	v0 =	vsub.s32 v1, v0;
	[tilespmem:$0x1480] =	vst v63  }
0x3a9: {  	_ =	swait.ge [sflag:s7], $0x800;
	v0 =	vshll.u32 v0, $0x4  }
0x3aa: {  	(v2sf) =	vpush v0, $0x0;
	_ =	sdelay $0x5  }
0x3ab: {  	(v2sf) =	vpush v0, $0x1;
	_ =	sdelay $0x5  }
0x3ac: {  	(v2sf) =	vpush v0, $0x2;
	_ =	sdelay $0x1  }
0x3ad: {  	[sflag:s7] =	ssyncset.done $0x0  }
0x3ae: {  	[sflag:s7] =	ssyncadd.s32 $0xFFFFF800;
	s24 =	spop (v2sf)  }
0x3af: {  	v62 =	vld [tilespmem:s24+$0x480];
	_ =	sdelay $0x1  }
0x3b0: {  	(v2sf) =	vpush v0, $0x3;
	_ =	sdelay $0x2  }
0x3b1: {  	s24 =	spop (v2sf);
	[tilespmem:$0xC80] =	vst v62  }
0x3b2: {  	v1 =	vld [tilespmem:s24+$0x500];
	_ =	sdelay $0x1  }
0x3b3: {  	(v2sf) =	vpush v0, $0x4;
	_ =	sdelay $0x2  }
0x3b4: {  	s24 =	spop (v2sf);
	[tilespmem:$0xD00] =	vst v1  }
0x3b5: {  	v1 =	vld [tilespmem:s24+$0x580];
	_ =	sdelay $0x1  }
0x3b6: {  	(v2sf) =	vpush v0, $0x5;
	_ =	sdelay $0x2  }
0x3b7: {  	s24 =	spop (v2sf);
	[tilespmem:$0xD80] =	vst v1  }
0x3b8: {  	v1 =	vld [tilespmem:s24+$0x600];
	_ =	sdelay $0x1  }
0x3b9: {  	(v2sf) =	vpush v0, $0x6;
	_ =	sdelay $0x2  }
0x3ba: {  	s24 =	spop (v2sf);
	[tilespmem:$0xE00] =	vst v1  }
0x3bb: {  	v1 =	vld [tilespmem:s24+$0x680];
	_ =	sdelay $0x1  }
0x3bc: {  	(v2sf) =	vpush v0, $0x7;
	_ =	sdelay $0x2  }
0x3bd: {  	s24 =	spop (v2sf);
	[tilespmem:$0xE80] =	vst v1  }
0x3be: {  	v1 =	vld [tilespmem:s24+$0x700];
	_ =	sdelay $0x1  }
0x3bf: {  	(v2sf) =	vpush v0, $0x8;
	_ =	sdelay $0x2  }
0x3c0: {  	s24 =	spop (v2sf);
	[tilespmem:$0xF00] =	vst v1  }
0x3c1: {  	v1 =	vld [tilespmem:s24+$0x780];
	_ =	sdelay $0x1  }
0x3c2: {  	(v2sf) =	vpush v0, $0x9;
	_ =	sdelay $0x2  }
0x3c3: {  	s24 =	spop (v2sf);
	[tilespmem:$0xF80] =	vst v1  }
0x3c4: {  	v1 =	vld [tilespmem:s24+$0x800];
	_ =	sdelay $0x1  }
0x3c5: {  	(v2sf) =	vpush v0, $0xA;
	_ =	sdelay $0x2  }
0x3c6: {  	s24 =	spop (v2sf);
	[tilespmem:$0x1000] =	vst v1  }
0x3c7: {  	v1 =	vld [tilespmem:s24+$0x880];
	_ =	sdelay $0x1  }
0x3c8: {  	(v2sf) =	vpush v0, $0xB;
	_ =	sdelay $0x2  }
0x3c9: {  	s24 =	spop (v2sf);
	[tilespmem:$0x1080] =	vst v1  }
0x3ca: {  	v1 =	vld [tilespmem:s24+$0x900];
	_ =	sdelay $0x1  }
0x3cb: {  	(v2sf) =	vpush v0, $0xC;
	_ =	sdelay $0x2  }
0x3cc: {  	s24 =	spop (v2sf);
	[tilespmem:$0x1100] =	vst v1  }
0x3cd: {  	v1 =	vld [tilespmem:s24+$0x980];
	_ =	sdelay $0x1  }
0x3ce: {  	(v2sf) =	vpush v0, $0xD;
	_ =	sdelay $0x2  }
0x3cf: {  	s24 =	spop (v2sf);
	[tilespmem:$0x1180] =	vst v1  }
0x3d0: {  	v1 =	vld [tilespmem:s24+$0xA00];
	_ =	sdelay $0x1  }
0x3d1: {  	(v2sf) =	vpush v0, $0xE;
	_ =	sdelay $0x2  }
0x3d2: {  	s24 =	spop (v2sf);
	[tilespmem:$0x1200] =	vst v1  }
0x3d3: {  	v1 =	vld [tilespmem:s24+$0xA80];
	_ =	sdelay $0x1  }
0x3d4: {  	(v2sf) =	vpush v0, $0xF;
	_ =	sdelay $0x2  }
0x3d5: {  	s24 =	spop (v2sf);
	[tilespmem:$0x1280] =	vst v1  }
0x3d6: {  	v63 =	vld [tilespmem:s24+$0xB00];
	_ =	sdelay $0x4  }
0x3d7: {  	s24 =	spop (v2sf);
	[tilespmem:$0x1300] =	vst v63  }
0x3d8: {  	v0 =	vld [tilespmem:s24+$0xB80];
	_ =	sdelay $0x4  }
0x3d9: {  	s24 =	spop (v2sf);
	[tilespmem:$0x1380] =	vst v0  }
0x3da: {  	v0 =	vld [tilespmem:s24+$0xC00];
	_ =	sdelay $0x2  }
0x3db: {  	s23 =	sld [smem:$0x7FC];
	_ =	sdelay $0x1  }
0x3dc: {  	s24 =	simm.s32 $0xC80;
	[tilespmem:$0x1400] =	vst v0  }
0x3dd: {  	[hbm4b:s23+s3] =	stream.linear.scatter [tilespmem:s24], [sflag:$0x2], $0x800, $0x38;
	[tilespmem:$0x1480] =	vst v63  }
0x3de: {  	_ =	swait.ge [sflag:s22], $0x800  }
0x3df: {  	s24 =	sld [smem:$0x7FD];
	_ =	sdelay $0x1  }
0x3e0: {  	s9 =	sadd.s32 $0x1, s9  }
0x3e1: {  	p0 =	sne.s32 s9, s24  }
.Ltmp2:
0x3e2: {  	_ = 	snop;
	(pc) =	sbr.rel @p0 .LBB2_1-.Ltmp2, $3  }
0x3e3: {  	_ =	sdelay $0x1  }
0x3e4: {  	[sflag:s22] =	ssyncset.done $0x0  }
0x3e5: {  	[sflag:s22] =	ssyncadd.s32 $0xFFFFF800  }
0x3e6: {  	_ =	sfence.sel $0x180000  }
0x3e7: {  	[bflag:$0x0] =	sbarrier.arrive $0xFFFF  }
0x3e8: {  	_ =	strace $0x9000004A  }
0x3e9: {  	s0 =	stileid.u32;
	[bflag:$0x2] =	sbarrier.arrive $0xFFFF  }
0x3ea: {  	p0 =	sne.s32 s0, $0x0;
	s0 =	rddreg [dreg:$0x2]  }
0x3eb: {  	s0 =	sadd.s32 @!p0 $0x100000, s0  }
0x3ec: {  	[sflag:s0] =	ssyncadd.tile.s32 @!p0 $0x1;
	_ =	shalt  }
.Lfunc_end2:
_tile_overlayer_lowered:
.L_overlay_start_2:
0x3ed: {  	(tag) =	ssettag $0x2  }
0x3ee: {  	s0 =	rddreg [dreg:$0x0];
	s2 =	stileid.u32  }
0x3ef: {  	s1 =	rddreg [dreg:$0x1];
	p0 =	sne.s32 s2, $0x0  }
0x3f0: {  	s3 =	rddreg [dreg:$0x2];
	[bflag:$0x3] =	sbarrier.arrive $0xFFFF;
	s2 =	simm.s32 @!p0 $0x1C02  }
0x3f1: {  	[timem:s3], [sflag:s2] =	dma.local @!p0 [hbm:s0], s1  }
0x3f2: {  	s0 =	simm.s32 @!p0 $0x2  }
0x3f3: {  	_ =	swait.ge @!p0 [sflag:s0], s1  }
0x3f4: {  	s1 =	ssub.s32 @!p0 $0x0, s1;
	[sflag:s0] =	ssyncset.done @!p0 $0x0  }
0x3f5: {  	[sflag:s0] =	ssyncadd.s32 @!p0 s1  }
0x3f6: {  	[bflag:$0x3] =	sbarrier.arrive $0xFFFF  }
0x3f7: {  	_ =	shalt  }

</sc_bundles>
